<compile_context>
chip_gen: v7x
topology: tpu7x:2x2x1
jax: 0.10.2.dev20260603
libtpu: 0.0.44.dev20260713+nightly
codegen_flags: <defaults>
</compile_context>

<pallas_src>
import functools

import jax
import jax.numpy as jnp
from jax import lax
from jax.experimental import pallas as pl
from jax.experimental.pallas import tpu as pltpu
from jax.experimental.pallas import tpu_sc as plsc

F32 = jnp.float32

NC, NS, L = 2, 16, 16
NW = NC * NS



def _prep_body(atom_ref, w1_ref, b1_ref, w2_ref, b2_ref, xcat_ref, aa_ref):
    a = atom_ref[...]
    xcat_ref[...] = jnp.dot(a, w1_ref[...], preferred_element_type=F32) + b1_ref[...]
    aa_ref[...] = jax.nn.relu(
        jnp.dot(a, w2_ref[...], preferred_element_type=F32) + b2_ref[...])


def _tc_prep(atom, w1, b1, w2, b2):
    n, k = atom.shape
    bm = 2000
    grid = (n // bm,)
    return pl.pallas_call(
        _prep_body,
        grid=grid,
        in_specs=[
            pl.BlockSpec((bm, k), lambda i: (i, 0)),
            pl.BlockSpec((k, 128), lambda i: (0, 0)),
            pl.BlockSpec((1, 128), lambda i: (0, 0)),
            pl.BlockSpec((k, 64), lambda i: (0, 0)),
            pl.BlockSpec((1, 64), lambda i: (0, 0)),
        ],
        out_specs=[
            pl.BlockSpec((bm, 128), lambda i: (i, 0)),
            pl.BlockSpec((bm, 64), lambda i: (i, 0)),
        ],
        out_shape=[
            jax.ShapeDtypeStruct((n, 128), F32),
            jax.ShapeDtypeStruct((n, 64), F32),
        ],
    )(atom, w1, b1, w2, b2)


def _pa_body(pair_ref, w_ref, b_ref, out_ref):
    out_ref[...] = jax.nn.relu(
        jnp.dot(pair_ref[...], w_ref[...], preferred_element_type=F32) + b_ref[...])


def _tc_pair_dense(pair, w3, b3):
    n, k = pair.shape
    bm = 8000
    return pl.pallas_call(
        _pa_body,
        grid=(n // bm,),
        in_specs=[
            pl.BlockSpec((bm, k), lambda i: (i, 0)),
            pl.BlockSpec((k, 128), lambda i: (0, 0)),
            pl.BlockSpec((1, 128), lambda i: (0, 0)),
        ],
        out_specs=pl.BlockSpec((bm, 128), lambda i: (i, 0)),
        out_shape=jax.ShapeDtypeStruct((n, 128), F32),
    )(pair, w3, b3)


def _p_body(s_ref, pair_ref, wt_ref, wpp_ref, bpp_ref, wb_ref, bp_ref, out_ref):
    pp = jax.nn.relu(
        jnp.dot(pair_ref[...], wpp_ref[...], preferred_element_type=F32)
        + bpp_ref[...])
    acc = (jnp.dot(s_ref[...], wt_ref[...], preferred_element_type=F32)
           + jnp.dot(pp, wb_ref[...], preferred_element_type=F32) + bp_ref[...])
    out_ref[...] = jax.nn.relu(acc)


def _tc_final_p(s64, pair, wt64, wpp, bpp, wpb, bp):
    n = pair.shape[0]
    k = pair.shape[1]
    bm = 8000
    return pl.pallas_call(
        _p_body,
        grid=(n // bm,),
        in_specs=[
            pl.BlockSpec((bm, 64), lambda i: (i, 0)),
            pl.BlockSpec((bm, k), lambda i: (i, 0)),
            pl.BlockSpec((64, 50), lambda i: (0, 0)),
            pl.BlockSpec((k, 50), lambda i: (0, 0)),
            pl.BlockSpec((1, 50), lambda i: (0, 0)),
            pl.BlockSpec((50, 50), lambda i: (0, 0)),
            pl.BlockSpec((1, 50), lambda i: (0, 0)),
        ],
        out_specs=pl.BlockSpec((bm, 50), lambda i: (i, 0)),
        out_shape=jax.ShapeDtypeStruct((n, 50), F32),
    )(s64, pair, wt64, wpp, bpp, wpb, bp)


def _a_body(aa_ref, p0_ref, p1_ref, p2_ref, p3_ref,
            wt_ref, w0_ref, w1_ref, w2_ref, w3_ref, ba_ref, out_ref):
    acc = (jnp.dot(aa_ref[...], wt_ref[...], preferred_element_type=F32)
           + jnp.dot(p0_ref[...], w0_ref[...], preferred_element_type=F32)
           + jnp.dot(p1_ref[...], w1_ref[...], preferred_element_type=F32)
           + jnp.dot(p2_ref[...], w2_ref[...], preferred_element_type=F32)
           + jnp.dot(p3_ref[...], w3_ref[...], preferred_element_type=F32)
           + ba_ref[...])
    out_ref[...] = jax.nn.relu(acc)


def _tc_final_a(aa64, pasegs, wat, wabs, ba):
    n = aa64.shape[0]
    bm = 5000
    return pl.pallas_call(
        _a_body,
        grid=(n // bm,),
        in_specs=[
            pl.BlockSpec((bm, 64), lambda i: (i, 0)),
            pl.BlockSpec((bm, 16), lambda i: (i, 0)),
            pl.BlockSpec((bm, 16), lambda i: (i, 0)),
            pl.BlockSpec((bm, 16), lambda i: (i, 0)),
            pl.BlockSpec((bm, 16), lambda i: (i, 0)),
            pl.BlockSpec((64, 50), lambda i: (0, 0)),
            pl.BlockSpec((16, 50), lambda i: (0, 0)),
            pl.BlockSpec((16, 50), lambda i: (0, 0)),
            pl.BlockSpec((16, 50), lambda i: (0, 0)),
            pl.BlockSpec((16, 50), lambda i: (0, 0)),
            pl.BlockSpec((1, 50), lambda i: (0, 0)),
        ],
        out_specs=pl.BlockSpec((bm, 50), lambda i: (i, 0)),
        out_shape=jax.ShapeDtypeStruct((n, 50), F32),
    )(aa64, *pasegs, wat, *wabs, ba)



_SC_CHUNK = 64
_NB = 4


def _s_gather_body(xcat_hbm, a2p_hbm, s_hbm, idx_v, rows_v, sbuf_v, *sems):
    semi, semg, semo = sems[0:_NB], sems[_NB:2 * _NB], sems[2 * _NB:3 * _NB]
    n_pairs = s_hbm.shape[0]
    total_steps = n_pairs // _SC_CHUNK
    wid = lax.axis_index("s") * NC + lax.axis_index("c")
    ngroups = (total_steps + NW * _NB - 1) // (NW * _NB)

    def group_body(g2, carry):
        steps = [wid + NW * (_NB * g2 + b) for b in range(_NB)]

        for b in range(_NB):
            @pl.when(steps[b] < total_steps)
            def _(b=b):
                pltpu.async_copy(
                    a2p_hbm.at[pl.ds(steps[b] * 2 * _SC_CHUNK, 2 * _SC_CHUNK)],
                    idx_v.at[b], semi[b])

        for b in range(_NB):
            @pl.when(steps[b] < total_steps)
            def _(b=b):
                pltpu.make_async_copy(
                    a2p_hbm.at[pl.ds(steps[b] * 2 * _SC_CHUNK, 2 * _SC_CHUNK)],
                    idx_v.at[b], semi[b]).wait()
                pltpu.async_copy(xcat_hbm.at[idx_v.at[b]], rows_v.at[b], semg[b])

        for b in range(_NB):
            prev_ok = jnp.logical_and(g2 > 0,
                                      steps[b] - NW * _NB < total_steps)

            @pl.when(prev_ok)
            def _(b=b):
                pltpu.make_async_copy(
                    sbuf_v.at[b], s_hbm.at[pl.ds(0, _SC_CHUNK)],
                    semo[b]).wait()

            @pl.when(steps[b] < total_steps)
            def _(b=b):
                pltpu.make_async_copy(xcat_hbm.at[idx_v.at[b]], rows_v.at[b],
                                      semg[b]).wait()

                rb = rows_v.at[b]
                sb = sbuf_v.at[b]

                def pair_body(p, c2):
                    for k in range(4):
                        t_i = rb[2 * p, pl.ds(16 * k, 16)]
                        u_j = rb[2 * p + 1, pl.ds(64 + 16 * k, 16)]
                        t_j = rb[2 * p + 1, pl.ds(16 * k, 16)]
                        u_i = rb[2 * p, pl.ds(64 + 16 * k, 16)]
                        s = (jnp.maximum(t_i + u_j, 0.0)
                             + jnp.maximum(t_j + u_i, 0.0))
                        sb[p, pl.ds(16 * k, 16)] = s
                    return c2

                lax.fori_loop(0, _SC_CHUNK, pair_body, 0)
                pltpu.async_copy(
                    sbuf_v.at[b],
                    s_hbm.at[pl.ds(steps[b] * _SC_CHUNK, _SC_CHUNK)], semo[b])

        return carry

    lax.fori_loop(0, ngroups, group_body, 0)

    for b in range(_NB):
        last_step = wid + NW * (_NB * (ngroups - 1) + b)

        @pl.when(last_step < total_steps)
        def _(b=b):
            pltpu.make_async_copy(sbuf_v.at[b], s_hbm.at[pl.ds(0, _SC_CHUNK)],
                                  semo[b]).wait()


def _sc_gather_s(xcat, a2p_flat, n_pairs):
    mesh = plsc.VectorSubcoreMesh(core_axis_name="c", subcore_axis_name="s")
    return pl.kernel(
        _s_gather_body,
        out_type=jax.ShapeDtypeStruct((n_pairs, 64), F32),
        mesh=mesh,
        scratch_types=[
            pltpu.VMEM((_NB, 2 * _SC_CHUNK), jnp.int32),
            pltpu.VMEM((_NB, 2 * _SC_CHUNK, 128), F32),
            pltpu.VMEM((_NB, _SC_CHUNK, 64), F32),
        ] + [pltpu.SemaphoreType.DMA] * (3 * _NB),
    )(xcat, a2p_flat)



_SEG_CHUNK = 128
_ZROWS = 1000


def _segsum_body(pa_hbm, keys_hbm, out0_hbm, out1_hbm, out2_hbm, out3_hbm,
                 keys_v, rows_v, zbuf_v, wbuf_v, *sems):
    acc_sh = sems[-1]
    semk = sems[0:2]
    semr = sems[2:4]
    sems_ = sems[4:6]
    n_pairs = keys_hbm.shape[0]
    n_atoms = out0_hbm.shape[0]
    c = lax.axis_index("c")
    sid = lax.axis_index("s")

    def zero_buf(r, carry):
        zbuf_v[r, pl.ds(0, 16)] = jnp.zeros((16,), F32)
        return carry

    lax.fori_loop(0, _ZROWS, zero_buf, 0)
    n_chunks = n_atoms // _ZROWS
    total_steps = n_pairs // _SEG_CHUNK
    ngroups = (total_steps + NS * 2 - 1) // (NS * 2)

    for ph in range(2):
        col0 = 16 * (2 * ph) * 1 + 16 * c

        for m in range((n_chunks + NS - 1) // NS):
            cz = sid + NS * m

            @pl.when(cz < n_chunks)
            def _():
                pltpu.sync_copy(zbuf_v, acc_sh.at[pl.ds(cz * _ZROWS, _ZROWS)])

        plsc.subcore_barrier()

        def group_body(g2, carry):
            steps = [sid + NS * (2 * g2 + b) for b in range(2)]

            for b in range(2):
                prev_ok = jnp.logical_and(g2 > 0,
                                          steps[b] - NS * 2 < total_steps)

                @pl.when(prev_ok)
                def _(b=b):
                    pltpu.make_async_copy(
                        rows_v.at[b], acc_sh.at[keys_v.at[b]],
                        sems_[b]).wait()

                @pl.when(steps[b] < total_steps)
                def _(b=b):
                    base = steps[b] * _SEG_CHUNK
                    pltpu.async_copy(keys_hbm.at[pl.ds(base, _SEG_CHUNK)],
                                     keys_v.at[b], semk[b])
                    pltpu.async_copy(
                        pa_hbm.at[pl.ds(base, _SEG_CHUNK), pl.ds(col0, 16)],
                        rows_v.at[b], semr[b])

            for b in range(2):
                @pl.when(steps[b] < total_steps)
                def _(b=b):
                    base = steps[b] * _SEG_CHUNK
                    pltpu.make_async_copy(keys_hbm.at[pl.ds(base, _SEG_CHUNK)],
                                          keys_v.at[b], semk[b]).wait()
                    pltpu.make_async_copy(
                        pa_hbm.at[pl.ds(base, _SEG_CHUNK), pl.ds(col0, 16)],
                        rows_v.at[b], semr[b]).wait()
                    pltpu.async_copy(rows_v.at[b], acc_sh.at[keys_v.at[b]],
                                     sems_[b], add=True)

            return carry

        lax.fori_loop(0, ngroups, group_body, 0)

        for b in range(2):
            last_step = sid + NS * (2 * (ngroups - 1) + b)

            @pl.when(last_step < total_steps)
            def _(b=b):
                pltpu.make_async_copy(rows_v.at[b], acc_sh.at[keys_v.at[b]],
                                      sems_[b]).wait()

        plsc.subcore_barrier()

        for m in range((n_chunks + NS - 1) // NS):
            cz = sid + NS * m

            @pl.when(cz < n_chunks)
            def _():
                r0 = cz * _ZROWS
                pltpu.sync_copy(acc_sh.at[pl.ds(r0, _ZROWS)], wbuf_v)

                @pl.when(c == 0)
                def _():
                    pltpu.sync_copy(
                        wbuf_v, (out0_hbm if ph == 0 else out2_hbm).at[
                            pl.ds(r0, _ZROWS)])

                @pl.when(c == 1)
                def _():
                    pltpu.sync_copy(
                        wbuf_v, (out1_hbm if ph == 0 else out3_hbm).at[
                            pl.ds(r0, _ZROWS)])

        plsc.subcore_barrier()


def _sc_segsum(pa128, pair_split, n_atoms):
    mesh = plsc.VectorSubcoreMesh(core_axis_name="c", subcore_axis_name="s")
    return pl.kernel(
        _segsum_body,
        out_type=[jax.ShapeDtypeStruct((n_atoms, 16), F32)] * 4,
        mesh=mesh,
        scratch_types=[
            pltpu.VMEM((2, _SEG_CHUNK), jnp.int32),
            pltpu.VMEM((2, _SEG_CHUNK, 16), F32),
            pltpu.VMEM((_ZROWS, 16), F32),
            pltpu.VMEM((_ZROWS, 16), F32),
        ] + [pltpu.SemaphoreType.DMA] * 6 + [
            pltpu.VMEM_SHARED((n_atoms, 16), F32),
        ],
        compiler_params=pltpu.CompilerParams(use_tc_tiling_on_sc=False),
    )(pa128, pair_split)




def kernel(atom_features, pair_features, pair_split, atom_to_pair,
           W_AA, b_AA, W_PA, b_PA, W_A, b_A,
           W_AP, b_AP, W_PP, b_PP, W_P, b_P):
    n_atoms, n_atom_in = atom_features.shape
    n_pairs = pair_features.shape[0]

    w1 = jnp.zeros((n_atom_in, 128), F32)
    w1 = w1.at[:, 0:50].set(W_AP[:n_atom_in])
    w1 = w1.at[:, 64:114].set(W_AP[n_atom_in:])
    b1 = jnp.zeros((1, 128), F32).at[0, 64:114].set(b_AP)
    w2 = jnp.zeros((n_atom_in, 64), F32).at[:, 0:50].set(W_AA)
    b2 = jnp.zeros((1, 64), F32).at[0, 0:50].set(b_AA)
    w3 = jnp.zeros((14, 128), F32).at[:, 0:50].set(W_PA)
    b3 = jnp.zeros((1, 128), F32).at[0, 0:50].set(b_PA)
    wt64 = jnp.zeros((64, 50), F32).at[0:50].set(W_P[:50])
    wpb = W_P[50:100]
    wat = jnp.zeros((64, 50), F32).at[0:50].set(W_A[:50])
    wabs = [W_A[50:66], W_A[66:82], W_A[82:98],
            jnp.zeros((16, 50), F32).at[0:2].set(W_A[98:100])]

    a2p_flat = atom_to_pair.reshape(-1).astype(jnp.int32)
    keys = pair_split.astype(jnp.int32)

    xcat, aa64 = _tc_prep(atom_features, w1, b1, w2, b2)
    pa128 = _tc_pair_dense(pair_features, w3, b3)

    s64 = _sc_gather_s(xcat, a2p_flat, n_pairs)
    pasegs = _sc_segsum(pa128, keys, n_atoms)

    p_out = _tc_final_p(s64, pair_features, wt64, W_PP, b_PP.reshape(1, 50),
                        wpb, b_P.reshape(1, 50))
    a_out = _tc_final_a(aa64, pasegs, wat, wabs, b_A.reshape(1, 50))
    return (a_out, p_out)

# --- scband reference (transcript-rebuilt; emitter-appended) ---
"""Pipeline reference for scband-weave-layer-28982439313937 (READ-ONLY COPY).

The authoritative reference and input builder live on the scoring server;
editing this copy changes nothing except your own understanding.
"""

import jax, jax.numpy as jnp
import numpy as np

N_ATOMS = 50000
N_PAIRS = 800000
N_ATOM_IN = 75
N_PAIR_IN = 14
H = 50

def _glorot(key, shape):
    limit = np.sqrt(6.0 / (shape[0] + shape[1]))
    return jax.random.uniform(key, shape, jnp.float32, -limit, limit)

def setup_inputs(seed: int = 0) -> dict:
    key = jax.random.key(seed)
    ks = jax.random.split(key, 12)
    atom_features = jax.random.normal(ks[0], (N_ATOMS, N_ATOM_IN), dtype=jnp.float32)
    pair_features = jax.random.normal(ks[1], (N_PAIRS, N_PAIR_IN), dtype=jnp.float32)
    pair_split = jnp.sort(jax.random.randint(ks[2], (N_PAIRS,), 0, N_ATOMS))
    atom_to_pair = jax.random.randint(ks[3], (N_PAIRS, 2), 0, N_ATOMS)
    return {
        "atom_features": atom_features,
        "pair_features": pair_features,
        "pair_split": pair_split,
        "atom_to_pair": atom_to_pair,
        "W_AA": _glorot(ks[4], (N_ATOM_IN, H)), "b_AA": jnp.zeros((H,), jnp.float32),
        "W_PA": _glorot(ks[5], (N_PAIR_IN, H)), "b_PA": jnp.zeros((H,), jnp.float32),
        "W_A": _glorot(ks[6], (2 * H, H)), "b_A": jnp.zeros((H,), jnp.float32),
        "W_AP": _glorot(ks[7], (2 * N_ATOM_IN, H)), "b_AP": jnp.zeros((H,), jnp.float32),
        "W_PP": _glorot(ks[8], (N_PAIR_IN, H)), "b_PP": jnp.zeros((H,), jnp.float32),
        "W_P": _glorot(ks[9], (2 * H, H)), "b_P": jnp.zeros((H,), jnp.float32),
    }

def reference(atom_features, pair_features, pair_split, atom_to_pair,
              W_AA, b_AA, W_PA, b_PA, W_A, b_A,
              W_AP, b_AP, W_PP, b_PP, W_P, b_P):
    act = jax.nn.relu
    AA = act(atom_features @ W_AA + b_AA)
    PA = act(pair_features @ W_PA + b_PA)
    PA = jax.ops.segment_sum(PA, pair_split, num_segments=N_ATOMS)
    A = act(jnp.concatenate([AA, PA], axis=1) @ W_A + b_A)
    gathered_ij = jnp.take(atom_features, atom_to_pair, axis=0).reshape(-1, 2 * N_ATOM_IN)
    AP_ij = act(gathered_ij @ W_AP + b_AP)
    gathered_ji = jnp.take(atom_features, atom_to_pair[:, ::-1], axis=0).reshape(-1, 2 * N_ATOM_IN)
    AP_ji = act(gathered_ji @ W_AP + b_AP)
    PP = act(pair_features @ W_PP + b_PP)
    P = act(jnp.concatenate([AP_ij + AP_ji, PP], axis=1) @ W_P + b_P)
    return (A, P)

if __name__ == "__main__":
    import jax
    _d = setup_inputs()
    print(jax.jit(kernel)(*tuple(_d.values())))

</pallas_src>

<mosaic_0001>
#map = affine_map<(d0, d1) -> (0, 0)>
#map1 = affine_map<(d0, d1) -> (0)>
module attributes {stable_mosaic.version = 14 : i64} {
  func.func @_s_gather_body(%arg0: i32, %arg1: i32, %arg2: memref<50000x128xf32, #tpu.memory_space<hbm>>, %arg3: memref<1600000xi32, #tpu.memory_space<hbm>>, %arg4: memref<800000x64xf32, #tpu.memory_space<hbm>>, %arg5: memref<4x128xi32, #tpu.memory_space<vmem>>, %arg6: memref<4x128x128xf32, #tpu.memory_space<vmem>>, %arg7: memref<4x64x64xf32, #tpu.memory_space<vmem>>, %arg8: memref<!tpu.dma_semaphore, #tpu.memory_space<semaphore_mem>>, %arg9: memref<!tpu.dma_semaphore, #tpu.memory_space<semaphore_mem>>, %arg10: memref<!tpu.dma_semaphore, #tpu.memory_space<semaphore_mem>>, %arg11: memref<!tpu.dma_semaphore, #tpu.memory_space<semaphore_mem>>, %arg12: memref<!tpu.dma_semaphore, #tpu.memory_space<semaphore_mem>>, %arg13: memref<!tpu.dma_semaphore, #tpu.memory_space<semaphore_mem>>, %arg14: memref<!tpu.dma_semaphore, #tpu.memory_space<semaphore_mem>>, %arg15: memref<!tpu.dma_semaphore, #tpu.memory_space<semaphore_mem>>, %arg16: memref<!tpu.dma_semaphore, #tpu.memory_space<semaphore_mem>>, %arg17: memref<!tpu.dma_semaphore, #tpu.memory_space<semaphore_mem>>, %arg18: memref<!tpu.dma_semaphore, #tpu.memory_space<semaphore_mem>>, %arg19: memref<!tpu.dma_semaphore, #tpu.memory_space<semaphore_mem>>) attributes {dimension_semantics = [#tpu.dimension_semantics<core_parallel>, #tpu.dimension_semantics<subcore_parallel>], iteration_bounds = array<i64: 2, 16>, scalar_prefetch = 0 : i64, scratch_operands = 15 : i64, tpu.core_type = #tpu.core_type<sc_vector_subcore>, window_params = [{transform_indices = #map}, {transform_indices = #map1}, {transform_indices = #map}]} {
    %mul3A = arith.constant 2 : i32
    %mul3A_0 = arith.muli %arg1, %mul3A : i32
    %add3A = arith.addi %mul3A_0, %arg0 : i32
    %scan3A = arith.constant 0 : i32
    %scan3A_1 = arith.constant 0 : i32
    %scan3A_2 = arith.constant 98 : i32
    %scan3A_3 = arith.addi %scan3A_1, %scan3A_2 : i32
    %scan3A_4 = arith.constant 1 : i32
    scf.for %scan3A_31 = %scan3A_1 to %scan3A_3 step %scan3A_4  : i32 {
      %mul3A_32 = arith.constant 4 : i32
      %mul3A_33 = arith.muli %mul3A_32, %scan3A_31 : i32
      %add3A_34 = arith.constant 0 : i32
      %add3A_35 = arith.addi %mul3A_33, %add3A_34 : i32
      %mul3A_36 = arith.constant 32 : i32
      %mul3A_37 = arith.muli %mul3A_36, %add3A_35 : i32
      %add3A_38 = arith.addi %add3A, %mul3A_37 : i32
      %mul3A_39 = arith.constant 4 : i32
      %mul3A_40 = arith.muli %mul3A_39, %scan3A_31 : i32
      %add3A_41 = arith.constant 1 : i32
      %add3A_42 = arith.addi %mul3A_40, %add3A_41 : i32
      %mul3A_43 = arith.constant 32 : i32
      %mul3A_44 = arith.muli %mul3A_43, %add3A_42 : i32
      %add3A_45 = arith.addi %add3A, %mul3A_44 : i32
      %mul3A_46 = arith.constant 4 : i32
      %mul3A_47 = arith.muli %mul3A_46, %scan3A_31 : i32
      %add3A_48 = arith.constant 2 : i32
      %add3A_49 = arith.addi %mul3A_47, %add3A_48 : i32
      %mul3A_50 = arith.constant 32 : i32
      %mul3A_51 = arith.muli %mul3A_50, %add3A_49 : i32
      %add3A_52 = arith.addi %add3A, %mul3A_51 : i32
      %mul3A_53 = arith.constant 4 : i32
      %mul3A_54 = arith.muli %mul3A_53, %scan3A_31 : i32
      %add3A_55 = arith.constant 3 : i32
      %add3A_56 = arith.addi %mul3A_54, %add3A_55 : i32
      %mul3A_57 = arith.constant 32 : i32
      %mul3A_58 = arith.muli %mul3A_57, %add3A_56 : i32
      %add3A_59 = arith.addi %add3A, %mul3A_58 : i32
      %lt3A_60 = arith.constant 12500 : i32
      %lt3A_61 = arith.cmpi slt, %add3A_38, %lt3A_60 : i32
      %convert_element_type3A_62 = arith.extui %lt3A_61 : i1 to i32
      %cond3A_63 = arith.constant 0 : i32
      %cond3A_64 = arith.cmpi ne, %convert_element_type3A_62, %cond3A_63 : i32
      scf.if %cond3A_64 {
        %mul3A_157 = arith.constant 2 : i32
        %mul3A_158 = arith.muli %add3A_38, %mul3A_157 : i32
        %mul3A_159 = arith.constant 64 : i32
        %mul3A_160 = arith.muli %mul3A_158, %mul3A_159 : i32
        %dma_start3A = arith.constant 0 : i32
        %dma_start3A_161 = arith.constant 0 : i32
        %dma_start3A_162 = tpu.memref_slice %arg5[%dma_start3A, %dma_start3A_161] : memref<4x128xi32, #tpu.memory_space<vmem>> -> memref<1x128xi32, #tpu.memory_space<vmem>>
        %dma_start3A_163 = tpu.memref_squeeze %dma_start3A_162 : memref<1x128xi32, #tpu.memory_space<vmem>> -> memref<128xi32, #tpu.memory_space<vmem>>
        %dma_start3A_164 = tpu.memref_slice %arg3[%mul3A_160] : memref<1600000xi32, #tpu.memory_space<hbm>> -> memref<128xi32, #tpu.memory_space<hbm>>
        %dma_start3A_165 = arith.constant 0 : i32
        %dma_start3A_166 = tpu.memref_slice %arg5[%dma_start3A, %dma_start3A_165] : memref<4x128xi32, #tpu.memory_space<vmem>> -> memref<1x128xi32, #tpu.memory_space<vmem>>
        %dma_start3A_167 = tpu.memref_squeeze %dma_start3A_166 : memref<1x128xi32, #tpu.memory_space<vmem>> -> memref<128xi32, #tpu.memory_space<vmem>>
        %dma_start3A_168 = tpu.memref_slice %arg3[%mul3A_160] : memref<1600000xi32, #tpu.memory_space<hbm>> -> memref<128xi32, #tpu.memory_space<hbm>>
        tpu.enqueue_dma source(%dma_start3A_168 : memref<128xi32, #tpu.memory_space<hbm>>) target(%dma_start3A_167 : memref<128xi32, #tpu.memory_space<vmem>>) target_semaphore(%arg8 : memref<!tpu.dma_semaphore, #tpu.memory_space<semaphore_mem>>)
      } else {
      }
      %lt3A_65 = arith.constant 12500 : i32
      %lt3A_66 = arith.cmpi slt, %add3A_45, %lt3A_65 : i32
      %convert_element_type3A_67 = arith.extui %lt3A_66 : i1 to i32
      %cond3A_68 = arith.constant 0 : i32
      %cond3A_69 = arith.cmpi ne, %convert_element_type3A_67, %cond3A_68 : i32
      scf.if %cond3A_69 {
        %mul3A_157 = arith.constant 2 : i32
        %mul3A_158 = arith.muli %add3A_45, %mul3A_157 : i32
        %mul3A_159 = arith.constant 64 : i32
        %mul3A_160 = arith.muli %mul3A_158, %mul3A_159 : i32
        %dma_start3A = arith.constant 1 : i32
        %dma_start3A_161 = arith.constant 0 : i32
        %dma_start3A_162 = tpu.memref_slice %arg5[%dma_start3A, %dma_start3A_161] : memref<4x128xi32, #tpu.memory_space<vmem>> -> memref<1x128xi32, #tpu.memory_space<vmem>>
        %dma_start3A_163 = tpu.memref_squeeze %dma_start3A_162 : memref<1x128xi32, #tpu.memory_space<vmem>> -> memref<128xi32, #tpu.memory_space<vmem>>
        %dma_start3A_164 = tpu.memref_slice %arg3[%mul3A_160] : memref<1600000xi32, #tpu.memory_space<hbm>> -> memref<128xi32, #tpu.memory_space<hbm>>
        %dma_start3A_165 = arith.constant 0 : i32
        %dma_start3A_166 = tpu.memref_slice %arg5[%dma_start3A, %dma_start3A_165] : memref<4x128xi32, #tpu.memory_space<vmem>> -> memref<1x128xi32, #tpu.memory_space<vmem>>
        %dma_start3A_167 = tpu.memref_squeeze %dma_start3A_166 : memref<1x128xi32, #tpu.memory_space<vmem>> -> memref<128xi32, #tpu.memory_space<vmem>>
        %dma_start3A_168 = tpu.memref_slice %arg3[%mul3A_160] : memref<1600000xi32, #tpu.memory_space<hbm>> -> memref<128xi32, #tpu.memory_space<hbm>>
        tpu.enqueue_dma source(%dma_start3A_168 : memref<128xi32, #tpu.memory_space<hbm>>) target(%dma_start3A_167 : memref<128xi32, #tpu.memory_space<vmem>>) target_semaphore(%arg9 : memref<!tpu.dma_semaphore, #tpu.memory_space<semaphore_mem>>)
      } else {
      }
      %lt3A_70 = arith.constant 12500 : i32
      %lt3A_71 = arith.cmpi slt, %add3A_52, %lt3A_70 : i32
      %convert_element_type3A_72 = arith.extui %lt3A_71 : i1 to i32
      %cond3A_73 = arith.constant 0 : i32
      %cond3A_74 = arith.cmpi ne, %convert_element_type3A_72, %cond3A_73 : i32
      scf.if %cond3A_74 {
        %mul3A_157 = arith.constant 2 : i32
        %mul3A_158 = arith.muli %add3A_52, %mul3A_157 : i32
        %mul3A_159 = arith.constant 64 : i32
        %mul3A_160 = arith.muli %mul3A_158, %mul3A_159 : i32
        %dma_start3A = arith.constant 2 : i32
        %dma_start3A_161 = arith.constant 0 : i32
        %dma_start3A_162 = tpu.memref_slice %arg5[%dma_start3A, %dma_start3A_161] : memref<4x128xi32, #tpu.memory_space<vmem>> -> memref<1x128xi32, #tpu.memory_space<vmem>>
        %dma_start3A_163 = tpu.memref_squeeze %dma_start3A_162 : memref<1x128xi32, #tpu.memory_space<vmem>> -> memref<128xi32, #tpu.memory_space<vmem>>
        %dma_start3A_164 = tpu.memref_slice %arg3[%mul3A_160] : memref<1600000xi32, #tpu.memory_space<hbm>> -> memref<128xi32, #tpu.memory_space<hbm>>
        %dma_start3A_165 = arith.constant 0 : i32
        %dma_start3A_166 = tpu.memref_slice %arg5[%dma_start3A, %dma_start3A_165] : memref<4x128xi32, #tpu.memory_space<vmem>> -> memref<1x128xi32, #tpu.memory_space<vmem>>
        %dma_start3A_167 = tpu.memref_squeeze %dma_start3A_166 : memref<1x128xi32, #tpu.memory_space<vmem>> -> memref<128xi32, #tpu.memory_space<vmem>>
        %dma_start3A_168 = tpu.memref_slice %arg3[%mul3A_160] : memref<1600000xi32, #tpu.memory_space<hbm>> -> memref<128xi32, #tpu.memory_space<hbm>>
        tpu.enqueue_dma source(%dma_start3A_168 : memref<128xi32, #tpu.memory_space<hbm>>) target(%dma_start3A_167 : memref<128xi32, #tpu.memory_space<vmem>>) target_semaphore(%arg10 : memref<!tpu.dma_semaphore, #tpu.memory_space<semaphore_mem>>)
      } else {
      }
      %lt3A_75 = arith.constant 12500 : i32
      %lt3A_76 = arith.cmpi slt, %add3A_59, %lt3A_75 : i32
      %convert_element_type3A_77 = arith.extui %lt3A_76 : i1 to i32
      %cond3A_78 = arith.constant 0 : i32
      %cond3A_79 = arith.cmpi ne, %convert_element_type3A_77, %cond3A_78 : i32
      scf.if %cond3A_79 {
        %mul3A_157 = arith.constant 2 : i32
        %mul3A_158 = arith.muli %add3A_59, %mul3A_157 : i32
        %mul3A_159 = arith.constant 64 : i32
        %mul3A_160 = arith.muli %mul3A_158, %mul3A_159 : i32
        %dma_start3A = arith.constant 3 : i32
        %dma_start3A_161 = arith.constant 0 : i32
        %dma_start3A_162 = tpu.memref_slice %arg5[%dma_start3A, %dma_start3A_161] : memref<4x128xi32, #tpu.memory_space<vmem>> -> memref<1x128xi32, #tpu.memory_space<vmem>>
        %dma_start3A_163 = tpu.memref_squeeze %dma_start3A_162 : memref<1x128xi32, #tpu.memory_space<vmem>> -> memref<128xi32, #tpu.memory_space<vmem>>
        %dma_start3A_164 = tpu.memref_slice %arg3[%mul3A_160] : memref<1600000xi32, #tpu.memory_space<hbm>> -> memref<128xi32, #tpu.memory_space<hbm>>
        %dma_start3A_165 = arith.constant 0 : i32
        %dma_start3A_166 = tpu.memref_slice %arg5[%dma_start3A, %dma_start3A_165] : memref<4x128xi32, #tpu.memory_space<vmem>> -> memref<1x128xi32, #tpu.memory_space<vmem>>
        %dma_start3A_167 = tpu.memref_squeeze %dma_start3A_166 : memref<1x128xi32, #tpu.memory_space<vmem>> -> memref<128xi32, #tpu.memory_space<vmem>>
        %dma_start3A_168 = tpu.memref_slice %arg3[%mul3A_160] : memref<1600000xi32, #tpu.memory_space<hbm>> -> memref<128xi32, #tpu.memory_space<hbm>>
        tpu.enqueue_dma source(%dma_start3A_168 : memref<128xi32, #tpu.memory_space<hbm>>) target(%dma_start3A_167 : memref<128xi32, #tpu.memory_space<vmem>>) target_semaphore(%arg11 : memref<!tpu.dma_semaphore, #tpu.memory_space<semaphore_mem>>)
      } else {
      }
      %lt3A_80 = arith.constant 12500 : i32
      %lt3A_81 = arith.cmpi slt, %add3A_38, %lt3A_80 : i32
      %convert_element_type3A_82 = arith.extui %lt3A_81 : i1 to i32
      %cond3A_83 = arith.constant 0 : i32
      %cond3A_84 = arith.cmpi ne, %convert_element_type3A_82, %cond3A_83 : i32
      scf.if %cond3A_84 {
        %mul3A_157 = arith.constant 2 : i32
        %mul3A_158 = arith.muli %add3A_38, %mul3A_157 : i32
        %mul3A_159 = arith.constant 64 : i32
        %mul3A_160 = arith.muli %mul3A_158, %mul3A_159 : i32
        %dma_wait3A = arith.constant 0 : i32
        %dma_wait3A_161 = arith.constant 0 : i32
        %dma_wait3A_162 = tpu.memref_slice %arg5[%dma_wait3A, %dma_wait3A_161] : memref<4x128xi32, #tpu.memory_space<vmem>> -> memref<1x128xi32, #tpu.memory_space<vmem>>
        %dma_wait3A_163 = tpu.memref_squeeze %dma_wait3A_162 : memref<1x128xi32, #tpu.memory_space<vmem>> -> memref<128xi32, #tpu.memory_space<vmem>>
        %dma_wait3A_164 = tpu.memref_slice %arg3[%mul3A_160] : memref<1600000xi32, #tpu.memory_space<hbm>> -> memref<128xi32, #tpu.memory_space<hbm>>
        %dma_wait3A_165 = arith.constant 0 : i32
        %dma_wait3A_166 = tpu.memref_slice %arg5[%dma_wait3A, %dma_wait3A_165] : memref<4x128xi32, #tpu.memory_space<vmem>> -> memref<1x128xi32, #tpu.memory_space<vmem>>
        %dma_wait3A_167 = tpu.memref_squeeze %dma_wait3A_166 : memref<1x128xi32, #tpu.memory_space<vmem>> -> memref<128xi32, #tpu.memory_space<vmem>>
        %dma_wait3A_168 = tpu.memref_slice %arg3[%mul3A_160] : memref<1600000xi32, #tpu.memory_space<hbm>> -> memref<128xi32, #tpu.memory_space<hbm>>
        tpu.wait_dma2 semaphore(%arg8 : memref<!tpu.dma_semaphore, #tpu.memory_space<semaphore_mem>>) src(%dma_wait3A_168 : memref<128xi32, #tpu.memory_space<hbm>>) dst(%dma_wait3A_167 : memref<128xi32, #tpu.memory_space<vmem>>)
        %dma_start3A = arith.constant 0 : i32
        %dma_start3A_169 = arith.constant 0 : i32
        %dma_start3A_170 = arith.constant 0 : i32
        %dma_start3A_171 = arith.constant 0 : i32
        %dma_start3A_172 = tpu.memref_slice %arg6[%dma_start3A_169, %dma_start3A_170, %dma_start3A_171] : memref<4x128x128xf32, #tpu.memory_space<vmem>> -> memref<1x128x128xf32, #tpu.memory_space<vmem>>
        %dma_start3A_173 = tpu.memref_squeeze %dma_start3A_172 : memref<1x128x128xf32, #tpu.memory_space<vmem>> -> memref<128x128xf32, #tpu.memory_space<vmem>>
        %dma_start3A_174 = arith.constant 0 : i32
        %dma_start3A_175 = tpu.memref_slice %arg5[%dma_start3A, %dma_start3A_174] : memref<4x128xi32, #tpu.memory_space<vmem>> -> memref<1x128xi32, #tpu.memory_space<vmem>>
        %dma_start3A_176 = tpu.memref_squeeze %dma_start3A_175 : memref<1x128xi32, #tpu.memory_space<vmem>> -> memref<128xi32, #tpu.memory_space<vmem>>
        %dma_start3A_177 = arith.constant 0 : i32
        %dma_start3A_178 = arith.constant 0 : i32
        %dma_start3A_179 = tpu.memref_slice %arg2[%dma_start3A_177, %dma_start3A_178] : memref<50000x128xf32, #tpu.memory_space<hbm>> -> memref<50000x128xf32, #tpu.memory_space<hbm>>
        tpu.enqueue_indirect_dma source(%dma_start3A_179 : memref<50000x128xf32, #tpu.memory_space<hbm>>) target(%dma_start3A_173 : memref<128x128xf32, #tpu.memory_space<vmem>>) offsets(%dma_start3A_176 : memref<128xi32, #tpu.memory_space<vmem>>) semaphore(%arg12 : memref<!tpu.dma_semaphore, #tpu.memory_space<semaphore_mem>>)
      } else {
      }
      %lt3A_85 = arith.constant 12500 : i32
      %lt3A_86 = arith.cmpi slt, %add3A_45, %lt3A_85 : i32
      %convert_element_type3A_87 = arith.extui %lt3A_86 : i1 to i32
      %cond3A_88 = arith.constant 0 : i32
      %cond3A_89 = arith.cmpi ne, %convert_element_type3A_87, %cond3A_88 : i32
      scf.if %cond3A_89 {
        %mul3A_157 = arith.constant 2 : i32
        %mul3A_158 = arith.muli %add3A_45, %mul3A_157 : i32
        %mul3A_159 = arith.constant 64 : i32
        %mul3A_160 = arith.muli %mul3A_158, %mul3A_159 : i32
        %dma_wait3A = arith.constant 1 : i32
        %dma_wait3A_161 = arith.constant 0 : i32
        %dma_wait3A_162 = tpu.memref_slice %arg5[%dma_wait3A, %dma_wait3A_161] : memref<4x128xi32, #tpu.memory_space<vmem>> -> memref<1x128xi32, #tpu.memory_space<vmem>>
        %dma_wait3A_163 = tpu.memref_squeeze %dma_wait3A_162 : memref<1x128xi32, #tpu.memory_space<vmem>> -> memref<128xi32, #tpu.memory_space<vmem>>
        %dma_wait3A_164 = tpu.memref_slice %arg3[%mul3A_160] : memref<1600000xi32, #tpu.memory_space<hbm>> -> memref<128xi32, #tpu.memory_space<hbm>>
        %dma_wait3A_165 = arith.constant 0 : i32
        %dma_wait3A_166 = tpu.memref_slice %arg5[%dma_wait3A, %dma_wait3A_165] : memref<4x128xi32, #tpu.memory_space<vmem>> -> memref<1x128xi32, #tpu.memory_space<vmem>>
        %dma_wait3A_167 = tpu.memref_squeeze %dma_wait3A_166 : memref<1x128xi32, #tpu.memory_space<vmem>> -> memref<128xi32, #tpu.memory_space<vmem>>
        %dma_wait3A_168 = tpu.memref_slice %arg3[%mul3A_160] : memref<1600000xi32, #tpu.memory_space<hbm>> -> memref<128xi32, #tpu.memory_space<hbm>>
        tpu.wait_dma2 semaphore(%arg9 : memref<!tpu.dma_semaphore, #tpu.memory_space<semaphore_mem>>) src(%dma_wait3A_168 : memref<128xi32, #tpu.memory_space<hbm>>) dst(%dma_wait3A_167 : memref<128xi32, #tpu.memory_space<vmem>>)
        %dma_start3A = arith.constant 1 : i32
        %dma_start3A_169 = arith.constant 1 : i32
        %dma_start3A_170 = arith.constant 0 : i32
        %dma_start3A_171 = arith.constant 0 : i32
        %dma_start3A_172 = tpu.memref_slice %arg6[%dma_start3A_169, %dma_start3A_170, %dma_start3A_171] : memref<4x128x128xf32, #tpu.memory_space<vmem>> -> memref<1x128x128xf32, #tpu.memory_space<vmem>>
        %dma_start3A_173 = tpu.memref_squeeze %dma_start3A_172 : memref<1x128x128xf32, #tpu.memory_space<vmem>> -> memref<128x128xf32, #tpu.memory_space<vmem>>
        %dma_start3A_174 = arith.constant 0 : i32
        %dma_start3A_175 = tpu.memref_slice %arg5[%dma_start3A, %dma_start3A_174] : memref<4x128xi32, #tpu.memory_space<vmem>> -> memref<1x128xi32, #tpu.memory_space<vmem>>
        %dma_start3A_176 = tpu.memref_squeeze %dma_start3A_175 : memref<1x128xi32, #tpu.memory_space<vmem>> -> memref<128xi32, #tpu.memory_space<vmem>>
        %dma_start3A_177 = arith.constant 0 : i32
        %dma_start3A_178 = arith.constant 0 : i32
        %dma_start3A_179 = tpu.memref_slice %arg2[%dma_start3A_177, %dma_start3A_178] : memref<50000x128xf32, #tpu.memory_space<hbm>> -> memref<50000x128xf32, #tpu.memory_space<hbm>>
        tpu.enqueue_indirect_dma source(%dma_start3A_179 : memref<50000x128xf32, #tpu.memory_space<hbm>>) target(%dma_start3A_173 : memref<128x128xf32, #tpu.memory_space<vmem>>) offsets(%dma_start3A_176 : memref<128xi32, #tpu.memory_space<vmem>>) semaphore(%arg13 : memref<!tpu.dma_semaphore, #tpu.memory_space<semaphore_mem>>)
      } else {
      }
      %lt3A_90 = arith.constant 12500 : i32
      %lt3A_91 = arith.cmpi slt, %add3A_52, %lt3A_90 : i32
      %convert_element_type3A_92 = arith.extui %lt3A_91 : i1 to i32
      %cond3A_93 = arith.constant 0 : i32
      %cond3A_94 = arith.cmpi ne, %convert_element_type3A_92, %cond3A_93 : i32
      scf.if %cond3A_94 {
        %mul3A_157 = arith.constant 2 : i32
        %mul3A_158 = arith.muli %add3A_52, %mul3A_157 : i32
        %mul3A_159 = arith.constant 64 : i32
        %mul3A_160 = arith.muli %mul3A_158, %mul3A_159 : i32
        %dma_wait3A = arith.constant 2 : i32
        %dma_wait3A_161 = arith.constant 0 : i32
        %dma_wait3A_162 = tpu.memref_slice %arg5[%dma_wait3A, %dma_wait3A_161] : memref<4x128xi32, #tpu.memory_space<vmem>> -> memref<1x128xi32, #tpu.memory_space<vmem>>
        %dma_wait3A_163 = tpu.memref_squeeze %dma_wait3A_162 : memref<1x128xi32, #tpu.memory_space<vmem>> -> memref<128xi32, #tpu.memory_space<vmem>>
        %dma_wait3A_164 = tpu.memref_slice %arg3[%mul3A_160] : memref<1600000xi32, #tpu.memory_space<hbm>> -> memref<128xi32, #tpu.memory_space<hbm>>
        %dma_wait3A_165 = arith.constant 0 : i32
        %dma_wait3A_166 = tpu.memref_slice %arg5[%dma_wait3A, %dma_wait3A_165] : memref<4x128xi32, #tpu.memory_space<vmem>> -> memref<1x128xi32, #tpu.memory_space<vmem>>
        %dma_wait3A_167 = tpu.memref_squeeze %dma_wait3A_166 : memref<1x128xi32, #tpu.memory_space<vmem>> -> memref<128xi32, #tpu.memory_space<vmem>>
        %dma_wait3A_168 = tpu.memref_slice %arg3[%mul3A_160] : memref<1600000xi32, #tpu.memory_space<hbm>> -> memref<128xi32, #tpu.memory_space<hbm>>
        tpu.wait_dma2 semaphore(%arg10 : memref<!tpu.dma_semaphore, #tpu.memory_space<semaphore_mem>>) src(%dma_wait3A_168 : memref<128xi32, #tpu.memory_space<hbm>>) dst(%dma_wait3A_167 : memref<128xi32, #tpu.memory_space<vmem>>)
        %dma_start3A = arith.constant 2 : i32
        %dma_start3A_169 = arith.constant 2 : i32
        %dma_start3A_170 = arith.constant 0 : i32
        %dma_start3A_171 = arith.constant 0 : i32
        %dma_start3A_172 = tpu.memref_slice %arg6[%dma_start3A_169, %dma_start3A_170, %dma_start3A_171] : memref<4x128x128xf32, #tpu.memory_space<vmem>> -> memref<1x128x128xf32, #tpu.memory_space<vmem>>
        %dma_start3A_173 = tpu.memref_squeeze %dma_start3A_172 : memref<1x128x128xf32, #tpu.memory_space<vmem>> -> memref<128x128xf32, #tpu.memory_space<vmem>>
        %dma_start3A_174 = arith.constant 0 : i32
        %dma_start3A_175 = tpu.memref_slice %arg5[%dma_start3A, %dma_start3A_174] : memref<4x128xi32, #tpu.memory_space<vmem>> -> memref<1x128xi32, #tpu.memory_space<vmem>>
        %dma_start3A_176 = tpu.memref_squeeze %dma_start3A_175 : memref<1x128xi32, #tpu.memory_space<vmem>> -> memref<128xi32, #tpu.memory_space<vmem>>
        %dma_start3A_177 = arith.constant 0 : i32
        %dma_start3A_178 = arith.constant 0 : i32
        %dma_start3A_179 = tpu.memref_slice %arg2[%dma_start3A_177, %dma_start3A_178] : memref<50000x128xf32, #tpu.memory_space<hbm>> -> memref<50000x128xf32, #tpu.memory_space<hbm>>
        tpu.enqueue_indirect_dma source(%dma_start3A_179 : memref<50000x128xf32, #tpu.memory_space<hbm>>) target(%dma_start3A_173 : memref<128x128xf32, #tpu.memory_space<vmem>>) offsets(%dma_start3A_176 : memref<128xi32, #tpu.memory_space<vmem>>) semaphore(%arg14 : memref<!tpu.dma_semaphore, #tpu.memory_space<semaphore_mem>>)
      } else {
      }
      %lt3A_95 = arith.constant 12500 : i32
      %lt3A_96 = arith.cmpi slt, %add3A_59, %lt3A_95 : i32
      %convert_element_type3A_97 = arith.extui %lt3A_96 : i1 to i32
      %cond3A_98 = arith.constant 0 : i32
      %cond3A_99 = arith.cmpi ne, %convert_element_type3A_97, %cond3A_98 : i32
      scf.if %cond3A_99 {
        %mul3A_157 = arith.constant 2 : i32
        %mul3A_158 = arith.muli %add3A_59, %mul3A_157 : i32
        %mul3A_159 = arith.constant 64 : i32
        %mul3A_160 = arith.muli %mul3A_158, %mul3A_159 : i32
        %dma_wait3A = arith.constant 3 : i32
        %dma_wait3A_161 = arith.constant 0 : i32
        %dma_wait3A_162 = tpu.memref_slice %arg5[%dma_wait3A, %dma_wait3A_161] : memref<4x128xi32, #tpu.memory_space<vmem>> -> memref<1x128xi32, #tpu.memory_space<vmem>>
        %dma_wait3A_163 = tpu.memref_squeeze %dma_wait3A_162 : memref<1x128xi32, #tpu.memory_space<vmem>> -> memref<128xi32, #tpu.memory_space<vmem>>
        %dma_wait3A_164 = tpu.memref_slice %arg3[%mul3A_160] : memref<1600000xi32, #tpu.memory_space<hbm>> -> memref<128xi32, #tpu.memory_space<hbm>>
        %dma_wait3A_165 = arith.constant 0 : i32
        %dma_wait3A_166 = tpu.memref_slice %arg5[%dma_wait3A, %dma_wait3A_165] : memref<4x128xi32, #tpu.memory_space<vmem>> -> memref<1x128xi32, #tpu.memory_space<vmem>>
        %dma_wait3A_167 = tpu.memref_squeeze %dma_wait3A_166 : memref<1x128xi32, #tpu.memory_space<vmem>> -> memref<128xi32, #tpu.memory_space<vmem>>
        %dma_wait3A_168 = tpu.memref_slice %arg3[%mul3A_160] : memref<1600000xi32, #tpu.memory_space<hbm>> -> memref<128xi32, #tpu.memory_space<hbm>>
        tpu.wait_dma2 semaphore(%arg11 : memref<!tpu.dma_semaphore, #tpu.memory_space<semaphore_mem>>) src(%dma_wait3A_168 : memref<128xi32, #tpu.memory_space<hbm>>) dst(%dma_wait3A_167 : memref<128xi32, #tpu.memory_space<vmem>>)
        %dma_start3A = arith.constant 3 : i32
        %dma_start3A_169 = arith.constant 3 : i32
        %dma_start3A_170 = arith.constant 0 : i32
        %dma_start3A_171 = arith.constant 0 : i32
        %dma_start3A_172 = tpu.memref_slice %arg6[%dma_start3A_169, %dma_start3A_170, %dma_start3A_171] : memref<4x128x128xf32, #tpu.memory_space<vmem>> -> memref<1x128x128xf32, #tpu.memory_space<vmem>>
        %dma_start3A_173 = tpu.memref_squeeze %dma_start3A_172 : memref<1x128x128xf32, #tpu.memory_space<vmem>> -> memref<128x128xf32, #tpu.memory_space<vmem>>
        %dma_start3A_174 = arith.constant 0 : i32
        %dma_start3A_175 = tpu.memref_slice %arg5[%dma_start3A, %dma_start3A_174] : memref<4x128xi32, #tpu.memory_space<vmem>> -> memref<1x128xi32, #tpu.memory_space<vmem>>
        %dma_start3A_176 = tpu.memref_squeeze %dma_start3A_175 : memref<1x128xi32, #tpu.memory_space<vmem>> -> memref<128xi32, #tpu.memory_space<vmem>>
        %dma_start3A_177 = arith.constant 0 : i32
        %dma_start3A_178 = arith.constant 0 : i32
        %dma_start3A_179 = tpu.memref_slice %arg2[%dma_start3A_177, %dma_start3A_178] : memref<50000x128xf32, #tpu.memory_space<hbm>> -> memref<50000x128xf32, #tpu.memory_space<hbm>>
        tpu.enqueue_indirect_dma source(%dma_start3A_179 : memref<50000x128xf32, #tpu.memory_space<hbm>>) target(%dma_start3A_173 : memref<128x128xf32, #tpu.memory_space<vmem>>) offsets(%dma_start3A_176 : memref<128xi32, #tpu.memory_space<vmem>>) semaphore(%arg15 : memref<!tpu.dma_semaphore, #tpu.memory_space<semaphore_mem>>)
      } else {
      }
      %gt3A = arith.constant 0 : i32
      %gt3A_100 = arith.cmpi sgt, %scan3A_31, %gt3A : i32
      %sub3A = arith.constant 128 : i32
      %sub3A_101 = arith.subi %add3A_38, %sub3A : i32
      %lt3A_102 = arith.constant 12500 : i32
      %lt3A_103 = arith.cmpi slt, %sub3A_101, %lt3A_102 : i32
      %and3A = arith.andi %gt3A_100, %lt3A_103 : i1
      %convert_element_type3A_104 = arith.extui %and3A : i1 to i32
      %cond3A_105 = arith.constant 0 : i32
      %cond3A_106 = arith.cmpi ne, %convert_element_type3A_104, %cond3A_105 : i32
      scf.if %cond3A_106 {
        %dma_wait3A = arith.constant 0 : i32
        %dma_wait3A_157 = arith.constant 0 : i32
        %dma_wait3A_158 = arith.constant 0 : i32
        %dma_wait3A_159 = tpu.memref_slice %arg7[%dma_wait3A, %dma_wait3A_157, %dma_wait3A_158] : memref<4x64x64xf32, #tpu.memory_space<vmem>> -> memref<1x64x64xf32, #tpu.memory_space<vmem>>
        %dma_wait3A_160 = tpu.memref_squeeze %dma_wait3A_159 : memref<1x64x64xf32, #tpu.memory_space<vmem>> -> memref<64x64xf32, #tpu.memory_space<vmem>>
        %dma_wait3A_161 = arith.constant 0 : i32
        %dma_wait3A_162 = arith.constant 0 : i32
        %dma_wait3A_163 = tpu.memref_slice %arg4[%dma_wait3A_161, %dma_wait3A_162] : memref<800000x64xf32, #tpu.memory_space<hbm>> -> memref<64x64xf32, #tpu.memory_space<hbm>>
        %dma_wait3A_164 = arith.constant 0 : i32
        %dma_wait3A_165 = arith.constant 0 : i32
        %dma_wait3A_166 = tpu.memref_slice %arg4[%dma_wait3A_164, %dma_wait3A_165] : memref<800000x64xf32, #tpu.memory_space<hbm>> -> memref<64x64xf32, #tpu.memory_space<hbm>>
        %dma_wait3A_167 = arith.constant 0 : i32
        %dma_wait3A_168 = arith.constant 0 : i32
        %dma_wait3A_169 = tpu.memref_slice %arg7[%dma_wait3A, %dma_wait3A_167, %dma_wait3A_168] : memref<4x64x64xf32, #tpu.memory_space<vmem>> -> memref<1x64x64xf32, #tpu.memory_space<vmem>>
        %dma_wait3A_170 = tpu.memref_squeeze %dma_wait3A_169 : memref<1x64x64xf32, #tpu.memory_space<vmem>> -> memref<64x64xf32, #tpu.memory_space<vmem>>
        tpu.wait_dma2 semaphore(%arg16 : memref<!tpu.dma_semaphore, #tpu.memory_space<semaphore_mem>>) src(%dma_wait3A_170 : memref<64x64xf32, #tpu.memory_space<vmem>>) dst(%dma_wait3A_166 : memref<64x64xf32, #tpu.memory_space<hbm>>)
      } else {
      }
      %lt3A_107 = arith.constant 12500 : i32
      %lt3A_108 = arith.cmpi slt, %add3A_38, %lt3A_107 : i32
      %convert_element_type3A_109 = arith.extui %lt3A_108 : i1 to i32
      %cond3A_110 = arith.constant 0 : i32
      %cond3A_111 = arith.cmpi ne, %convert_element_type3A_109, %cond3A_110 : i32
      scf.if %cond3A_111 {
        %dma_wait3A = arith.constant 0 : i32
        %dma_wait3A_157 = arith.constant 0 : i32
        %dma_wait3A_158 = arith.constant 0 : i32
        %dma_wait3A_159 = arith.constant 0 : i32
        %dma_wait3A_160 = tpu.memref_slice %arg6[%dma_wait3A_157, %dma_wait3A_158, %dma_wait3A_159] : memref<4x128x128xf32, #tpu.memory_space<vmem>> -> memref<1x128x128xf32, #tpu.memory_space<vmem>>
        %dma_wait3A_161 = tpu.memref_squeeze %dma_wait3A_160 : memref<1x128x128xf32, #tpu.memory_space<vmem>> -> memref<128x128xf32, #tpu.memory_space<vmem>>
        %dma_wait3A_162 = arith.constant 0 : i32
        %dma_wait3A_163 = tpu.memref_slice %arg5[%dma_wait3A, %dma_wait3A_162] : memref<4x128xi32, #tpu.memory_space<vmem>> -> memref<1x128xi32, #tpu.memory_space<vmem>>
        %dma_wait3A_164 = tpu.memref_squeeze %dma_wait3A_163 : memref<1x128xi32, #tpu.memory_space<vmem>> -> memref<128xi32, #tpu.memory_space<vmem>>
        %dma_wait3A_165 = arith.constant 0 : i32
        %dma_wait3A_166 = arith.constant 0 : i32
        %dma_wait3A_167 = tpu.memref_slice %arg2[%dma_wait3A_165, %dma_wait3A_166] : memref<50000x128xf32, #tpu.memory_space<hbm>> -> memref<50000x128xf32, #tpu.memory_space<hbm>>
        tpu.wait_indirect_dma semaphore(%arg12 : memref<!tpu.dma_semaphore, #tpu.memory_space<semaphore_mem>>) src(%dma_wait3A_167 : memref<50000x128xf32, #tpu.memory_space<hbm>>) dst(%dma_wait3A_161 : memref<128x128xf32, #tpu.memory_space<vmem>>)
        %scan3A_168 = arith.constant 0 : i32
        %scan3A_169 = arith.constant 0 : i32
        %scan3A_170 = arith.constant 0 : i32
        %scan3A_171 = arith.constant 0 : i32
        %scan3A_172 = arith.constant 64 : i32
        %scan3A_173 = arith.addi %scan3A_171, %scan3A_172 : i32
        %scan3A_174 = arith.constant 1 : i32
        scf.for %scan3A_190 = %scan3A_171 to %scan3A_173 step %scan3A_174  : i32 {
          %mul3A_191 = arith.constant 2 : i32
          %mul3A_192 = arith.muli %mul3A_191, %scan3A_190 : i32
          %get3A = arith.constant 0 : i32
          %get3A_193 = arith.constant 0 : i32
          %get3A_194 = tpu.memref_slice %arg6[%scan3A_169, %get3A, %get3A_193] : memref<4x128x128xf32, #tpu.memory_space<vmem>> -> memref<1x128x128xf32, #tpu.memory_space<vmem>>
          %get3A_195 = tpu.memref_squeeze %get3A_194 : memref<1x128x128xf32, #tpu.memory_space<vmem>> -> memref<128x128xf32, #tpu.memory_space<vmem>>
          %get3A_196 = arith.index_cast %mul3A_192 : i32 to index
          %get3A_197 = arith.constant 0 : index
          %get3A_198 = tpu.vector_load %get3A_195[%get3A_196, %get3A_197] {strides = array<i32>} : memref<128x128xf32, #tpu.memory_space<vmem>>, vector<1x16xf32>,
          %get3A_199 = vector.shape_cast %get3A_198 : vector<1x16xf32> to vector<16xf32>
          %mul3A_200 = arith.constant 2 : i32
          %mul3A_201 = arith.muli %mul3A_200, %scan3A_190 : i32
          %add3A_202 = arith.constant 1 : i32
          %add3A_203 = arith.addi %mul3A_201, %add3A_202 : i32
          %get3A_204 = arith.constant 0 : i32
          %get3A_205 = arith.constant 0 : i32
          %get3A_206 = tpu.memref_slice %arg6[%scan3A_169, %get3A_204, %get3A_205] : memref<4x128x128xf32, #tpu.memory_space<vmem>> -> memref<1x128x128xf32, #tpu.memory_space<vmem>>
          %get3A_207 = tpu.memref_squeeze %get3A_206 : memref<1x128x128xf32, #tpu.memory_space<vmem>> -> memref<128x128xf32, #tpu.memory_space<vmem>>
          %get3A_208 = arith.index_cast %add3A_203 : i32 to index
          %get3A_209 = arith.constant 64 : index
          %get3A_210 = tpu.vector_load %get3A_207[%get3A_208, %get3A_209] {strides = array<i32>} : memref<128x128xf32, #tpu.memory_space<vmem>>, vector<1x16xf32>,
          %get3A_211 = vector.shape_cast %get3A_210 : vector<1x16xf32> to vector<16xf32>
          %mul3A_212 = arith.constant 2 : i32
          %mul3A_213 = arith.muli %mul3A_212, %scan3A_190 : i32
          %add3A_214 = arith.constant 1 : i32
          %add3A_215 = arith.addi %mul3A_213, %add3A_214 : i32
          %get3A_216 = arith.constant 0 : i32
          %get3A_217 = arith.constant 0 : i32
          %get3A_218 = tpu.memref_slice %arg6[%scan3A_169, %get3A_216, %get3A_217] : memref<4x128x128xf32, #tpu.memory_space<vmem>> -> memref<1x128x128xf32, #tpu.memory_space<vmem>>
          %get3A_219 = tpu.memref_squeeze %get3A_218 : memref<1x128x128xf32, #tpu.memory_space<vmem>> -> memref<128x128xf32, #tpu.memory_space<vmem>>
          %get3A_220 = arith.index_cast %add3A_215 : i32 to index
          %get3A_221 = arith.constant 0 : index
          %get3A_222 = tpu.vector_load %get3A_219[%get3A_220, %get3A_221] {strides = array<i32>} : memref<128x128xf32, #tpu.memory_space<vmem>>, vector<1x16xf32>,
          %get3A_223 = vector.shape_cast %get3A_222 : vector<1x16xf32> to vector<16xf32>
          %mul3A_224 = arith.constant 2 : i32
          %mul3A_225 = arith.muli %mul3A_224, %scan3A_190 : i32
          %get3A_226 = arith.constant 0 : i32
          %get3A_227 = arith.constant 0 : i32
          %get3A_228 = tpu.memref_slice %arg6[%scan3A_169, %get3A_226, %get3A_227] : memref<4x128x128xf32, #tpu.memory_space<vmem>> -> memref<1x128x128xf32, #tpu.memory_space<vmem>>
          %get3A_229 = tpu.memref_squeeze %get3A_228 : memref<1x128x128xf32, #tpu.memory_space<vmem>> -> memref<128x128xf32, #tpu.memory_space<vmem>>
          %get3A_230 = arith.index_cast %mul3A_225 : i32 to index
          %get3A_231 = arith.constant 64 : index
          %get3A_232 = tpu.vector_load %get3A_229[%get3A_230, %get3A_231] {strides = array<i32>} : memref<128x128xf32, #tpu.memory_space<vmem>>, vector<1x16xf32>,
          %get3A_233 = vector.shape_cast %get3A_232 : vector<1x16xf32> to vector<16xf32>
          %add3A_234 = arith.addf %get3A_199, %get3A_211 : vector<16xf32>
          %max3A = arith.constant 0.000000e+00 : f32
          %max3A_235 = vector.broadcast %max3A : f32 to vector<16xf32>
          %max3A_236 = arith.maximumf %add3A_234, %max3A_235 : vector<16xf32>
          %add3A_237 = arith.addf %get3A_223, %get3A_233 : vector<16xf32>
          %max3A_238 = arith.constant 0.000000e+00 : f32
          %max3A_239 = vector.broadcast %max3A_238 : f32 to vector<16xf32>
          %max3A_240 = arith.maximumf %add3A_237, %max3A_239 : vector<16xf32>
          %add3A_241 = arith.addf %max3A_236, %max3A_240 : vector<16xf32>
          %swap3A = arith.constant 0 : i32
          %swap3A_242 = arith.constant 0 : i32
          %swap3A_243 = tpu.memref_slice %arg7[%scan3A_170, %swap3A, %swap3A_242] : memref<4x64x64xf32, #tpu.memory_space<vmem>> -> memref<1x64x64xf32, #tpu.memory_space<vmem>>
          %swap3A_244 = tpu.memref_squeeze %swap3A_243 : memref<1x64x64xf32, #tpu.memory_space<vmem>> -> memref<64x64xf32, #tpu.memory_space<vmem>>
          %swap3A_245 = arith.index_cast %scan3A_190 : i32 to index
          %swap3A_246 = arith.constant 0 : index
          %swap3A_247 = tpu.vector_load %swap3A_244[%swap3A_245, %swap3A_246] {strides = array<i32>} : memref<64x64xf32, #tpu.memory_space<vmem>>, vector<1x16xf32>,
          %swap3A_248 = vector.shape_cast %swap3A_247 : vector<1x16xf32> to vector<16xf32>
          %swap3A_249 = vector.shape_cast %add3A_241 : vector<16xf32> to vector<1x16xf32>
          tpu.vector_store %swap3A_244[%swap3A_245, %swap3A_246], %swap3A_249 {strides = array<i32>} : memref<64x64xf32, #tpu.memory_space<vmem>>, vector<1x16xf32>,
          %mul3A_250 = arith.constant 2 : i32
          %mul3A_251 = arith.muli %mul3A_250, %scan3A_190 : i32
          %get3A_252 = arith.constant 0 : i32
          %get3A_253 = arith.constant 0 : i32
          %get3A_254 = tpu.memref_slice %arg6[%scan3A_169, %get3A_252, %get3A_253] : memref<4x128x128xf32, #tpu.memory_space<vmem>> -> memref<1x128x128xf32, #tpu.memory_space<vmem>>
          %get3A_255 = tpu.memref_squeeze %get3A_254 : memref<1x128x128xf32, #tpu.memory_space<vmem>> -> memref<128x128xf32, #tpu.memory_space<vmem>>
          %get3A_256 = arith.index_cast %mul3A_251 : i32 to index
          %get3A_257 = arith.constant 16 : index
          %get3A_258 = tpu.vector_load %get3A_255[%get3A_256, %get3A_257] {strides = array<i32>} : memref<128x128xf32, #tpu.memory_space<vmem>>, vector<1x16xf32>,
          %get3A_259 = vector.shape_cast %get3A_258 : vector<1x16xf32> to vector<16xf32>
          %mul3A_260 = arith.constant 2 : i32
          %mul3A_261 = arith.muli %mul3A_260, %scan3A_190 : i32
          %add3A_262 = arith.constant 1 : i32
          %add3A_263 = arith.addi %mul3A_261, %add3A_262 : i32
          %get3A_264 = arith.constant 0 : i32
          %get3A_265 = arith.constant 0 : i32
          %get3A_266 = tpu.memref_slice %arg6[%scan3A_169, %get3A_264, %get3A_265] : memref<4x128x128xf32, #tpu.memory_space<vmem>> -> memref<1x128x128xf32, #tpu.memory_space<vmem>>
          %get3A_267 = tpu.memref_squeeze %get3A_266 : memref<1x128x128xf32, #tpu.memory_space<vmem>> -> memref<128x128xf32, #tpu.memory_space<vmem>>
          %get3A_268 = arith.index_cast %add3A_263 : i32 to index
          %get3A_269 = arith.constant 80 : index
          %get3A_270 = tpu.vector_load %get3A_267[%get3A_268, %get3A_269] {strides = array<i32>} : memref<128x128xf32, #tpu.memory_space<vmem>>, vector<1x16xf32>,
          %get3A_271 = vector.shape_cast %get3A_270 : vector<1x16xf32> to vector<16xf32>
          %mul3A_272 = arith.constant 2 : i32
          %mul3A_273 = arith.muli %mul3A_272, %scan3A_190 : i32
          %add3A_274 = arith.constant 1 : i32
          %add3A_275 = arith.addi %mul3A_273, %add3A_274 : i32
          %get3A_276 = arith.constant 0 : i32
          %get3A_277 = arith.constant 0 : i32
          %get3A_278 = tpu.memref_slice %arg6[%scan3A_169, %get3A_276, %get3A_277] : memref<4x128x128xf32, #tpu.memory_space<vmem>> -> memref<1x128x128xf32, #tpu.memory_space<vmem>>
          %get3A_279 = tpu.memref_squeeze %get3A_278 : memref<1x128x128xf32, #tpu.memory_space<vmem>> -> memref<128x128xf32, #tpu.memory_space<vmem>>
          %get3A_280 = arith.index_cast %add3A_275 : i32 to index
          %get3A_281 = arith.constant 16 : index
          %get3A_282 = tpu.vector_load %get3A_279[%get3A_280, %get3A_281] {strides = array<i32>} : memref<128x128xf32, #tpu.memory_space<vmem>>, vector<1x16xf32>,
          %get3A_283 = vector.shape_cast %get3A_282 : vector<1x16xf32> to vector<16xf32>
          %mul3A_284 = arith.constant 2 : i32
          %mul3A_285 = arith.muli %mul3A_284, %scan3A_190 : i32
          %get3A_286 = arith.constant 0 : i32
          %get3A_287 = arith.constant 0 : i32
          %get3A_288 = tpu.memref_slice %arg6[%scan3A_169, %get3A_286, %get3A_287] : memref<4x128x128xf32, #tpu.memory_space<vmem>> -> memref<1x128x128xf32, #tpu.memory_space<vmem>>
          %get3A_289 = tpu.memref_squeeze %get3A_288 : memref<1x128x128xf32, #tpu.memory_space<vmem>> -> memref<128x128xf32, #tpu.memory_space<vmem>>
          %get3A_290 = arith.index_cast %mul3A_285 : i32 to index
          %get3A_291 = arith.constant 80 : index
          %get3A_292 = tpu.vector_load %get3A_289[%get3A_290, %get3A_291] {strides = array<i32>} : memref<128x128xf32, #tpu.memory_space<vmem>>, vector<1x16xf32>,
          %get3A_293 = vector.shape_cast %get3A_292 : vector<1x16xf32> to vector<16xf32>
          %add3A_294 = arith.addf %get3A_259, %get3A_271 : vector<16xf32>
          %max3A_295 = arith.constant 0.000000e+00 : f32
          %max3A_296 = vector.broadcast %max3A_295 : f32 to vector<16xf32>
          %max3A_297 = arith.maximumf %add3A_294, %max3A_296 : vector<16xf32>
          %add3A_298 = arith.addf %get3A_283, %get3A_293 : vector<16xf32>
          %max3A_299 = arith.constant 0.000000e+00 : f32
          %max3A_300 = vector.broadcast %max3A_299 : f32 to vector<16xf32>
          %max3A_301 = arith.maximumf %add3A_298, %max3A_300 : vector<16xf32>
          %add3A_302 = arith.addf %max3A_297, %max3A_301 : vector<16xf32>
          %swap3A_303 = arith.constant 0 : i32
          %swap3A_304 = arith.constant 0 : i32
          %swap3A_305 = tpu.memref_slice %arg7[%scan3A_170, %swap3A_303, %swap3A_304] : memref<4x64x64xf32, #tpu.memory_space<vmem>> -> memref<1x64x64xf32, #tpu.memory_space<vmem>>
          %swap3A_306 = tpu.memref_squeeze %swap3A_305 : memref<1x64x64xf32, #tpu.memory_space<vmem>> -> memref<64x64xf32, #tpu.memory_space<vmem>>
          %swap3A_307 = arith.index_cast %scan3A_190 : i32 to index
          %swap3A_308 = arith.constant 16 : index
          %swap3A_309 = tpu.vector_load %swap3A_306[%swap3A_307, %swap3A_308] {strides = array<i32>} : memref<64x64xf32, #tpu.memory_space<vmem>>, vector<1x16xf32>,
          %swap3A_310 = vector.shape_cast %swap3A_309 : vector<1x16xf32> to vector<16xf32>
          %swap3A_311 = vector.shape_cast %add3A_302 : vector<16xf32> to vector<1x16xf32>
          tpu.vector_store %swap3A_306[%swap3A_307, %swap3A_308], %swap3A_311 {strides = array<i32>} : memref<64x64xf32, #tpu.memory_space<vmem>>, vector<1x16xf32>,
          %mul3A_312 = arith.constant 2 : i32
          %mul3A_313 = arith.muli %mul3A_312, %scan3A_190 : i32
          %get3A_314 = arith.constant 0 : i32
          %get3A_315 = arith.constant 0 : i32
          %get3A_316 = tpu.memref_slice %arg6[%scan3A_169, %get3A_314, %get3A_315] : memref<4x128x128xf32, #tpu.memory_space<vmem>> -> memref<1x128x128xf32, #tpu.memory_space<vmem>>
          %get3A_317 = tpu.memref_squeeze %get3A_316 : memref<1x128x128xf32, #tpu.memory_space<vmem>> -> memref<128x128xf32, #tpu.memory_space<vmem>>
          %get3A_318 = arith.index_cast %mul3A_313 : i32 to index
          %get3A_319 = arith.constant 32 : index
          %get3A_320 = tpu.vector_load %get3A_317[%get3A_318, %get3A_319] {strides = array<i32>} : memref<128x128xf32, #tpu.memory_space<vmem>>, vector<1x16xf32>,
          %get3A_321 = vector.shape_cast %get3A_320 : vector<1x16xf32> to vector<16xf32>
          %mul3A_322 = arith.constant 2 : i32
          %mul3A_323 = arith.muli %mul3A_322, %scan3A_190 : i32
          %add3A_324 = arith.constant 1 : i32
          %add3A_325 = arith.addi %mul3A_323, %add3A_324 : i32
          %get3A_326 = arith.constant 0 : i32
          %get3A_327 = arith.constant 0 : i32
          %get3A_328 = tpu.memref_slice %arg6[%scan3A_169, %get3A_326, %get3A_327] : memref<4x128x128xf32, #tpu.memory_space<vmem>> -> memref<1x128x128xf32, #tpu.memory_space<vmem>>
          %get3A_329 = tpu.memref_squeeze %get3A_328 : memref<1x128x128xf32, #tpu.memory_space<vmem>> -> memref<128x128xf32, #tpu.memory_space<vmem>>
          %get3A_330 = arith.index_cast %add3A_325 : i32 to index
          %get3A_331 = arith.constant 96 : index
          %get3A_332 = tpu.vector_load %get3A_329[%get3A_330, %get3A_331] {strides = array<i32>} : memref<128x128xf32, #tpu.memory_space<vmem>>, vector<1x16xf32>,
          %get3A_333 = vector.shape_cast %get3A_332 : vector<1x16xf32> to vector<16xf32>
          %mul3A_334 = arith.constant 2 : i32
          %mul3A_335 = arith.muli %mul3A_334, %scan3A_190 : i32
          %add3A_336 = arith.constant 1 : i32
          %add3A_337 = arith.addi %mul3A_335, %add3A_336 : i32
          %get3A_338 = arith.constant 0 : i32
          %get3A_339 = arith.constant 0 : i32
          %get3A_340 = tpu.memref_slice %arg6[%scan3A_169, %get3A_338, %get3A_339] : memref<4x128x128xf32, #tpu.memory_space<vmem>> -> memref<1x128x128xf32, #tpu.memory_space<vmem>>
          %get3A_341 = tpu.memref_squeeze %get3A_340 : memref<1x128x128xf32, #tpu.memory_space<vmem>> -> memref<128x128xf32, #tpu.memory_space<vmem>>
          %get3A_342 = arith.index_cast %add3A_337 : i32 to index
          %get3A_343 = arith.constant 32 : index
          %get3A_344 = tpu.vector_load %get3A_341[%get3A_342, %get3A_343] {strides = array<i32>} : memref<128x128xf32, #tpu.memory_space<vmem>>, vector<1x16xf32>,
          %get3A_345 = vector.shape_cast %get3A_344 : vector<1x16xf32> to vector<16xf32>
          %mul3A_346 = arith.constant 2 : i32
          %mul3A_347 = arith.muli %mul3A_346, %scan3A_190 : i32
          %get3A_348 = arith.constant 0 : i32
          %get3A_349 = arith.constant 0 : i32
          %get3A_350 = tpu.memref_slice %arg6[%scan3A_169, %get3A_348, %get3A_349] : memref<4x128x128xf32, #tpu.memory_space<vmem>> -> memref<1x128x128xf32, #tpu.memory_space<vmem>>
          %get3A_351 = tpu.memref_squeeze %get3A_350 : memref<1x128x128xf32, #tpu.memory_space<vmem>> -> memref<128x128xf32, #tpu.memory_space<vmem>>
          %get3A_352 = arith.index_cast %mul3A_347 : i32 to index
          %get3A_353 = arith.constant 96 : index
          %get3A_354 = tpu.vector_load %get3A_351[%get3A_352, %get3A_353] {strides = array<i32>} : memref<128x128xf32, #tpu.memory_space<vmem>>, vector<1x16xf32>,
          %get3A_355 = vector.shape_cast %get3A_354 : vector<1x16xf32> to vector<16xf32>
          %add3A_356 = arith.addf %get3A_321, %get3A_333 : vector<16xf32>
          %max3A_357 = arith.constant 0.000000e+00 : f32
          %max3A_358 = vector.broadcast %max3A_357 : f32 to vector<16xf32>
          %max3A_359 = arith.maximumf %add3A_356, %max3A_358 : vector<16xf32>
          %add3A_360 = arith.addf %get3A_345, %get3A_355 : vector<16xf32>
          %max3A_361 = arith.constant 0.000000e+00 : f32
          %max3A_362 = vector.broadcast %max3A_361 : f32 to vector<16xf32>
          %max3A_363 = arith.maximumf %add3A_360, %max3A_362 : vector<16xf32>
          %add3A_364 = arith.addf %max3A_359, %max3A_363 : vector<16xf32>
          %swap3A_365 = arith.constant 0 : i32
          %swap3A_366 = arith.constant 0 : i32
          %swap3A_367 = tpu.memref_slice %arg7[%scan3A_170, %swap3A_365, %swap3A_366] : memref<4x64x64xf32, #tpu.memory_space<vmem>> -> memref<1x64x64xf32, #tpu.memory_space<vmem>>
          %swap3A_368 = tpu.memref_squeeze %swap3A_367 : memref<1x64x64xf32, #tpu.memory_space<vmem>> -> memref<64x64xf32, #tpu.memory_space<vmem>>
          %swap3A_369 = arith.index_cast %scan3A_190 : i32 to index
          %swap3A_370 = arith.constant 32 : index
          %swap3A_371 = tpu.vector_load %swap3A_368[%swap3A_369, %swap3A_370] {strides = array<i32>} : memref<64x64xf32, #tpu.memory_space<vmem>>, vector<1x16xf32>,
          %swap3A_372 = vector.shape_cast %swap3A_371 : vector<1x16xf32> to vector<16xf32>
          %swap3A_373 = vector.shape_cast %add3A_364 : vector<16xf32> to vector<1x16xf32>
          tpu.vector_store %swap3A_368[%swap3A_369, %swap3A_370], %swap3A_373 {strides = array<i32>} : memref<64x64xf32, #tpu.memory_space<vmem>>, vector<1x16xf32>,
          %mul3A_374 = arith.constant 2 : i32
          %mul3A_375 = arith.muli %mul3A_374, %scan3A_190 : i32
          %get3A_376 = arith.constant 0 : i32
          %get3A_377 = arith.constant 0 : i32
          %get3A_378 = tpu.memref_slice %arg6[%scan3A_169, %get3A_376, %get3A_377] : memref<4x128x128xf32, #tpu.memory_space<vmem>> -> memref<1x128x128xf32, #tpu.memory_space<vmem>>
          %get3A_379 = tpu.memref_squeeze %get3A_378 : memref<1x128x128xf32, #tpu.memory_space<vmem>> -> memref<128x128xf32, #tpu.memory_space<vmem>>
          %get3A_380 = arith.index_cast %mul3A_375 : i32 to index
          %get3A_381 = arith.constant 48 : index
          %get3A_382 = tpu.vector_load %get3A_379[%get3A_380, %get3A_381] {strides = array<i32>} : memref<128x128xf32, #tpu.memory_space<vmem>>, vector<1x16xf32>,
          %get3A_383 = vector.shape_cast %get3A_382 : vector<1x16xf32> to vector<16xf32>
          %mul3A_384 = arith.constant 2 : i32
          %mul3A_385 = arith.muli %mul3A_384, %scan3A_190 : i32
          %add3A_386 = arith.constant 1 : i32
          %add3A_387 = arith.addi %mul3A_385, %add3A_386 : i32
          %get3A_388 = arith.constant 0 : i32
          %get3A_389 = arith.constant 0 : i32
          %get3A_390 = tpu.memref_slice %arg6[%scan3A_169, %get3A_388, %get3A_389] : memref<4x128x128xf32, #tpu.memory_space<vmem>> -> memref<1x128x128xf32, #tpu.memory_space<vmem>>
          %get3A_391 = tpu.memref_squeeze %get3A_390 : memref<1x128x128xf32, #tpu.memory_space<vmem>> -> memref<128x128xf32, #tpu.memory_space<vmem>>
          %get3A_392 = arith.index_cast %add3A_387 : i32 to index
          %get3A_393 = arith.constant 112 : index
          %get3A_394 = tpu.vector_load %get3A_391[%get3A_392, %get3A_393] {strides = array<i32>} : memref<128x128xf32, #tpu.memory_space<vmem>>, vector<1x16xf32>,
          %get3A_395 = vector.shape_cast %get3A_394 : vector<1x16xf32> to vector<16xf32>
          %mul3A_396 = arith.constant 2 : i32
          %mul3A_397 = arith.muli %mul3A_396, %scan3A_190 : i32
          %add3A_398 = arith.constant 1 : i32
          %add3A_399 = arith.addi %mul3A_397, %add3A_398 : i32
          %get3A_400 = arith.constant 0 : i32
          %get3A_401 = arith.constant 0 : i32
          %get3A_402 = tpu.memref_slice %arg6[%scan3A_169, %get3A_400, %get3A_401] : memref<4x128x128xf32, #tpu.memory_space<vmem>> -> memref<1x128x128xf32, #tpu.memory_space<vmem>>
          %get3A_403 = tpu.memref_squeeze %get3A_402 : memref<1x128x128xf32, #tpu.memory_space<vmem>> -> memref<128x128xf32, #tpu.memory_space<vmem>>
          %get3A_404 = arith.index_cast %add3A_399 : i32 to index
          %get3A_405 = arith.constant 48 : index
          %get3A_406 = tpu.vector_load %get3A_403[%get3A_404, %get3A_405] {strides = array<i32>} : memref<128x128xf32, #tpu.memory_space<vmem>>, vector<1x16xf32>,
          %get3A_407 = vector.shape_cast %get3A_406 : vector<1x16xf32> to vector<16xf32>
          %mul3A_408 = arith.constant 2 : i32
          %mul3A_409 = arith.muli %mul3A_408, %scan3A_190 : i32
          %get3A_410 = arith.constant 0 : i32
          %get3A_411 = arith.constant 0 : i32
          %get3A_412 = tpu.memref_slice %arg6[%scan3A_169, %get3A_410, %get3A_411] : memref<4x128x128xf32, #tpu.memory_space<vmem>> -> memref<1x128x128xf32, #tpu.memory_space<vmem>>
          %get3A_413 = tpu.memref_squeeze %get3A_412 : memref<1x128x128xf32, #tpu.memory_space<vmem>> -> memref<128x128xf32, #tpu.memory_space<vmem>>
          %get3A_414 = arith.index_cast %mul3A_409 : i32 to index
          %get3A_415 = arith.constant 112 : index
          %get3A_416 = tpu.vector_load %get3A_413[%get3A_414, %get3A_415] {strides = array<i32>} : memref<128x128xf32, #tpu.memory_space<vmem>>, vector<1x16xf32>,
          %get3A_417 = vector.shape_cast %get3A_416 : vector<1x16xf32> to vector<16xf32>
          %add3A_418 = arith.addf %get3A_383, %get3A_395 : vector<16xf32>
          %max3A_419 = arith.constant 0.000000e+00 : f32
          %max3A_420 = vector.broadcast %max3A_419 : f32 to vector<16xf32>
          %max3A_421 = arith.maximumf %add3A_418, %max3A_420 : vector<16xf32>
          %add3A_422 = arith.addf %get3A_407, %get3A_417 : vector<16xf32>
          %max3A_423 = arith.constant 0.000000e+00 : f32
          %max3A_424 = vector.broadcast %max3A_423 : f32 to vector<16xf32>
          %max3A_425 = arith.maximumf %add3A_422, %max3A_424 : vector<16xf32>
          %add3A_426 = arith.addf %max3A_421, %max3A_425 : vector<16xf32>
          %swap3A_427 = arith.constant 0 : i32
          %swap3A_428 = arith.constant 0 : i32
          %swap3A_429 = tpu.memref_slice %arg7[%scan3A_170, %swap3A_427, %swap3A_428] : memref<4x64x64xf32, #tpu.memory_space<vmem>> -> memref<1x64x64xf32, #tpu.memory_space<vmem>>
          %swap3A_430 = tpu.memref_squeeze %swap3A_429 : memref<1x64x64xf32, #tpu.memory_space<vmem>> -> memref<64x64xf32, #tpu.memory_space<vmem>>
          %swap3A_431 = arith.index_cast %scan3A_190 : i32 to index
          %swap3A_432 = arith.constant 48 : index
          %swap3A_433 = tpu.vector_load %swap3A_430[%swap3A_431, %swap3A_432] {strides = array<i32>} : memref<64x64xf32, #tpu.memory_space<vmem>>, vector<1x16xf32>,
          %swap3A_434 = vector.shape_cast %swap3A_433 : vector<1x16xf32> to vector<16xf32>
          %swap3A_435 = vector.shape_cast %add3A_426 : vector<16xf32> to vector<1x16xf32>
          tpu.vector_store %swap3A_430[%swap3A_431, %swap3A_432], %swap3A_435 {strides = array<i32>} : memref<64x64xf32, #tpu.memory_space<vmem>>, vector<1x16xf32>,
        }
        %scan3A_175 = arith.constant 64 : i32
        %mul3A_176 = arith.constant 64 : i32
        %mul3A_177 = arith.muli %add3A_38, %mul3A_176 : i32
        %dma_start3A = arith.constant 0 : i32
        %dma_start3A_178 = arith.constant 0 : i32
        %dma_start3A_179 = arith.constant 0 : i32
        %dma_start3A_180 = tpu.memref_slice %arg7[%dma_start3A, %dma_start3A_178, %dma_start3A_179] : memref<4x64x64xf32, #tpu.memory_space<vmem>> -> memref<1x64x64xf32, #tpu.memory_space<vmem>>
        %dma_start3A_181 = tpu.memref_squeeze %dma_start3A_180 : memref<1x64x64xf32, #tpu.memory_space<vmem>> -> memref<64x64xf32, #tpu.memory_space<vmem>>
        %dma_start3A_182 = arith.constant 0 : i32
        %dma_start3A_183 = tpu.memref_slice %arg4[%mul3A_177, %dma_start3A_182] : memref<800000x64xf32, #tpu.memory_space<hbm>> -> memref<64x64xf32, #tpu.memory_space<hbm>>
        %dma_start3A_184 = arith.constant 0 : i32
        %dma_start3A_185 = tpu.memref_slice %arg4[%mul3A_177, %dma_start3A_184] : memref<800000x64xf32, #tpu.memory_space<hbm>> -> memref<64x64xf32, #tpu.memory_space<hbm>>
        %dma_start3A_186 = arith.constant 0 : i32
        %dma_start3A_187 = arith.constant 0 : i32
        %dma_start3A_188 = tpu.memref_slice %arg7[%dma_start3A, %dma_start3A_186, %dma_start3A_187] : memref<4x64x64xf32, #tpu.memory_space<vmem>> -> memref<1x64x64xf32, #tpu.memory_space<vmem>>
        %dma_start3A_189 = tpu.memref_squeeze %dma_start3A_188 : memref<1x64x64xf32, #tpu.memory_space<vmem>> -> memref<64x64xf32, #tpu.memory_space<vmem>>
        tpu.enqueue_dma source(%dma_start3A_189 : memref<64x64xf32, #tpu.memory_space<vmem>>) target(%dma_start3A_185 : memref<64x64xf32, #tpu.memory_space<hbm>>) target_semaphore(%arg16 : memref<!tpu.dma_semaphore, #tpu.memory_space<semaphore_mem>>)
      } else {
      }
      %gt3A_112 = arith.constant 0 : i32
      %gt3A_113 = arith.cmpi sgt, %scan3A_31, %gt3A_112 : i32
      %sub3A_114 = arith.constant 128 : i32
      %sub3A_115 = arith.subi %add3A_45, %sub3A_114 : i32
      %lt3A_116 = arith.constant 12500 : i32
      %lt3A_117 = arith.cmpi slt, %sub3A_115, %lt3A_116 : i32
      %and3A_118 = arith.andi %gt3A_113, %lt3A_117 : i1
      %convert_element_type3A_119 = arith.extui %and3A_118 : i1 to i32
      %cond3A_120 = arith.constant 0 : i32
      %cond3A_121 = arith.cmpi ne, %convert_element_type3A_119, %cond3A_120 : i32
      scf.if %cond3A_121 {
        %dma_wait3A = arith.constant 1 : i32
        %dma_wait3A_157 = arith.constant 0 : i32
        %dma_wait3A_158 = arith.constant 0 : i32
        %dma_wait3A_159 = tpu.memref_slice %arg7[%dma_wait3A, %dma_wait3A_157, %dma_wait3A_158] : memref<4x64x64xf32, #tpu.memory_space<vmem>> -> memref<1x64x64xf32, #tpu.memory_space<vmem>>
        %dma_wait3A_160 = tpu.memref_squeeze %dma_wait3A_159 : memref<1x64x64xf32, #tpu.memory_space<vmem>> -> memref<64x64xf32, #tpu.memory_space<vmem>>
        %dma_wait3A_161 = arith.constant 0 : i32
        %dma_wait3A_162 = arith.constant 0 : i32
        %dma_wait3A_163 = tpu.memref_slice %arg4[%dma_wait3A_161, %dma_wait3A_162] : memref<800000x64xf32, #tpu.memory_space<hbm>> -> memref<64x64xf32, #tpu.memory_space<hbm>>
        %dma_wait3A_164 = arith.constant 0 : i32
        %dma_wait3A_165 = arith.constant 0 : i32
        %dma_wait3A_166 = tpu.memref_slice %arg4[%dma_wait3A_164, %dma_wait3A_165] : memref<800000x64xf32, #tpu.memory_space<hbm>> -> memref<64x64xf32, #tpu.memory_space<hbm>>
        %dma_wait3A_167 = arith.constant 0 : i32
        %dma_wait3A_168 = arith.constant 0 : i32
        %dma_wait3A_169 = tpu.memref_slice %arg7[%dma_wait3A, %dma_wait3A_167, %dma_wait3A_168] : memref<4x64x64xf32, #tpu.memory_space<vmem>> -> memref<1x64x64xf32, #tpu.memory_space<vmem>>
        %dma_wait3A_170 = tpu.memref_squeeze %dma_wait3A_169 : memref<1x64x64xf32, #tpu.memory_space<vmem>> -> memref<64x64xf32, #tpu.memory_space<vmem>>
        tpu.wait_dma2 semaphore(%arg17 : memref<!tpu.dma_semaphore, #tpu.memory_space<semaphore_mem>>) src(%dma_wait3A_170 : memref<64x64xf32, #tpu.memory_space<vmem>>) dst(%dma_wait3A_166 : memref<64x64xf32, #tpu.memory_space<hbm>>)
      } else {
      }
      %lt3A_122 = arith.constant 12500 : i32
      %lt3A_123 = arith.cmpi slt, %add3A_45, %lt3A_122 : i32
      %convert_element_type3A_124 = arith.extui %lt3A_123 : i1 to i32
      %cond3A_125 = arith.constant 0 : i32
      %cond3A_126 = arith.cmpi ne, %convert_element_type3A_124, %cond3A_125 : i32
      scf.if %cond3A_126 {
        %dma_wait3A = arith.constant 1 : i32
        %dma_wait3A_157 = arith.constant 1 : i32
        %dma_wait3A_158 = arith.constant 0 : i32
        %dma_wait3A_159 = arith.constant 0 : i32
        %dma_wait3A_160 = tpu.memref_slice %arg6[%dma_wait3A_157, %dma_wait3A_158, %dma_wait3A_159] : memref<4x128x128xf32, #tpu.memory_space<vmem>> -> memref<1x128x128xf32, #tpu.memory_space<vmem>>
        %dma_wait3A_161 = tpu.memref_squeeze %dma_wait3A_160 : memref<1x128x128xf32, #tpu.memory_space<vmem>> -> memref<128x128xf32, #tpu.memory_space<vmem>>
        %dma_wait3A_162 = arith.constant 0 : i32
        %dma_wait3A_163 = tpu.memref_slice %arg5[%dma_wait3A, %dma_wait3A_162] : memref<4x128xi32, #tpu.memory_space<vmem>> -> memref<1x128xi32, #tpu.memory_space<vmem>>
        %dma_wait3A_164 = tpu.memref_squeeze %dma_wait3A_163 : memref<1x128xi32, #tpu.memory_space<vmem>> -> memref<128xi32, #tpu.memory_space<vmem>>
        %dma_wait3A_165 = arith.constant 0 : i32
        %dma_wait3A_166 = arith.constant 0 : i32
        %dma_wait3A_167 = tpu.memref_slice %arg2[%dma_wait3A_165, %dma_wait3A_166] : memref<50000x128xf32, #tpu.memory_space<hbm>> -> memref<50000x128xf32, #tpu.memory_space<hbm>>
        tpu.wait_indirect_dma semaphore(%arg13 : memref<!tpu.dma_semaphore, #tpu.memory_space<semaphore_mem>>) src(%dma_wait3A_167 : memref<50000x128xf32, #tpu.memory_space<hbm>>) dst(%dma_wait3A_161 : memref<128x128xf32, #tpu.memory_space<vmem>>)
        %scan3A_168 = arith.constant 0 : i32
        %scan3A_169 = arith.constant 1 : i32
        %scan3A_170 = arith.constant 1 : i32
        %scan3A_171 = arith.constant 0 : i32
        %scan3A_172 = arith.constant 64 : i32
        %scan3A_173 = arith.addi %scan3A_171, %scan3A_172 : i32
        %scan3A_174 = arith.constant 1 : i32
        scf.for %scan3A_190 = %scan3A_171 to %scan3A_173 step %scan3A_174  : i32 {
          %mul3A_191 = arith.constant 2 : i32
          %mul3A_192 = arith.muli %mul3A_191, %scan3A_190 : i32
          %get3A = arith.constant 0 : i32
          %get3A_193 = arith.constant 0 : i32
          %get3A_194 = tpu.memref_slice %arg6[%scan3A_169, %get3A, %get3A_193] : memref<4x128x128xf32, #tpu.memory_space<vmem>> -> memref<1x128x128xf32, #tpu.memory_space<vmem>>
          %get3A_195 = tpu.memref_squeeze %get3A_194 : memref<1x128x128xf32, #tpu.memory_space<vmem>> -> memref<128x128xf32, #tpu.memory_space<vmem>>
          %get3A_196 = arith.index_cast %mul3A_192 : i32 to index
          %get3A_197 = arith.constant 0 : index
          %get3A_198 = tpu.vector_load %get3A_195[%get3A_196, %get3A_197] {strides = array<i32>} : memref<128x128xf32, #tpu.memory_space<vmem>>, vector<1x16xf32>,
          %get3A_199 = vector.shape_cast %get3A_198 : vector<1x16xf32> to vector<16xf32>
          %mul3A_200 = arith.constant 2 : i32
          %mul3A_201 = arith.muli %mul3A_200, %scan3A_190 : i32
          %add3A_202 = arith.constant 1 : i32
          %add3A_203 = arith.addi %mul3A_201, %add3A_202 : i32
          %get3A_204 = arith.constant 0 : i32
          %get3A_205 = arith.constant 0 : i32
          %get3A_206 = tpu.memref_slice %arg6[%scan3A_169, %get3A_204, %get3A_205] : memref<4x128x128xf32, #tpu.memory_space<vmem>> -> memref<1x128x128xf32, #tpu.memory_space<vmem>>
          %get3A_207 = tpu.memref_squeeze %get3A_206 : memref<1x128x128xf32, #tpu.memory_space<vmem>> -> memref<128x128xf32, #tpu.memory_space<vmem>>
          %get3A_208 = arith.index_cast %add3A_203 : i32 to index
          %get3A_209 = arith.constant 64 : index
          %get3A_210 = tpu.vector_load %get3A_207[%get3A_208, %get3A_209] {strides = array<i32>} : memref<128x128xf32, #tpu.memory_space<vmem>>, vector<1x16xf32>,
          %get3A_211 = vector.shape_cast %get3A_210 : vector<1x16xf32> to vector<16xf32>
          %mul3A_212 = arith.constant 2 : i32
          %mul3A_213 = arith.muli %mul3A_212, %scan3A_190 : i32
          %add3A_214 = arith.constant 1 : i32
          %add3A_215 = arith.addi %mul3A_213, %add3A_214 : i32
          %get3A_216 = arith.constant 0 : i32
          %get3A_217 = arith.constant 0 : i32
          %get3A_218 = tpu.memref_slice %arg6[%scan3A_169, %get3A_216, %get3A_217] : memref<4x128x128xf32, #tpu.memory_space<vmem>> -> memref<1x128x128xf32, #tpu.memory_space<vmem>>
          %get3A_219 = tpu.memref_squeeze %get3A_218 : memref<1x128x128xf32, #tpu.memory_space<vmem>> -> memref<128x128xf32, #tpu.memory_space<vmem>>
          %get3A_220 = arith.index_cast %add3A_215 : i32 to index
          %get3A_221 = arith.constant 0 : index
          %get3A_222 = tpu.vector_load %get3A_219[%get3A_220, %get3A_221] {strides = array<i32>} : memref<128x128xf32, #tpu.memory_space<vmem>>, vector<1x16xf32>,
          %get3A_223 = vector.shape_cast %get3A_222 : vector<1x16xf32> to vector<16xf32>
          %mul3A_224 = arith.constant 2 : i32
          %mul3A_225 = arith.muli %mul3A_224, %scan3A_190 : i32
          %get3A_226 = arith.constant 0 : i32
          %get3A_227 = arith.constant 0 : i32
          %get3A_228 = tpu.memref_slice %arg6[%scan3A_169, %get3A_226, %get3A_227] : memref<4x128x128xf32, #tpu.memory_space<vmem>> -> memref<1x128x128xf32, #tpu.memory_space<vmem>>
          %get3A_229 = tpu.memref_squeeze %get3A_228 : memref<1x128x128xf32, #tpu.memory_space<vmem>> -> memref<128x128xf32, #tpu.memory_space<vmem>>
          %get3A_230 = arith.index_cast %mul3A_225 : i32 to index
          %get3A_231 = arith.constant 64 : index
          %get3A_232 = tpu.vector_load %get3A_229[%get3A_230, %get3A_231] {strides = array<i32>} : memref<128x128xf32, #tpu.memory_space<vmem>>, vector<1x16xf32>,
          %get3A_233 = vector.shape_cast %get3A_232 : vector<1x16xf32> to vector<16xf32>
          %add3A_234 = arith.addf %get3A_199, %get3A_211 : vector<16xf32>
          %max3A = arith.constant 0.000000e+00 : f32
          %max3A_235 = vector.broadcast %max3A : f32 to vector<16xf32>
          %max3A_236 = arith.maximumf %add3A_234, %max3A_235 : vector<16xf32>
          %add3A_237 = arith.addf %get3A_223, %get3A_233 : vector<16xf32>
          %max3A_238 = arith.constant 0.000000e+00 : f32
          %max3A_239 = vector.broadcast %max3A_238 : f32 to vector<16xf32>
          %max3A_240 = arith.maximumf %add3A_237, %max3A_239 : vector<16xf32>
          %add3A_241 = arith.addf %max3A_236, %max3A_240 : vector<16xf32>
          %swap3A = arith.constant 0 : i32
          %swap3A_242 = arith.constant 0 : i32
          %swap3A_243 = tpu.memref_slice %arg7[%scan3A_170, %swap3A, %swap3A_242] : memref<4x64x64xf32, #tpu.memory_space<vmem>> -> memref<1x64x64xf32, #tpu.memory_space<vmem>>
          %swap3A_244 = tpu.memref_squeeze %swap3A_243 : memref<1x64x64xf32, #tpu.memory_space<vmem>> -> memref<64x64xf32, #tpu.memory_space<vmem>>
          %swap3A_245 = arith.index_cast %scan3A_190 : i32 to index
          %swap3A_246 = arith.constant 0 : index
          %swap3A_247 = tpu.vector_load %swap3A_244[%swap3A_245, %swap3A_246] {strides = array<i32>} : memref<64x64xf32, #tpu.memory_space<vmem>>, vector<1x16xf32>,
          %swap3A_248 = vector.shape_cast %swap3A_247 : vector<1x16xf32> to vector<16xf32>
          %swap3A_249 = vector.shape_cast %add3A_241 : vector<16xf32> to vector<1x16xf32>
          tpu.vector_store %swap3A_244[%swap3A_245, %swap3A_246], %swap3A_249 {strides = array<i32>} : memref<64x64xf32, #tpu.memory_space<vmem>>, vector<1x16xf32>,
          %mul3A_250 = arith.constant 2 : i32
          %mul3A_251 = arith.muli %mul3A_250, %scan3A_190 : i32
          %get3A_252 = arith.constant 0 : i32
          %get3A_253 = arith.constant 0 : i32
          %get3A_254 = tpu.memref_slice %arg6[%scan3A_169, %get3A_252, %get3A_253] : memref<4x128x128xf32, #tpu.memory_space<vmem>> -> memref<1x128x128xf32, #tpu.memory_space<vmem>>
          %get3A_255 = tpu.memref_squeeze %get3A_254 : memref<1x128x128xf32, #tpu.memory_space<vmem>> -> memref<128x128xf32, #tpu.memory_space<vmem>>
          %get3A_256 = arith.index_cast %mul3A_251 : i32 to index
          %get3A_257 = arith.constant 16 : index
          %get3A_258 = tpu.vector_load %get3A_255[%get3A_256, %get3A_257] {strides = array<i32>} : memref<128x128xf32, #tpu.memory_space<vmem>>, vector<1x16xf32>,
          %get3A_259 = vector.shape_cast %get3A_258 : vector<1x16xf32> to vector<16xf32>
          %mul3A_260 = arith.constant 2 : i32
          %mul3A_261 = arith.muli %mul3A_260, %scan3A_190 : i32
          %add3A_262 = arith.constant 1 : i32
          %add3A_263 = arith.addi %mul3A_261, %add3A_262 : i32
          %get3A_264 = arith.constant 0 : i32
          %get3A_265 = arith.constant 0 : i32
          %get3A_266 = tpu.memref_slice %arg6[%scan3A_169, %get3A_264, %get3A_265] : memref<4x128x128xf32, #tpu.memory_space<vmem>> -> memref<1x128x128xf32, #tpu.memory_space<vmem>>
          %get3A_267 = tpu.memref_squeeze %get3A_266 : memref<1x128x128xf32, #tpu.memory_space<vmem>> -> memref<128x128xf32, #tpu.memory_space<vmem>>
          %get3A_268 = arith.index_cast %add3A_263 : i32 to index
          %get3A_269 = arith.constant 80 : index
          %get3A_270 = tpu.vector_load %get3A_267[%get3A_268, %get3A_269] {strides = array<i32>} : memref<128x128xf32, #tpu.memory_space<vmem>>, vector<1x16xf32>,
          %get3A_271 = vector.shape_cast %get3A_270 : vector<1x16xf32> to vector<16xf32>
          %mul3A_272 = arith.constant 2 : i32
          %mul3A_273 = arith.muli %mul3A_272, %scan3A_190 : i32
          %add3A_274 = arith.constant 1 : i32
          %add3A_275 = arith.addi %mul3A_273, %add3A_274 : i32
          %get3A_276 = arith.constant 0 : i32
          %get3A_277 = arith.constant 0 : i32
          %get3A_278 = tpu.memref_slice %arg6[%scan3A_169, %get3A_276, %get3A_277] : memref<4x128x128xf32, #tpu.memory_space<vmem>> -> memref<1x128x128xf32, #tpu.memory_space<vmem>>
          %get3A_279 = tpu.memref_squeeze %get3A_278 : memref<1x128x128xf32, #tpu.memory_space<vmem>> -> memref<128x128xf32, #tpu.memory_space<vmem>>
          %get3A_280 = arith.index_cast %add3A_275 : i32 to index
          %get3A_281 = arith.constant 16 : index
          %get3A_282 = tpu.vector_load %get3A_279[%get3A_280, %get3A_281] {strides = array<i32>} : memref<128x128xf32, #tpu.memory_space<vmem>>, vector<1x16xf32>,
          %get3A_283 = vector.shape_cast %get3A_282 : vector<1x16xf32> to vector<16xf32>
          %mul3A_284 = arith.constant 2 : i32
          %mul3A_285 = arith.muli %mul3A_284, %scan3A_190 : i32
          %get3A_286 = arith.constant 0 : i32
          %get3A_287 = arith.constant 0 : i32
          %get3A_288 = tpu.memref_slice %arg6[%scan3A_169, %get3A_286, %get3A_287] : memref<4x128x128xf32, #tpu.memory_space<vmem>> -> memref<1x128x128xf32, #tpu.memory_space<vmem>>
          %get3A_289 = tpu.memref_squeeze %get3A_288 : memref<1x128x128xf32, #tpu.memory_space<vmem>> -> memref<128x128xf32, #tpu.memory_space<vmem>>
          %get3A_290 = arith.index_cast %mul3A_285 : i32 to index
          %get3A_291 = arith.constant 80 : index
          %get3A_292 = tpu.vector_load %get3A_289[%get3A_290, %get3A_291] {strides = array<i32>} : memref<128x128xf32, #tpu.memory_space<vmem>>, vector<1x16xf32>,
          %get3A_293 = vector.shape_cast %get3A_292 : vector<1x16xf32> to vector<16xf32>
          %add3A_294 = arith.addf %get3A_259, %get3A_271 : vector<16xf32>
          %max3A_295 = arith.constant 0.000000e+00 : f32
          %max3A_296 = vector.broadcast %max3A_295 : f32 to vector<16xf32>
          %max3A_297 = arith.maximumf %add3A_294, %max3A_296 : vector<16xf32>
          %add3A_298 = arith.addf %get3A_283, %get3A_293 : vector<16xf32>
          %max3A_299 = arith.constant 0.000000e+00 : f32
          %max3A_300 = vector.broadcast %max3A_299 : f32 to vector<16xf32>
          %max3A_301 = arith.maximumf %add3A_298, %max3A_300 : vector<16xf32>
          %add3A_302 = arith.addf %max3A_297, %max3A_301 : vector<16xf32>
          %swap3A_303 = arith.constant 0 : i32
          %swap3A_304 = arith.constant 0 : i32
          %swap3A_305 = tpu.memref_slice %arg7[%scan3A_170, %swap3A_303, %swap3A_304] : memref<4x64x64xf32, #tpu.memory_space<vmem>> -> memref<1x64x64xf32, #tpu.memory_space<vmem>>
          %swap3A_306 = tpu.memref_squeeze %swap3A_305 : memref<1x64x64xf32, #tpu.memory_space<vmem>> -> memref<64x64xf32, #tpu.memory_space<vmem>>
          %swap3A_307 = arith.index_cast %scan3A_190 : i32 to index
          %swap3A_308 = arith.constant 16 : index
          %swap3A_309 = tpu.vector_load %swap3A_306[%swap3A_307, %swap3A_308] {strides = array<i32>} : memref<64x64xf32, #tpu.memory_space<vmem>>, vector<1x16xf32>,
          %swap3A_310 = vector.shape_cast %swap3A_309 : vector<1x16xf32> to vector<16xf32>
          %swap3A_311 = vector.shape_cast %add3A_302 : vector<16xf32> to vector<1x16xf32>
          tpu.vector_store %swap3A_306[%swap3A_307, %swap3A_308], %swap3A_311 {strides = array<i32>} : memref<64x64xf32, #tpu.memory_space<vmem>>, vector<1x16xf32>,
          %mul3A_312 = arith.constant 2 : i32
          %mul3A_313 = arith.muli %mul3A_312, %scan3A_190 : i32
          %get3A_314 = arith.constant 0 : i32
          %get3A_315 = arith.constant 0 : i32
          %get3A_316 = tpu.memref_slice %arg6[%scan3A_169, %get3A_314, %get3A_315] : memref<4x128x128xf32, #tpu.memory_space<vmem>> -> memref<1x128x128xf32, #tpu.memory_space<vmem>>
          %get3A_317 = tpu.memref_squeeze %get3A_316 : memref<1x128x128xf32, #tpu.memory_space<vmem>> -> memref<128x128xf32, #tpu.memory_space<vmem>>
          %get3A_318 = arith.index_cast %mul3A_313 : i32 to index
          %get3A_319 = arith.constant 32 : index
          %get3A_320 = tpu.vector_load %get3A_317[%get3A_318, %get3A_319] {strides = array<i32>} : memref<128x128xf32, #tpu.memory_space<vmem>>, vector<1x16xf32>,
          %get3A_321 = vector.shape_cast %get3A_320 : vector<1x16xf32> to vector<16xf32>
          %mul3A_322 = arith.constant 2 : i32
          %mul3A_323 = arith.muli %mul3A_322, %scan3A_190 : i32
          %add3A_324 = arith.constant 1 : i32
          %add3A_325 = arith.addi %mul3A_323, %add3A_324 : i32
          %get3A_326 = arith.constant 0 : i32
          %get3A_327 = arith.constant 0 : i32
          %get3A_328 = tpu.memref_slice %arg6[%scan3A_169, %get3A_326, %get3A_327] : memref<4x128x128xf32, #tpu.memory_space<vmem>> -> memref<1x128x128xf32, #tpu.memory_space<vmem>>
          %get3A_329 = tpu.memref_squeeze %get3A_328 : memref<1x128x128xf32, #tpu.memory_space<vmem>> -> memref<128x128xf32, #tpu.memory_space<vmem>>
          %get3A_330 = arith.index_cast %add3A_325 : i32 to index
          %get3A_331 = arith.constant 96 : index
          %get3A_332 = tpu.vector_load %get3A_329[%get3A_330, %get3A_331] {strides = array<i32>} : memref<128x128xf32, #tpu.memory_space<vmem>>, vector<1x16xf32>,
          %get3A_333 = vector.shape_cast %get3A_332 : vector<1x16xf32> to vector<16xf32>
          %mul3A_334 = arith.constant 2 : i32
          %mul3A_335 = arith.muli %mul3A_334, %scan3A_190 : i32
          %add3A_336 = arith.constant 1 : i32
          %add3A_337 = arith.addi %mul3A_335, %add3A_336 : i32
          %get3A_338 = arith.constant 0 : i32
          %get3A_339 = arith.constant 0 : i32
          %get3A_340 = tpu.memref_slice %arg6[%scan3A_169, %get3A_338, %get3A_339] : memref<4x128x128xf32, #tpu.memory_space<vmem>> -> memref<1x128x128xf32, #tpu.memory_space<vmem>>
          %get3A_341 = tpu.memref_squeeze %get3A_340 : memref<1x128x128xf32, #tpu.memory_space<vmem>> -> memref<128x128xf32, #tpu.memory_space<vmem>>
          %get3A_342 = arith.index_cast %add3A_337 : i32 to index
          %get3A_343 = arith.constant 32 : index
          %get3A_344 = tpu.vector_load %get3A_341[%get3A_342, %get3A_343] {strides = array<i32>} : memref<128x128xf32, #tpu.memory_space<vmem>>, vector<1x16xf32>,
          %get3A_345 = vector.shape_cast %get3A_344 : vector<1x16xf32> to vector<16xf32>
          %mul3A_346 = arith.constant 2 : i32
          %mul3A_347 = arith.muli %mul3A_346, %scan3A_190 : i32
          %get3A_348 = arith.constant 0 : i32
          %get3A_349 = arith.constant 0 : i32
          %get3A_350 = tpu.memref_slice %arg6[%scan3A_169, %get3A_348, %get3A_349] : memref<4x128x128xf32, #tpu.memory_space<vmem>> -> memref<1x128x128xf32, #tpu.memory_space<vmem>>
          %get3A_351 = tpu.memref_squeeze %get3A_350 : memref<1x128x128xf32, #tpu.memory_space<vmem>> -> memref<128x128xf32, #tpu.memory_space<vmem>>
          %get3A_352 = arith.index_cast %mul3A_347 : i32 to index
          %get3A_353 = arith.constant 96 : index
          %get3A_354 = tpu.vector_load %get3A_351[%get3A_352, %get3A_353] {strides = array<i32>} : memref<128x128xf32, #tpu.memory_space<vmem>>, vector<1x16xf32>,
          %get3A_355 = vector.shape_cast %get3A_354 : vector<1x16xf32> to vector<16xf32>
          %add3A_356 = arith.addf %get3A_321, %get3A_333 : vector<16xf32>
          %max3A_357 = arith.constant 0.000000e+00 : f32
          %max3A_358 = vector.broadcast %max3A_357 : f32 to vector<16xf32>
          %max3A_359 = arith.maximumf %add3A_356, %max3A_358 : vector<16xf32>
          %add3A_360 = arith.addf %get3A_345, %get3A_355 : vector<16xf32>
          %max3A_361 = arith.constant 0.000000e+00 : f32
          %max3A_362 = vector.broadcast %max3A_361 : f32 to vector<16xf32>
          %max3A_363 = arith.maximumf %add3A_360, %max3A_362 : vector<16xf32>
          %add3A_364 = arith.addf %max3A_359, %max3A_363 : vector<16xf32>
          %swap3A_365 = arith.constant 0 : i32
          %swap3A_366 = arith.constant 0 : i32
          %swap3A_367 = tpu.memref_slice %arg7[%scan3A_170, %swap3A_365, %swap3A_366] : memref<4x64x64xf32, #tpu.memory_space<vmem>> -> memref<1x64x64xf32, #tpu.memory_space<vmem>>
          %swap3A_368 = tpu.memref_squeeze %swap3A_367 : memref<1x64x64xf32, #tpu.memory_space<vmem>> -> memref<64x64xf32, #tpu.memory_space<vmem>>
          %swap3A_369 = arith.index_cast %scan3A_190 : i32 to index
          %swap3A_370 = arith.constant 32 : index
          %swap3A_371 = tpu.vector_load %swap3A_368[%swap3A_369, %swap3A_370] {strides = array<i32>} : memref<64x64xf32, #tpu.memory_space<vmem>>, vector<1x16xf32>,
          %swap3A_372 = vector.shape_cast %swap3A_371 : vector<1x16xf32> to vector<16xf32>
          %swap3A_373 = vector.shape_cast %add3A_364 : vector<16xf32> to vector<1x16xf32>
          tpu.vector_store %swap3A_368[%swap3A_369, %swap3A_370], %swap3A_373 {strides = array<i32>} : memref<64x64xf32, #tpu.memory_space<vmem>>, vector<1x16xf32>,
          %mul3A_374 = arith.constant 2 : i32
          %mul3A_375 = arith.muli %mul3A_374, %scan3A_190 : i32
          %get3A_376 = arith.constant 0 : i32
          %get3A_377 = arith.constant 0 : i32
          %get3A_378 = tpu.memref_slice %arg6[%scan3A_169, %get3A_376, %get3A_377] : memref<4x128x128xf32, #tpu.memory_space<vmem>> -> memref<1x128x128xf32, #tpu.memory_space<vmem>>
          %get3A_379 = tpu.memref_squeeze %get3A_378 : memref<1x128x128xf32, #tpu.memory_space<vmem>> -> memref<128x128xf32, #tpu.memory_space<vmem>>
          %get3A_380 = arith.index_cast %mul3A_375 : i32 to index
          %get3A_381 = arith.constant 48 : index
          %get3A_382 = tpu.vector_load %get3A_379[%get3A_380, %get3A_381] {strides = array<i32>} : memref<128x128xf32, #tpu.memory_space<vmem>>, vector<1x16xf32>,
          %get3A_383 = vector.shape_cast %get3A_382 : vector<1x16xf32> to vector<16xf32>
          %mul3A_384 = arith.constant 2 : i32
          %mul3A_385 = arith.muli %mul3A_384, %scan3A_190 : i32
          %add3A_386 = arith.constant 1 : i32
          %add3A_387 = arith.addi %mul3A_385, %add3A_386 : i32
          %get3A_388 = arith.constant 0 : i32
          %get3A_389 = arith.constant 0 : i32
          %get3A_390 = tpu.memref_slice %arg6[%scan3A_169, %get3A_388, %get3A_389] : memref<4x128x128xf32, #tpu.memory_space<vmem>> -> memref<1x128x128xf32, #tpu.memory_space<vmem>>
          %get3A_391 = tpu.memref_squeeze %get3A_390 : memref<1x128x128xf32, #tpu.memory_space<vmem>> -> memref<128x128xf32, #tpu.memory_space<vmem>>
          %get3A_392 = arith.index_cast %add3A_387 : i32 to index
          %get3A_393 = arith.constant 112 : index
          %get3A_394 = tpu.vector_load %get3A_391[%get3A_392, %get3A_393] {strides = array<i32>} : memref<128x128xf32, #tpu.memory_space<vmem>>, vector<1x16xf32>,
          %get3A_395 = vector.shape_cast %get3A_394 : vector<1x16xf32> to vector<16xf32>
          %mul3A_396 = arith.constant 2 : i32
          %mul3A_397 = arith.muli %mul3A_396, %scan3A_190 : i32
          %add3A_398 = arith.constant 1 : i32
          %add3A_399 = arith.addi %mul3A_397, %add3A_398 : i32
          %get3A_400 = arith.constant 0 : i32
          %get3A_401 = arith.constant 0 : i32
          %get3A_402 = tpu.memref_slice %arg6[%scan3A_169, %get3A_400, %get3A_401] : memref<4x128x128xf32, #tpu.memory_space<vmem>> -> memref<1x128x128xf32, #tpu.memory_space<vmem>>
          %get3A_403 = tpu.memref_squeeze %get3A_402 : memref<1x128x128xf32, #tpu.memory_space<vmem>> -> memref<128x128xf32, #tpu.memory_space<vmem>>
          %get3A_404 = arith.index_cast %add3A_399 : i32 to index
          %get3A_405 = arith.constant 48 : index
          %get3A_406 = tpu.vector_load %get3A_403[%get3A_404, %get3A_405] {strides = array<i32>} : memref<128x128xf32, #tpu.memory_space<vmem>>, vector<1x16xf32>,
          %get3A_407 = vector.shape_cast %get3A_406 : vector<1x16xf32> to vector<16xf32>
          %mul3A_408 = arith.constant 2 : i32
          %mul3A_409 = arith.muli %mul3A_408, %scan3A_190 : i32
          %get3A_410 = arith.constant 0 : i32
          %get3A_411 = arith.constant 0 : i32
          %get3A_412 = tpu.memref_slice %arg6[%scan3A_169, %get3A_410, %get3A_411] : memref<4x128x128xf32, #tpu.memory_space<vmem>> -> memref<1x128x128xf32, #tpu.memory_space<vmem>>
          %get3A_413 = tpu.memref_squeeze %get3A_412 : memref<1x128x128xf32, #tpu.memory_space<vmem>> -> memref<128x128xf32, #tpu.memory_space<vmem>>
          %get3A_414 = arith.index_cast %mul3A_409 : i32 to index
          %get3A_415 = arith.constant 112 : index
          %get3A_416 = tpu.vector_load %get3A_413[%get3A_414, %get3A_415] {strides = array<i32>} : memref<128x128xf32, #tpu.memory_space<vmem>>, vector<1x16xf32>,
          %get3A_417 = vector.shape_cast %get3A_416 : vector<1x16xf32> to vector<16xf32>
          %add3A_418 = arith.addf %get3A_383, %get3A_395 : vector<16xf32>
          %max3A_419 = arith.constant 0.000000e+00 : f32
          %max3A_420 = vector.broadcast %max3A_419 : f32 to vector<16xf32>
          %max3A_421 = arith.maximumf %add3A_418, %max3A_420 : vector<16xf32>
          %add3A_422 = arith.addf %get3A_407, %get3A_417 : vector<16xf32>
          %max3A_423 = arith.constant 0.000000e+00 : f32
          %max3A_424 = vector.broadcast %max3A_423 : f32 to vector<16xf32>
          %max3A_425 = arith.maximumf %add3A_422, %max3A_424 : vector<16xf32>
          %add3A_426 = arith.addf %max3A_421, %max3A_425 : vector<16xf32>
          %swap3A_427 = arith.constant 0 : i32
          %swap3A_428 = arith.constant 0 : i32
          %swap3A_429 = tpu.memref_slice %arg7[%scan3A_170, %swap3A_427, %swap3A_428] : memref<4x64x64xf32, #tpu.memory_space<vmem>> -> memref<1x64x64xf32, #tpu.memory_space<vmem>>
          %swap3A_430 = tpu.memref_squeeze %swap3A_429 : memref<1x64x64xf32, #tpu.memory_space<vmem>> -> memref<64x64xf32, #tpu.memory_space<vmem>>
          %swap3A_431 = arith.index_cast %scan3A_190 : i32 to index
          %swap3A_432 = arith.constant 48 : index
          %swap3A_433 = tpu.vector_load %swap3A_430[%swap3A_431, %swap3A_432] {strides = array<i32>} : memref<64x64xf32, #tpu.memory_space<vmem>>, vector<1x16xf32>,
          %swap3A_434 = vector.shape_cast %swap3A_433 : vector<1x16xf32> to vector<16xf32>
          %swap3A_435 = vector.shape_cast %add3A_426 : vector<16xf32> to vector<1x16xf32>
          tpu.vector_store %swap3A_430[%swap3A_431, %swap3A_432], %swap3A_435 {strides = array<i32>} : memref<64x64xf32, #tpu.memory_space<vmem>>, vector<1x16xf32>,
        }
        %scan3A_175 = arith.constant 64 : i32
        %mul3A_176 = arith.constant 64 : i32
        %mul3A_177 = arith.muli %add3A_45, %mul3A_176 : i32
        %dma_start3A = arith.constant 1 : i32
        %dma_start3A_178 = arith.constant 0 : i32
        %dma_start3A_179 = arith.constant 0 : i32
        %dma_start3A_180 = tpu.memref_slice %arg7[%dma_start3A, %dma_start3A_178, %dma_start3A_179] : memref<4x64x64xf32, #tpu.memory_space<vmem>> -> memref<1x64x64xf32, #tpu.memory_space<vmem>>
        %dma_start3A_181 = tpu.memref_squeeze %dma_start3A_180 : memref<1x64x64xf32, #tpu.memory_space<vmem>> -> memref<64x64xf32, #tpu.memory_space<vmem>>
        %dma_start3A_182 = arith.constant 0 : i32
        %dma_start3A_183 = tpu.memref_slice %arg4[%mul3A_177, %dma_start3A_182] : memref<800000x64xf32, #tpu.memory_space<hbm>> -> memref<64x64xf32, #tpu.memory_space<hbm>>
        %dma_start3A_184 = arith.constant 0 : i32
        %dma_start3A_185 = tpu.memref_slice %arg4[%mul3A_177, %dma_start3A_184] : memref<800000x64xf32, #tpu.memory_space<hbm>> -> memref<64x64xf32, #tpu.memory_space<hbm>>
        %dma_start3A_186 = arith.constant 0 : i32
        %dma_start3A_187 = arith.constant 0 : i32
        %dma_start3A_188 = tpu.memref_slice %arg7[%dma_start3A, %dma_start3A_186, %dma_start3A_187] : memref<4x64x64xf32, #tpu.memory_space<vmem>> -> memref<1x64x64xf32, #tpu.memory_space<vmem>>
        %dma_start3A_189 = tpu.memref_squeeze %dma_start3A_188 : memref<1x64x64xf32, #tpu.memory_space<vmem>> -> memref<64x64xf32, #tpu.memory_space<vmem>>
        tpu.enqueue_dma source(%dma_start3A_189 : memref<64x64xf32, #tpu.memory_space<vmem>>) target(%dma_start3A_185 : memref<64x64xf32, #tpu.memory_space<hbm>>) target_semaphore(%arg17 : memref<!tpu.dma_semaphore, #tpu.memory_space<semaphore_mem>>)
      } else {
      }
      %gt3A_127 = arith.constant 0 : i32
      %gt3A_128 = arith.cmpi sgt, %scan3A_31, %gt3A_127 : i32
      %sub3A_129 = arith.constant 128 : i32
      %sub3A_130 = arith.subi %add3A_52, %sub3A_129 : i32
      %lt3A_131 = arith.constant 12500 : i32
      %lt3A_132 = arith.cmpi slt, %sub3A_130, %lt3A_131 : i32
      %and3A_133 = arith.andi %gt3A_128, %lt3A_132 : i1
      %convert_element_type3A_134 = arith.extui %and3A_133 : i1 to i32
      %cond3A_135 = arith.constant 0 : i32
      %cond3A_136 = arith.cmpi ne, %convert_element_type3A_134, %cond3A_135 : i32
      scf.if %cond3A_136 {
        %dma_wait3A = arith.constant 2 : i32
        %dma_wait3A_157 = arith.constant 0 : i32
        %dma_wait3A_158 = arith.constant 0 : i32
        %dma_wait3A_159 = tpu.memref_slice %arg7[%dma_wait3A, %dma_wait3A_157, %dma_wait3A_158] : memref<4x64x64xf32, #tpu.memory_space<vmem>> -> memref<1x64x64xf32, #tpu.memory_space<vmem>>
        %dma_wait3A_160 = tpu.memref_squeeze %dma_wait3A_159 : memref<1x64x64xf32, #tpu.memory_space<vmem>> -> memref<64x64xf32, #tpu.memory_space<vmem>>
        %dma_wait3A_161 = arith.constant 0 : i32
        %dma_wait3A_162 = arith.constant 0 : i32
        %dma_wait3A_163 = tpu.memref_slice %arg4[%dma_wait3A_161, %dma_wait3A_162] : memref<800000x64xf32, #tpu.memory_space<hbm>> -> memref<64x64xf32, #tpu.memory_space<hbm>>
        %dma_wait3A_164 = arith.constant 0 : i32
        %dma_wait3A_165 = arith.constant 0 : i32
        %dma_wait3A_166 = tpu.memref_slice %arg4[%dma_wait3A_164, %dma_wait3A_165] : memref<800000x64xf32, #tpu.memory_space<hbm>> -> memref<64x64xf32, #tpu.memory_space<hbm>>
        %dma_wait3A_167 = arith.constant 0 : i32
        %dma_wait3A_168 = arith.constant 0 : i32
        %dma_wait3A_169 = tpu.memref_slice %arg7[%dma_wait3A, %dma_wait3A_167, %dma_wait3A_168] : memref<4x64x64xf32, #tpu.memory_space<vmem>> -> memref<1x64x64xf32, #tpu.memory_space<vmem>>
        %dma_wait3A_170 = tpu.memref_squeeze %dma_wait3A_169 : memref<1x64x64xf32, #tpu.memory_space<vmem>> -> memref<64x64xf32, #tpu.memory_space<vmem>>
        tpu.wait_dma2 semaphore(%arg18 : memref<!tpu.dma_semaphore, #tpu.memory_space<semaphore_mem>>) src(%dma_wait3A_170 : memref<64x64xf32, #tpu.memory_space<vmem>>) dst(%dma_wait3A_166 : memref<64x64xf32, #tpu.memory_space<hbm>>)
      } else {
      }
      %lt3A_137 = arith.constant 12500 : i32
      %lt3A_138 = arith.cmpi slt, %add3A_52, %lt3A_137 : i32
      %convert_element_type3A_139 = arith.extui %lt3A_138 : i1 to i32
      %cond3A_140 = arith.constant 0 : i32
      %cond3A_141 = arith.cmpi ne, %convert_element_type3A_139, %cond3A_140 : i32
      scf.if %cond3A_141 {
        %dma_wait3A = arith.constant 2 : i32
        %dma_wait3A_157 = arith.constant 2 : i32
        %dma_wait3A_158 = arith.constant 0 : i32
        %dma_wait3A_159 = arith.constant 0 : i32
        %dma_wait3A_160 = tpu.memref_slice %arg6[%dma_wait3A_157, %dma_wait3A_158, %dma_wait3A_159] : memref<4x128x128xf32, #tpu.memory_space<vmem>> -> memref<1x128x128xf32, #tpu.memory_space<vmem>>
        %dma_wait3A_161 = tpu.memref_squeeze %dma_wait3A_160 : memref<1x128x128xf32, #tpu.memory_space<vmem>> -> memref<128x128xf32, #tpu.memory_space<vmem>>
        %dma_wait3A_162 = arith.constant 0 : i32
        %dma_wait3A_163 = tpu.memref_slice %arg5[%dma_wait3A, %dma_wait3A_162] : memref<4x128xi32, #tpu.memory_space<vmem>> -> memref<1x128xi32, #tpu.memory_space<vmem>>
        %dma_wait3A_164 = tpu.memref_squeeze %dma_wait3A_163 : memref<1x128xi32, #tpu.memory_space<vmem>> -> memref<128xi32, #tpu.memory_space<vmem>>
        %dma_wait3A_165 = arith.constant 0 : i32
        %dma_wait3A_166 = arith.constant 0 : i32
        %dma_wait3A_167 = tpu.memref_slice %arg2[%dma_wait3A_165, %dma_wait3A_166] : memref<50000x128xf32, #tpu.memory_space<hbm>> -> memref<50000x128xf32, #tpu.memory_space<hbm>>
        tpu.wait_indirect_dma semaphore(%arg14 : memref<!tpu.dma_semaphore, #tpu.memory_space<semaphore_mem>>) src(%dma_wait3A_167 : memref<50000x128xf32, #tpu.memory_space<hbm>>) dst(%dma_wait3A_161 : memref<128x128xf32, #tpu.memory_space<vmem>>)
        %scan3A_168 = arith.constant 0 : i32
        %scan3A_169 = arith.constant 2 : i32
        %scan3A_170 = arith.constant 2 : i32
        %scan3A_171 = arith.constant 0 : i32
        %scan3A_172 = arith.constant 64 : i32
        %scan3A_173 = arith.addi %scan3A_171, %scan3A_172 : i32
        %scan3A_174 = arith.constant 1 : i32
        scf.for %scan3A_190 = %scan3A_171 to %scan3A_173 step %scan3A_174  : i32 {
          %mul3A_191 = arith.constant 2 : i32
          %mul3A_192 = arith.muli %mul3A_191, %scan3A_190 : i32
          %get3A = arith.constant 0 : i32
          %get3A_193 = arith.constant 0 : i32
          %get3A_194 = tpu.memref_slice %arg6[%scan3A_169, %get3A, %get3A_193] : memref<4x128x128xf32, #tpu.memory_space<vmem>> -> memref<1x128x128xf32, #tpu.memory_space<vmem>>
          %get3A_195 = tpu.memref_squeeze %get3A_194 : memref<1x128x128xf32, #tpu.memory_space<vmem>> -> memref<128x128xf32, #tpu.memory_space<vmem>>
          %get3A_196 = arith.index_cast %mul3A_192 : i32 to index
          %get3A_197 = arith.constant 0 : index
          %get3A_198 = tpu.vector_load %get3A_195[%get3A_196, %get3A_197] {strides = array<i32>} : memref<128x128xf32, #tpu.memory_space<vmem>>, vector<1x16xf32>,
          %get3A_199 = vector.shape_cast %get3A_198 : vector<1x16xf32> to vector<16xf32>
          %mul3A_200 = arith.constant 2 : i32
          %mul3A_201 = arith.muli %mul3A_200, %scan3A_190 : i32
          %add3A_202 = arith.constant 1 : i32
          %add3A_203 = arith.addi %mul3A_201, %add3A_202 : i32
          %get3A_204 = arith.constant 0 : i32
          %get3A_205 = arith.constant 0 : i32
          %get3A_206 = tpu.memref_slice %arg6[%scan3A_169, %get3A_204, %get3A_205] : memref<4x128x128xf32, #tpu.memory_space<vmem>> -> memref<1x128x128xf32, #tpu.memory_space<vmem>>
          %get3A_207 = tpu.memref_squeeze %get3A_206 : memref<1x128x128xf32, #tpu.memory_space<vmem>> -> memref<128x128xf32, #tpu.memory_space<vmem>>
          %get3A_208 = arith.index_cast %add3A_203 : i32 to index
          %get3A_209 = arith.constant 64 : index
          %get3A_210 = tpu.vector_load %get3A_207[%get3A_208, %get3A_209] {strides = array<i32>} : memref<128x128xf32, #tpu.memory_space<vmem>>, vector<1x16xf32>,
          %get3A_211 = vector.shape_cast %get3A_210 : vector<1x16xf32> to vector<16xf32>
          %mul3A_212 = arith.constant 2 : i32
          %mul3A_213 = arith.muli %mul3A_212, %scan3A_190 : i32
          %add3A_214 = arith.constant 1 : i32
          %add3A_215 = arith.addi %mul3A_213, %add3A_214 : i32
          %get3A_216 = arith.constant 0 : i32
          %get3A_217 = arith.constant 0 : i32
          %get3A_218 = tpu.memref_slice %arg6[%scan3A_169, %get3A_216, %get3A_217] : memref<4x128x128xf32, #tpu.memory_space<vmem>> -> memref<1x128x128xf32, #tpu.memory_space<vmem>>
          %get3A_219 = tpu.memref_squeeze %get3A_218 : memref<1x128x128xf32, #tpu.memory_space<vmem>> -> memref<128x128xf32, #tpu.memory_space<vmem>>
          %get3A_220 = arith.index_cast %add3A_215 : i32 to index
          %get3A_221 = arith.constant 0 : index
          %get3A_222 = tpu.vector_load %get3A_219[%get3A_220, %get3A_221] {strides = array<i32>} : memref<128x128xf32, #tpu.memory_space<vmem>>, vector<1x16xf32>,
          %get3A_223 = vector.shape_cast %get3A_222 : vector<1x16xf32> to vector<16xf32>
          %mul3A_224 = arith.constant 2 : i32
          %mul3A_225 = arith.muli %mul3A_224, %scan3A_190 : i32
          %get3A_226 = arith.constant 0 : i32
          %get3A_227 = arith.constant 0 : i32
          %get3A_228 = tpu.memref_slice %arg6[%scan3A_169, %get3A_226, %get3A_227] : memref<4x128x128xf32, #tpu.memory_space<vmem>> -> memref<1x128x128xf32, #tpu.memory_space<vmem>>
          %get3A_229 = tpu.memref_squeeze %get3A_228 : memref<1x128x128xf32, #tpu.memory_space<vmem>> -> memref<128x128xf32, #tpu.memory_space<vmem>>
          %get3A_230 = arith.index_cast %mul3A_225 : i32 to index
          %get3A_231 = arith.constant 64 : index
          %get3A_232 = tpu.vector_load %get3A_229[%get3A_230, %get3A_231] {strides = array<i32>} : memref<128x128xf32, #tpu.memory_space<vmem>>, vector<1x16xf32>,
          %get3A_233 = vector.shape_cast %get3A_232 : vector<1x16xf32> to vector<16xf32>
          %add3A_234 = arith.addf %get3A_199, %get3A_211 : vector<16xf32>
          %max3A = arith.constant 0.000000e+00 : f32
          %max3A_235 = vector.broadcast %max3A : f32 to vector<16xf32>
          %max3A_236 = arith.maximumf %add3A_234, %max3A_235 : vector<16xf32>
          %add3A_237 = arith.addf %get3A_223, %get3A_233 : vector<16xf32>
          %max3A_238 = arith.constant 0.000000e+00 : f32
          %max3A_239 = vector.broadcast %max3A_238 : f32 to vector<16xf32>
          %max3A_240 = arith.maximumf %add3A_237, %max3A_239 : vector<16xf32>
          %add3A_241 = arith.addf %max3A_236, %max3A_240 : vector<16xf32>
          %swap3A = arith.constant 0 : i32
          %swap3A_242 = arith.constant 0 : i32
          %swap3A_243 = tpu.memref_slice %arg7[%scan3A_170, %swap3A, %swap3A_242] : memref<4x64x64xf32, #tpu.memory_space<vmem>> -> memref<1x64x64xf32, #tpu.memory_space<vmem>>
          %swap3A_244 = tpu.memref_squeeze %swap3A_243 : memref<1x64x64xf32, #tpu.memory_space<vmem>> -> memref<64x64xf32, #tpu.memory_space<vmem>>
          %swap3A_245 = arith.index_cast %scan3A_190 : i32 to index
          %swap3A_246 = arith.constant 0 : index
          %swap3A_247 = tpu.vector_load %swap3A_244[%swap3A_245, %swap3A_246] {strides = array<i32>} : memref<64x64xf32, #tpu.memory_space<vmem>>, vector<1x16xf32>,
          %swap3A_248 = vector.shape_cast %swap3A_247 : vector<1x16xf32> to vector<16xf32>
          %swap3A_249 = vector.shape_cast %add3A_241 : vector<16xf32> to vector<1x16xf32>
          tpu.vector_store %swap3A_244[%swap3A_245, %swap3A_246], %swap3A_249 {strides = array<i32>} : memref<64x64xf32, #tpu.memory_space<vmem>>, vector<1x16xf32>,
          %mul3A_250 = arith.constant 2 : i32
          %mul3A_251 = arith.muli %mul3A_250, %scan3A_190 : i32
          %get3A_252 = arith.constant 0 : i32
          %get3A_253 = arith.constant 0 : i32
          %get3A_254 = tpu.memref_slice %arg6[%scan3A_169, %get3A_252, %get3A_253] : memref<4x128x128xf32, #tpu.memory_space<vmem>> -> memref<1x128x128xf32, #tpu.memory_space<vmem>>
          %get3A_255 = tpu.memref_squeeze %get3A_254 : memref<1x128x128xf32, #tpu.memory_space<vmem>> -> memref<128x128xf32, #tpu.memory_space<vmem>>
          %get3A_256 = arith.index_cast %mul3A_251 : i32 to index
          %get3A_257 = arith.constant 16 : index
          %get3A_258 = tpu.vector_load %get3A_255[%get3A_256, %get3A_257] {strides = array<i32>} : memref<128x128xf32, #tpu.memory_space<vmem>>, vector<1x16xf32>,
          %get3A_259 = vector.shape_cast %get3A_258 : vector<1x16xf32> to vector<16xf32>
          %mul3A_260 = arith.constant 2 : i32
          %mul3A_261 = arith.muli %mul3A_260, %scan3A_190 : i32
          %add3A_262 = arith.constant 1 : i32
          %add3A_263 = arith.addi %mul3A_261, %add3A_262 : i32
          %get3A_264 = arith.constant 0 : i32
          %get3A_265 = arith.constant 0 : i32
          %get3A_266 = tpu.memref_slice %arg6[%scan3A_169, %get3A_264, %get3A_265] : memref<4x128x128xf32, #tpu.memory_space<vmem>> -> memref<1x128x128xf32, #tpu.memory_space<vmem>>
          %get3A_267 = tpu.memref_squeeze %get3A_266 : memref<1x128x128xf32, #tpu.memory_space<vmem>> -> memref<128x128xf32, #tpu.memory_space<vmem>>
          %get3A_268 = arith.index_cast %add3A_263 : i32 to index
          %get3A_269 = arith.constant 80 : index
          %get3A_270 = tpu.vector_load %get3A_267[%get3A_268, %get3A_269] {strides = array<i32>} : memref<128x128xf32, #tpu.memory_space<vmem>>, vector<1x16xf32>,
          %get3A_271 = vector.shape_cast %get3A_270 : vector<1x16xf32> to vector<16xf32>
          %mul3A_272 = arith.constant 2 : i32
          %mul3A_273 = arith.muli %mul3A_272, %scan3A_190 : i32
          %add3A_274 = arith.constant 1 : i32
          %add3A_275 = arith.addi %mul3A_273, %add3A_274 : i32
          %get3A_276 = arith.constant 0 : i32
          %get3A_277 = arith.constant 0 : i32
          %get3A_278 = tpu.memref_slice %arg6[%scan3A_169, %get3A_276, %get3A_277] : memref<4x128x128xf32, #tpu.memory_space<vmem>> -> memref<1x128x128xf32, #tpu.memory_space<vmem>>
          %get3A_279 = tpu.memref_squeeze %get3A_278 : memref<1x128x128xf32, #tpu.memory_space<vmem>> -> memref<128x128xf32, #tpu.memory_space<vmem>>
          %get3A_280 = arith.index_cast %add3A_275 : i32 to index
          %get3A_281 = arith.constant 16 : index
          %get3A_282 = tpu.vector_load %get3A_279[%get3A_280, %get3A_281] {strides = array<i32>} : memref<128x128xf32, #tpu.memory_space<vmem>>, vector<1x16xf32>,
          %get3A_283 = vector.shape_cast %get3A_282 : vector<1x16xf32> to vector<16xf32>
          %mul3A_284 = arith.constant 2 : i32
          %mul3A_285 = arith.muli %mul3A_284, %scan3A_190 : i32
          %get3A_286 = arith.constant 0 : i32
          %get3A_287 = arith.constant 0 : i32
          %get3A_288 = tpu.memref_slice %arg6[%scan3A_169, %get3A_286, %get3A_287] : memref<4x128x128xf32, #tpu.memory_space<vmem>> -> memref<1x128x128xf32, #tpu.memory_space<vmem>>
          %get3A_289 = tpu.memref_squeeze %get3A_288 : memref<1x128x128xf32, #tpu.memory_space<vmem>> -> memref<128x128xf32, #tpu.memory_space<vmem>>
          %get3A_290 = arith.index_cast %mul3A_285 : i32 to index
          %get3A_291 = arith.constant 80 : index
          %get3A_292 = tpu.vector_load %get3A_289[%get3A_290, %get3A_291] {strides = array<i32>} : memref<128x128xf32, #tpu.memory_space<vmem>>, vector<1x16xf32>,
          %get3A_293 = vector.shape_cast %get3A_292 : vector<1x16xf32> to vector<16xf32>
          %add3A_294 = arith.addf %get3A_259, %get3A_271 : vector<16xf32>
          %max3A_295 = arith.constant 0.000000e+00 : f32
          %max3A_296 = vector.broadcast %max3A_295 : f32 to vector<16xf32>
          %max3A_297 = arith.maximumf %add3A_294, %max3A_296 : vector<16xf32>
          %add3A_298 = arith.addf %get3A_283, %get3A_293 : vector<16xf32>
          %max3A_299 = arith.constant 0.000000e+00 : f32
          %max3A_300 = vector.broadcast %max3A_299 : f32 to vector<16xf32>
          %max3A_301 = arith.maximumf %add3A_298, %max3A_300 : vector<16xf32>
          %add3A_302 = arith.addf %max3A_297, %max3A_301 : vector<16xf32>
          %swap3A_303 = arith.constant 0 : i32
          %swap3A_304 = arith.constant 0 : i32
          %swap3A_305 = tpu.memref_slice %arg7[%scan3A_170, %swap3A_303, %swap3A_304] : memref<4x64x64xf32, #tpu.memory_space<vmem>> -> memref<1x64x64xf32, #tpu.memory_space<vmem>>
          %swap3A_306 = tpu.memref_squeeze %swap3A_305 : memref<1x64x64xf32, #tpu.memory_space<vmem>> -> memref<64x64xf32, #tpu.memory_space<vmem>>
          %swap3A_307 = arith.index_cast %scan3A_190 : i32 to index
          %swap3A_308 = arith.constant 16 : index
          %swap3A_309 = tpu.vector_load %swap3A_306[%swap3A_307, %swap3A_308] {strides = array<i32>} : memref<64x64xf32, #tpu.memory_space<vmem>>, vector<1x16xf32>,
          %swap3A_310 = vector.shape_cast %swap3A_309 : vector<1x16xf32> to vector<16xf32>
          %swap3A_311 = vector.shape_cast %add3A_302 : vector<16xf32> to vector<1x16xf32>
          tpu.vector_store %swap3A_306[%swap3A_307, %swap3A_308], %swap3A_311 {strides = array<i32>} : memref<64x64xf32, #tpu.memory_space<vmem>>, vector<1x16xf32>,
          %mul3A_312 = arith.constant 2 : i32
          %mul3A_313 = arith.muli %mul3A_312, %scan3A_190 : i32
          %get3A_314 = arith.constant 0 : i32
          %get3A_315 = arith.constant 0 : i32
          %get3A_316 = tpu.memref_slice %arg6[%scan3A_169, %get3A_314, %get3A_315] : memref<4x128x128xf32, #tpu.memory_space<vmem>> -> memref<1x128x128xf32, #tpu.memory_space<vmem>>
          %get3A_317 = tpu.memref_squeeze %get3A_316 : memref<1x128x128xf32, #tpu.memory_space<vmem>> -> memref<128x128xf32, #tpu.memory_space<vmem>>
          %get3A_318 = arith.index_cast %mul3A_313 : i32 to index
          %get3A_319 = arith.constant 32 : index
          %get3A_320 = tpu.vector_load %get3A_317[%get3A_318, %get3A_319] {strides = array<i32>} : memref<128x128xf32, #tpu.memory_space<vmem>>, vector<1x16xf32>,
          %get3A_321 = vector.shape_cast %get3A_320 : vector<1x16xf32> to vector<16xf32>
          %mul3A_322 = arith.constant 2 : i32
          %mul3A_323 = arith.muli %mul3A_322, %scan3A_190 : i32
          %add3A_324 = arith.constant 1 : i32
          %add3A_325 = arith.addi %mul3A_323, %add3A_324 : i32
          %get3A_326 = arith.constant 0 : i32
          %get3A_327 = arith.constant 0 : i32
          %get3A_328 = tpu.memref_slice %arg6[%scan3A_169, %get3A_326, %get3A_327] : memref<4x128x128xf32, #tpu.memory_space<vmem>> -> memref<1x128x128xf32, #tpu.memory_space<vmem>>
          %get3A_329 = tpu.memref_squeeze %get3A_328 : memref<1x128x128xf32, #tpu.memory_space<vmem>> -> memref<128x128xf32, #tpu.memory_space<vmem>>
          %get3A_330 = arith.index_cast %add3A_325 : i32 to index
          %get3A_331 = arith.constant 96 : index
          %get3A_332 = tpu.vector_load %get3A_329[%get3A_330, %get3A_331] {strides = array<i32>} : memref<128x128xf32, #tpu.memory_space<vmem>>, vector<1x16xf32>,
          %get3A_333 = vector.shape_cast %get3A_332 : vector<1x16xf32> to vector<16xf32>
          %mul3A_334 = arith.constant 2 : i32
          %mul3A_335 = arith.muli %mul3A_334, %scan3A_190 : i32
          %add3A_336 = arith.constant 1 : i32
          %add3A_337 = arith.addi %mul3A_335, %add3A_336 : i32
          %get3A_338 = arith.constant 0 : i32
          %get3A_339 = arith.constant 0 : i32
          %get3A_340 = tpu.memref_slice %arg6[%scan3A_169, %get3A_338, %get3A_339] : memref<4x128x128xf32, #tpu.memory_space<vmem>> -> memref<1x128x128xf32, #tpu.memory_space<vmem>>
          %get3A_341 = tpu.memref_squeeze %get3A_340 : memref<1x128x128xf32, #tpu.memory_space<vmem>> -> memref<128x128xf32, #tpu.memory_space<vmem>>
          %get3A_342 = arith.index_cast %add3A_337 : i32 to index
          %get3A_343 = arith.constant 32 : index
          %get3A_344 = tpu.vector_load %get3A_341[%get3A_342, %get3A_343] {strides = array<i32>} : memref<128x128xf32, #tpu.memory_space<vmem>>, vector<1x16xf32>,
          %get3A_345 = vector.shape_cast %get3A_344 : vector<1x16xf32> to vector<16xf32>
          %mul3A_346 = arith.constant 2 : i32
          %mul3A_347 = arith.muli %mul3A_346, %scan3A_190 : i32
          %get3A_348 = arith.constant 0 : i32
          %get3A_349 = arith.constant 0 : i32
          %get3A_350 = tpu.memref_slice %arg6[%scan3A_169, %get3A_348, %get3A_349] : memref<4x128x128xf32, #tpu.memory_space<vmem>> -> memref<1x128x128xf32, #tpu.memory_space<vmem>>
          %get3A_351 = tpu.memref_squeeze %get3A_350 : memref<1x128x128xf32, #tpu.memory_space<vmem>> -> memref<128x128xf32, #tpu.memory_space<vmem>>
          %get3A_352 = arith.index_cast %mul3A_347 : i32 to index
          %get3A_353 = arith.constant 96 : index
          %get3A_354 = tpu.vector_load %get3A_351[%get3A_352, %get3A_353] {strides = array<i32>} : memref<128x128xf32, #tpu.memory_space<vmem>>, vector<1x16xf32>,
          %get3A_355 = vector.shape_cast %get3A_354 : vector<1x16xf32> to vector<16xf32>
          %add3A_356 = arith.addf %get3A_321, %get3A_333 : vector<16xf32>
          %max3A_357 = arith.constant 0.000000e+00 : f32
          %max3A_358 = vector.broadcast %max3A_357 : f32 to vector<16xf32>
          %max3A_359 = arith.maximumf %add3A_356, %max3A_358 : vector<16xf32>
          %add3A_360 = arith.addf %get3A_345, %get3A_355 : vector<16xf32>
          %max3A_361 = arith.constant 0.000000e+00 : f32
          %max3A_362 = vector.broadcast %max3A_361 : f32 to vector<16xf32>
          %max3A_363 = arith.maximumf %add3A_360, %max3A_362 : vector<16xf32>
          %add3A_364 = arith.addf %max3A_359, %max3A_363 : vector<16xf32>
          %swap3A_365 = arith.constant 0 : i32
          %swap3A_366 = arith.constant 0 : i32
          %swap3A_367 = tpu.memref_slice %arg7[%scan3A_170, %swap3A_365, %swap3A_366] : memref<4x64x64xf32, #tpu.memory_space<vmem>> -> memref<1x64x64xf32, #tpu.memory_space<vmem>>
          %swap3A_368 = tpu.memref_squeeze %swap3A_367 : memref<1x64x64xf32, #tpu.memory_space<vmem>> -> memref<64x64xf32, #tpu.memory_space<vmem>>
          %swap3A_369 = arith.index_cast %scan3A_190 : i32 to index
          %swap3A_370 = arith.constant 32 : index
          %swap3A_371 = tpu.vector_load %swap3A_368[%swap3A_369, %swap3A_370] {strides = array<i32>} : memref<64x64xf32, #tpu.memory_space<vmem>>, vector<1x16xf32>,
          %swap3A_372 = vector.shape_cast %swap3A_371 : vector<1x16xf32> to vector<16xf32>
          %swap3A_373 = vector.shape_cast %add3A_364 : vector<16xf32> to vector<1x16xf32>
          tpu.vector_store %swap3A_368[%swap3A_369, %swap3A_370], %swap3A_373 {strides = array<i32>} : memref<64x64xf32, #tpu.memory_space<vmem>>, vector<1x16xf32>,
          %mul3A_374 = arith.constant 2 : i32
          %mul3A_375 = arith.muli %mul3A_374, %scan3A_190 : i32
          %get3A_376 = arith.constant 0 : i32
          %get3A_377 = arith.constant 0 : i32
          %get3A_378 = tpu.memref_slice %arg6[%scan3A_169, %get3A_376, %get3A_377] : memref<4x128x128xf32, #tpu.memory_space<vmem>> -> memref<1x128x128xf32, #tpu.memory_space<vmem>>
          %get3A_379 = tpu.memref_squeeze %get3A_378 : memref<1x128x128xf32, #tpu.memory_space<vmem>> -> memref<128x128xf32, #tpu.memory_space<vmem>>
          %get3A_380 = arith.index_cast %mul3A_375 : i32 to index
          %get3A_381 = arith.constant 48 : index
          %get3A_382 = tpu.vector_load %get3A_379[%get3A_380, %get3A_381] {strides = array<i32>} : memref<128x128xf32, #tpu.memory_space<vmem>>, vector<1x16xf32>,
          %get3A_383 = vector.shape_cast %get3A_382 : vector<1x16xf32> to vector<16xf32>
          %mul3A_384 = arith.constant 2 : i32
          %mul3A_385 = arith.muli %mul3A_384, %scan3A_190 : i32
          %add3A_386 = arith.constant 1 : i32
          %add3A_387 = arith.addi %mul3A_385, %add3A_386 : i32
          %get3A_388 = arith.constant 0 : i32
          %get3A_389 = arith.constant 0 : i32
          %get3A_390 = tpu.memref_slice %arg6[%scan3A_169, %get3A_388, %get3A_389] : memref<4x128x128xf32, #tpu.memory_space<vmem>> -> memref<1x128x128xf32, #tpu.memory_space<vmem>>
          %get3A_391 = tpu.memref_squeeze %get3A_390 : memref<1x128x128xf32, #tpu.memory_space<vmem>> -> memref<128x128xf32, #tpu.memory_space<vmem>>
          %get3A_392 = arith.index_cast %add3A_387 : i32 to index
          %get3A_393 = arith.constant 112 : index
          %get3A_394 = tpu.vector_load %get3A_391[%get3A_392, %get3A_393] {strides = array<i32>} : memref<128x128xf32, #tpu.memory_space<vmem>>, vector<1x16xf32>,
          %get3A_395 = vector.shape_cast %get3A_394 : vector<1x16xf32> to vector<16xf32>
          %mul3A_396 = arith.constant 2 : i32
          %mul3A_397 = arith.muli %mul3A_396, %scan3A_190 : i32
          %add3A_398 = arith.constant 1 : i32
          %add3A_399 = arith.addi %mul3A_397, %add3A_398 : i32
          %get3A_400 = arith.constant 0 : i32
          %get3A_401 = arith.constant 0 : i32
          %get3A_402 = tpu.memref_slice %arg6[%scan3A_169, %get3A_400, %get3A_401] : memref<4x128x128xf32, #tpu.memory_space<vmem>> -> memref<1x128x128xf32, #tpu.memory_space<vmem>>
          %get3A_403 = tpu.memref_squeeze %get3A_402 : memref<1x128x128xf32, #tpu.memory_space<vmem>> -> memref<128x128xf32, #tpu.memory_space<vmem>>
          %get3A_404 = arith.index_cast %add3A_399 : i32 to index
          %get3A_405 = arith.constant 48 : index
          %get3A_406 = tpu.vector_load %get3A_403[%get3A_404, %get3A_405] {strides = array<i32>} : memref<128x128xf32, #tpu.memory_space<vmem>>, vector<1x16xf32>,
          %get3A_407 = vector.shape_cast %get3A_406 : vector<1x16xf32> to vector<16xf32>
          %mul3A_408 = arith.constant 2 : i32
          %mul3A_409 = arith.muli %mul3A_408, %scan3A_190 : i32
          %get3A_410 = arith.constant 0 : i32
          %get3A_411 = arith.constant 0 : i32
          %get3A_412 = tpu.memref_slice %arg6[%scan3A_169, %get3A_410, %get3A_411] : memref<4x128x128xf32, #tpu.memory_space<vmem>> -> memref<1x128x128xf32, #tpu.memory_space<vmem>>
          %get3A_413 = tpu.memref_squeeze %get3A_412 : memref<1x128x128xf32, #tpu.memory_space<vmem>> -> memref<128x128xf32, #tpu.memory_space<vmem>>
          %get3A_414 = arith.index_cast %mul3A_409 : i32 to index
          %get3A_415 = arith.constant 112 : index
          %get3A_416 = tpu.vector_load %get3A_413[%get3A_414, %get3A_415] {strides = array<i32>} : memref<128x128xf32, #tpu.memory_space<vmem>>, vector<1x16xf32>,
          %get3A_417 = vector.shape_cast %get3A_416 : vector<1x16xf32> to vector<16xf32>
          %add3A_418 = arith.addf %get3A_383, %get3A_395 : vector<16xf32>
          %max3A_419 = arith.constant 0.000000e+00 : f32
          %max3A_420 = vector.broadcast %max3A_419 : f32 to vector<16xf32>
          %max3A_421 = arith.maximumf %add3A_418, %max3A_420 : vector<16xf32>
          %add3A_422 = arith.addf %get3A_407, %get3A_417 : vector<16xf32>
          %max3A_423 = arith.constant 0.000000e+00 : f32
          %max3A_424 = vector.broadcast %max3A_423 : f32 to vector<16xf32>
          %max3A_425 = arith.maximumf %add3A_422, %max3A_424 : vector<16xf32>
          %add3A_426 = arith.addf %max3A_421, %max3A_425 : vector<16xf32>
          %swap3A_427 = arith.constant 0 : i32
          %swap3A_428 = arith.constant 0 : i32
          %swap3A_429 = tpu.memref_slice %arg7[%scan3A_170, %swap3A_427, %swap3A_428] : memref<4x64x64xf32, #tpu.memory_space<vmem>> -> memref<1x64x64xf32, #tpu.memory_space<vmem>>
          %swap3A_430 = tpu.memref_squeeze %swap3A_429 : memref<1x64x64xf32, #tpu.memory_space<vmem>> -> memref<64x64xf32, #tpu.memory_space<vmem>>
          %swap3A_431 = arith.index_cast %scan3A_190 : i32 to index
          %swap3A_432 = arith.constant 48 : index
          %swap3A_433 = tpu.vector_load %swap3A_430[%swap3A_431, %swap3A_432] {strides = array<i32>} : memref<64x64xf32, #tpu.memory_space<vmem>>, vector<1x16xf32>,
          %swap3A_434 = vector.shape_cast %swap3A_433 : vector<1x16xf32> to vector<16xf32>
          %swap3A_435 = vector.shape_cast %add3A_426 : vector<16xf32> to vector<1x16xf32>
          tpu.vector_store %swap3A_430[%swap3A_431, %swap3A_432], %swap3A_435 {strides = array<i32>} : memref<64x64xf32, #tpu.memory_space<vmem>>, vector<1x16xf32>,
        }
        %scan3A_175 = arith.constant 64 : i32
        %mul3A_176 = arith.constant 64 : i32
        %mul3A_177 = arith.muli %add3A_52, %mul3A_176 : i32
        %dma_start3A = arith.constant 2 : i32
        %dma_start3A_178 = arith.constant 0 : i32
        %dma_start3A_179 = arith.constant 0 : i32
        %dma_start3A_180 = tpu.memref_slice %arg7[%dma_start3A, %dma_start3A_178, %dma_start3A_179] : memref<4x64x64xf32, #tpu.memory_space<vmem>> -> memref<1x64x64xf32, #tpu.memory_space<vmem>>
        %dma_start3A_181 = tpu.memref_squeeze %dma_start3A_180 : memref<1x64x64xf32, #tpu.memory_space<vmem>> -> memref<64x64xf32, #tpu.memory_space<vmem>>
        %dma_start3A_182 = arith.constant 0 : i32
        %dma_start3A_183 = tpu.memref_slice %arg4[%mul3A_177, %dma_start3A_182] : memref<800000x64xf32, #tpu.memory_space<hbm>> -> memref<64x64xf32, #tpu.memory_space<hbm>>
        %dma_start3A_184 = arith.constant 0 : i32
        %dma_start3A_185 = tpu.memref_slice %arg4[%mul3A_177, %dma_start3A_184] : memref<800000x64xf32, #tpu.memory_space<hbm>> -> memref<64x64xf32, #tpu.memory_space<hbm>>
        %dma_start3A_186 = arith.constant 0 : i32
        %dma_start3A_187 = arith.constant 0 : i32
        %dma_start3A_188 = tpu.memref_slice %arg7[%dma_start3A, %dma_start3A_186, %dma_start3A_187] : memref<4x64x64xf32, #tpu.memory_space<vmem>> -> memref<1x64x64xf32, #tpu.memory_space<vmem>>
        %dma_start3A_189 = tpu.memref_squeeze %dma_start3A_188 : memref<1x64x64xf32, #tpu.memory_space<vmem>> -> memref<64x64xf32, #tpu.memory_space<vmem>>
        tpu.enqueue_dma source(%dma_start3A_189 : memref<64x64xf32, #tpu.memory_space<vmem>>) target(%dma_start3A_185 : memref<64x64xf32, #tpu.memory_space<hbm>>) target_semaphore(%arg18 : memref<!tpu.dma_semaphore, #tpu.memory_space<semaphore_mem>>)
      } else {
      }
      %gt3A_142 = arith.constant 0 : i32
      %gt3A_143 = arith.cmpi sgt, %scan3A_31, %gt3A_142 : i32
      %sub3A_144 = arith.constant 128 : i32
      %sub3A_145 = arith.subi %add3A_59, %sub3A_144 : i32
      %lt3A_146 = arith.constant 12500 : i32
      %lt3A_147 = arith.cmpi slt, %sub3A_145, %lt3A_146 : i32
      %and3A_148 = arith.andi %gt3A_143, %lt3A_147 : i1
      %convert_element_type3A_149 = arith.extui %and3A_148 : i1 to i32
      %cond3A_150 = arith.constant 0 : i32
      %cond3A_151 = arith.cmpi ne, %convert_element_type3A_149, %cond3A_150 : i32
      scf.if %cond3A_151 {
        %dma_wait3A = arith.constant 3 : i32
        %dma_wait3A_157 = arith.constant 0 : i32
        %dma_wait3A_158 = arith.constant 0 : i32
        %dma_wait3A_159 = tpu.memref_slice %arg7[%dma_wait3A, %dma_wait3A_157, %dma_wait3A_158] : memref<4x64x64xf32, #tpu.memory_space<vmem>> -> memref<1x64x64xf32, #tpu.memory_space<vmem>>
        %dma_wait3A_160 = tpu.memref_squeeze %dma_wait3A_159 : memref<1x64x64xf32, #tpu.memory_space<vmem>> -> memref<64x64xf32, #tpu.memory_space<vmem>>
        %dma_wait3A_161 = arith.constant 0 : i32
        %dma_wait3A_162 = arith.constant 0 : i32
        %dma_wait3A_163 = tpu.memref_slice %arg4[%dma_wait3A_161, %dma_wait3A_162] : memref<800000x64xf32, #tpu.memory_space<hbm>> -> memref<64x64xf32, #tpu.memory_space<hbm>>
        %dma_wait3A_164 = arith.constant 0 : i32
        %dma_wait3A_165 = arith.constant 0 : i32
        %dma_wait3A_166 = tpu.memref_slice %arg4[%dma_wait3A_164, %dma_wait3A_165] : memref<800000x64xf32, #tpu.memory_space<hbm>> -> memref<64x64xf32, #tpu.memory_space<hbm>>
        %dma_wait3A_167 = arith.constant 0 : i32
        %dma_wait3A_168 = arith.constant 0 : i32
        %dma_wait3A_169 = tpu.memref_slice %arg7[%dma_wait3A, %dma_wait3A_167, %dma_wait3A_168] : memref<4x64x64xf32, #tpu.memory_space<vmem>> -> memref<1x64x64xf32, #tpu.memory_space<vmem>>
        %dma_wait3A_170 = tpu.memref_squeeze %dma_wait3A_169 : memref<1x64x64xf32, #tpu.memory_space<vmem>> -> memref<64x64xf32, #tpu.memory_space<vmem>>
        tpu.wait_dma2 semaphore(%arg19 : memref<!tpu.dma_semaphore, #tpu.memory_space<semaphore_mem>>) src(%dma_wait3A_170 : memref<64x64xf32, #tpu.memory_space<vmem>>) dst(%dma_wait3A_166 : memref<64x64xf32, #tpu.memory_space<hbm>>)
      } else {
      }
      %lt3A_152 = arith.constant 12500 : i32
      %lt3A_153 = arith.cmpi slt, %add3A_59, %lt3A_152 : i32
      %convert_element_type3A_154 = arith.extui %lt3A_153 : i1 to i32
      %cond3A_155 = arith.constant 0 : i32
      %cond3A_156 = arith.cmpi ne, %convert_element_type3A_154, %cond3A_155 : i32
      scf.if %cond3A_156 {
        %dma_wait3A = arith.constant 3 : i32
        %dma_wait3A_157 = arith.constant 3 : i32
        %dma_wait3A_158 = arith.constant 0 : i32
        %dma_wait3A_159 = arith.constant 0 : i32
        %dma_wait3A_160 = tpu.memref_slice %arg6[%dma_wait3A_157, %dma_wait3A_158, %dma_wait3A_159] : memref<4x128x128xf32, #tpu.memory_space<vmem>> -> memref<1x128x128xf32, #tpu.memory_space<vmem>>
        %dma_wait3A_161 = tpu.memref_squeeze %dma_wait3A_160 : memref<1x128x128xf32, #tpu.memory_space<vmem>> -> memref<128x128xf32, #tpu.memory_space<vmem>>
        %dma_wait3A_162 = arith.constant 0 : i32
        %dma_wait3A_163 = tpu.memref_slice %arg5[%dma_wait3A, %dma_wait3A_162] : memref<4x128xi32, #tpu.memory_space<vmem>> -> memref<1x128xi32, #tpu.memory_space<vmem>>
        %dma_wait3A_164 = tpu.memref_squeeze %dma_wait3A_163 : memref<1x128xi32, #tpu.memory_space<vmem>> -> memref<128xi32, #tpu.memory_space<vmem>>
        %dma_wait3A_165 = arith.constant 0 : i32
        %dma_wait3A_166 = arith.constant 0 : i32
        %dma_wait3A_167 = tpu.memref_slice %arg2[%dma_wait3A_165, %dma_wait3A_166] : memref<50000x128xf32, #tpu.memory_space<hbm>> -> memref<50000x128xf32, #tpu.memory_space<hbm>>
        tpu.wait_indirect_dma semaphore(%arg15 : memref<!tpu.dma_semaphore, #tpu.memory_space<semaphore_mem>>) src(%dma_wait3A_167 : memref<50000x128xf32, #tpu.memory_space<hbm>>) dst(%dma_wait3A_161 : memref<128x128xf32, #tpu.memory_space<vmem>>)
        %scan3A_168 = arith.constant 0 : i32
        %scan3A_169 = arith.constant 3 : i32
        %scan3A_170 = arith.constant 3 : i32
        %scan3A_171 = arith.constant 0 : i32
        %scan3A_172 = arith.constant 64 : i32
        %scan3A_173 = arith.addi %scan3A_171, %scan3A_172 : i32
        %scan3A_174 = arith.constant 1 : i32
        scf.for %scan3A_190 = %scan3A_171 to %scan3A_173 step %scan3A_174  : i32 {
          %mul3A_191 = arith.constant 2 : i32
          %mul3A_192 = arith.muli %mul3A_191, %scan3A_190 : i32
          %get3A = arith.constant 0 : i32
          %get3A_193 = arith.constant 0 : i32
          %get3A_194 = tpu.memref_slice %arg6[%scan3A_169, %get3A, %get3A_193] : memref<4x128x128xf32, #tpu.memory_space<vmem>> -> memref<1x128x128xf32, #tpu.memory_space<vmem>>
          %get3A_195 = tpu.memref_squeeze %get3A_194 : memref<1x128x128xf32, #tpu.memory_space<vmem>> -> memref<128x128xf32, #tpu.memory_space<vmem>>
          %get3A_196 = arith.index_cast %mul3A_192 : i32 to index
          %get3A_197 = arith.constant 0 : index
          %get3A_198 = tpu.vector_load %get3A_195[%get3A_196, %get3A_197] {strides = array<i32>} : memref<128x128xf32, #tpu.memory_space<vmem>>, vector<1x16xf32>,
          %get3A_199 = vector.shape_cast %get3A_198 : vector<1x16xf32> to vector<16xf32>
          %mul3A_200 = arith.constant 2 : i32
          %mul3A_201 = arith.muli %mul3A_200, %scan3A_190 : i32
          %add3A_202 = arith.constant 1 : i32
          %add3A_203 = arith.addi %mul3A_201, %add3A_202 : i32
          %get3A_204 = arith.constant 0 : i32
          %get3A_205 = arith.constant 0 : i32
          %get3A_206 = tpu.memref_slice %arg6[%scan3A_169, %get3A_204, %get3A_205] : memref<4x128x128xf32, #tpu.memory_space<vmem>> -> memref<1x128x128xf32, #tpu.memory_space<vmem>>
          %get3A_207 = tpu.memref_squeeze %get3A_206 : memref<1x128x128xf32, #tpu.memory_space<vmem>> -> memref<128x128xf32, #tpu.memory_space<vmem>>
          %get3A_208 = arith.index_cast %add3A_203 : i32 to index
          %get3A_209 = arith.constant 64 : index
          %get3A_210 = tpu.vector_load %get3A_207[%get3A_208, %get3A_209] {strides = array<i32>} : memref<128x128xf32, #tpu.memory_space<vmem>>, vector<1x16xf32>,
          %get3A_211 = vector.shape_cast %get3A_210 : vector<1x16xf32> to vector<16xf32>
          %mul3A_212 = arith.constant 2 : i32
          %mul3A_213 = arith.muli %mul3A_212, %scan3A_190 : i32
          %add3A_214 = arith.constant 1 : i32
          %add3A_215 = arith.addi %mul3A_213, %add3A_214 : i32
          %get3A_216 = arith.constant 0 : i32
          %get3A_217 = arith.constant 0 : i32
          %get3A_218 = tpu.memref_slice %arg6[%scan3A_169, %get3A_216, %get3A_217] : memref<4x128x128xf32, #tpu.memory_space<vmem>> -> memref<1x128x128xf32, #tpu.memory_space<vmem>>
          %get3A_219 = tpu.memref_squeeze %get3A_218 : memref<1x128x128xf32, #tpu.memory_space<vmem>> -> memref<128x128xf32, #tpu.memory_space<vmem>>
          %get3A_220 = arith.index_cast %add3A_215 : i32 to index
          %get3A_221 = arith.constant 0 : index
          %get3A_222 = tpu.vector_load %get3A_219[%get3A_220, %get3A_221] {strides = array<i32>} : memref<128x128xf32, #tpu.memory_space<vmem>>, vector<1x16xf32>,
          %get3A_223 = vector.shape_cast %get3A_222 : vector<1x16xf32> to vector<16xf32>
          %mul3A_224 = arith.constant 2 : i32
          %mul3A_225 = arith.muli %mul3A_224, %scan3A_190 : i32
          %get3A_226 = arith.constant 0 : i32
          %get3A_227 = arith.constant 0 : i32
          %get3A_228 = tpu.memref_slice %arg6[%scan3A_169, %get3A_226, %get3A_227] : memref<4x128x128xf32, #tpu.memory_space<vmem>> -> memref<1x128x128xf32, #tpu.memory_space<vmem>>
          %get3A_229 = tpu.memref_squeeze %get3A_228 : memref<1x128x128xf32, #tpu.memory_space<vmem>> -> memref<128x128xf32, #tpu.memory_space<vmem>>
          %get3A_230 = arith.index_cast %mul3A_225 : i32 to index
          %get3A_231 = arith.constant 64 : index
          %get3A_232 = tpu.vector_load %get3A_229[%get3A_230, %get3A_231] {strides = array<i32>} : memref<128x128xf32, #tpu.memory_space<vmem>>, vector<1x16xf32>,
          %get3A_233 = vector.shape_cast %get3A_232 : vector<1x16xf32> to vector<16xf32>
          %add3A_234 = arith.addf %get3A_199, %get3A_211 : vector<16xf32>
          %max3A = arith.constant 0.000000e+00 : f32
          %max3A_235 = vector.broadcast %max3A : f32 to vector<16xf32>
          %max3A_236 = arith.maximumf %add3A_234, %max3A_235 : vector<16xf32>
          %add3A_237 = arith.addf %get3A_223, %get3A_233 : vector<16xf32>
          %max3A_238 = arith.constant 0.000000e+00 : f32
          %max3A_239 = vector.broadcast %max3A_238 : f32 to vector<16xf32>
          %max3A_240 = arith.maximumf %add3A_237, %max3A_239 : vector<16xf32>
          %add3A_241 = arith.addf %max3A_236, %max3A_240 : vector<16xf32>
          %swap3A = arith.constant 0 : i32
          %swap3A_242 = arith.constant 0 : i32
          %swap3A_243 = tpu.memref_slice %arg7[%scan3A_170, %swap3A, %swap3A_242] : memref<4x64x64xf32, #tpu.memory_space<vmem>> -> memref<1x64x64xf32, #tpu.memory_space<vmem>>
          %swap3A_244 = tpu.memref_squeeze %swap3A_243 : memref<1x64x64xf32, #tpu.memory_space<vmem>> -> memref<64x64xf32, #tpu.memory_space<vmem>>
          %swap3A_245 = arith.index_cast %scan3A_190 : i32 to index
          %swap3A_246 = arith.constant 0 : index
          %swap3A_247 = tpu.vector_load %swap3A_244[%swap3A_245, %swap3A_246] {strides = array<i32>} : memref<64x64xf32, #tpu.memory_space<vmem>>, vector<1x16xf32>,
          %swap3A_248 = vector.shape_cast %swap3A_247 : vector<1x16xf32> to vector<16xf32>
          %swap3A_249 = vector.shape_cast %add3A_241 : vector<16xf32> to vector<1x16xf32>
          tpu.vector_store %swap3A_244[%swap3A_245, %swap3A_246], %swap3A_249 {strides = array<i32>} : memref<64x64xf32, #tpu.memory_space<vmem>>, vector<1x16xf32>,
          %mul3A_250 = arith.constant 2 : i32
          %mul3A_251 = arith.muli %mul3A_250, %scan3A_190 : i32
          %get3A_252 = arith.constant 0 : i32
          %get3A_253 = arith.constant 0 : i32
          %get3A_254 = tpu.memref_slice %arg6[%scan3A_169, %get3A_252, %get3A_253] : memref<4x128x128xf32, #tpu.memory_space<vmem>> -> memref<1x128x128xf32, #tpu.memory_space<vmem>>
          %get3A_255 = tpu.memref_squeeze %get3A_254 : memref<1x128x128xf32, #tpu.memory_space<vmem>> -> memref<128x128xf32, #tpu.memory_space<vmem>>
          %get3A_256 = arith.index_cast %mul3A_251 : i32 to index
          %get3A_257 = arith.constant 16 : index
          %get3A_258 = tpu.vector_load %get3A_255[%get3A_256, %get3A_257] {strides = array<i32>} : memref<128x128xf32, #tpu.memory_space<vmem>>, vector<1x16xf32>,
          %get3A_259 = vector.shape_cast %get3A_258 : vector<1x16xf32> to vector<16xf32>
          %mul3A_260 = arith.constant 2 : i32
          %mul3A_261 = arith.muli %mul3A_260, %scan3A_190 : i32
          %add3A_262 = arith.constant 1 : i32
          %add3A_263 = arith.addi %mul3A_261, %add3A_262 : i32
          %get3A_264 = arith.constant 0 : i32
          %get3A_265 = arith.constant 0 : i32
          %get3A_266 = tpu.memref_slice %arg6[%scan3A_169, %get3A_264, %get3A_265] : memref<4x128x128xf32, #tpu.memory_space<vmem>> -> memref<1x128x128xf32, #tpu.memory_space<vmem>>
          %get3A_267 = tpu.memref_squeeze %get3A_266 : memref<1x128x128xf32, #tpu.memory_space<vmem>> -> memref<128x128xf32, #tpu.memory_space<vmem>>
          %get3A_268 = arith.index_cast %add3A_263 : i32 to index
          %get3A_269 = arith.constant 80 : index
          %get3A_270 = tpu.vector_load %get3A_267[%get3A_268, %get3A_269] {strides = array<i32>} : memref<128x128xf32, #tpu.memory_space<vmem>>, vector<1x16xf32>,
          %get3A_271 = vector.shape_cast %get3A_270 : vector<1x16xf32> to vector<16xf32>
          %mul3A_272 = arith.constant 2 : i32
          %mul3A_273 = arith.muli %mul3A_272, %scan3A_190 : i32
          %add3A_274 = arith.constant 1 : i32
          %add3A_275 = arith.addi %mul3A_273, %add3A_274 : i32
          %get3A_276 = arith.constant 0 : i32
          %get3A_277 = arith.constant 0 : i32
          %get3A_278 = tpu.memref_slice %arg6[%scan3A_169, %get3A_276, %get3A_277] : memref<4x128x128xf32, #tpu.memory_space<vmem>> -> memref<1x128x128xf32, #tpu.memory_space<vmem>>
          %get3A_279 = tpu.memref_squeeze %get3A_278 : memref<1x128x128xf32, #tpu.memory_space<vmem>> -> memref<128x128xf32, #tpu.memory_space<vmem>>
          %get3A_280 = arith.index_cast %add3A_275 : i32 to index
          %get3A_281 = arith.constant 16 : index
          %get3A_282 = tpu.vector_load %get3A_279[%get3A_280, %get3A_281] {strides = array<i32>} : memref<128x128xf32, #tpu.memory_space<vmem>>, vector<1x16xf32>,
          %get3A_283 = vector.shape_cast %get3A_282 : vector<1x16xf32> to vector<16xf32>
          %mul3A_284 = arith.constant 2 : i32
          %mul3A_285 = arith.muli %mul3A_284, %scan3A_190 : i32
          %get3A_286 = arith.constant 0 : i32
          %get3A_287 = arith.constant 0 : i32
          %get3A_288 = tpu.memref_slice %arg6[%scan3A_169, %get3A_286, %get3A_287] : memref<4x128x128xf32, #tpu.memory_space<vmem>> -> memref<1x128x128xf32, #tpu.memory_space<vmem>>
          %get3A_289 = tpu.memref_squeeze %get3A_288 : memref<1x128x128xf32, #tpu.memory_space<vmem>> -> memref<128x128xf32, #tpu.memory_space<vmem>>
          %get3A_290 = arith.index_cast %mul3A_285 : i32 to index
          %get3A_291 = arith.constant 80 : index
          %get3A_292 = tpu.vector_load %get3A_289[%get3A_290, %get3A_291] {strides = array<i32>} : memref<128x128xf32, #tpu.memory_space<vmem>>, vector<1x16xf32>,
          %get3A_293 = vector.shape_cast %get3A_292 : vector<1x16xf32> to vector<16xf32>
          %add3A_294 = arith.addf %get3A_259, %get3A_271 : vector<16xf32>
          %max3A_295 = arith.constant 0.000000e+00 : f32
          %max3A_296 = vector.broadcast %max3A_295 : f32 to vector<16xf32>
          %max3A_297 = arith.maximumf %add3A_294, %max3A_296 : vector<16xf32>
          %add3A_298 = arith.addf %get3A_283, %get3A_293 : vector<16xf32>
          %max3A_299 = arith.constant 0.000000e+00 : f32
          %max3A_300 = vector.broadcast %max3A_299 : f32 to vector<16xf32>
          %max3A_301 = arith.maximumf %add3A_298, %max3A_300 : vector<16xf32>
          %add3A_302 = arith.addf %max3A_297, %max3A_301 : vector<16xf32>
          %swap3A_303 = arith.constant 0 : i32
          %swap3A_304 = arith.constant 0 : i32
          %swap3A_305 = tpu.memref_slice %arg7[%scan3A_170, %swap3A_303, %swap3A_304] : memref<4x64x64xf32, #tpu.memory_space<vmem>> -> memref<1x64x64xf32, #tpu.memory_space<vmem>>
          %swap3A_306 = tpu.memref_squeeze %swap3A_305 : memref<1x64x64xf32, #tpu.memory_space<vmem>> -> memref<64x64xf32, #tpu.memory_space<vmem>>
          %swap3A_307 = arith.index_cast %scan3A_190 : i32 to index
          %swap3A_308 = arith.constant 16 : index
          %swap3A_309 = tpu.vector_load %swap3A_306[%swap3A_307, %swap3A_308] {strides = array<i32>} : memref<64x64xf32, #tpu.memory_space<vmem>>, vector<1x16xf32>,
          %swap3A_310 = vector.shape_cast %swap3A_309 : vector<1x16xf32> to vector<16xf32>
          %swap3A_311 = vector.shape_cast %add3A_302 : vector<16xf32> to vector<1x16xf32>
          tpu.vector_store %swap3A_306[%swap3A_307, %swap3A_308], %swap3A_311 {strides = array<i32>} : memref<64x64xf32, #tpu.memory_space<vmem>>, vector<1x16xf32>,
          %mul3A_312 = arith.constant 2 : i32
          %mul3A_313 = arith.muli %mul3A_312, %scan3A_190 : i32
          %get3A_314 = arith.constant 0 : i32
          %get3A_315 = arith.constant 0 : i32
          %get3A_316 = tpu.memref_slice %arg6[%scan3A_169, %get3A_314, %get3A_315] : memref<4x128x128xf32, #tpu.memory_space<vmem>> -> memref<1x128x128xf32, #tpu.memory_space<vmem>>
          %get3A_317 = tpu.memref_squeeze %get3A_316 : memref<1x128x128xf32, #tpu.memory_space<vmem>> -> memref<128x128xf32, #tpu.memory_space<vmem>>
          %get3A_318 = arith.index_cast %mul3A_313 : i32 to index
          %get3A_319 = arith.constant 32 : index
          %get3A_320 = tpu.vector_load %get3A_317[%get3A_318, %get3A_319] {strides = array<i32>} : memref<128x128xf32, #tpu.memory_space<vmem>>, vector<1x16xf32>,
          %get3A_321 = vector.shape_cast %get3A_320 : vector<1x16xf32> to vector<16xf32>
          %mul3A_322 = arith.constant 2 : i32
          %mul3A_323 = arith.muli %mul3A_322, %scan3A_190 : i32
          %add3A_324 = arith.constant 1 : i32
          %add3A_325 = arith.addi %mul3A_323, %add3A_324 : i32
          %get3A_326 = arith.constant 0 : i32
          %get3A_327 = arith.constant 0 : i32
          %get3A_328 = tpu.memref_slice %arg6[%scan3A_169, %get3A_326, %get3A_327] : memref<4x128x128xf32, #tpu.memory_space<vmem>> -> memref<1x128x128xf32, #tpu.memory_space<vmem>>
          %get3A_329 = tpu.memref_squeeze %get3A_328 : memref<1x128x128xf32, #tpu.memory_space<vmem>> -> memref<128x128xf32, #tpu.memory_space<vmem>>
          %get3A_330 = arith.index_cast %add3A_325 : i32 to index
          %get3A_331 = arith.constant 96 : index
          %get3A_332 = tpu.vector_load %get3A_329[%get3A_330, %get3A_331] {strides = array<i32>} : memref<128x128xf32, #tpu.memory_space<vmem>>, vector<1x16xf32>,
          %get3A_333 = vector.shape_cast %get3A_332 : vector<1x16xf32> to vector<16xf32>
          %mul3A_334 = arith.constant 2 : i32
          %mul3A_335 = arith.muli %mul3A_334, %scan3A_190 : i32
          %add3A_336 = arith.constant 1 : i32
          %add3A_337 = arith.addi %mul3A_335, %add3A_336 : i32
          %get3A_338 = arith.constant 0 : i32
          %get3A_339 = arith.constant 0 : i32
          %get3A_340 = tpu.memref_slice %arg6[%scan3A_169, %get3A_338, %get3A_339] : memref<4x128x128xf32, #tpu.memory_space<vmem>> -> memref<1x128x128xf32, #tpu.memory_space<vmem>>
          %get3A_341 = tpu.memref_squeeze %get3A_340 : memref<1x128x128xf32, #tpu.memory_space<vmem>> -> memref<128x128xf32, #tpu.memory_space<vmem>>
          %get3A_342 = arith.index_cast %add3A_337 : i32 to index
          %get3A_343 = arith.constant 32 : index
          %get3A_344 = tpu.vector_load %get3A_341[%get3A_342, %get3A_343] {strides = array<i32>} : memref<128x128xf32, #tpu.memory_space<vmem>>, vector<1x16xf32>,
          %get3A_345 = vector.shape_cast %get3A_344 : vector<1x16xf32> to vector<16xf32>
          %mul3A_346 = arith.constant 2 : i32
          %mul3A_347 = arith.muli %mul3A_346, %scan3A_190 : i32
          %get3A_348 = arith.constant 0 : i32
          %get3A_349 = arith.constant 0 : i32
          %get3A_350 = tpu.memref_slice %arg6[%scan3A_169, %get3A_348, %get3A_349] : memref<4x128x128xf32, #tpu.memory_space<vmem>> -> memref<1x128x128xf32, #tpu.memory_space<vmem>>
          %get3A_351 = tpu.memref_squeeze %get3A_350 : memref<1x128x128xf32, #tpu.memory_space<vmem>> -> memref<128x128xf32, #tpu.memory_space<vmem>>
          %get3A_352 = arith.index_cast %mul3A_347 : i32 to index
          %get3A_353 = arith.constant 96 : index
          %get3A_354 = tpu.vector_load %get3A_351[%get3A_352, %get3A_353] {strides = array<i32>} : memref<128x128xf32, #tpu.memory_space<vmem>>, vector<1x16xf32>,
          %get3A_355 = vector.shape_cast %get3A_354 : vector<1x16xf32> to vector<16xf32>
          %add3A_356 = arith.addf %get3A_321, %get3A_333 : vector<16xf32>
          %max3A_357 = arith.constant 0.000000e+00 : f32
          %max3A_358 = vector.broadcast %max3A_357 : f32 to vector<16xf32>
          %max3A_359 = arith.maximumf %add3A_356, %max3A_358 : vector<16xf32>
          %add3A_360 = arith.addf %get3A_345, %get3A_355 : vector<16xf32>
          %max3A_361 = arith.constant 0.000000e+00 : f32
          %max3A_362 = vector.broadcast %max3A_361 : f32 to vector<16xf32>
          %max3A_363 = arith.maximumf %add3A_360, %max3A_362 : vector<16xf32>
          %add3A_364 = arith.addf %max3A_359, %max3A_363 : vector<16xf32>
          %swap3A_365 = arith.constant 0 : i32
          %swap3A_366 = arith.constant 0 : i32
          %swap3A_367 = tpu.memref_slice %arg7[%scan3A_170, %swap3A_365, %swap3A_366] : memref<4x64x64xf32, #tpu.memory_space<vmem>> -> memref<1x64x64xf32, #tpu.memory_space<vmem>>
          %swap3A_368 = tpu.memref_squeeze %swap3A_367 : memref<1x64x64xf32, #tpu.memory_space<vmem>> -> memref<64x64xf32, #tpu.memory_space<vmem>>
          %swap3A_369 = arith.index_cast %scan3A_190 : i32 to index
          %swap3A_370 = arith.constant 32 : index
          %swap3A_371 = tpu.vector_load %swap3A_368[%swap3A_369, %swap3A_370] {strides = array<i32>} : memref<64x64xf32, #tpu.memory_space<vmem>>, vector<1x16xf32>,
          %swap3A_372 = vector.shape_cast %swap3A_371 : vector<1x16xf32> to vector<16xf32>
          %swap3A_373 = vector.shape_cast %add3A_364 : vector<16xf32> to vector<1x16xf32>
          tpu.vector_store %swap3A_368[%swap3A_369, %swap3A_370], %swap3A_373 {strides = array<i32>} : memref<64x64xf32, #tpu.memory_space<vmem>>, vector<1x16xf32>,
          %mul3A_374 = arith.constant 2 : i32
          %mul3A_375 = arith.muli %mul3A_374, %scan3A_190 : i32
          %get3A_376 = arith.constant 0 : i32
          %get3A_377 = arith.constant 0 : i32
          %get3A_378 = tpu.memref_slice %arg6[%scan3A_169, %get3A_376, %get3A_377] : memref<4x128x128xf32, #tpu.memory_space<vmem>> -> memref<1x128x128xf32, #tpu.memory_space<vmem>>
          %get3A_379 = tpu.memref_squeeze %get3A_378 : memref<1x128x128xf32, #tpu.memory_space<vmem>> -> memref<128x128xf32, #tpu.memory_space<vmem>>
          %get3A_380 = arith.index_cast %mul3A_375 : i32 to index
          %get3A_381 = arith.constant 48 : index
          %get3A_382 = tpu.vector_load %get3A_379[%get3A_380, %get3A_381] {strides = array<i32>} : memref<128x128xf32, #tpu.memory_space<vmem>>, vector<1x16xf32>,
          %get3A_383 = vector.shape_cast %get3A_382 : vector<1x16xf32> to vector<16xf32>
          %mul3A_384 = arith.constant 2 : i32
          %mul3A_385 = arith.muli %mul3A_384, %scan3A_190 : i32
          %add3A_386 = arith.constant 1 : i32
          %add3A_387 = arith.addi %mul3A_385, %add3A_386 : i32
          %get3A_388 = arith.constant 0 : i32
          %get3A_389 = arith.constant 0 : i32
          %get3A_390 = tpu.memref_slice %arg6[%scan3A_169, %get3A_388, %get3A_389] : memref<4x128x128xf32, #tpu.memory_space<vmem>> -> memref<1x128x128xf32, #tpu.memory_space<vmem>>
          %get3A_391 = tpu.memref_squeeze %get3A_390 : memref<1x128x128xf32, #tpu.memory_space<vmem>> -> memref<128x128xf32, #tpu.memory_space<vmem>>
          %get3A_392 = arith.index_cast %add3A_387 : i32 to index
          %get3A_393 = arith.constant 112 : index
          %get3A_394 = tpu.vector_load %get3A_391[%get3A_392, %get3A_393] {strides = array<i32>} : memref<128x128xf32, #tpu.memory_space<vmem>>, vector<1x16xf32>,
          %get3A_395 = vector.shape_cast %get3A_394 : vector<1x16xf32> to vector<16xf32>
          %mul3A_396 = arith.constant 2 : i32
          %mul3A_397 = arith.muli %mul3A_396, %scan3A_190 : i32
          %add3A_398 = arith.constant 1 : i32
          %add3A_399 = arith.addi %mul3A_397, %add3A_398 : i32
          %get3A_400 = arith.constant 0 : i32
          %get3A_401 = arith.constant 0 : i32
          %get3A_402 = tpu.memref_slice %arg6[%scan3A_169, %get3A_400, %get3A_401] : memref<4x128x128xf32, #tpu.memory_space<vmem>> -> memref<1x128x128xf32, #tpu.memory_space<vmem>>
          %get3A_403 = tpu.memref_squeeze %get3A_402 : memref<1x128x128xf32, #tpu.memory_space<vmem>> -> memref<128x128xf32, #tpu.memory_space<vmem>>
          %get3A_404 = arith.index_cast %add3A_399 : i32 to index
          %get3A_405 = arith.constant 48 : index
          %get3A_406 = tpu.vector_load %get3A_403[%get3A_404, %get3A_405] {strides = array<i32>} : memref<128x128xf32, #tpu.memory_space<vmem>>, vector<1x16xf32>,
          %get3A_407 = vector.shape_cast %get3A_406 : vector<1x16xf32> to vector<16xf32>
          %mul3A_408 = arith.constant 2 : i32
          %mul3A_409 = arith.muli %mul3A_408, %scan3A_190 : i32
          %get3A_410 = arith.constant 0 : i32
          %get3A_411 = arith.constant 0 : i32
          %get3A_412 = tpu.memref_slice %arg6[%scan3A_169, %get3A_410, %get3A_411] : memref<4x128x128xf32, #tpu.memory_space<vmem>> -> memref<1x128x128xf32, #tpu.memory_space<vmem>>
          %get3A_413 = tpu.memref_squeeze %get3A_412 : memref<1x128x128xf32, #tpu.memory_space<vmem>> -> memref<128x128xf32, #tpu.memory_space<vmem>>
          %get3A_414 = arith.index_cast %mul3A_409 : i32 to index
          %get3A_415 = arith.constant 112 : index
          %get3A_416 = tpu.vector_load %get3A_413[%get3A_414, %get3A_415] {strides = array<i32>} : memref<128x128xf32, #tpu.memory_space<vmem>>, vector<1x16xf32>,
          %get3A_417 = vector.shape_cast %get3A_416 : vector<1x16xf32> to vector<16xf32>
          %add3A_418 = arith.addf %get3A_383, %get3A_395 : vector<16xf32>
          %max3A_419 = arith.constant 0.000000e+00 : f32
          %max3A_420 = vector.broadcast %max3A_419 : f32 to vector<16xf32>
          %max3A_421 = arith.maximumf %add3A_418, %max3A_420 : vector<16xf32>
          %add3A_422 = arith.addf %get3A_407, %get3A_417 : vector<16xf32>
          %max3A_423 = arith.constant 0.000000e+00 : f32
          %max3A_424 = vector.broadcast %max3A_423 : f32 to vector<16xf32>
          %max3A_425 = arith.maximumf %add3A_422, %max3A_424 : vector<16xf32>
          %add3A_426 = arith.addf %max3A_421, %max3A_425 : vector<16xf32>
          %swap3A_427 = arith.constant 0 : i32
          %swap3A_428 = arith.constant 0 : i32
          %swap3A_429 = tpu.memref_slice %arg7[%scan3A_170, %swap3A_427, %swap3A_428] : memref<4x64x64xf32, #tpu.memory_space<vmem>> -> memref<1x64x64xf32, #tpu.memory_space<vmem>>
          %swap3A_430 = tpu.memref_squeeze %swap3A_429 : memref<1x64x64xf32, #tpu.memory_space<vmem>> -> memref<64x64xf32, #tpu.memory_space<vmem>>
          %swap3A_431 = arith.index_cast %scan3A_190 : i32 to index
          %swap3A_432 = arith.constant 48 : index
          %swap3A_433 = tpu.vector_load %swap3A_430[%swap3A_431, %swap3A_432] {strides = array<i32>} : memref<64x64xf32, #tpu.memory_space<vmem>>, vector<1x16xf32>,
          %swap3A_434 = vector.shape_cast %swap3A_433 : vector<1x16xf32> to vector<16xf32>
          %swap3A_435 = vector.shape_cast %add3A_426 : vector<16xf32> to vector<1x16xf32>
          tpu.vector_store %swap3A_430[%swap3A_431, %swap3A_432], %swap3A_435 {strides = array<i32>} : memref<64x64xf32, #tpu.memory_space<vmem>>, vector<1x16xf32>,
        }
        %scan3A_175 = arith.constant 64 : i32
        %mul3A_176 = arith.constant 64 : i32
        %mul3A_177 = arith.muli %add3A_59, %mul3A_176 : i32
        %dma_start3A = arith.constant 3 : i32
        %dma_start3A_178 = arith.constant 0 : i32
        %dma_start3A_179 = arith.constant 0 : i32
        %dma_start3A_180 = tpu.memref_slice %arg7[%dma_start3A, %dma_start3A_178, %dma_start3A_179] : memref<4x64x64xf32, #tpu.memory_space<vmem>> -> memref<1x64x64xf32, #tpu.memory_space<vmem>>
        %dma_start3A_181 = tpu.memref_squeeze %dma_start3A_180 : memref<1x64x64xf32, #tpu.memory_space<vmem>> -> memref<64x64xf32, #tpu.memory_space<vmem>>
        %dma_start3A_182 = arith.constant 0 : i32
        %dma_start3A_183 = tpu.memref_slice %arg4[%mul3A_177, %dma_start3A_182] : memref<800000x64xf32, #tpu.memory_space<hbm>> -> memref<64x64xf32, #tpu.memory_space<hbm>>
        %dma_start3A_184 = arith.constant 0 : i32
        %dma_start3A_185 = tpu.memref_slice %arg4[%mul3A_177, %dma_start3A_184] : memref<800000x64xf32, #tpu.memory_space<hbm>> -> memref<64x64xf32, #tpu.memory_space<hbm>>
        %dma_start3A_186 = arith.constant 0 : i32
        %dma_start3A_187 = arith.constant 0 : i32
        %dma_start3A_188 = tpu.memref_slice %arg7[%dma_start3A, %dma_start3A_186, %dma_start3A_187] : memref<4x64x64xf32, #tpu.memory_space<vmem>> -> memref<1x64x64xf32, #tpu.memory_space<vmem>>
        %dma_start3A_189 = tpu.memref_squeeze %dma_start3A_188 : memref<1x64x64xf32, #tpu.memory_space<vmem>> -> memref<64x64xf32, #tpu.memory_space<vmem>>
        tpu.enqueue_dma source(%dma_start3A_189 : memref<64x64xf32, #tpu.memory_space<vmem>>) target(%dma_start3A_185 : memref<64x64xf32, #tpu.memory_space<hbm>>) target_semaphore(%arg19 : memref<!tpu.dma_semaphore, #tpu.memory_space<semaphore_mem>>)
      } else {
      }
    }
    %scan3A_5 = arith.constant 98 : i32
    %add3A_6 = arith.constant 12416 : i32
    %add3A_7 = arith.addi %add3A, %add3A_6 : i32
    %lt3A = arith.constant 12500 : i32
    %lt3A_8 = arith.cmpi slt, %add3A_7, %lt3A : i32
    %convert_element_type3A = arith.extui %lt3A_8 : i1 to i32
    %cond3A = arith.constant 0 : i32
    %cond3A_9 = arith.cmpi ne, %convert_element_type3A, %cond3A : i32
    scf.if %cond3A_9 {
      %dma_wait3A = arith.constant 0 : i32
      %dma_wait3A_31 = arith.constant 0 : i32
      %dma_wait3A_32 = arith.constant 0 : i32
      %dma_wait3A_33 = tpu.memref_slice %arg7[%dma_wait3A, %dma_wait3A_31, %dma_wait3A_32] : memref<4x64x64xf32, #tpu.memory_space<vmem>> -> memref<1x64x64xf32, #tpu.memory_space<vmem>>
      %dma_wait3A_34 = tpu.memref_squeeze %dma_wait3A_33 : memref<1x64x64xf32, #tpu.memory_space<vmem>> -> memref<64x64xf32, #tpu.memory_space<vmem>>
      %dma_wait3A_35 = arith.constant 0 : i32
      %dma_wait3A_36 = arith.constant 0 : i32
      %dma_wait3A_37 = tpu.memref_slice %arg4[%dma_wait3A_35, %dma_wait3A_36] : memref<800000x64xf32, #tpu.memory_space<hbm>> -> memref<64x64xf32, #tpu.memory_space<hbm>>
      %dma_wait3A_38 = arith.constant 0 : i32
      %dma_wait3A_39 = arith.constant 0 : i32
      %dma_wait3A_40 = tpu.memref_slice %arg4[%dma_wait3A_38, %dma_wait3A_39] : memref<800000x64xf32, #tpu.memory_space<hbm>> -> memref<64x64xf32, #tpu.memory_space<hbm>>
      %dma_wait3A_41 = arith.constant 0 : i32
      %dma_wait3A_42 = arith.constant 0 : i32
      %dma_wait3A_43 = tpu.memref_slice %arg7[%dma_wait3A, %dma_wait3A_41, %dma_wait3A_42] : memref<4x64x64xf32, #tpu.memory_space<vmem>> -> memref<1x64x64xf32, #tpu.memory_space<vmem>>
      %dma_wait3A_44 = tpu.memref_squeeze %dma_wait3A_43 : memref<1x64x64xf32, #tpu.memory_space<vmem>> -> memref<64x64xf32, #tpu.memory_space<vmem>>
      tpu.wait_dma2 semaphore(%arg16 : memref<!tpu.dma_semaphore, #tpu.memory_space<semaphore_mem>>) src(%dma_wait3A_44 : memref<64x64xf32, #tpu.memory_space<vmem>>) dst(%dma_wait3A_40 : memref<64x64xf32, #tpu.memory_space<hbm>>)
    } else {
    }
    %add3A_10 = arith.constant 12448 : i32
    %add3A_11 = arith.addi %add3A, %add3A_10 : i32
    %lt3A_12 = arith.constant 12500 : i32
    %lt3A_13 = arith.cmpi slt, %add3A_11, %lt3A_12 : i32
    %convert_element_type3A_14 = arith.extui %lt3A_13 : i1 to i32
    %cond3A_15 = arith.constant 0 : i32
    %cond3A_16 = arith.cmpi ne, %convert_element_type3A_14, %cond3A_15 : i32
    scf.if %cond3A_16 {
      %dma_wait3A = arith.constant 1 : i32
      %dma_wait3A_31 = arith.constant 0 : i32
      %dma_wait3A_32 = arith.constant 0 : i32
      %dma_wait3A_33 = tpu.memref_slice %arg7[%dma_wait3A, %dma_wait3A_31, %dma_wait3A_32] : memref<4x64x64xf32, #tpu.memory_space<vmem>> -> memref<1x64x64xf32, #tpu.memory_space<vmem>>
      %dma_wait3A_34 = tpu.memref_squeeze %dma_wait3A_33 : memref<1x64x64xf32, #tpu.memory_space<vmem>> -> memref<64x64xf32, #tpu.memory_space<vmem>>
      %dma_wait3A_35 = arith.constant 0 : i32
      %dma_wait3A_36 = arith.constant 0 : i32
      %dma_wait3A_37 = tpu.memref_slice %arg4[%dma_wait3A_35, %dma_wait3A_36] : memref<800000x64xf32, #tpu.memory_space<hbm>> -> memref<64x64xf32, #tpu.memory_space<hbm>>
      %dma_wait3A_38 = arith.constant 0 : i32
      %dma_wait3A_39 = arith.constant 0 : i32
      %dma_wait3A_40 = tpu.memref_slice %arg4[%dma_wait3A_38, %dma_wait3A_39] : memref<800000x64xf32, #tpu.memory_space<hbm>> -> memref<64x64xf32, #tpu.memory_space<hbm>>
      %dma_wait3A_41 = arith.constant 0 : i32
      %dma_wait3A_42 = arith.constant 0 : i32
      %dma_wait3A_43 = tpu.memref_slice %arg7[%dma_wait3A, %dma_wait3A_41, %dma_wait3A_42] : memref<4x64x64xf32, #tpu.memory_space<vmem>> -> memref<1x64x64xf32, #tpu.memory_space<vmem>>
      %dma_wait3A_44 = tpu.memref_squeeze %dma_wait3A_43 : memref<1x64x64xf32, #tpu.memory_space<vmem>> -> memref<64x64xf32, #tpu.memory_space<vmem>>
      tpu.wait_dma2 semaphore(%arg17 : memref<!tpu.dma_semaphore, #tpu.memory_space<semaphore_mem>>) src(%dma_wait3A_44 : memref<64x64xf32, #tpu.memory_space<vmem>>) dst(%dma_wait3A_40 : memref<64x64xf32, #tpu.memory_space<hbm>>)
    } else {
    }
    %add3A_17 = arith.constant 12480 : i32
    %add3A_18 = arith.addi %add3A, %add3A_17 : i32
    %lt3A_19 = arith.constant 12500 : i32
    %lt3A_20 = arith.cmpi slt, %add3A_18, %lt3A_19 : i32
    %convert_element_type3A_21 = arith.extui %lt3A_20 : i1 to i32
    %cond3A_22 = arith.constant 0 : i32
    %cond3A_23 = arith.cmpi ne, %convert_element_type3A_21, %cond3A_22 : i32
    scf.if %cond3A_23 {
      %dma_wait3A = arith.constant 2 : i32
      %dma_wait3A_31 = arith.constant 0 : i32
      %dma_wait3A_32 = arith.constant 0 : i32
      %dma_wait3A_33 = tpu.memref_slice %arg7[%dma_wait3A, %dma_wait3A_31, %dma_wait3A_32] : memref<4x64x64xf32, #tpu.memory_space<vmem>> -> memref<1x64x64xf32, #tpu.memory_space<vmem>>
      %dma_wait3A_34 = tpu.memref_squeeze %dma_wait3A_33 : memref<1x64x64xf32, #tpu.memory_space<vmem>> -> memref<64x64xf32, #tpu.memory_space<vmem>>
      %dma_wait3A_35 = arith.constant 0 : i32
      %dma_wait3A_36 = arith.constant 0 : i32
      %dma_wait3A_37 = tpu.memref_slice %arg4[%dma_wait3A_35, %dma_wait3A_36] : memref<800000x64xf32, #tpu.memory_space<hbm>> -> memref<64x64xf32, #tpu.memory_space<hbm>>
      %dma_wait3A_38 = arith.constant 0 : i32
      %dma_wait3A_39 = arith.constant 0 : i32
      %dma_wait3A_40 = tpu.memref_slice %arg4[%dma_wait3A_38, %dma_wait3A_39] : memref<800000x64xf32, #tpu.memory_space<hbm>> -> memref<64x64xf32, #tpu.memory_space<hbm>>
      %dma_wait3A_41 = arith.constant 0 : i32
      %dma_wait3A_42 = arith.constant 0 : i32
      %dma_wait3A_43 = tpu.memref_slice %arg7[%dma_wait3A, %dma_wait3A_41, %dma_wait3A_42] : memref<4x64x64xf32, #tpu.memory_space<vmem>> -> memref<1x64x64xf32, #tpu.memory_space<vmem>>
      %dma_wait3A_44 = tpu.memref_squeeze %dma_wait3A_43 : memref<1x64x64xf32, #tpu.memory_space<vmem>> -> memref<64x64xf32, #tpu.memory_space<vmem>>
      tpu.wait_dma2 semaphore(%arg18 : memref<!tpu.dma_semaphore, #tpu.memory_space<semaphore_mem>>) src(%dma_wait3A_44 : memref<64x64xf32, #tpu.memory_space<vmem>>) dst(%dma_wait3A_40 : memref<64x64xf32, #tpu.memory_space<hbm>>)
    } else {
    }
    %add3A_24 = arith.constant 12512 : i32
    %add3A_25 = arith.addi %add3A, %add3A_24 : i32
    %lt3A_26 = arith.constant 12500 : i32
    %lt3A_27 = arith.cmpi slt, %add3A_25, %lt3A_26 : i32
    %convert_element_type3A_28 = arith.extui %lt3A_27 : i1 to i32
    %cond3A_29 = arith.constant 0 : i32
    %cond3A_30 = arith.cmpi ne, %convert_element_type3A_28, %cond3A_29 : i32
    scf.if %cond3A_30 {
      %dma_wait3A = arith.constant 3 : i32
      %dma_wait3A_31 = arith.constant 0 : i32
      %dma_wait3A_32 = arith.constant 0 : i32
      %dma_wait3A_33 = tpu.memref_slice %arg7[%dma_wait3A, %dma_wait3A_31, %dma_wait3A_32] : memref<4x64x64xf32, #tpu.memory_space<vmem>> -> memref<1x64x64xf32, #tpu.memory_space<vmem>>
      %dma_wait3A_34 = tpu.memref_squeeze %dma_wait3A_33 : memref<1x64x64xf32, #tpu.memory_space<vmem>> -> memref<64x64xf32, #tpu.memory_space<vmem>>
      %dma_wait3A_35 = arith.constant 0 : i32
      %dma_wait3A_36 = arith.constant 0 : i32
      %dma_wait3A_37 = tpu.memref_slice %arg4[%dma_wait3A_35, %dma_wait3A_36] : memref<800000x64xf32, #tpu.memory_space<hbm>> -> memref<64x64xf32, #tpu.memory_space<hbm>>
      %dma_wait3A_38 = arith.constant 0 : i32
      %dma_wait3A_39 = arith.constant 0 : i32
      %dma_wait3A_40 = tpu.memref_slice %arg4[%dma_wait3A_38, %dma_wait3A_39] : memref<800000x64xf32, #tpu.memory_space<hbm>> -> memref<64x64xf32, #tpu.memory_space<hbm>>
      %dma_wait3A_41 = arith.constant 0 : i32
      %dma_wait3A_42 = arith.constant 0 : i32
      %dma_wait3A_43 = tpu.memref_slice %arg7[%dma_wait3A, %dma_wait3A_41, %dma_wait3A_42] : memref<4x64x64xf32, #tpu.memory_space<vmem>> -> memref<1x64x64xf32, #tpu.memory_space<vmem>>
      %dma_wait3A_44 = tpu.memref_squeeze %dma_wait3A_43 : memref<1x64x64xf32, #tpu.memory_space<vmem>> -> memref<64x64xf32, #tpu.memory_space<vmem>>
      tpu.wait_dma2 semaphore(%arg19 : memref<!tpu.dma_semaphore, #tpu.memory_space<semaphore_mem>>) src(%dma_wait3A_44 : memref<64x64xf32, #tpu.memory_space<vmem>>) dst(%dma_wait3A_40 : memref<64x64xf32, #tpu.memory_space<hbm>>)
    } else {
    }
    return
  }
}

#map = affine_map<(d0, d1) -> (0, 0)>
#map1 = affine_map<(d0, d1) -> (0)>
module attributes {stable_mosaic.version = 14 : i64} {
  func.func @_segsum_body(%arg0: i32, %arg1: i32, %arg2: memref<800000x128xf32, #tpu.memory_space<hbm>>, %arg3: memref<800000xi32, #tpu.memory_space<hbm>>, %arg4: memref<50000x16xf32, #tpu.memory_space<hbm>>, %arg5: memref<50000x16xf32, #tpu.memory_space<hbm>>, %arg6: memref<50000x16xf32, #tpu.memory_space<hbm>>, %arg7: memref<50000x16xf32, #tpu.memory_space<hbm>>, %arg8: memref<2x128xi32, #tpu.memory_space<vmem>>, %arg9: memref<2x128x16xf32, #tpu.memory_space<vmem>>, %arg10: memref<1000x16xf32, #tpu.memory_space<vmem>>, %arg11: memref<1000x16xf32, #tpu.memory_space<vmem>>, %arg12: memref<!tpu.dma_semaphore, #tpu.memory_space<semaphore_mem>>, %arg13: memref<!tpu.dma_semaphore, #tpu.memory_space<semaphore_mem>>, %arg14: memref<!tpu.dma_semaphore, #tpu.memory_space<semaphore_mem>>, %arg15: memref<!tpu.dma_semaphore, #tpu.memory_space<semaphore_mem>>, %arg16: memref<!tpu.dma_semaphore, #tpu.memory_space<semaphore_mem>>, %arg17: memref<!tpu.dma_semaphore, #tpu.memory_space<semaphore_mem>>, %arg18: memref<50000x16xf32, #tpu.memory_space<vmem_shared>>) attributes {dimension_semantics = [#tpu.dimension_semantics<core_parallel>, #tpu.dimension_semantics<subcore_parallel>], iteration_bounds = array<i64: 2, 16>, scalar_prefetch = 0 : i64, scratch_operands = 11 : i64, tpu.core_type = #tpu.core_type<sc_vector_subcore>, window_params = [{transform_indices = #map}, {transform_indices = #map1}, {transform_indices = #map}, {transform_indices = #map}, {transform_indices = #map}, {transform_indices = #map}]} {
    %scan3A = arith.constant 0 : i32
    %scan3A_0 = arith.constant 0 : i32
    %scan3A_1 = arith.constant 1000 : i32
    %scan3A_2 = arith.addi %scan3A_0, %scan3A_1 : i32
    %scan3A_3 = arith.constant 1 : i32
    scf.for %scan3A_165 = %scan3A_0 to %scan3A_2 step %scan3A_3  : i32 {
      %broadcast_in_dim3A = arith.constant 0.000000e+00 : f32
      %broadcast_in_dim3A_166 = vector.broadcast %broadcast_in_dim3A : f32 to vector<16xf32>
      %swap3A = arith.index_cast %scan3A_165 : i32 to index
      %swap3A_167 = arith.constant 0 : index
      %swap3A_168 = tpu.vector_load %arg10[%swap3A, %swap3A_167] {strides = array<i32>} : memref<1000x16xf32, #tpu.memory_space<vmem>>, vector<1x16xf32>,
      %swap3A_169 = vector.shape_cast %swap3A_168 : vector<1x16xf32> to vector<16xf32>
      %swap3A_170 = vector.shape_cast %broadcast_in_dim3A_166 : vector<16xf32> to vector<1x16xf32>
      tpu.vector_store %arg10[%swap3A, %swap3A_167], %swap3A_170 {strides = array<i32>} : memref<1000x16xf32, #tpu.memory_space<vmem>>, vector<1x16xf32>,
    }
    %scan3A_4 = arith.constant 1000 : i32
    %mul3A = arith.constant 16 : i32
    %mul3A_5 = arith.muli %mul3A, %arg0 : i32
    %add3A = arith.constant 0 : i32
    %add3A_6 = arith.addi %add3A, %mul3A_5 : i32
    %add3A_7 = arith.constant 0 : i32
    %add3A_8 = arith.addi %arg1, %add3A_7 : i32
    %lt3A = arith.constant 50 : i32
    %lt3A_9 = arith.cmpi slt, %add3A_8, %lt3A : i32
    %convert_element_type3A = arith.extui %lt3A_9 : i1 to i32
    %cond3A = arith.constant 0 : i32
    %cond3A_10 = arith.cmpi ne, %convert_element_type3A, %cond3A : i32
    scf.if %cond3A_10 {
      %mul3A_165 = arith.constant 1000 : i32
      %mul3A_166 = arith.muli %add3A_8, %mul3A_165 : i32
      "tpu.region"() ({
        %run_scoped3A = tpu.sem_alloc : memref<!tpu.dma_semaphore, #tpu.memory_space<semaphore_mem>>
        %dma_start3A = arith.constant 0 : i32
        %dma_start3A_167 = tpu.memref_slice %arg18[%mul3A_166, %dma_start3A] : memref<50000x16xf32, #tpu.memory_space<vmem_shared>> -> memref<1000x16xf32, #tpu.memory_space<vmem_shared>>
        %dma_start3A_168 = arith.constant 0 : i32
        %dma_start3A_169 = tpu.memref_slice %arg18[%mul3A_166, %dma_start3A_168] : memref<50000x16xf32, #tpu.memory_space<vmem_shared>> -> memref<1000x16xf32, #tpu.memory_space<vmem_shared>>
        tpu.enqueue_dma source(%arg10 : memref<1000x16xf32, #tpu.memory_space<vmem>>) target(%dma_start3A_169 : memref<1000x16xf32, #tpu.memory_space<vmem_shared>>) target_semaphore(%run_scoped3A : memref<!tpu.dma_semaphore, #tpu.memory_space<semaphore_mem>>)
        %dma_wait3A = arith.constant 0 : i32
        %dma_wait3A_170 = tpu.memref_slice %arg18[%mul3A_166, %dma_wait3A] : memref<50000x16xf32, #tpu.memory_space<vmem_shared>> -> memref<1000x16xf32, #tpu.memory_space<vmem_shared>>
        %dma_wait3A_171 = arith.constant 0 : i32
        %dma_wait3A_172 = tpu.memref_slice %arg18[%mul3A_166, %dma_wait3A_171] : memref<50000x16xf32, #tpu.memory_space<vmem_shared>> -> memref<1000x16xf32, #tpu.memory_space<vmem_shared>>
        tpu.wait_dma2 semaphore(%run_scoped3A : memref<!tpu.dma_semaphore, #tpu.memory_space<semaphore_mem>>) src(%arg10 : memref<1000x16xf32, #tpu.memory_space<vmem>>) dst(%dma_wait3A_172 : memref<1000x16xf32, #tpu.memory_space<vmem_shared>>)
        tpu.yield
      }) : () -> ()
    } else {
    }
    %add3A_11 = arith.constant 16 : i32
    %add3A_12 = arith.addi %arg1, %add3A_11 : i32
    %lt3A_13 = arith.constant 50 : i32
    %lt3A_14 = arith.cmpi slt, %add3A_12, %lt3A_13 : i32
    %convert_element_type3A_15 = arith.extui %lt3A_14 : i1 to i32
    %cond3A_16 = arith.constant 0 : i32
    %cond3A_17 = arith.cmpi ne, %convert_element_type3A_15, %cond3A_16 : i32
    scf.if %cond3A_17 {
      %mul3A_165 = arith.constant 1000 : i32
      %mul3A_166 = arith.muli %add3A_12, %mul3A_165 : i32
      "tpu.region"() ({
        %run_scoped3A = tpu.sem_alloc : memref<!tpu.dma_semaphore, #tpu.memory_space<semaphore_mem>>
        %dma_start3A = arith.constant 0 : i32
        %dma_start3A_167 = tpu.memref_slice %arg18[%mul3A_166, %dma_start3A] : memref<50000x16xf32, #tpu.memory_space<vmem_shared>> -> memref<1000x16xf32, #tpu.memory_space<vmem_shared>>
        %dma_start3A_168 = arith.constant 0 : i32
        %dma_start3A_169 = tpu.memref_slice %arg18[%mul3A_166, %dma_start3A_168] : memref<50000x16xf32, #tpu.memory_space<vmem_shared>> -> memref<1000x16xf32, #tpu.memory_space<vmem_shared>>
        tpu.enqueue_dma source(%arg10 : memref<1000x16xf32, #tpu.memory_space<vmem>>) target(%dma_start3A_169 : memref<1000x16xf32, #tpu.memory_space<vmem_shared>>) target_semaphore(%run_scoped3A : memref<!tpu.dma_semaphore, #tpu.memory_space<semaphore_mem>>)
        %dma_wait3A = arith.constant 0 : i32
        %dma_wait3A_170 = tpu.memref_slice %arg18[%mul3A_166, %dma_wait3A] : memref<50000x16xf32, #tpu.memory_space<vmem_shared>> -> memref<1000x16xf32, #tpu.memory_space<vmem_shared>>
        %dma_wait3A_171 = arith.constant 0 : i32
        %dma_wait3A_172 = tpu.memref_slice %arg18[%mul3A_166, %dma_wait3A_171] : memref<50000x16xf32, #tpu.memory_space<vmem_shared>> -> memref<1000x16xf32, #tpu.memory_space<vmem_shared>>
        tpu.wait_dma2 semaphore(%run_scoped3A : memref<!tpu.dma_semaphore, #tpu.memory_space<semaphore_mem>>) src(%arg10 : memref<1000x16xf32, #tpu.memory_space<vmem>>) dst(%dma_wait3A_172 : memref<1000x16xf32, #tpu.memory_space<vmem_shared>>)
        tpu.yield
      }) : () -> ()
    } else {
    }
    %add3A_18 = arith.constant 32 : i32
    %add3A_19 = arith.addi %arg1, %add3A_18 : i32
    %lt3A_20 = arith.constant 50 : i32
    %lt3A_21 = arith.cmpi slt, %add3A_19, %lt3A_20 : i32
    %convert_element_type3A_22 = arith.extui %lt3A_21 : i1 to i32
    %cond3A_23 = arith.constant 0 : i32
    %cond3A_24 = arith.cmpi ne, %convert_element_type3A_22, %cond3A_23 : i32
    scf.if %cond3A_24 {
      %mul3A_165 = arith.constant 1000 : i32
      %mul3A_166 = arith.muli %add3A_19, %mul3A_165 : i32
      "tpu.region"() ({
        %run_scoped3A = tpu.sem_alloc : memref<!tpu.dma_semaphore, #tpu.memory_space<semaphore_mem>>
        %dma_start3A = arith.constant 0 : i32
        %dma_start3A_167 = tpu.memref_slice %arg18[%mul3A_166, %dma_start3A] : memref<50000x16xf32, #tpu.memory_space<vmem_shared>> -> memref<1000x16xf32, #tpu.memory_space<vmem_shared>>
        %dma_start3A_168 = arith.constant 0 : i32
        %dma_start3A_169 = tpu.memref_slice %arg18[%mul3A_166, %dma_start3A_168] : memref<50000x16xf32, #tpu.memory_space<vmem_shared>> -> memref<1000x16xf32, #tpu.memory_space<vmem_shared>>
        tpu.enqueue_dma source(%arg10 : memref<1000x16xf32, #tpu.memory_space<vmem>>) target(%dma_start3A_169 : memref<1000x16xf32, #tpu.memory_space<vmem_shared>>) target_semaphore(%run_scoped3A : memref<!tpu.dma_semaphore, #tpu.memory_space<semaphore_mem>>)
        %dma_wait3A = arith.constant 0 : i32
        %dma_wait3A_170 = tpu.memref_slice %arg18[%mul3A_166, %dma_wait3A] : memref<50000x16xf32, #tpu.memory_space<vmem_shared>> -> memref<1000x16xf32, #tpu.memory_space<vmem_shared>>
        %dma_wait3A_171 = arith.constant 0 : i32
        %dma_wait3A_172 = tpu.memref_slice %arg18[%mul3A_166, %dma_wait3A_171] : memref<50000x16xf32, #tpu.memory_space<vmem_shared>> -> memref<1000x16xf32, #tpu.memory_space<vmem_shared>>
        tpu.wait_dma2 semaphore(%run_scoped3A : memref<!tpu.dma_semaphore, #tpu.memory_space<semaphore_mem>>) src(%arg10 : memref<1000x16xf32, #tpu.memory_space<vmem>>) dst(%dma_wait3A_172 : memref<1000x16xf32, #tpu.memory_space<vmem_shared>>)
        tpu.yield
      }) : () -> ()
    } else {
    }
    %add3A_25 = arith.constant 48 : i32
    %add3A_26 = arith.addi %arg1, %add3A_25 : i32
    %lt3A_27 = arith.constant 50 : i32
    %lt3A_28 = arith.cmpi slt, %add3A_26, %lt3A_27 : i32
    %convert_element_type3A_29 = arith.extui %lt3A_28 : i1 to i32
    %cond3A_30 = arith.constant 0 : i32
    %cond3A_31 = arith.cmpi ne, %convert_element_type3A_29, %cond3A_30 : i32
    scf.if %cond3A_31 {
      %mul3A_165 = arith.constant 1000 : i32
      %mul3A_166 = arith.muli %add3A_26, %mul3A_165 : i32
      "tpu.region"() ({
        %run_scoped3A = tpu.sem_alloc : memref<!tpu.dma_semaphore, #tpu.memory_space<semaphore_mem>>
        %dma_start3A = arith.constant 0 : i32
        %dma_start3A_167 = tpu.memref_slice %arg18[%mul3A_166, %dma_start3A] : memref<50000x16xf32, #tpu.memory_space<vmem_shared>> -> memref<1000x16xf32, #tpu.memory_space<vmem_shared>>
        %dma_start3A_168 = arith.constant 0 : i32
        %dma_start3A_169 = tpu.memref_slice %arg18[%mul3A_166, %dma_start3A_168] : memref<50000x16xf32, #tpu.memory_space<vmem_shared>> -> memref<1000x16xf32, #tpu.memory_space<vmem_shared>>
        tpu.enqueue_dma source(%arg10 : memref<1000x16xf32, #tpu.memory_space<vmem>>) target(%dma_start3A_169 : memref<1000x16xf32, #tpu.memory_space<vmem_shared>>) target_semaphore(%run_scoped3A : memref<!tpu.dma_semaphore, #tpu.memory_space<semaphore_mem>>)
        %dma_wait3A = arith.constant 0 : i32
        %dma_wait3A_170 = tpu.memref_slice %arg18[%mul3A_166, %dma_wait3A] : memref<50000x16xf32, #tpu.memory_space<vmem_shared>> -> memref<1000x16xf32, #tpu.memory_space<vmem_shared>>
        %dma_wait3A_171 = arith.constant 0 : i32
        %dma_wait3A_172 = tpu.memref_slice %arg18[%mul3A_166, %dma_wait3A_171] : memref<50000x16xf32, #tpu.memory_space<vmem_shared>> -> memref<1000x16xf32, #tpu.memory_space<vmem_shared>>
        tpu.wait_dma2 semaphore(%run_scoped3A : memref<!tpu.dma_semaphore, #tpu.memory_space<semaphore_mem>>) src(%arg10 : memref<1000x16xf32, #tpu.memory_space<vmem>>) dst(%dma_wait3A_172 : memref<1000x16xf32, #tpu.memory_space<vmem_shared>>)
        tpu.yield
      }) : () -> ()
    } else {
    }
    %barrier3A = arith.constant 0 : index
    tpu.barrier barrier_id(%barrier3A)
    %scan3A_32 = arith.constant 0 : i32
    %scan3A_33 = arith.constant 0 : i32
    %scan3A_34 = arith.constant 196 : i32
    %scan3A_35 = arith.addi %scan3A_33, %scan3A_34 : i32
    %scan3A_36 = arith.constant 1 : i32
    scf.for %scan3A_165 = %scan3A_33 to %scan3A_35 step %scan3A_36  : i32 {
      %mul3A_166 = arith.constant 2 : i32
      %mul3A_167 = arith.muli %mul3A_166, %scan3A_165 : i32
      %add3A_168 = arith.constant 0 : i32
      %add3A_169 = arith.addi %mul3A_167, %add3A_168 : i32
      %mul3A_170 = arith.constant 16 : i32
      %mul3A_171 = arith.muli %mul3A_170, %add3A_169 : i32
      %add3A_172 = arith.addi %arg1, %mul3A_171 : i32
      %mul3A_173 = arith.constant 2 : i32
      %mul3A_174 = arith.muli %mul3A_173, %scan3A_165 : i32
      %add3A_175 = arith.constant 1 : i32
      %add3A_176 = arith.addi %mul3A_174, %add3A_175 : i32
      %mul3A_177 = arith.constant 16 : i32
      %mul3A_178 = arith.muli %mul3A_177, %add3A_176 : i32
      %add3A_179 = arith.addi %arg1, %mul3A_178 : i32
      %gt3A = arith.constant 0 : i32
      %gt3A_180 = arith.cmpi sgt, %scan3A_165, %gt3A : i32
      %sub3A = arith.constant 32 : i32
      %sub3A_181 = arith.subi %add3A_172, %sub3A : i32
      %lt3A_182 = arith.constant 6250 : i32
      %lt3A_183 = arith.cmpi slt, %sub3A_181, %lt3A_182 : i32
      %and3A = arith.andi %gt3A_180, %lt3A_183 : i1
      %convert_element_type3A_184 = arith.extui %and3A : i1 to i32
      %cond3A_185 = arith.constant 0 : i32
      %cond3A_186 = arith.cmpi ne, %convert_element_type3A_184, %cond3A_185 : i32
      scf.if %cond3A_186 {
        %dma_wait3A = arith.constant 0 : i32
        %dma_wait3A_217 = arith.constant 0 : i32
        %dma_wait3A_218 = arith.constant 0 : i32
        %dma_wait3A_219 = arith.constant 0 : i32
        %dma_wait3A_220 = tpu.memref_slice %arg9[%dma_wait3A, %dma_wait3A_218, %dma_wait3A_219] : memref<2x128x16xf32, #tpu.memory_space<vmem>> -> memref<1x128x16xf32, #tpu.memory_space<vmem>>
        %dma_wait3A_221 = tpu.memref_squeeze %dma_wait3A_220 : memref<1x128x16xf32, #tpu.memory_space<vmem>> -> memref<128x16xf32, #tpu.memory_space<vmem>>
        %dma_wait3A_222 = arith.constant 0 : i32
        %dma_wait3A_223 = tpu.memref_slice %arg8[%dma_wait3A_217, %dma_wait3A_222] : memref<2x128xi32, #tpu.memory_space<vmem>> -> memref<1x128xi32, #tpu.memory_space<vmem>>
        %dma_wait3A_224 = tpu.memref_squeeze %dma_wait3A_223 : memref<1x128xi32, #tpu.memory_space<vmem>> -> memref<128xi32, #tpu.memory_space<vmem>>
        %dma_wait3A_225 = arith.constant 0 : i32
        %dma_wait3A_226 = arith.constant 0 : i32
        %dma_wait3A_227 = tpu.memref_slice %arg18[%dma_wait3A_225, %dma_wait3A_226] : memref<50000x16xf32, #tpu.memory_space<vmem_shared>> -> memref<50000x16xf32, #tpu.memory_space<vmem_shared>>
        tpu.wait_indirect_dma semaphore(%arg16 : memref<!tpu.dma_semaphore, #tpu.memory_space<semaphore_mem>>) src(%dma_wait3A_221 : memref<128x16xf32, #tpu.memory_space<vmem>>) dst(%dma_wait3A_227 : memref<50000x16xf32, #tpu.memory_space<vmem_shared>>)
      } else {
      }
      %lt3A_187 = arith.constant 6250 : i32
      %lt3A_188 = arith.cmpi slt, %add3A_172, %lt3A_187 : i32
      %convert_element_type3A_189 = arith.extui %lt3A_188 : i1 to i32
      %cond3A_190 = arith.constant 0 : i32
      %cond3A_191 = arith.cmpi ne, %convert_element_type3A_189, %cond3A_190 : i32
      scf.if %cond3A_191 {
        %mul3A_217 = arith.constant 128 : i32
        %mul3A_218 = arith.muli %add3A_172, %mul3A_217 : i32
        %dma_start3A = arith.constant 0 : i32
        %dma_start3A_219 = arith.constant 0 : i32
        %dma_start3A_220 = tpu.memref_slice %arg8[%dma_start3A, %dma_start3A_219] : memref<2x128xi32, #tpu.memory_space<vmem>> -> memref<1x128xi32, #tpu.memory_space<vmem>>
        %dma_start3A_221 = tpu.memref_squeeze %dma_start3A_220 : memref<1x128xi32, #tpu.memory_space<vmem>> -> memref<128xi32, #tpu.memory_space<vmem>>
        %dma_start3A_222 = tpu.memref_slice %arg3[%mul3A_218] : memref<800000xi32, #tpu.memory_space<hbm>> -> memref<128xi32, #tpu.memory_space<hbm>>
        %dma_start3A_223 = arith.constant 0 : i32
        %dma_start3A_224 = tpu.memref_slice %arg8[%dma_start3A, %dma_start3A_223] : memref<2x128xi32, #tpu.memory_space<vmem>> -> memref<1x128xi32, #tpu.memory_space<vmem>>
        %dma_start3A_225 = tpu.memref_squeeze %dma_start3A_224 : memref<1x128xi32, #tpu.memory_space<vmem>> -> memref<128xi32, #tpu.memory_space<vmem>>
        %dma_start3A_226 = tpu.memref_slice %arg3[%mul3A_218] : memref<800000xi32, #tpu.memory_space<hbm>> -> memref<128xi32, #tpu.memory_space<hbm>>
        tpu.enqueue_dma source(%dma_start3A_226 : memref<128xi32, #tpu.memory_space<hbm>>) target(%dma_start3A_225 : memref<128xi32, #tpu.memory_space<vmem>>) target_semaphore(%arg12 : memref<!tpu.dma_semaphore, #tpu.memory_space<semaphore_mem>>)
        %dma_start3A_227 = arith.constant 0 : i32
        %dma_start3A_228 = arith.constant 0 : i32
        %dma_start3A_229 = arith.constant 0 : i32
        %dma_start3A_230 = tpu.memref_slice %arg9[%dma_start3A_227, %dma_start3A_228, %dma_start3A_229] : memref<2x128x16xf32, #tpu.memory_space<vmem>> -> memref<1x128x16xf32, #tpu.memory_space<vmem>>
        %dma_start3A_231 = tpu.memref_squeeze %dma_start3A_230 : memref<1x128x16xf32, #tpu.memory_space<vmem>> -> memref<128x16xf32, #tpu.memory_space<vmem>>
        %dma_start3A_232 = tpu.memref_slice %arg2[%mul3A_218, %add3A_6] : memref<800000x128xf32, #tpu.memory_space<hbm>> -> memref<128x16xf32, #tpu.memory_space<hbm>>
        %dma_start3A_233 = arith.constant 0 : i32
        %dma_start3A_234 = arith.constant 0 : i32
        %dma_start3A_235 = tpu.memref_slice %arg9[%dma_start3A_227, %dma_start3A_233, %dma_start3A_234] : memref<2x128x16xf32, #tpu.memory_space<vmem>> -> memref<1x128x16xf32, #tpu.memory_space<vmem>>
        %dma_start3A_236 = tpu.memref_squeeze %dma_start3A_235 : memref<1x128x16xf32, #tpu.memory_space<vmem>> -> memref<128x16xf32, #tpu.memory_space<vmem>>
        %dma_start3A_237 = tpu.memref_slice %arg2[%mul3A_218, %add3A_6] : memref<800000x128xf32, #tpu.memory_space<hbm>> -> memref<128x16xf32, #tpu.memory_space<hbm>>
        tpu.enqueue_dma source(%dma_start3A_237 : memref<128x16xf32, #tpu.memory_space<hbm>>) target(%dma_start3A_236 : memref<128x16xf32, #tpu.memory_space<vmem>>) target_semaphore(%arg14 : memref<!tpu.dma_semaphore, #tpu.memory_space<semaphore_mem>>)
      } else {
      }
      %gt3A_192 = arith.constant 0 : i32
      %gt3A_193 = arith.cmpi sgt, %scan3A_165, %gt3A_192 : i32
      %sub3A_194 = arith.constant 32 : i32
      %sub3A_195 = arith.subi %add3A_179, %sub3A_194 : i32
      %lt3A_196 = arith.constant 6250 : i32
      %lt3A_197 = arith.cmpi slt, %sub3A_195, %lt3A_196 : i32
      %and3A_198 = arith.andi %gt3A_193, %lt3A_197 : i1
      %convert_element_type3A_199 = arith.extui %and3A_198 : i1 to i32
      %cond3A_200 = arith.constant 0 : i32
      %cond3A_201 = arith.cmpi ne, %convert_element_type3A_199, %cond3A_200 : i32
      scf.if %cond3A_201 {
        %dma_wait3A = arith.constant 1 : i32
        %dma_wait3A_217 = arith.constant 1 : i32
        %dma_wait3A_218 = arith.constant 0 : i32
        %dma_wait3A_219 = arith.constant 0 : i32
        %dma_wait3A_220 = tpu.memref_slice %arg9[%dma_wait3A, %dma_wait3A_218, %dma_wait3A_219] : memref<2x128x16xf32, #tpu.memory_space<vmem>> -> memref<1x128x16xf32, #tpu.memory_space<vmem>>
        %dma_wait3A_221 = tpu.memref_squeeze %dma_wait3A_220 : memref<1x128x16xf32, #tpu.memory_space<vmem>> -> memref<128x16xf32, #tpu.memory_space<vmem>>
        %dma_wait3A_222 = arith.constant 0 : i32
        %dma_wait3A_223 = tpu.memref_slice %arg8[%dma_wait3A_217, %dma_wait3A_222] : memref<2x128xi32, #tpu.memory_space<vmem>> -> memref<1x128xi32, #tpu.memory_space<vmem>>
        %dma_wait3A_224 = tpu.memref_squeeze %dma_wait3A_223 : memref<1x128xi32, #tpu.memory_space<vmem>> -> memref<128xi32, #tpu.memory_space<vmem>>
        %dma_wait3A_225 = arith.constant 0 : i32
        %dma_wait3A_226 = arith.constant 0 : i32
        %dma_wait3A_227 = tpu.memref_slice %arg18[%dma_wait3A_225, %dma_wait3A_226] : memref<50000x16xf32, #tpu.memory_space<vmem_shared>> -> memref<50000x16xf32, #tpu.memory_space<vmem_shared>>
        tpu.wait_indirect_dma semaphore(%arg17 : memref<!tpu.dma_semaphore, #tpu.memory_space<semaphore_mem>>) src(%dma_wait3A_221 : memref<128x16xf32, #tpu.memory_space<vmem>>) dst(%dma_wait3A_227 : memref<50000x16xf32, #tpu.memory_space<vmem_shared>>)
      } else {
      }
      %lt3A_202 = arith.constant 6250 : i32
      %lt3A_203 = arith.cmpi slt, %add3A_179, %lt3A_202 : i32
      %convert_element_type3A_204 = arith.extui %lt3A_203 : i1 to i32
      %cond3A_205 = arith.constant 0 : i32
      %cond3A_206 = arith.cmpi ne, %convert_element_type3A_204, %cond3A_205 : i32
      scf.if %cond3A_206 {
        %mul3A_217 = arith.constant 128 : i32
        %mul3A_218 = arith.muli %add3A_179, %mul3A_217 : i32
        %dma_start3A = arith.constant 1 : i32
        %dma_start3A_219 = arith.constant 0 : i32
        %dma_start3A_220 = tpu.memref_slice %arg8[%dma_start3A, %dma_start3A_219] : memref<2x128xi32, #tpu.memory_space<vmem>> -> memref<1x128xi32, #tpu.memory_space<vmem>>
        %dma_start3A_221 = tpu.memref_squeeze %dma_start3A_220 : memref<1x128xi32, #tpu.memory_space<vmem>> -> memref<128xi32, #tpu.memory_space<vmem>>
        %dma_start3A_222 = tpu.memref_slice %arg3[%mul3A_218] : memref<800000xi32, #tpu.memory_space<hbm>> -> memref<128xi32, #tpu.memory_space<hbm>>
        %dma_start3A_223 = arith.constant 0 : i32
        %dma_start3A_224 = tpu.memref_slice %arg8[%dma_start3A, %dma_start3A_223] : memref<2x128xi32, #tpu.memory_space<vmem>> -> memref<1x128xi32, #tpu.memory_space<vmem>>
        %dma_start3A_225 = tpu.memref_squeeze %dma_start3A_224 : memref<1x128xi32, #tpu.memory_space<vmem>> -> memref<128xi32, #tpu.memory_space<vmem>>
        %dma_start3A_226 = tpu.memref_slice %arg3[%mul3A_218] : memref<800000xi32, #tpu.memory_space<hbm>> -> memref<128xi32, #tpu.memory_space<hbm>>
        tpu.enqueue_dma source(%dma_start3A_226 : memref<128xi32, #tpu.memory_space<hbm>>) target(%dma_start3A_225 : memref<128xi32, #tpu.memory_space<vmem>>) target_semaphore(%arg13 : memref<!tpu.dma_semaphore, #tpu.memory_space<semaphore_mem>>)
        %dma_start3A_227 = arith.constant 1 : i32
        %dma_start3A_228 = arith.constant 0 : i32
        %dma_start3A_229 = arith.constant 0 : i32
        %dma_start3A_230 = tpu.memref_slice %arg9[%dma_start3A_227, %dma_start3A_228, %dma_start3A_229] : memref<2x128x16xf32, #tpu.memory_space<vmem>> -> memref<1x128x16xf32, #tpu.memory_space<vmem>>
        %dma_start3A_231 = tpu.memref_squeeze %dma_start3A_230 : memref<1x128x16xf32, #tpu.memory_space<vmem>> -> memref<128x16xf32, #tpu.memory_space<vmem>>
        %dma_start3A_232 = tpu.memref_slice %arg2[%mul3A_218, %add3A_6] : memref<800000x128xf32, #tpu.memory_space<hbm>> -> memref<128x16xf32, #tpu.memory_space<hbm>>
        %dma_start3A_233 = arith.constant 0 : i32
        %dma_start3A_234 = arith.constant 0 : i32
        %dma_start3A_235 = tpu.memref_slice %arg9[%dma_start3A_227, %dma_start3A_233, %dma_start3A_234] : memref<2x128x16xf32, #tpu.memory_space<vmem>> -> memref<1x128x16xf32, #tpu.memory_space<vmem>>
        %dma_start3A_236 = tpu.memref_squeeze %dma_start3A_235 : memref<1x128x16xf32, #tpu.memory_space<vmem>> -> memref<128x16xf32, #tpu.memory_space<vmem>>
        %dma_start3A_237 = tpu.memref_slice %arg2[%mul3A_218, %add3A_6] : memref<800000x128xf32, #tpu.memory_space<hbm>> -> memref<128x16xf32, #tpu.memory_space<hbm>>
        tpu.enqueue_dma source(%dma_start3A_237 : memref<128x16xf32, #tpu.memory_space<hbm>>) target(%dma_start3A_236 : memref<128x16xf32, #tpu.memory_space<vmem>>) target_semaphore(%arg15 : memref<!tpu.dma_semaphore, #tpu.memory_space<semaphore_mem>>)
      } else {
      }
      %lt3A_207 = arith.constant 6250 : i32
      %lt3A_208 = arith.cmpi slt, %add3A_172, %lt3A_207 : i32
      %convert_element_type3A_209 = arith.extui %lt3A_208 : i1 to i32
      %cond3A_210 = arith.constant 0 : i32
      %cond3A_211 = arith.cmpi ne, %convert_element_type3A_209, %cond3A_210 : i32
      scf.if %cond3A_211 {
        %mul3A_217 = arith.constant 128 : i32
        %mul3A_218 = arith.muli %add3A_172, %mul3A_217 : i32
        %dma_wait3A = arith.constant 0 : i32
        %dma_wait3A_219 = arith.constant 0 : i32
        %dma_wait3A_220 = tpu.memref_slice %arg8[%dma_wait3A, %dma_wait3A_219] : memref<2x128xi32, #tpu.memory_space<vmem>> -> memref<1x128xi32, #tpu.memory_space<vmem>>
        %dma_wait3A_221 = tpu.memref_squeeze %dma_wait3A_220 : memref<1x128xi32, #tpu.memory_space<vmem>> -> memref<128xi32, #tpu.memory_space<vmem>>
        %dma_wait3A_222 = tpu.memref_slice %arg3[%mul3A_218] : memref<800000xi32, #tpu.memory_space<hbm>> -> memref<128xi32, #tpu.memory_space<hbm>>
        %dma_wait3A_223 = arith.constant 0 : i32
        %dma_wait3A_224 = tpu.memref_slice %arg8[%dma_wait3A, %dma_wait3A_223] : memref<2x128xi32, #tpu.memory_space<vmem>> -> memref<1x128xi32, #tpu.memory_space<vmem>>
        %dma_wait3A_225 = tpu.memref_squeeze %dma_wait3A_224 : memref<1x128xi32, #tpu.memory_space<vmem>> -> memref<128xi32, #tpu.memory_space<vmem>>
        %dma_wait3A_226 = tpu.memref_slice %arg3[%mul3A_218] : memref<800000xi32, #tpu.memory_space<hbm>> -> memref<128xi32, #tpu.memory_space<hbm>>
        tpu.wait_dma2 semaphore(%arg12 : memref<!tpu.dma_semaphore, #tpu.memory_space<semaphore_mem>>) src(%dma_wait3A_226 : memref<128xi32, #tpu.memory_space<hbm>>) dst(%dma_wait3A_225 : memref<128xi32, #tpu.memory_space<vmem>>)
        %dma_wait3A_227 = arith.constant 0 : i32
        %dma_wait3A_228 = arith.constant 0 : i32
        %dma_wait3A_229 = arith.constant 0 : i32
        %dma_wait3A_230 = tpu.memref_slice %arg9[%dma_wait3A_227, %dma_wait3A_228, %dma_wait3A_229] : memref<2x128x16xf32, #tpu.memory_space<vmem>> -> memref<1x128x16xf32, #tpu.memory_space<vmem>>
        %dma_wait3A_231 = tpu.memref_squeeze %dma_wait3A_230 : memref<1x128x16xf32, #tpu.memory_space<vmem>> -> memref<128x16xf32, #tpu.memory_space<vmem>>
        %dma_wait3A_232 = tpu.memref_slice %arg2[%mul3A_218, %add3A_6] : memref<800000x128xf32, #tpu.memory_space<hbm>> -> memref<128x16xf32, #tpu.memory_space<hbm>>
        %dma_wait3A_233 = arith.constant 0 : i32
        %dma_wait3A_234 = arith.constant 0 : i32
        %dma_wait3A_235 = tpu.memref_slice %arg9[%dma_wait3A_227, %dma_wait3A_233, %dma_wait3A_234] : memref<2x128x16xf32, #tpu.memory_space<vmem>> -> memref<1x128x16xf32, #tpu.memory_space<vmem>>
        %dma_wait3A_236 = tpu.memref_squeeze %dma_wait3A_235 : memref<1x128x16xf32, #tpu.memory_space<vmem>> -> memref<128x16xf32, #tpu.memory_space<vmem>>
        %dma_wait3A_237 = tpu.memref_slice %arg2[%mul3A_218, %add3A_6] : memref<800000x128xf32, #tpu.memory_space<hbm>> -> memref<128x16xf32, #tpu.memory_space<hbm>>
        tpu.wait_dma2 semaphore(%arg14 : memref<!tpu.dma_semaphore, #tpu.memory_space<semaphore_mem>>) src(%dma_wait3A_237 : memref<128x16xf32, #tpu.memory_space<hbm>>) dst(%dma_wait3A_236 : memref<128x16xf32, #tpu.memory_space<vmem>>)
        %dma_start3A = arith.constant 0 : i32
        %dma_start3A_238 = arith.constant 0 : i32
        %dma_start3A_239 = arith.constant 0 : i32
        %dma_start3A_240 = arith.constant 0 : i32
        %dma_start3A_241 = tpu.memref_slice %arg9[%dma_start3A, %dma_start3A_239, %dma_start3A_240] : memref<2x128x16xf32, #tpu.memory_space<vmem>> -> memref<1x128x16xf32, #tpu.memory_space<vmem>>
        %dma_start3A_242 = tpu.memref_squeeze %dma_start3A_241 : memref<1x128x16xf32, #tpu.memory_space<vmem>> -> memref<128x16xf32, #tpu.memory_space<vmem>>
        %dma_start3A_243 = arith.constant 0 : i32
        %dma_start3A_244 = tpu.memref_slice %arg8[%dma_start3A_238, %dma_start3A_243] : memref<2x128xi32, #tpu.memory_space<vmem>> -> memref<1x128xi32, #tpu.memory_space<vmem>>
        %dma_start3A_245 = tpu.memref_squeeze %dma_start3A_244 : memref<1x128xi32, #tpu.memory_space<vmem>> -> memref<128xi32, #tpu.memory_space<vmem>>
        %dma_start3A_246 = arith.constant 0 : i32
        %dma_start3A_247 = arith.constant 0 : i32
        %dma_start3A_248 = tpu.memref_slice %arg18[%dma_start3A_246, %dma_start3A_247] : memref<50000x16xf32, #tpu.memory_space<vmem_shared>> -> memref<50000x16xf32, #tpu.memory_space<vmem_shared>>
        tpu.enqueue_indirect_dma source(%dma_start3A_242 : memref<128x16xf32, #tpu.memory_space<vmem>>) target(%dma_start3A_248 : memref<50000x16xf32, #tpu.memory_space<vmem_shared>>) offsets(%dma_start3A_245 : memref<128xi32, #tpu.memory_space<vmem>>) semaphore(%arg16 : memref<!tpu.dma_semaphore, #tpu.memory_space<semaphore_mem>>) {add = true}
      } else {
      }
      %lt3A_212 = arith.constant 6250 : i32
      %lt3A_213 = arith.cmpi slt, %add3A_179, %lt3A_212 : i32
      %convert_element_type3A_214 = arith.extui %lt3A_213 : i1 to i32
      %cond3A_215 = arith.constant 0 : i32
      %cond3A_216 = arith.cmpi ne, %convert_element_type3A_214, %cond3A_215 : i32
      scf.if %cond3A_216 {
        %mul3A_217 = arith.constant 128 : i32
        %mul3A_218 = arith.muli %add3A_179, %mul3A_217 : i32
        %dma_wait3A = arith.constant 1 : i32
        %dma_wait3A_219 = arith.constant 0 : i32
        %dma_wait3A_220 = tpu.memref_slice %arg8[%dma_wait3A, %dma_wait3A_219] : memref<2x128xi32, #tpu.memory_space<vmem>> -> memref<1x128xi32, #tpu.memory_space<vmem>>
        %dma_wait3A_221 = tpu.memref_squeeze %dma_wait3A_220 : memref<1x128xi32, #tpu.memory_space<vmem>> -> memref<128xi32, #tpu.memory_space<vmem>>
        %dma_wait3A_222 = tpu.memref_slice %arg3[%mul3A_218] : memref<800000xi32, #tpu.memory_space<hbm>> -> memref<128xi32, #tpu.memory_space<hbm>>
        %dma_wait3A_223 = arith.constant 0 : i32
        %dma_wait3A_224 = tpu.memref_slice %arg8[%dma_wait3A, %dma_wait3A_223] : memref<2x128xi32, #tpu.memory_space<vmem>> -> memref<1x128xi32, #tpu.memory_space<vmem>>
        %dma_wait3A_225 = tpu.memref_squeeze %dma_wait3A_224 : memref<1x128xi32, #tpu.memory_space<vmem>> -> memref<128xi32, #tpu.memory_space<vmem>>
        %dma_wait3A_226 = tpu.memref_slice %arg3[%mul3A_218] : memref<800000xi32, #tpu.memory_space<hbm>> -> memref<128xi32, #tpu.memory_space<hbm>>
        tpu.wait_dma2 semaphore(%arg13 : memref<!tpu.dma_semaphore, #tpu.memory_space<semaphore_mem>>) src(%dma_wait3A_226 : memref<128xi32, #tpu.memory_space<hbm>>) dst(%dma_wait3A_225 : memref<128xi32, #tpu.memory_space<vmem>>)
        %dma_wait3A_227 = arith.constant 1 : i32
        %dma_wait3A_228 = arith.constant 0 : i32
        %dma_wait3A_229 = arith.constant 0 : i32
        %dma_wait3A_230 = tpu.memref_slice %arg9[%dma_wait3A_227, %dma_wait3A_228, %dma_wait3A_229] : memref<2x128x16xf32, #tpu.memory_space<vmem>> -> memref<1x128x16xf32, #tpu.memory_space<vmem>>
        %dma_wait3A_231 = tpu.memref_squeeze %dma_wait3A_230 : memref<1x128x16xf32, #tpu.memory_space<vmem>> -> memref<128x16xf32, #tpu.memory_space<vmem>>
        %dma_wait3A_232 = tpu.memref_slice %arg2[%mul3A_218, %add3A_6] : memref<800000x128xf32, #tpu.memory_space<hbm>> -> memref<128x16xf32, #tpu.memory_space<hbm>>
        %dma_wait3A_233 = arith.constant 0 : i32
        %dma_wait3A_234 = arith.constant 0 : i32
        %dma_wait3A_235 = tpu.memref_slice %arg9[%dma_wait3A_227, %dma_wait3A_233, %dma_wait3A_234] : memref<2x128x16xf32, #tpu.memory_space<vmem>> -> memref<1x128x16xf32, #tpu.memory_space<vmem>>
        %dma_wait3A_236 = tpu.memref_squeeze %dma_wait3A_235 : memref<1x128x16xf32, #tpu.memory_space<vmem>> -> memref<128x16xf32, #tpu.memory_space<vmem>>
        %dma_wait3A_237 = tpu.memref_slice %arg2[%mul3A_218, %add3A_6] : memref<800000x128xf32, #tpu.memory_space<hbm>> -> memref<128x16xf32, #tpu.memory_space<hbm>>
        tpu.wait_dma2 semaphore(%arg15 : memref<!tpu.dma_semaphore, #tpu.memory_space<semaphore_mem>>) src(%dma_wait3A_237 : memref<128x16xf32, #tpu.memory_space<hbm>>) dst(%dma_wait3A_236 : memref<128x16xf32, #tpu.memory_space<vmem>>)
        %dma_start3A = arith.constant 1 : i32
        %dma_start3A_238 = arith.constant 1 : i32
        %dma_start3A_239 = arith.constant 0 : i32
        %dma_start3A_240 = arith.constant 0 : i32
        %dma_start3A_241 = tpu.memref_slice %arg9[%dma_start3A, %dma_start3A_239, %dma_start3A_240] : memref<2x128x16xf32, #tpu.memory_space<vmem>> -> memref<1x128x16xf32, #tpu.memory_space<vmem>>
        %dma_start3A_242 = tpu.memref_squeeze %dma_start3A_241 : memref<1x128x16xf32, #tpu.memory_space<vmem>> -> memref<128x16xf32, #tpu.memory_space<vmem>>
        %dma_start3A_243 = arith.constant 0 : i32
        %dma_start3A_244 = tpu.memref_slice %arg8[%dma_start3A_238, %dma_start3A_243] : memref<2x128xi32, #tpu.memory_space<vmem>> -> memref<1x128xi32, #tpu.memory_space<vmem>>
        %dma_start3A_245 = tpu.memref_squeeze %dma_start3A_244 : memref<1x128xi32, #tpu.memory_space<vmem>> -> memref<128xi32, #tpu.memory_space<vmem>>
        %dma_start3A_246 = arith.constant 0 : i32
        %dma_start3A_247 = arith.constant 0 : i32
        %dma_start3A_248 = tpu.memref_slice %arg18[%dma_start3A_246, %dma_start3A_247] : memref<50000x16xf32, #tpu.memory_space<vmem_shared>> -> memref<50000x16xf32, #tpu.memory_space<vmem_shared>>
        tpu.enqueue_indirect_dma source(%dma_start3A_242 : memref<128x16xf32, #tpu.memory_space<vmem>>) target(%dma_start3A_248 : memref<50000x16xf32, #tpu.memory_space<vmem_shared>>) offsets(%dma_start3A_245 : memref<128xi32, #tpu.memory_space<vmem>>) semaphore(%arg17 : memref<!tpu.dma_semaphore, #tpu.memory_space<semaphore_mem>>) {add = true}
      } else {
      }
    }
    %scan3A_37 = arith.constant 196 : i32
    %add3A_38 = arith.constant 6240 : i32
    %add3A_39 = arith.addi %arg1, %add3A_38 : i32
    %lt3A_40 = arith.constant 6250 : i32
    %lt3A_41 = arith.cmpi slt, %add3A_39, %lt3A_40 : i32
    %convert_element_type3A_42 = arith.extui %lt3A_41 : i1 to i32
    %cond3A_43 = arith.constant 0 : i32
    %cond3A_44 = arith.cmpi ne, %convert_element_type3A_42, %cond3A_43 : i32
    scf.if %cond3A_44 {
      %dma_wait3A = arith.constant 0 : i32
      %dma_wait3A_165 = arith.constant 0 : i32
      %dma_wait3A_166 = arith.constant 0 : i32
      %dma_wait3A_167 = arith.constant 0 : i32
      %dma_wait3A_168 = tpu.memref_slice %arg9[%dma_wait3A, %dma_wait3A_166, %dma_wait3A_167] : memref<2x128x16xf32, #tpu.memory_space<vmem>> -> memref<1x128x16xf32, #tpu.memory_space<vmem>>
      %dma_wait3A_169 = tpu.memref_squeeze %dma_wait3A_168 : memref<1x128x16xf32, #tpu.memory_space<vmem>> -> memref<128x16xf32, #tpu.memory_space<vmem>>
      %dma_wait3A_170 = arith.constant 0 : i32
      %dma_wait3A_171 = tpu.memref_slice %arg8[%dma_wait3A_165, %dma_wait3A_170] : memref<2x128xi32, #tpu.memory_space<vmem>> -> memref<1x128xi32, #tpu.memory_space<vmem>>
      %dma_wait3A_172 = tpu.memref_squeeze %dma_wait3A_171 : memref<1x128xi32, #tpu.memory_space<vmem>> -> memref<128xi32, #tpu.memory_space<vmem>>
      %dma_wait3A_173 = arith.constant 0 : i32
      %dma_wait3A_174 = arith.constant 0 : i32
      %dma_wait3A_175 = tpu.memref_slice %arg18[%dma_wait3A_173, %dma_wait3A_174] : memref<50000x16xf32, #tpu.memory_space<vmem_shared>> -> memref<50000x16xf32, #tpu.memory_space<vmem_shared>>
      tpu.wait_indirect_dma semaphore(%arg16 : memref<!tpu.dma_semaphore, #tpu.memory_space<semaphore_mem>>) src(%dma_wait3A_169 : memref<128x16xf32, #tpu.memory_space<vmem>>) dst(%dma_wait3A_175 : memref<50000x16xf32, #tpu.memory_space<vmem_shared>>)
    } else {
    }
    %add3A_45 = arith.constant 6256 : i32
    %add3A_46 = arith.addi %arg1, %add3A_45 : i32
    %lt3A_47 = arith.constant 6250 : i32
    %lt3A_48 = arith.cmpi slt, %add3A_46, %lt3A_47 : i32
    %convert_element_type3A_49 = arith.extui %lt3A_48 : i1 to i32
    %cond3A_50 = arith.constant 0 : i32
    %cond3A_51 = arith.cmpi ne, %convert_element_type3A_49, %cond3A_50 : i32
    scf.if %cond3A_51 {
      %dma_wait3A = arith.constant 1 : i32
      %dma_wait3A_165 = arith.constant 1 : i32
      %dma_wait3A_166 = arith.constant 0 : i32
      %dma_wait3A_167 = arith.constant 0 : i32
      %dma_wait3A_168 = tpu.memref_slice %arg9[%dma_wait3A, %dma_wait3A_166, %dma_wait3A_167] : memref<2x128x16xf32, #tpu.memory_space<vmem>> -> memref<1x128x16xf32, #tpu.memory_space<vmem>>
      %dma_wait3A_169 = tpu.memref_squeeze %dma_wait3A_168 : memref<1x128x16xf32, #tpu.memory_space<vmem>> -> memref<128x16xf32, #tpu.memory_space<vmem>>
      %dma_wait3A_170 = arith.constant 0 : i32
      %dma_wait3A_171 = tpu.memref_slice %arg8[%dma_wait3A_165, %dma_wait3A_170] : memref<2x128xi32, #tpu.memory_space<vmem>> -> memref<1x128xi32, #tpu.memory_space<vmem>>
      %dma_wait3A_172 = tpu.memref_squeeze %dma_wait3A_171 : memref<1x128xi32, #tpu.memory_space<vmem>> -> memref<128xi32, #tpu.memory_space<vmem>>
      %dma_wait3A_173 = arith.constant 0 : i32
      %dma_wait3A_174 = arith.constant 0 : i32
      %dma_wait3A_175 = tpu.memref_slice %arg18[%dma_wait3A_173, %dma_wait3A_174] : memref<50000x16xf32, #tpu.memory_space<vmem_shared>> -> memref<50000x16xf32, #tpu.memory_space<vmem_shared>>
      tpu.wait_indirect_dma semaphore(%arg17 : memref<!tpu.dma_semaphore, #tpu.memory_space<semaphore_mem>>) src(%dma_wait3A_169 : memref<128x16xf32, #tpu.memory_space<vmem>>) dst(%dma_wait3A_175 : memref<50000x16xf32, #tpu.memory_space<vmem_shared>>)
    } else {
    }
    %barrier3A_52 = arith.constant 0 : index
    tpu.barrier barrier_id(%barrier3A_52)
    %add3A_53 = arith.constant 0 : i32
    %add3A_54 = arith.addi %arg1, %add3A_53 : i32
    %lt3A_55 = arith.constant 50 : i32
    %lt3A_56 = arith.cmpi slt, %add3A_54, %lt3A_55 : i32
    %convert_element_type3A_57 = arith.extui %lt3A_56 : i1 to i32
    %cond3A_58 = arith.constant 0 : i32
    %cond3A_59 = arith.cmpi ne, %convert_element_type3A_57, %cond3A_58 : i32
    scf.if %cond3A_59 {
      %mul3A_165 = arith.constant 1000 : i32
      %mul3A_166 = arith.muli %add3A_54, %mul3A_165 : i32
      "tpu.region"() ({
        %run_scoped3A = tpu.sem_alloc : memref<!tpu.dma_semaphore, #tpu.memory_space<semaphore_mem>>
        %dma_start3A = arith.constant 0 : i32
        %dma_start3A_176 = tpu.memref_slice %arg18[%mul3A_166, %dma_start3A] : memref<50000x16xf32, #tpu.memory_space<vmem_shared>> -> memref<1000x16xf32, #tpu.memory_space<vmem_shared>>
        %dma_start3A_177 = arith.constant 0 : i32
        %dma_start3A_178 = tpu.memref_slice %arg18[%mul3A_166, %dma_start3A_177] : memref<50000x16xf32, #tpu.memory_space<vmem_shared>> -> memref<1000x16xf32, #tpu.memory_space<vmem_shared>>
        tpu.enqueue_dma source(%dma_start3A_178 : memref<1000x16xf32, #tpu.memory_space<vmem_shared>>) target(%arg11 : memref<1000x16xf32, #tpu.memory_space<vmem>>) target_semaphore(%run_scoped3A : memref<!tpu.dma_semaphore, #tpu.memory_space<semaphore_mem>>)
        %dma_wait3A = arith.constant 0 : i32
        %dma_wait3A_179 = tpu.memref_slice %arg18[%mul3A_166, %dma_wait3A] : memref<50000x16xf32, #tpu.memory_space<vmem_shared>> -> memref<1000x16xf32, #tpu.memory_space<vmem_shared>>
        %dma_wait3A_180 = arith.constant 0 : i32
        %dma_wait3A_181 = tpu.memref_slice %arg18[%mul3A_166, %dma_wait3A_180] : memref<50000x16xf32, #tpu.memory_space<vmem_shared>> -> memref<1000x16xf32, #tpu.memory_space<vmem_shared>>
        tpu.wait_dma2 semaphore(%run_scoped3A : memref<!tpu.dma_semaphore, #tpu.memory_space<semaphore_mem>>) src(%dma_wait3A_181 : memref<1000x16xf32, #tpu.memory_space<vmem_shared>>) dst(%arg11 : memref<1000x16xf32, #tpu.memory_space<vmem>>)
        tpu.yield
      }) : () -> ()
      %eq3A = arith.constant 0 : i32
      %eq3A_167 = arith.cmpi eq, %arg0, %eq3A : i32
      %convert_element_type3A_168 = arith.extui %eq3A_167 : i1 to i32
      %cond3A_169 = arith.constant 0 : i32
      %cond3A_170 = arith.cmpi ne, %convert_element_type3A_168, %cond3A_169 : i32
      scf.if %cond3A_170 {
        "tpu.region"() ({
          %run_scoped3A = tpu.sem_alloc : memref<!tpu.dma_semaphore, #tpu.memory_space<semaphore_mem>>
          %dma_start3A = arith.constant 0 : i32
          %dma_start3A_176 = tpu.memref_slice %arg4[%mul3A_166, %dma_start3A] : memref<50000x16xf32, #tpu.memory_space<hbm>> -> memref<1000x16xf32, #tpu.memory_space<hbm>>
          %dma_start3A_177 = arith.constant 0 : i32
          %dma_start3A_178 = tpu.memref_slice %arg4[%mul3A_166, %dma_start3A_177] : memref<50000x16xf32, #tpu.memory_space<hbm>> -> memref<1000x16xf32, #tpu.memory_space<hbm>>
          tpu.enqueue_dma source(%arg11 : memref<1000x16xf32, #tpu.memory_space<vmem>>) target(%dma_start3A_178 : memref<1000x16xf32, #tpu.memory_space<hbm>>) target_semaphore(%run_scoped3A : memref<!tpu.dma_semaphore, #tpu.memory_space<semaphore_mem>>)
          %dma_wait3A = arith.constant 0 : i32
          %dma_wait3A_179 = tpu.memref_slice %arg4[%mul3A_166, %dma_wait3A] : memref<50000x16xf32, #tpu.memory_space<hbm>> -> memref<1000x16xf32, #tpu.memory_space<hbm>>
          %dma_wait3A_180 = arith.constant 0 : i32
          %dma_wait3A_181 = tpu.memref_slice %arg4[%mul3A_166, %dma_wait3A_180] : memref<50000x16xf32, #tpu.memory_space<hbm>> -> memref<1000x16xf32, #tpu.memory_space<hbm>>
          tpu.wait_dma2 semaphore(%run_scoped3A : memref<!tpu.dma_semaphore, #tpu.memory_space<semaphore_mem>>) src(%arg11 : memref<1000x16xf32, #tpu.memory_space<vmem>>) dst(%dma_wait3A_181 : memref<1000x16xf32, #tpu.memory_space<hbm>>)
          tpu.yield
        }) : () -> ()
      } else {
      }
      %eq3A_171 = arith.constant 1 : i32
      %eq3A_172 = arith.cmpi eq, %arg0, %eq3A_171 : i32
      %convert_element_type3A_173 = arith.extui %eq3A_172 : i1 to i32
      %cond3A_174 = arith.constant 0 : i32
      %cond3A_175 = arith.cmpi ne, %convert_element_type3A_173, %cond3A_174 : i32
      scf.if %cond3A_175 {
        "tpu.region"() ({
          %run_scoped3A = tpu.sem_alloc : memref<!tpu.dma_semaphore, #tpu.memory_space<semaphore_mem>>
          %dma_start3A = arith.constant 0 : i32
          %dma_start3A_176 = tpu.memref_slice %arg5[%mul3A_166, %dma_start3A] : memref<50000x16xf32, #tpu.memory_space<hbm>> -> memref<1000x16xf32, #tpu.memory_space<hbm>>
          %dma_start3A_177 = arith.constant 0 : i32
          %dma_start3A_178 = tpu.memref_slice %arg5[%mul3A_166, %dma_start3A_177] : memref<50000x16xf32, #tpu.memory_space<hbm>> -> memref<1000x16xf32, #tpu.memory_space<hbm>>
          tpu.enqueue_dma source(%arg11 : memref<1000x16xf32, #tpu.memory_space<vmem>>) target(%dma_start3A_178 : memref<1000x16xf32, #tpu.memory_space<hbm>>) target_semaphore(%run_scoped3A : memref<!tpu.dma_semaphore, #tpu.memory_space<semaphore_mem>>)
          %dma_wait3A = arith.constant 0 : i32
          %dma_wait3A_179 = tpu.memref_slice %arg5[%mul3A_166, %dma_wait3A] : memref<50000x16xf32, #tpu.memory_space<hbm>> -> memref<1000x16xf32, #tpu.memory_space<hbm>>
          %dma_wait3A_180 = arith.constant 0 : i32
          %dma_wait3A_181 = tpu.memref_slice %arg5[%mul3A_166, %dma_wait3A_180] : memref<50000x16xf32, #tpu.memory_space<hbm>> -> memref<1000x16xf32, #tpu.memory_space<hbm>>
          tpu.wait_dma2 semaphore(%run_scoped3A : memref<!tpu.dma_semaphore, #tpu.memory_space<semaphore_mem>>) src(%arg11 : memref<1000x16xf32, #tpu.memory_space<vmem>>) dst(%dma_wait3A_181 : memref<1000x16xf32, #tpu.memory_space<hbm>>)
          tpu.yield
        }) : () -> ()
      } else {
      }
    } else {
    }
    %add3A_60 = arith.constant 16 : i32
    %add3A_61 = arith.addi %arg1, %add3A_60 : i32
    %lt3A_62 = arith.constant 50 : i32
    %lt3A_63 = arith.cmpi slt, %add3A_61, %lt3A_62 : i32
    %convert_element_type3A_64 = arith.extui %lt3A_63 : i1 to i32
    %cond3A_65 = arith.constant 0 : i32
    %cond3A_66 = arith.cmpi ne, %convert_element_type3A_64, %cond3A_65 : i32
    scf.if %cond3A_66 {
      %mul3A_165 = arith.constant 1000 : i32
      %mul3A_166 = arith.muli %add3A_61, %mul3A_165 : i32
      "tpu.region"() ({
        %run_scoped3A = tpu.sem_alloc : memref<!tpu.dma_semaphore, #tpu.memory_space<semaphore_mem>>
        %dma_start3A = arith.constant 0 : i32
        %dma_start3A_176 = tpu.memref_slice %arg18[%mul3A_166, %dma_start3A] : memref<50000x16xf32, #tpu.memory_space<vmem_shared>> -> memref<1000x16xf32, #tpu.memory_space<vmem_shared>>
        %dma_start3A_177 = arith.constant 0 : i32
        %dma_start3A_178 = tpu.memref_slice %arg18[%mul3A_166, %dma_start3A_177] : memref<50000x16xf32, #tpu.memory_space<vmem_shared>> -> memref<1000x16xf32, #tpu.memory_space<vmem_shared>>
        tpu.enqueue_dma source(%dma_start3A_178 : memref<1000x16xf32, #tpu.memory_space<vmem_shared>>) target(%arg11 : memref<1000x16xf32, #tpu.memory_space<vmem>>) target_semaphore(%run_scoped3A : memref<!tpu.dma_semaphore, #tpu.memory_space<semaphore_mem>>)
        %dma_wait3A = arith.constant 0 : i32
        %dma_wait3A_179 = tpu.memref_slice %arg18[%mul3A_166, %dma_wait3A] : memref<50000x16xf32, #tpu.memory_space<vmem_shared>> -> memref<1000x16xf32, #tpu.memory_space<vmem_shared>>
        %dma_wait3A_180 = arith.constant 0 : i32
        %dma_wait3A_181 = tpu.memref_slice %arg18[%mul3A_166, %dma_wait3A_180] : memref<50000x16xf32, #tpu.memory_space<vmem_shared>> -> memref<1000x16xf32, #tpu.memory_space<vmem_shared>>
        tpu.wait_dma2 semaphore(%run_scoped3A : memref<!tpu.dma_semaphore, #tpu.memory_space<semaphore_mem>>) src(%dma_wait3A_181 : memref<1000x16xf32, #tpu.memory_space<vmem_shared>>) dst(%arg11 : memref<1000x16xf32, #tpu.memory_space<vmem>>)
        tpu.yield
      }) : () -> ()
      %eq3A = arith.constant 0 : i32
      %eq3A_167 = arith.cmpi eq, %arg0, %eq3A : i32
      %convert_element_type3A_168 = arith.extui %eq3A_167 : i1 to i32
      %cond3A_169 = arith.constant 0 : i32
      %cond3A_170 = arith.cmpi ne, %convert_element_type3A_168, %cond3A_169 : i32
      scf.if %cond3A_170 {
        "tpu.region"() ({
          %run_scoped3A = tpu.sem_alloc : memref<!tpu.dma_semaphore, #tpu.memory_space<semaphore_mem>>
          %dma_start3A = arith.constant 0 : i32
          %dma_start3A_176 = tpu.memref_slice %arg4[%mul3A_166, %dma_start3A] : memref<50000x16xf32, #tpu.memory_space<hbm>> -> memref<1000x16xf32, #tpu.memory_space<hbm>>
          %dma_start3A_177 = arith.constant 0 : i32
          %dma_start3A_178 = tpu.memref_slice %arg4[%mul3A_166, %dma_start3A_177] : memref<50000x16xf32, #tpu.memory_space<hbm>> -> memref<1000x16xf32, #tpu.memory_space<hbm>>
          tpu.enqueue_dma source(%arg11 : memref<1000x16xf32, #tpu.memory_space<vmem>>) target(%dma_start3A_178 : memref<1000x16xf32, #tpu.memory_space<hbm>>) target_semaphore(%run_scoped3A : memref<!tpu.dma_semaphore, #tpu.memory_space<semaphore_mem>>)
          %dma_wait3A = arith.constant 0 : i32
          %dma_wait3A_179 = tpu.memref_slice %arg4[%mul3A_166, %dma_wait3A] : memref<50000x16xf32, #tpu.memory_space<hbm>> -> memref<1000x16xf32, #tpu.memory_space<hbm>>
          %dma_wait3A_180 = arith.constant 0 : i32
          %dma_wait3A_181 = tpu.memref_slice %arg4[%mul3A_166, %dma_wait3A_180] : memref<50000x16xf32, #tpu.memory_space<hbm>> -> memref<1000x16xf32, #tpu.memory_space<hbm>>
          tpu.wait_dma2 semaphore(%run_scoped3A : memref<!tpu.dma_semaphore, #tpu.memory_space<semaphore_mem>>) src(%arg11 : memref<1000x16xf32, #tpu.memory_space<vmem>>) dst(%dma_wait3A_181 : memref<1000x16xf32, #tpu.memory_space<hbm>>)
          tpu.yield
        }) : () -> ()
      } else {
      }
      %eq3A_171 = arith.constant 1 : i32
      %eq3A_172 = arith.cmpi eq, %arg0, %eq3A_171 : i32
      %convert_element_type3A_173 = arith.extui %eq3A_172 : i1 to i32
      %cond3A_174 = arith.constant 0 : i32
      %cond3A_175 = arith.cmpi ne, %convert_element_type3A_173, %cond3A_174 : i32
      scf.if %cond3A_175 {
        "tpu.region"() ({
          %run_scoped3A = tpu.sem_alloc : memref<!tpu.dma_semaphore, #tpu.memory_space<semaphore_mem>>
          %dma_start3A = arith.constant 0 : i32
          %dma_start3A_176 = tpu.memref_slice %arg5[%mul3A_166, %dma_start3A] : memref<50000x16xf32, #tpu.memory_space<hbm>> -> memref<1000x16xf32, #tpu.memory_space<hbm>>
          %dma_start3A_177 = arith.constant 0 : i32
          %dma_start3A_178 = tpu.memref_slice %arg5[%mul3A_166, %dma_start3A_177] : memref<50000x16xf32, #tpu.memory_space<hbm>> -> memref<1000x16xf32, #tpu.memory_space<hbm>>
          tpu.enqueue_dma source(%arg11 : memref<1000x16xf32, #tpu.memory_space<vmem>>) target(%dma_start3A_178 : memref<1000x16xf32, #tpu.memory_space<hbm>>) target_semaphore(%run_scoped3A : memref<!tpu.dma_semaphore, #tpu.memory_space<semaphore_mem>>)
          %dma_wait3A = arith.constant 0 : i32
          %dma_wait3A_179 = tpu.memref_slice %arg5[%mul3A_166, %dma_wait3A] : memref<50000x16xf32, #tpu.memory_space<hbm>> -> memref<1000x16xf32, #tpu.memory_space<hbm>>
          %dma_wait3A_180 = arith.constant 0 : i32
          %dma_wait3A_181 = tpu.memref_slice %arg5[%mul3A_166, %dma_wait3A_180] : memref<50000x16xf32, #tpu.memory_space<hbm>> -> memref<1000x16xf32, #tpu.memory_space<hbm>>
          tpu.wait_dma2 semaphore(%run_scoped3A : memref<!tpu.dma_semaphore, #tpu.memory_space<semaphore_mem>>) src(%arg11 : memref<1000x16xf32, #tpu.memory_space<vmem>>) dst(%dma_wait3A_181 : memref<1000x16xf32, #tpu.memory_space<hbm>>)
          tpu.yield
        }) : () -> ()
      } else {
      }
    } else {
    }
    %add3A_67 = arith.constant 32 : i32
    %add3A_68 = arith.addi %arg1, %add3A_67 : i32
    %lt3A_69 = arith.constant 50 : i32
    %lt3A_70 = arith.cmpi slt, %add3A_68, %lt3A_69 : i32
    %convert_element_type3A_71 = arith.extui %lt3A_70 : i1 to i32
    %cond3A_72 = arith.constant 0 : i32
    %cond3A_73 = arith.cmpi ne, %convert_element_type3A_71, %cond3A_72 : i32
    scf.if %cond3A_73 {
      %mul3A_165 = arith.constant 1000 : i32
      %mul3A_166 = arith.muli %add3A_68, %mul3A_165 : i32
      "tpu.region"() ({
        %run_scoped3A = tpu.sem_alloc : memref<!tpu.dma_semaphore, #tpu.memory_space<semaphore_mem>>
        %dma_start3A = arith.constant 0 : i32
        %dma_start3A_176 = tpu.memref_slice %arg18[%mul3A_166, %dma_start3A] : memref<50000x16xf32, #tpu.memory_space<vmem_shared>> -> memref<1000x16xf32, #tpu.memory_space<vmem_shared>>
        %dma_start3A_177 = arith.constant 0 : i32
        %dma_start3A_178 = tpu.memref_slice %arg18[%mul3A_166, %dma_start3A_177] : memref<50000x16xf32, #tpu.memory_space<vmem_shared>> -> memref<1000x16xf32, #tpu.memory_space<vmem_shared>>
        tpu.enqueue_dma source(%dma_start3A_178 : memref<1000x16xf32, #tpu.memory_space<vmem_shared>>) target(%arg11 : memref<1000x16xf32, #tpu.memory_space<vmem>>) target_semaphore(%run_scoped3A : memref<!tpu.dma_semaphore, #tpu.memory_space<semaphore_mem>>)
        %dma_wait3A = arith.constant 0 : i32
        %dma_wait3A_179 = tpu.memref_slice %arg18[%mul3A_166, %dma_wait3A] : memref<50000x16xf32, #tpu.memory_space<vmem_shared>> -> memref<1000x16xf32, #tpu.memory_space<vmem_shared>>
        %dma_wait3A_180 = arith.constant 0 : i32
        %dma_wait3A_181 = tpu.memref_slice %arg18[%mul3A_166, %dma_wait3A_180] : memref<50000x16xf32, #tpu.memory_space<vmem_shared>> -> memref<1000x16xf32, #tpu.memory_space<vmem_shared>>
        tpu.wait_dma2 semaphore(%run_scoped3A : memref<!tpu.dma_semaphore, #tpu.memory_space<semaphore_mem>>) src(%dma_wait3A_181 : memref<1000x16xf32, #tpu.memory_space<vmem_shared>>) dst(%arg11 : memref<1000x16xf32, #tpu.memory_space<vmem>>)
        tpu.yield
      }) : () -> ()
      %eq3A = arith.constant 0 : i32
      %eq3A_167 = arith.cmpi eq, %arg0, %eq3A : i32
      %convert_element_type3A_168 = arith.extui %eq3A_167 : i1 to i32
      %cond3A_169 = arith.constant 0 : i32
      %cond3A_170 = arith.cmpi ne, %convert_element_type3A_168, %cond3A_169 : i32
      scf.if %cond3A_170 {
        "tpu.region"() ({
          %run_scoped3A = tpu.sem_alloc : memref<!tpu.dma_semaphore, #tpu.memory_space<semaphore_mem>>
          %dma_start3A = arith.constant 0 : i32
          %dma_start3A_176 = tpu.memref_slice %arg4[%mul3A_166, %dma_start3A] : memref<50000x16xf32, #tpu.memory_space<hbm>> -> memref<1000x16xf32, #tpu.memory_space<hbm>>
          %dma_start3A_177 = arith.constant 0 : i32
          %dma_start3A_178 = tpu.memref_slice %arg4[%mul3A_166, %dma_start3A_177] : memref<50000x16xf32, #tpu.memory_space<hbm>> -> memref<1000x16xf32, #tpu.memory_space<hbm>>
          tpu.enqueue_dma source(%arg11 : memref<1000x16xf32, #tpu.memory_space<vmem>>) target(%dma_start3A_178 : memref<1000x16xf32, #tpu.memory_space<hbm>>) target_semaphore(%run_scoped3A : memref<!tpu.dma_semaphore, #tpu.memory_space<semaphore_mem>>)
          %dma_wait3A = arith.constant 0 : i32
          %dma_wait3A_179 = tpu.memref_slice %arg4[%mul3A_166, %dma_wait3A] : memref<50000x16xf32, #tpu.memory_space<hbm>> -> memref<1000x16xf32, #tpu.memory_space<hbm>>
          %dma_wait3A_180 = arith.constant 0 : i32
          %dma_wait3A_181 = tpu.memref_slice %arg4[%mul3A_166, %dma_wait3A_180] : memref<50000x16xf32, #tpu.memory_space<hbm>> -> memref<1000x16xf32, #tpu.memory_space<hbm>>
          tpu.wait_dma2 semaphore(%run_scoped3A : memref<!tpu.dma_semaphore, #tpu.memory_space<semaphore_mem>>) src(%arg11 : memref<1000x16xf32, #tpu.memory_space<vmem>>) dst(%dma_wait3A_181 : memref<1000x16xf32, #tpu.memory_space<hbm>>)
          tpu.yield
        }) : () -> ()
      } else {
      }
      %eq3A_171 = arith.constant 1 : i32
      %eq3A_172 = arith.cmpi eq, %arg0, %eq3A_171 : i32
      %convert_element_type3A_173 = arith.extui %eq3A_172 : i1 to i32
      %cond3A_174 = arith.constant 0 : i32
      %cond3A_175 = arith.cmpi ne, %convert_element_type3A_173, %cond3A_174 : i32
      scf.if %cond3A_175 {
        "tpu.region"() ({
          %run_scoped3A = tpu.sem_alloc : memref<!tpu.dma_semaphore, #tpu.memory_space<semaphore_mem>>
          %dma_start3A = arith.constant 0 : i32
          %dma_start3A_176 = tpu.memref_slice %arg5[%mul3A_166, %dma_start3A] : memref<50000x16xf32, #tpu.memory_space<hbm>> -> memref<1000x16xf32, #tpu.memory_space<hbm>>
          %dma_start3A_177 = arith.constant 0 : i32
          %dma_start3A_178 = tpu.memref_slice %arg5[%mul3A_166, %dma_start3A_177] : memref<50000x16xf32, #tpu.memory_space<hbm>> -> memref<1000x16xf32, #tpu.memory_space<hbm>>
          tpu.enqueue_dma source(%arg11 : memref<1000x16xf32, #tpu.memory_space<vmem>>) target(%dma_start3A_178 : memref<1000x16xf32, #tpu.memory_space<hbm>>) target_semaphore(%run_scoped3A : memref<!tpu.dma_semaphore, #tpu.memory_space<semaphore_mem>>)
          %dma_wait3A = arith.constant 0 : i32
          %dma_wait3A_179 = tpu.memref_slice %arg5[%mul3A_166, %dma_wait3A] : memref<50000x16xf32, #tpu.memory_space<hbm>> -> memref<1000x16xf32, #tpu.memory_space<hbm>>
          %dma_wait3A_180 = arith.constant 0 : i32
          %dma_wait3A_181 = tpu.memref_slice %arg5[%mul3A_166, %dma_wait3A_180] : memref<50000x16xf32, #tpu.memory_space<hbm>> -> memref<1000x16xf32, #tpu.memory_space<hbm>>
          tpu.wait_dma2 semaphore(%run_scoped3A : memref<!tpu.dma_semaphore, #tpu.memory_space<semaphore_mem>>) src(%arg11 : memref<1000x16xf32, #tpu.memory_space<vmem>>) dst(%dma_wait3A_181 : memref<1000x16xf32, #tpu.memory_space<hbm>>)
          tpu.yield
        }) : () -> ()
      } else {
      }
    } else {
    }
    %add3A_74 = arith.constant 48 : i32
    %add3A_75 = arith.addi %arg1, %add3A_74 : i32
    %lt3A_76 = arith.constant 50 : i32
    %lt3A_77 = arith.cmpi slt, %add3A_75, %lt3A_76 : i32
    %convert_element_type3A_78 = arith.extui %lt3A_77 : i1 to i32
    %cond3A_79 = arith.constant 0 : i32
    %cond3A_80 = arith.cmpi ne, %convert_element_type3A_78, %cond3A_79 : i32
    scf.if %cond3A_80 {
      %mul3A_165 = arith.constant 1000 : i32
      %mul3A_166 = arith.muli %add3A_75, %mul3A_165 : i32
      "tpu.region"() ({
        %run_scoped3A = tpu.sem_alloc : memref<!tpu.dma_semaphore, #tpu.memory_space<semaphore_mem>>
        %dma_start3A = arith.constant 0 : i32
        %dma_start3A_176 = tpu.memref_slice %arg18[%mul3A_166, %dma_start3A] : memref<50000x16xf32, #tpu.memory_space<vmem_shared>> -> memref<1000x16xf32, #tpu.memory_space<vmem_shared>>
        %dma_start3A_177 = arith.constant 0 : i32
        %dma_start3A_178 = tpu.memref_slice %arg18[%mul3A_166, %dma_start3A_177] : memref<50000x16xf32, #tpu.memory_space<vmem_shared>> -> memref<1000x16xf32, #tpu.memory_space<vmem_shared>>
        tpu.enqueue_dma source(%dma_start3A_178 : memref<1000x16xf32, #tpu.memory_space<vmem_shared>>) target(%arg11 : memref<1000x16xf32, #tpu.memory_space<vmem>>) target_semaphore(%run_scoped3A : memref<!tpu.dma_semaphore, #tpu.memory_space<semaphore_mem>>)
        %dma_wait3A = arith.constant 0 : i32
        %dma_wait3A_179 = tpu.memref_slice %arg18[%mul3A_166, %dma_wait3A] : memref<50000x16xf32, #tpu.memory_space<vmem_shared>> -> memref<1000x16xf32, #tpu.memory_space<vmem_shared>>
        %dma_wait3A_180 = arith.constant 0 : i32
        %dma_wait3A_181 = tpu.memref_slice %arg18[%mul3A_166, %dma_wait3A_180] : memref<50000x16xf32, #tpu.memory_space<vmem_shared>> -> memref<1000x16xf32, #tpu.memory_space<vmem_shared>>
        tpu.wait_dma2 semaphore(%run_scoped3A : memref<!tpu.dma_semaphore, #tpu.memory_space<semaphore_mem>>) src(%dma_wait3A_181 : memref<1000x16xf32, #tpu.memory_space<vmem_shared>>) dst(%arg11 : memref<1000x16xf32, #tpu.memory_space<vmem>>)
        tpu.yield
      }) : () -> ()
      %eq3A = arith.constant 0 : i32
      %eq3A_167 = arith.cmpi eq, %arg0, %eq3A : i32
      %convert_element_type3A_168 = arith.extui %eq3A_167 : i1 to i32
      %cond3A_169 = arith.constant 0 : i32
      %cond3A_170 = arith.cmpi ne, %convert_element_type3A_168, %cond3A_169 : i32
      scf.if %cond3A_170 {
        "tpu.region"() ({
          %run_scoped3A = tpu.sem_alloc : memref<!tpu.dma_semaphore, #tpu.memory_space<semaphore_mem>>
          %dma_start3A = arith.constant 0 : i32
          %dma_start3A_176 = tpu.memref_slice %arg4[%mul3A_166, %dma_start3A] : memref<50000x16xf32, #tpu.memory_space<hbm>> -> memref<1000x16xf32, #tpu.memory_space<hbm>>
          %dma_start3A_177 = arith.constant 0 : i32
          %dma_start3A_178 = tpu.memref_slice %arg4[%mul3A_166, %dma_start3A_177] : memref<50000x16xf32, #tpu.memory_space<hbm>> -> memref<1000x16xf32, #tpu.memory_space<hbm>>
          tpu.enqueue_dma source(%arg11 : memref<1000x16xf32, #tpu.memory_space<vmem>>) target(%dma_start3A_178 : memref<1000x16xf32, #tpu.memory_space<hbm>>) target_semaphore(%run_scoped3A : memref<!tpu.dma_semaphore, #tpu.memory_space<semaphore_mem>>)
          %dma_wait3A = arith.constant 0 : i32
          %dma_wait3A_179 = tpu.memref_slice %arg4[%mul3A_166, %dma_wait3A] : memref<50000x16xf32, #tpu.memory_space<hbm>> -> memref<1000x16xf32, #tpu.memory_space<hbm>>
          %dma_wait3A_180 = arith.constant 0 : i32
          %dma_wait3A_181 = tpu.memref_slice %arg4[%mul3A_166, %dma_wait3A_180] : memref<50000x16xf32, #tpu.memory_space<hbm>> -> memref<1000x16xf32, #tpu.memory_space<hbm>>
          tpu.wait_dma2 semaphore(%run_scoped3A : memref<!tpu.dma_semaphore, #tpu.memory_space<semaphore_mem>>) src(%arg11 : memref<1000x16xf32, #tpu.memory_space<vmem>>) dst(%dma_wait3A_181 : memref<1000x16xf32, #tpu.memory_space<hbm>>)
          tpu.yield
        }) : () -> ()
      } else {
      }
      %eq3A_171 = arith.constant 1 : i32
      %eq3A_172 = arith.cmpi eq, %arg0, %eq3A_171 : i32
      %convert_element_type3A_173 = arith.extui %eq3A_172 : i1 to i32
      %cond3A_174 = arith.constant 0 : i32
      %cond3A_175 = arith.cmpi ne, %convert_element_type3A_173, %cond3A_174 : i32
      scf.if %cond3A_175 {
        "tpu.region"() ({
          %run_scoped3A = tpu.sem_alloc : memref<!tpu.dma_semaphore, #tpu.memory_space<semaphore_mem>>
          %dma_start3A = arith.constant 0 : i32
          %dma_start3A_176 = tpu.memref_slice %arg5[%mul3A_166, %dma_start3A] : memref<50000x16xf32, #tpu.memory_space<hbm>> -> memref<1000x16xf32, #tpu.memory_space<hbm>>
          %dma_start3A_177 = arith.constant 0 : i32
          %dma_start3A_178 = tpu.memref_slice %arg5[%mul3A_166, %dma_start3A_177] : memref<50000x16xf32, #tpu.memory_space<hbm>> -> memref<1000x16xf32, #tpu.memory_space<hbm>>
          tpu.enqueue_dma source(%arg11 : memref<1000x16xf32, #tpu.memory_space<vmem>>) target(%dma_start3A_178 : memref<1000x16xf32, #tpu.memory_space<hbm>>) target_semaphore(%run_scoped3A : memref<!tpu.dma_semaphore, #tpu.memory_space<semaphore_mem>>)
          %dma_wait3A = arith.constant 0 : i32
          %dma_wait3A_179 = tpu.memref_slice %arg5[%mul3A_166, %dma_wait3A] : memref<50000x16xf32, #tpu.memory_space<hbm>> -> memref<1000x16xf32, #tpu.memory_space<hbm>>
          %dma_wait3A_180 = arith.constant 0 : i32
          %dma_wait3A_181 = tpu.memref_slice %arg5[%mul3A_166, %dma_wait3A_180] : memref<50000x16xf32, #tpu.memory_space<hbm>> -> memref<1000x16xf32, #tpu.memory_space<hbm>>
          tpu.wait_dma2 semaphore(%run_scoped3A : memref<!tpu.dma_semaphore, #tpu.memory_space<semaphore_mem>>) src(%arg11 : memref<1000x16xf32, #tpu.memory_space<vmem>>) dst(%dma_wait3A_181 : memref<1000x16xf32, #tpu.memory_space<hbm>>)
          tpu.yield
        }) : () -> ()
      } else {
      }
    } else {
    }
    %barrier3A_81 = arith.constant 0 : index
    tpu.barrier barrier_id(%barrier3A_81)
    %mul3A_82 = arith.constant 16 : i32
    %mul3A_83 = arith.muli %mul3A_82, %arg0 : i32
    %add3A_84 = arith.constant 32 : i32
    %add3A_85 = arith.addi %add3A_84, %mul3A_83 : i32
    %add3A_86 = arith.constant 0 : i32
    %add3A_87 = arith.addi %arg1, %add3A_86 : i32
    %lt3A_88 = arith.constant 50 : i32
    %lt3A_89 = arith.cmpi slt, %add3A_87, %lt3A_88 : i32
    %convert_element_type3A_90 = arith.extui %lt3A_89 : i1 to i32
    %cond3A_91 = arith.constant 0 : i32
    %cond3A_92 = arith.cmpi ne, %convert_element_type3A_90, %cond3A_91 : i32
    scf.if %cond3A_92 {
      %mul3A_165 = arith.constant 1000 : i32
      %mul3A_166 = arith.muli %add3A_87, %mul3A_165 : i32
      "tpu.region"() ({
        %run_scoped3A = tpu.sem_alloc : memref<!tpu.dma_semaphore, #tpu.memory_space<semaphore_mem>>
        %dma_start3A = arith.constant 0 : i32
        %dma_start3A_167 = tpu.memref_slice %arg18[%mul3A_166, %dma_start3A] : memref<50000x16xf32, #tpu.memory_space<vmem_shared>> -> memref<1000x16xf32, #tpu.memory_space<vmem_shared>>
        %dma_start3A_168 = arith.constant 0 : i32
        %dma_start3A_169 = tpu.memref_slice %arg18[%mul3A_166, %dma_start3A_168] : memref<50000x16xf32, #tpu.memory_space<vmem_shared>> -> memref<1000x16xf32, #tpu.memory_space<vmem_shared>>
        tpu.enqueue_dma source(%arg10 : memref<1000x16xf32, #tpu.memory_space<vmem>>) target(%dma_start3A_169 : memref<1000x16xf32, #tpu.memory_space<vmem_shared>>) target_semaphore(%run_scoped3A : memref<!tpu.dma_semaphore, #tpu.memory_space<semaphore_mem>>)
        %dma_wait3A = arith.constant 0 : i32
        %dma_wait3A_170 = tpu.memref_slice %arg18[%mul3A_166, %dma_wait3A] : memref<50000x16xf32, #tpu.memory_space<vmem_shared>> -> memref<1000x16xf32, #tpu.memory_space<vmem_shared>>
        %dma_wait3A_171 = arith.constant 0 : i32
        %dma_wait3A_172 = tpu.memref_slice %arg18[%mul3A_166, %dma_wait3A_171] : memref<50000x16xf32, #tpu.memory_space<vmem_shared>> -> memref<1000x16xf32, #tpu.memory_space<vmem_shared>>
        tpu.wait_dma2 semaphore(%run_scoped3A : memref<!tpu.dma_semaphore, #tpu.memory_space<semaphore_mem>>) src(%arg10 : memref<1000x16xf32, #tpu.memory_space<vmem>>) dst(%dma_wait3A_172 : memref<1000x16xf32, #tpu.memory_space<vmem_shared>>)
        tpu.yield
      }) : () -> ()
    } else {
    }
    %add3A_93 = arith.constant 16 : i32
    %add3A_94 = arith.addi %arg1, %add3A_93 : i32
    %lt3A_95 = arith.constant 50 : i32
    %lt3A_96 = arith.cmpi slt, %add3A_94, %lt3A_95 : i32
    %convert_element_type3A_97 = arith.extui %lt3A_96 : i1 to i32
    %cond3A_98 = arith.constant 0 : i32
    %cond3A_99 = arith.cmpi ne, %convert_element_type3A_97, %cond3A_98 : i32
    scf.if %cond3A_99 {
      %mul3A_165 = arith.constant 1000 : i32
      %mul3A_166 = arith.muli %add3A_94, %mul3A_165 : i32
      "tpu.region"() ({
        %run_scoped3A = tpu.sem_alloc : memref<!tpu.dma_semaphore, #tpu.memory_space<semaphore_mem>>
        %dma_start3A = arith.constant 0 : i32
        %dma_start3A_167 = tpu.memref_slice %arg18[%mul3A_166, %dma_start3A] : memref<50000x16xf32, #tpu.memory_space<vmem_shared>> -> memref<1000x16xf32, #tpu.memory_space<vmem_shared>>
        %dma_start3A_168 = arith.constant 0 : i32
        %dma_start3A_169 = tpu.memref_slice %arg18[%mul3A_166, %dma_start3A_168] : memref<50000x16xf32, #tpu.memory_space<vmem_shared>> -> memref<1000x16xf32, #tpu.memory_space<vmem_shared>>
        tpu.enqueue_dma source(%arg10 : memref<1000x16xf32, #tpu.memory_space<vmem>>) target(%dma_start3A_169 : memref<1000x16xf32, #tpu.memory_space<vmem_shared>>) target_semaphore(%run_scoped3A : memref<!tpu.dma_semaphore, #tpu.memory_space<semaphore_mem>>)
        %dma_wait3A = arith.constant 0 : i32
        %dma_wait3A_170 = tpu.memref_slice %arg18[%mul3A_166, %dma_wait3A] : memref<50000x16xf32, #tpu.memory_space<vmem_shared>> -> memref<1000x16xf32, #tpu.memory_space<vmem_shared>>
        %dma_wait3A_171 = arith.constant 0 : i32
        %dma_wait3A_172 = tpu.memref_slice %arg18[%mul3A_166, %dma_wait3A_171] : memref<50000x16xf32, #tpu.memory_space<vmem_shared>> -> memref<1000x16xf32, #tpu.memory_space<vmem_shared>>
        tpu.wait_dma2 semaphore(%run_scoped3A : memref<!tpu.dma_semaphore, #tpu.memory_space<semaphore_mem>>) src(%arg10 : memref<1000x16xf32, #tpu.memory_space<vmem>>) dst(%dma_wait3A_172 : memref<1000x16xf32, #tpu.memory_space<vmem_shared>>)
        tpu.yield
      }) : () -> ()
    } else {
    }
    %add3A_100 = arith.constant 32 : i32
    %add3A_101 = arith.addi %arg1, %add3A_100 : i32
    %lt3A_102 = arith.constant 50 : i32
    %lt3A_103 = arith.cmpi slt, %add3A_101, %lt3A_102 : i32
    %convert_element_type3A_104 = arith.extui %lt3A_103 : i1 to i32
    %cond3A_105 = arith.constant 0 : i32
    %cond3A_106 = arith.cmpi ne, %convert_element_type3A_104, %cond3A_105 : i32
    scf.if %cond3A_106 {
      %mul3A_165 = arith.constant 1000 : i32
      %mul3A_166 = arith.muli %add3A_101, %mul3A_165 : i32
      "tpu.region"() ({
        %run_scoped3A = tpu.sem_alloc : memref<!tpu.dma_semaphore, #tpu.memory_space<semaphore_mem>>
        %dma_start3A = arith.constant 0 : i32
        %dma_start3A_167 = tpu.memref_slice %arg18[%mul3A_166, %dma_start3A] : memref<50000x16xf32, #tpu.memory_space<vmem_shared>> -> memref<1000x16xf32, #tpu.memory_space<vmem_shared>>
        %dma_start3A_168 = arith.constant 0 : i32
        %dma_start3A_169 = tpu.memref_slice %arg18[%mul3A_166, %dma_start3A_168] : memref<50000x16xf32, #tpu.memory_space<vmem_shared>> -> memref<1000x16xf32, #tpu.memory_space<vmem_shared>>
        tpu.enqueue_dma source(%arg10 : memref<1000x16xf32, #tpu.memory_space<vmem>>) target(%dma_start3A_169 : memref<1000x16xf32, #tpu.memory_space<vmem_shared>>) target_semaphore(%run_scoped3A : memref<!tpu.dma_semaphore, #tpu.memory_space<semaphore_mem>>)
        %dma_wait3A = arith.constant 0 : i32
        %dma_wait3A_170 = tpu.memref_slice %arg18[%mul3A_166, %dma_wait3A] : memref<50000x16xf32, #tpu.memory_space<vmem_shared>> -> memref<1000x16xf32, #tpu.memory_space<vmem_shared>>
        %dma_wait3A_171 = arith.constant 0 : i32
        %dma_wait3A_172 = tpu.memref_slice %arg18[%mul3A_166, %dma_wait3A_171] : memref<50000x16xf32, #tpu.memory_space<vmem_shared>> -> memref<1000x16xf32, #tpu.memory_space<vmem_shared>>
        tpu.wait_dma2 semaphore(%run_scoped3A : memref<!tpu.dma_semaphore, #tpu.memory_space<semaphore_mem>>) src(%arg10 : memref<1000x16xf32, #tpu.memory_space<vmem>>) dst(%dma_wait3A_172 : memref<1000x16xf32, #tpu.memory_space<vmem_shared>>)
        tpu.yield
      }) : () -> ()
    } else {
    }
    %add3A_107 = arith.constant 48 : i32
    %add3A_108 = arith.addi %arg1, %add3A_107 : i32
    %lt3A_109 = arith.constant 50 : i32
    %lt3A_110 = arith.cmpi slt, %add3A_108, %lt3A_109 : i32
    %convert_element_type3A_111 = arith.extui %lt3A_110 : i1 to i32
    %cond3A_112 = arith.constant 0 : i32
    %cond3A_113 = arith.cmpi ne, %convert_element_type3A_111, %cond3A_112 : i32
    scf.if %cond3A_113 {
      %mul3A_165 = arith.constant 1000 : i32
      %mul3A_166 = arith.muli %add3A_108, %mul3A_165 : i32
      "tpu.region"() ({
        %run_scoped3A = tpu.sem_alloc : memref<!tpu.dma_semaphore, #tpu.memory_space<semaphore_mem>>
        %dma_start3A = arith.constant 0 : i32
        %dma_start3A_167 = tpu.memref_slice %arg18[%mul3A_166, %dma_start3A] : memref<50000x16xf32, #tpu.memory_space<vmem_shared>> -> memref<1000x16xf32, #tpu.memory_space<vmem_shared>>
        %dma_start3A_168 = arith.constant 0 : i32
        %dma_start3A_169 = tpu.memref_slice %arg18[%mul3A_166, %dma_start3A_168] : memref<50000x16xf32, #tpu.memory_space<vmem_shared>> -> memref<1000x16xf32, #tpu.memory_space<vmem_shared>>
        tpu.enqueue_dma source(%arg10 : memref<1000x16xf32, #tpu.memory_space<vmem>>) target(%dma_start3A_169 : memref<1000x16xf32, #tpu.memory_space<vmem_shared>>) target_semaphore(%run_scoped3A : memref<!tpu.dma_semaphore, #tpu.memory_space<semaphore_mem>>)
        %dma_wait3A = arith.constant 0 : i32
        %dma_wait3A_170 = tpu.memref_slice %arg18[%mul3A_166, %dma_wait3A] : memref<50000x16xf32, #tpu.memory_space<vmem_shared>> -> memref<1000x16xf32, #tpu.memory_space<vmem_shared>>
        %dma_wait3A_171 = arith.constant 0 : i32
        %dma_wait3A_172 = tpu.memref_slice %arg18[%mul3A_166, %dma_wait3A_171] : memref<50000x16xf32, #tpu.memory_space<vmem_shared>> -> memref<1000x16xf32, #tpu.memory_space<vmem_shared>>
        tpu.wait_dma2 semaphore(%run_scoped3A : memref<!tpu.dma_semaphore, #tpu.memory_space<semaphore_mem>>) src(%arg10 : memref<1000x16xf32, #tpu.memory_space<vmem>>) dst(%dma_wait3A_172 : memref<1000x16xf32, #tpu.memory_space<vmem_shared>>)
        tpu.yield
      }) : () -> ()
    } else {
    }
    %barrier3A_114 = arith.constant 0 : index
    tpu.barrier barrier_id(%barrier3A_114)
    %scan3A_115 = arith.constant 0 : i32
    %scan3A_116 = arith.constant 0 : i32
    %scan3A_117 = arith.constant 196 : i32
    %scan3A_118 = arith.addi %scan3A_116, %scan3A_117 : i32
    %scan3A_119 = arith.constant 1 : i32
    scf.for %scan3A_165 = %scan3A_116 to %scan3A_118 step %scan3A_119  : i32 {
      %mul3A_166 = arith.constant 2 : i32
      %mul3A_167 = arith.muli %mul3A_166, %scan3A_165 : i32
      %add3A_168 = arith.constant 0 : i32
      %add3A_169 = arith.addi %mul3A_167, %add3A_168 : i32
      %mul3A_170 = arith.constant 16 : i32
      %mul3A_171 = arith.muli %mul3A_170, %add3A_169 : i32
      %add3A_172 = arith.addi %arg1, %mul3A_171 : i32
      %mul3A_173 = arith.constant 2 : i32
      %mul3A_174 = arith.muli %mul3A_173, %scan3A_165 : i32
      %add3A_175 = arith.constant 1 : i32
      %add3A_176 = arith.addi %mul3A_174, %add3A_175 : i32
      %mul3A_177 = arith.constant 16 : i32
      %mul3A_178 = arith.muli %mul3A_177, %add3A_176 : i32
      %add3A_179 = arith.addi %arg1, %mul3A_178 : i32
      %gt3A = arith.constant 0 : i32
      %gt3A_180 = arith.cmpi sgt, %scan3A_165, %gt3A : i32
      %sub3A = arith.constant 32 : i32
      %sub3A_181 = arith.subi %add3A_172, %sub3A : i32
      %lt3A_182 = arith.constant 6250 : i32
      %lt3A_183 = arith.cmpi slt, %sub3A_181, %lt3A_182 : i32
      %and3A = arith.andi %gt3A_180, %lt3A_183 : i1
      %convert_element_type3A_184 = arith.extui %and3A : i1 to i32
      %cond3A_185 = arith.constant 0 : i32
      %cond3A_186 = arith.cmpi ne, %convert_element_type3A_184, %cond3A_185 : i32
      scf.if %cond3A_186 {
        %dma_wait3A = arith.constant 0 : i32
        %dma_wait3A_217 = arith.constant 0 : i32
        %dma_wait3A_218 = arith.constant 0 : i32
        %dma_wait3A_219 = arith.constant 0 : i32
        %dma_wait3A_220 = tpu.memref_slice %arg9[%dma_wait3A, %dma_wait3A_218, %dma_wait3A_219] : memref<2x128x16xf32, #tpu.memory_space<vmem>> -> memref<1x128x16xf32, #tpu.memory_space<vmem>>
        %dma_wait3A_221 = tpu.memref_squeeze %dma_wait3A_220 : memref<1x128x16xf32, #tpu.memory_space<vmem>> -> memref<128x16xf32, #tpu.memory_space<vmem>>
        %dma_wait3A_222 = arith.constant 0 : i32
        %dma_wait3A_223 = tpu.memref_slice %arg8[%dma_wait3A_217, %dma_wait3A_222] : memref<2x128xi32, #tpu.memory_space<vmem>> -> memref<1x128xi32, #tpu.memory_space<vmem>>
        %dma_wait3A_224 = tpu.memref_squeeze %dma_wait3A_223 : memref<1x128xi32, #tpu.memory_space<vmem>> -> memref<128xi32, #tpu.memory_space<vmem>>
        %dma_wait3A_225 = arith.constant 0 : i32
        %dma_wait3A_226 = arith.constant 0 : i32
        %dma_wait3A_227 = tpu.memref_slice %arg18[%dma_wait3A_225, %dma_wait3A_226] : memref<50000x16xf32, #tpu.memory_space<vmem_shared>> -> memref<50000x16xf32, #tpu.memory_space<vmem_shared>>
        tpu.wait_indirect_dma semaphore(%arg16 : memref<!tpu.dma_semaphore, #tpu.memory_space<semaphore_mem>>) src(%dma_wait3A_221 : memref<128x16xf32, #tpu.memory_space<vmem>>) dst(%dma_wait3A_227 : memref<50000x16xf32, #tpu.memory_space<vmem_shared>>)
      } else {
      }
      %lt3A_187 = arith.constant 6250 : i32
      %lt3A_188 = arith.cmpi slt, %add3A_172, %lt3A_187 : i32
      %convert_element_type3A_189 = arith.extui %lt3A_188 : i1 to i32
      %cond3A_190 = arith.constant 0 : i32
      %cond3A_191 = arith.cmpi ne, %convert_element_type3A_189, %cond3A_190 : i32
      scf.if %cond3A_191 {
        %mul3A_217 = arith.constant 128 : i32
        %mul3A_218 = arith.muli %add3A_172, %mul3A_217 : i32
        %dma_start3A = arith.constant 0 : i32
        %dma_start3A_219 = arith.constant 0 : i32
        %dma_start3A_220 = tpu.memref_slice %arg8[%dma_start3A, %dma_start3A_219] : memref<2x128xi32, #tpu.memory_space<vmem>> -> memref<1x128xi32, #tpu.memory_space<vmem>>
        %dma_start3A_221 = tpu.memref_squeeze %dma_start3A_220 : memref<1x128xi32, #tpu.memory_space<vmem>> -> memref<128xi32, #tpu.memory_space<vmem>>
        %dma_start3A_222 = tpu.memref_slice %arg3[%mul3A_218] : memref<800000xi32, #tpu.memory_space<hbm>> -> memref<128xi32, #tpu.memory_space<hbm>>
        %dma_start3A_223 = arith.constant 0 : i32
        %dma_start3A_224 = tpu.memref_slice %arg8[%dma_start3A, %dma_start3A_223] : memref<2x128xi32, #tpu.memory_space<vmem>> -> memref<1x128xi32, #tpu.memory_space<vmem>>
        %dma_start3A_225 = tpu.memref_squeeze %dma_start3A_224 : memref<1x128xi32, #tpu.memory_space<vmem>> -> memref<128xi32, #tpu.memory_space<vmem>>
        %dma_start3A_226 = tpu.memref_slice %arg3[%mul3A_218] : memref<800000xi32, #tpu.memory_space<hbm>> -> memref<128xi32, #tpu.memory_space<hbm>>
        tpu.enqueue_dma source(%dma_start3A_226 : memref<128xi32, #tpu.memory_space<hbm>>) target(%dma_start3A_225 : memref<128xi32, #tpu.memory_space<vmem>>) target_semaphore(%arg12 : memref<!tpu.dma_semaphore, #tpu.memory_space<semaphore_mem>>)
        %dma_start3A_227 = arith.constant 0 : i32
        %dma_start3A_228 = arith.constant 0 : i32
        %dma_start3A_229 = arith.constant 0 : i32
        %dma_start3A_230 = tpu.memref_slice %arg9[%dma_start3A_227, %dma_start3A_228, %dma_start3A_229] : memref<2x128x16xf32, #tpu.memory_space<vmem>> -> memref<1x128x16xf32, #tpu.memory_space<vmem>>
        %dma_start3A_231 = tpu.memref_squeeze %dma_start3A_230 : memref<1x128x16xf32, #tpu.memory_space<vmem>> -> memref<128x16xf32, #tpu.memory_space<vmem>>
        %dma_start3A_232 = tpu.memref_slice %arg2[%mul3A_218, %add3A_85] : memref<800000x128xf32, #tpu.memory_space<hbm>> -> memref<128x16xf32, #tpu.memory_space<hbm>>
        %dma_start3A_233 = arith.constant 0 : i32
        %dma_start3A_234 = arith.constant 0 : i32
        %dma_start3A_235 = tpu.memref_slice %arg9[%dma_start3A_227, %dma_start3A_233, %dma_start3A_234] : memref<2x128x16xf32, #tpu.memory_space<vmem>> -> memref<1x128x16xf32, #tpu.memory_space<vmem>>
        %dma_start3A_236 = tpu.memref_squeeze %dma_start3A_235 : memref<1x128x16xf32, #tpu.memory_space<vmem>> -> memref<128x16xf32, #tpu.memory_space<vmem>>
        %dma_start3A_237 = tpu.memref_slice %arg2[%mul3A_218, %add3A_85] : memref<800000x128xf32, #tpu.memory_space<hbm>> -> memref<128x16xf32, #tpu.memory_space<hbm>>
        tpu.enqueue_dma source(%dma_start3A_237 : memref<128x16xf32, #tpu.memory_space<hbm>>) target(%dma_start3A_236 : memref<128x16xf32, #tpu.memory_space<vmem>>) target_semaphore(%arg14 : memref<!tpu.dma_semaphore, #tpu.memory_space<semaphore_mem>>)
      } else {
      }
      %gt3A_192 = arith.constant 0 : i32
      %gt3A_193 = arith.cmpi sgt, %scan3A_165, %gt3A_192 : i32
      %sub3A_194 = arith.constant 32 : i32
      %sub3A_195 = arith.subi %add3A_179, %sub3A_194 : i32
      %lt3A_196 = arith.constant 6250 : i32
      %lt3A_197 = arith.cmpi slt, %sub3A_195, %lt3A_196 : i32
      %and3A_198 = arith.andi %gt3A_193, %lt3A_197 : i1
      %convert_element_type3A_199 = arith.extui %and3A_198 : i1 to i32
      %cond3A_200 = arith.constant 0 : i32
      %cond3A_201 = arith.cmpi ne, %convert_element_type3A_199, %cond3A_200 : i32
      scf.if %cond3A_201 {
        %dma_wait3A = arith.constant 1 : i32
        %dma_wait3A_217 = arith.constant 1 : i32
        %dma_wait3A_218 = arith.constant 0 : i32
        %dma_wait3A_219 = arith.constant 0 : i32
        %dma_wait3A_220 = tpu.memref_slice %arg9[%dma_wait3A, %dma_wait3A_218, %dma_wait3A_219] : memref<2x128x16xf32, #tpu.memory_space<vmem>> -> memref<1x128x16xf32, #tpu.memory_space<vmem>>
        %dma_wait3A_221 = tpu.memref_squeeze %dma_wait3A_220 : memref<1x128x16xf32, #tpu.memory_space<vmem>> -> memref<128x16xf32, #tpu.memory_space<vmem>>
        %dma_wait3A_222 = arith.constant 0 : i32
        %dma_wait3A_223 = tpu.memref_slice %arg8[%dma_wait3A_217, %dma_wait3A_222] : memref<2x128xi32, #tpu.memory_space<vmem>> -> memref<1x128xi32, #tpu.memory_space<vmem>>
        %dma_wait3A_224 = tpu.memref_squeeze %dma_wait3A_223 : memref<1x128xi32, #tpu.memory_space<vmem>> -> memref<128xi32, #tpu.memory_space<vmem>>
        %dma_wait3A_225 = arith.constant 0 : i32
        %dma_wait3A_226 = arith.constant 0 : i32
        %dma_wait3A_227 = tpu.memref_slice %arg18[%dma_wait3A_225, %dma_wait3A_226] : memref<50000x16xf32, #tpu.memory_space<vmem_shared>> -> memref<50000x16xf32, #tpu.memory_space<vmem_shared>>
        tpu.wait_indirect_dma semaphore(%arg17 : memref<!tpu.dma_semaphore, #tpu.memory_space<semaphore_mem>>) src(%dma_wait3A_221 : memref<128x16xf32, #tpu.memory_space<vmem>>) dst(%dma_wait3A_227 : memref<50000x16xf32, #tpu.memory_space<vmem_shared>>)
      } else {
      }
      %lt3A_202 = arith.constant 6250 : i32
      %lt3A_203 = arith.cmpi slt, %add3A_179, %lt3A_202 : i32
      %convert_element_type3A_204 = arith.extui %lt3A_203 : i1 to i32
      %cond3A_205 = arith.constant 0 : i32
      %cond3A_206 = arith.cmpi ne, %convert_element_type3A_204, %cond3A_205 : i32
      scf.if %cond3A_206 {
        %mul3A_217 = arith.constant 128 : i32
        %mul3A_218 = arith.muli %add3A_179, %mul3A_217 : i32
        %dma_start3A = arith.constant 1 : i32
        %dma_start3A_219 = arith.constant 0 : i32
        %dma_start3A_220 = tpu.memref_slice %arg8[%dma_start3A, %dma_start3A_219] : memref<2x128xi32, #tpu.memory_space<vmem>> -> memref<1x128xi32, #tpu.memory_space<vmem>>
        %dma_start3A_221 = tpu.memref_squeeze %dma_start3A_220 : memref<1x128xi32, #tpu.memory_space<vmem>> -> memref<128xi32, #tpu.memory_space<vmem>>
        %dma_start3A_222 = tpu.memref_slice %arg3[%mul3A_218] : memref<800000xi32, #tpu.memory_space<hbm>> -> memref<128xi32, #tpu.memory_space<hbm>>
        %dma_start3A_223 = arith.constant 0 : i32
        %dma_start3A_224 = tpu.memref_slice %arg8[%dma_start3A, %dma_start3A_223] : memref<2x128xi32, #tpu.memory_space<vmem>> -> memref<1x128xi32, #tpu.memory_space<vmem>>
        %dma_start3A_225 = tpu.memref_squeeze %dma_start3A_224 : memref<1x128xi32, #tpu.memory_space<vmem>> -> memref<128xi32, #tpu.memory_space<vmem>>
        %dma_start3A_226 = tpu.memref_slice %arg3[%mul3A_218] : memref<800000xi32, #tpu.memory_space<hbm>> -> memref<128xi32, #tpu.memory_space<hbm>>
        tpu.enqueue_dma source(%dma_start3A_226 : memref<128xi32, #tpu.memory_space<hbm>>) target(%dma_start3A_225 : memref<128xi32, #tpu.memory_space<vmem>>) target_semaphore(%arg13 : memref<!tpu.dma_semaphore, #tpu.memory_space<semaphore_mem>>)
        %dma_start3A_227 = arith.constant 1 : i32
        %dma_start3A_228 = arith.constant 0 : i32
        %dma_start3A_229 = arith.constant 0 : i32
        %dma_start3A_230 = tpu.memref_slice %arg9[%dma_start3A_227, %dma_start3A_228, %dma_start3A_229] : memref<2x128x16xf32, #tpu.memory_space<vmem>> -> memref<1x128x16xf32, #tpu.memory_space<vmem>>
        %dma_start3A_231 = tpu.memref_squeeze %dma_start3A_230 : memref<1x128x16xf32, #tpu.memory_space<vmem>> -> memref<128x16xf32, #tpu.memory_space<vmem>>
        %dma_start3A_232 = tpu.memref_slice %arg2[%mul3A_218, %add3A_85] : memref<800000x128xf32, #tpu.memory_space<hbm>> -> memref<128x16xf32, #tpu.memory_space<hbm>>
        %dma_start3A_233 = arith.constant 0 : i32
        %dma_start3A_234 = arith.constant 0 : i32
        %dma_start3A_235 = tpu.memref_slice %arg9[%dma_start3A_227, %dma_start3A_233, %dma_start3A_234] : memref<2x128x16xf32, #tpu.memory_space<vmem>> -> memref<1x128x16xf32, #tpu.memory_space<vmem>>
        %dma_start3A_236 = tpu.memref_squeeze %dma_start3A_235 : memref<1x128x16xf32, #tpu.memory_space<vmem>> -> memref<128x16xf32, #tpu.memory_space<vmem>>
        %dma_start3A_237 = tpu.memref_slice %arg2[%mul3A_218, %add3A_85] : memref<800000x128xf32, #tpu.memory_space<hbm>> -> memref<128x16xf32, #tpu.memory_space<hbm>>
        tpu.enqueue_dma source(%dma_start3A_237 : memref<128x16xf32, #tpu.memory_space<hbm>>) target(%dma_start3A_236 : memref<128x16xf32, #tpu.memory_space<vmem>>) target_semaphore(%arg15 : memref<!tpu.dma_semaphore, #tpu.memory_space<semaphore_mem>>)
      } else {
      }
      %lt3A_207 = arith.constant 6250 : i32
      %lt3A_208 = arith.cmpi slt, %add3A_172, %lt3A_207 : i32
      %convert_element_type3A_209 = arith.extui %lt3A_208 : i1 to i32
      %cond3A_210 = arith.constant 0 : i32
      %cond3A_211 = arith.cmpi ne, %convert_element_type3A_209, %cond3A_210 : i32
      scf.if %cond3A_211 {
        %mul3A_217 = arith.constant 128 : i32
        %mul3A_218 = arith.muli %add3A_172, %mul3A_217 : i32
        %dma_wait3A = arith.constant 0 : i32
        %dma_wait3A_219 = arith.constant 0 : i32
        %dma_wait3A_220 = tpu.memref_slice %arg8[%dma_wait3A, %dma_wait3A_219] : memref<2x128xi32, #tpu.memory_space<vmem>> -> memref<1x128xi32, #tpu.memory_space<vmem>>
        %dma_wait3A_221 = tpu.memref_squeeze %dma_wait3A_220 : memref<1x128xi32, #tpu.memory_space<vmem>> -> memref<128xi32, #tpu.memory_space<vmem>>
        %dma_wait3A_222 = tpu.memref_slice %arg3[%mul3A_218] : memref<800000xi32, #tpu.memory_space<hbm>> -> memref<128xi32, #tpu.memory_space<hbm>>
        %dma_wait3A_223 = arith.constant 0 : i32
        %dma_wait3A_224 = tpu.memref_slice %arg8[%dma_wait3A, %dma_wait3A_223] : memref<2x128xi32, #tpu.memory_space<vmem>> -> memref<1x128xi32, #tpu.memory_space<vmem>>
        %dma_wait3A_225 = tpu.memref_squeeze %dma_wait3A_224 : memref<1x128xi32, #tpu.memory_space<vmem>> -> memref<128xi32, #tpu.memory_space<vmem>>
        %dma_wait3A_226 = tpu.memref_slice %arg3[%mul3A_218] : memref<800000xi32, #tpu.memory_space<hbm>> -> memref<128xi32, #tpu.memory_space<hbm>>
        tpu.wait_dma2 semaphore(%arg12 : memref<!tpu.dma_semaphore, #tpu.memory_space<semaphore_mem>>) src(%dma_wait3A_226 : memref<128xi32, #tpu.memory_space<hbm>>) dst(%dma_wait3A_225 : memref<128xi32, #tpu.memory_space<vmem>>)
        %dma_wait3A_227 = arith.constant 0 : i32
        %dma_wait3A_228 = arith.constant 0 : i32
        %dma_wait3A_229 = arith.constant 0 : i32
        %dma_wait3A_230 = tpu.memref_slice %arg9[%dma_wait3A_227, %dma_wait3A_228, %dma_wait3A_229] : memref<2x128x16xf32, #tpu.memory_space<vmem>> -> memref<1x128x16xf32, #tpu.memory_space<vmem>>
        %dma_wait3A_231 = tpu.memref_squeeze %dma_wait3A_230 : memref<1x128x16xf32, #tpu.memory_space<vmem>> -> memref<128x16xf32, #tpu.memory_space<vmem>>
        %dma_wait3A_232 = tpu.memref_slice %arg2[%mul3A_218, %add3A_85] : memref<800000x128xf32, #tpu.memory_space<hbm>> -> memref<128x16xf32, #tpu.memory_space<hbm>>
        %dma_wait3A_233 = arith.constant 0 : i32
        %dma_wait3A_234 = arith.constant 0 : i32
        %dma_wait3A_235 = tpu.memref_slice %arg9[%dma_wait3A_227, %dma_wait3A_233, %dma_wait3A_234] : memref<2x128x16xf32, #tpu.memory_space<vmem>> -> memref<1x128x16xf32, #tpu.memory_space<vmem>>
        %dma_wait3A_236 = tpu.memref_squeeze %dma_wait3A_235 : memref<1x128x16xf32, #tpu.memory_space<vmem>> -> memref<128x16xf32, #tpu.memory_space<vmem>>
        %dma_wait3A_237 = tpu.memref_slice %arg2[%mul3A_218, %add3A_85] : memref<800000x128xf32, #tpu.memory_space<hbm>> -> memref<128x16xf32, #tpu.memory_space<hbm>>
        tpu.wait_dma2 semaphore(%arg14 : memref<!tpu.dma_semaphore, #tpu.memory_space<semaphore_mem>>) src(%dma_wait3A_237 : memref<128x16xf32, #tpu.memory_space<hbm>>) dst(%dma_wait3A_236 : memref<128x16xf32, #tpu.memory_space<vmem>>)
        %dma_start3A = arith.constant 0 : i32
        %dma_start3A_238 = arith.constant 0 : i32
        %dma_start3A_239 = arith.constant 0 : i32
        %dma_start3A_240 = arith.constant 0 : i32
        %dma_start3A_241 = tpu.memref_slice %arg9[%dma_start3A, %dma_start3A_239, %dma_start3A_240] : memref<2x128x16xf32, #tpu.memory_space<vmem>> -> memref<1x128x16xf32, #tpu.memory_space<vmem>>
        %dma_start3A_242 = tpu.memref_squeeze %dma_start3A_241 : memref<1x128x16xf32, #tpu.memory_space<vmem>> -> memref<128x16xf32, #tpu.memory_space<vmem>>
        %dma_start3A_243 = arith.constant 0 : i32
        %dma_start3A_244 = tpu.memref_slice %arg8[%dma_start3A_238, %dma_start3A_243] : memref<2x128xi32, #tpu.memory_space<vmem>> -> memref<1x128xi32, #tpu.memory_space<vmem>>
        %dma_start3A_245 = tpu.memref_squeeze %dma_start3A_244 : memref<1x128xi32, #tpu.memory_space<vmem>> -> memref<128xi32, #tpu.memory_space<vmem>>
        %dma_start3A_246 = arith.constant 0 : i32
        %dma_start3A_247 = arith.constant 0 : i32
        %dma_start3A_248 = tpu.memref_slice %arg18[%dma_start3A_246, %dma_start3A_247] : memref<50000x16xf32, #tpu.memory_space<vmem_shared>> -> memref<50000x16xf32, #tpu.memory_space<vmem_shared>>
        tpu.enqueue_indirect_dma source(%dma_start3A_242 : memref<128x16xf32, #tpu.memory_space<vmem>>) target(%dma_start3A_248 : memref<50000x16xf32, #tpu.memory_space<vmem_shared>>) offsets(%dma_start3A_245 : memref<128xi32, #tpu.memory_space<vmem>>) semaphore(%arg16 : memref<!tpu.dma_semaphore, #tpu.memory_space<semaphore_mem>>) {add = true}
      } else {
      }
      %lt3A_212 = arith.constant 6250 : i32
      %lt3A_213 = arith.cmpi slt, %add3A_179, %lt3A_212 : i32
      %convert_element_type3A_214 = arith.extui %lt3A_213 : i1 to i32
      %cond3A_215 = arith.constant 0 : i32
      %cond3A_216 = arith.cmpi ne, %convert_element_type3A_214, %cond3A_215 : i32
      scf.if %cond3A_216 {
        %mul3A_217 = arith.constant 128 : i32
        %mul3A_218 = arith.muli %add3A_179, %mul3A_217 : i32
        %dma_wait3A = arith.constant 1 : i32
        %dma_wait3A_219 = arith.constant 0 : i32
        %dma_wait3A_220 = tpu.memref_slice %arg8[%dma_wait3A, %dma_wait3A_219] : memref<2x128xi32, #tpu.memory_space<vmem>> -> memref<1x128xi32, #tpu.memory_space<vmem>>
        %dma_wait3A_221 = tpu.memref_squeeze %dma_wait3A_220 : memref<1x128xi32, #tpu.memory_space<vmem>> -> memref<128xi32, #tpu.memory_space<vmem>>
        %dma_wait3A_222 = tpu.memref_slice %arg3[%mul3A_218] : memref<800000xi32, #tpu.memory_space<hbm>> -> memref<128xi32, #tpu.memory_space<hbm>>
        %dma_wait3A_223 = arith.constant 0 : i32
        %dma_wait3A_224 = tpu.memref_slice %arg8[%dma_wait3A, %dma_wait3A_223] : memref<2x128xi32, #tpu.memory_space<vmem>> -> memref<1x128xi32, #tpu.memory_space<vmem>>
        %dma_wait3A_225 = tpu.memref_squeeze %dma_wait3A_224 : memref<1x128xi32, #tpu.memory_space<vmem>> -> memref<128xi32, #tpu.memory_space<vmem>>
        %dma_wait3A_226 = tpu.memref_slice %arg3[%mul3A_218] : memref<800000xi32, #tpu.memory_space<hbm>> -> memref<128xi32, #tpu.memory_space<hbm>>
        tpu.wait_dma2 semaphore(%arg13 : memref<!tpu.dma_semaphore, #tpu.memory_space<semaphore_mem>>) src(%dma_wait3A_226 : memref<128xi32, #tpu.memory_space<hbm>>) dst(%dma_wait3A_225 : memref<128xi32, #tpu.memory_space<vmem>>)
        %dma_wait3A_227 = arith.constant 1 : i32
        %dma_wait3A_228 = arith.constant 0 : i32
        %dma_wait3A_229 = arith.constant 0 : i32
        %dma_wait3A_230 = tpu.memref_slice %arg9[%dma_wait3A_227, %dma_wait3A_228, %dma_wait3A_229] : memref<2x128x16xf32, #tpu.memory_space<vmem>> -> memref<1x128x16xf32, #tpu.memory_space<vmem>>
        %dma_wait3A_231 = tpu.memref_squeeze %dma_wait3A_230 : memref<1x128x16xf32, #tpu.memory_space<vmem>> -> memref<128x16xf32, #tpu.memory_space<vmem>>
        %dma_wait3A_232 = tpu.memref_slice %arg2[%mul3A_218, %add3A_85] : memref<800000x128xf32, #tpu.memory_space<hbm>> -> memref<128x16xf32, #tpu.memory_space<hbm>>
        %dma_wait3A_233 = arith.constant 0 : i32
        %dma_wait3A_234 = arith.constant 0 : i32
        %dma_wait3A_235 = tpu.memref_slice %arg9[%dma_wait3A_227, %dma_wait3A_233, %dma_wait3A_234] : memref<2x128x16xf32, #tpu.memory_space<vmem>> -> memref<1x128x16xf32, #tpu.memory_space<vmem>>
        %dma_wait3A_236 = tpu.memref_squeeze %dma_wait3A_235 : memref<1x128x16xf32, #tpu.memory_space<vmem>> -> memref<128x16xf32, #tpu.memory_space<vmem>>
        %dma_wait3A_237 = tpu.memref_slice %arg2[%mul3A_218, %add3A_85] : memref<800000x128xf32, #tpu.memory_space<hbm>> -> memref<128x16xf32, #tpu.memory_space<hbm>>
        tpu.wait_dma2 semaphore(%arg15 : memref<!tpu.dma_semaphore, #tpu.memory_space<semaphore_mem>>) src(%dma_wait3A_237 : memref<128x16xf32, #tpu.memory_space<hbm>>) dst(%dma_wait3A_236 : memref<128x16xf32, #tpu.memory_space<vmem>>)
        %dma_start3A = arith.constant 1 : i32
        %dma_start3A_238 = arith.constant 1 : i32
        %dma_start3A_239 = arith.constant 0 : i32
        %dma_start3A_240 = arith.constant 0 : i32
        %dma_start3A_241 = tpu.memref_slice %arg9[%dma_start3A, %dma_start3A_239, %dma_start3A_240] : memref<2x128x16xf32, #tpu.memory_space<vmem>> -> memref<1x128x16xf32, #tpu.memory_space<vmem>>
        %dma_start3A_242 = tpu.memref_squeeze %dma_start3A_241 : memref<1x128x16xf32, #tpu.memory_space<vmem>> -> memref<128x16xf32, #tpu.memory_space<vmem>>
        %dma_start3A_243 = arith.constant 0 : i32
        %dma_start3A_244 = tpu.memref_slice %arg8[%dma_start3A_238, %dma_start3A_243] : memref<2x128xi32, #tpu.memory_space<vmem>> -> memref<1x128xi32, #tpu.memory_space<vmem>>
        %dma_start3A_245 = tpu.memref_squeeze %dma_start3A_244 : memref<1x128xi32, #tpu.memory_space<vmem>> -> memref<128xi32, #tpu.memory_space<vmem>>
        %dma_start3A_246 = arith.constant 0 : i32
        %dma_start3A_247 = arith.constant 0 : i32
        %dma_start3A_248 = tpu.memref_slice %arg18[%dma_start3A_246, %dma_start3A_247] : memref<50000x16xf32, #tpu.memory_space<vmem_shared>> -> memref<50000x16xf32, #tpu.memory_space<vmem_shared>>
        tpu.enqueue_indirect_dma source(%dma_start3A_242 : memref<128x16xf32, #tpu.memory_space<vmem>>) target(%dma_start3A_248 : memref<50000x16xf32, #tpu.memory_space<vmem_shared>>) offsets(%dma_start3A_245 : memref<128xi32, #tpu.memory_space<vmem>>) semaphore(%arg17 : memref<!tpu.dma_semaphore, #tpu.memory_space<semaphore_mem>>) {add = true}
      } else {
      }
    }
    %scan3A_120 = arith.constant 196 : i32
    %add3A_121 = arith.constant 6240 : i32
    %add3A_122 = arith.addi %arg1, %add3A_121 : i32
    %lt3A_123 = arith.constant 6250 : i32
    %lt3A_124 = arith.cmpi slt, %add3A_122, %lt3A_123 : i32
    %convert_element_type3A_125 = arith.extui %lt3A_124 : i1 to i32
    %cond3A_126 = arith.constant 0 : i32
    %cond3A_127 = arith.cmpi ne, %convert_element_type3A_125, %cond3A_126 : i32
    scf.if %cond3A_127 {
      %dma_wait3A = arith.constant 0 : i32
      %dma_wait3A_165 = arith.constant 0 : i32
      %dma_wait3A_166 = arith.constant 0 : i32
      %dma_wait3A_167 = arith.constant 0 : i32
      %dma_wait3A_168 = tpu.memref_slice %arg9[%dma_wait3A, %dma_wait3A_166, %dma_wait3A_167] : memref<2x128x16xf32, #tpu.memory_space<vmem>> -> memref<1x128x16xf32, #tpu.memory_space<vmem>>
      %dma_wait3A_169 = tpu.memref_squeeze %dma_wait3A_168 : memref<1x128x16xf32, #tpu.memory_space<vmem>> -> memref<128x16xf32, #tpu.memory_space<vmem>>
      %dma_wait3A_170 = arith.constant 0 : i32
      %dma_wait3A_171 = tpu.memref_slice %arg8[%dma_wait3A_165, %dma_wait3A_170] : memref<2x128xi32, #tpu.memory_space<vmem>> -> memref<1x128xi32, #tpu.memory_space<vmem>>
      %dma_wait3A_172 = tpu.memref_squeeze %dma_wait3A_171 : memref<1x128xi32, #tpu.memory_space<vmem>> -> memref<128xi32, #tpu.memory_space<vmem>>
      %dma_wait3A_173 = arith.constant 0 : i32
      %dma_wait3A_174 = arith.constant 0 : i32
      %dma_wait3A_175 = tpu.memref_slice %arg18[%dma_wait3A_173, %dma_wait3A_174] : memref<50000x16xf32, #tpu.memory_space<vmem_shared>> -> memref<50000x16xf32, #tpu.memory_space<vmem_shared>>
      tpu.wait_indirect_dma semaphore(%arg16 : memref<!tpu.dma_semaphore, #tpu.memory_space<semaphore_mem>>) src(%dma_wait3A_169 : memref<128x16xf32, #tpu.memory_space<vmem>>) dst(%dma_wait3A_175 : memref<50000x16xf32, #tpu.memory_space<vmem_shared>>)
    } else {
    }
    %add3A_128 = arith.constant 6256 : i32
    %add3A_129 = arith.addi %arg1, %add3A_128 : i32
    %lt3A_130 = arith.constant 6250 : i32
    %lt3A_131 = arith.cmpi slt, %add3A_129, %lt3A_130 : i32
    %convert_element_type3A_132 = arith.extui %lt3A_131 : i1 to i32
    %cond3A_133 = arith.constant 0 : i32
    %cond3A_134 = arith.cmpi ne, %convert_element_type3A_132, %cond3A_133 : i32
    scf.if %cond3A_134 {
      %dma_wait3A = arith.constant 1 : i32
      %dma_wait3A_165 = arith.constant 1 : i32
      %dma_wait3A_166 = arith.constant 0 : i32
      %dma_wait3A_167 = arith.constant 0 : i32
      %dma_wait3A_168 = tpu.memref_slice %arg9[%dma_wait3A, %dma_wait3A_166, %dma_wait3A_167] : memref<2x128x16xf32, #tpu.memory_space<vmem>> -> memref<1x128x16xf32, #tpu.memory_space<vmem>>
      %dma_wait3A_169 = tpu.memref_squeeze %dma_wait3A_168 : memref<1x128x16xf32, #tpu.memory_space<vmem>> -> memref<128x16xf32, #tpu.memory_space<vmem>>
      %dma_wait3A_170 = arith.constant 0 : i32
      %dma_wait3A_171 = tpu.memref_slice %arg8[%dma_wait3A_165, %dma_wait3A_170] : memref<2x128xi32, #tpu.memory_space<vmem>> -> memref<1x128xi32, #tpu.memory_space<vmem>>
      %dma_wait3A_172 = tpu.memref_squeeze %dma_wait3A_171 : memref<1x128xi32, #tpu.memory_space<vmem>> -> memref<128xi32, #tpu.memory_space<vmem>>
      %dma_wait3A_173 = arith.constant 0 : i32
      %dma_wait3A_174 = arith.constant 0 : i32
      %dma_wait3A_175 = tpu.memref_slice %arg18[%dma_wait3A_173, %dma_wait3A_174] : memref<50000x16xf32, #tpu.memory_space<vmem_shared>> -> memref<50000x16xf32, #tpu.memory_space<vmem_shared>>
      tpu.wait_indirect_dma semaphore(%arg17 : memref<!tpu.dma_semaphore, #tpu.memory_space<semaphore_mem>>) src(%dma_wait3A_169 : memref<128x16xf32, #tpu.memory_space<vmem>>) dst(%dma_wait3A_175 : memref<50000x16xf32, #tpu.memory_space<vmem_shared>>)
    } else {
    }
    %barrier3A_135 = arith.constant 0 : index
    tpu.barrier barrier_id(%barrier3A_135)
    %add3A_136 = arith.constant 0 : i32
    %add3A_137 = arith.addi %arg1, %add3A_136 : i32
    %lt3A_138 = arith.constant 50 : i32
    %lt3A_139 = arith.cmpi slt, %add3A_137, %lt3A_138 : i32
    %convert_element_type3A_140 = arith.extui %lt3A_139 : i1 to i32
    %cond3A_141 = arith.constant 0 : i32
    %cond3A_142 = arith.cmpi ne, %convert_element_type3A_140, %cond3A_141 : i32
    scf.if %cond3A_142 {
      %mul3A_165 = arith.constant 1000 : i32
      %mul3A_166 = arith.muli %add3A_137, %mul3A_165 : i32
      "tpu.region"() ({
        %run_scoped3A = tpu.sem_alloc : memref<!tpu.dma_semaphore, #tpu.memory_space<semaphore_mem>>
        %dma_start3A = arith.constant 0 : i32
        %dma_start3A_176 = tpu.memref_slice %arg18[%mul3A_166, %dma_start3A] : memref<50000x16xf32, #tpu.memory_space<vmem_shared>> -> memref<1000x16xf32, #tpu.memory_space<vmem_shared>>
        %dma_start3A_177 = arith.constant 0 : i32
        %dma_start3A_178 = tpu.memref_slice %arg18[%mul3A_166, %dma_start3A_177] : memref<50000x16xf32, #tpu.memory_space<vmem_shared>> -> memref<1000x16xf32, #tpu.memory_space<vmem_shared>>
        tpu.enqueue_dma source(%dma_start3A_178 : memref<1000x16xf32, #tpu.memory_space<vmem_shared>>) target(%arg11 : memref<1000x16xf32, #tpu.memory_space<vmem>>) target_semaphore(%run_scoped3A : memref<!tpu.dma_semaphore, #tpu.memory_space<semaphore_mem>>)
        %dma_wait3A = arith.constant 0 : i32
        %dma_wait3A_179 = tpu.memref_slice %arg18[%mul3A_166, %dma_wait3A] : memref<50000x16xf32, #tpu.memory_space<vmem_shared>> -> memref<1000x16xf32, #tpu.memory_space<vmem_shared>>
        %dma_wait3A_180 = arith.constant 0 : i32
        %dma_wait3A_181 = tpu.memref_slice %arg18[%mul3A_166, %dma_wait3A_180] : memref<50000x16xf32, #tpu.memory_space<vmem_shared>> -> memref<1000x16xf32, #tpu.memory_space<vmem_shared>>
        tpu.wait_dma2 semaphore(%run_scoped3A : memref<!tpu.dma_semaphore, #tpu.memory_space<semaphore_mem>>) src(%dma_wait3A_181 : memref<1000x16xf32, #tpu.memory_space<vmem_shared>>) dst(%arg11 : memref<1000x16xf32, #tpu.memory_space<vmem>>)
        tpu.yield
      }) : () -> ()
      %eq3A = arith.constant 0 : i32
      %eq3A_167 = arith.cmpi eq, %arg0, %eq3A : i32
      %convert_element_type3A_168 = arith.extui %eq3A_167 : i1 to i32
      %cond3A_169 = arith.constant 0 : i32
      %cond3A_170 = arith.cmpi ne, %convert_element_type3A_168, %cond3A_169 : i32
      scf.if %cond3A_170 {
        "tpu.region"() ({
          %run_scoped3A = tpu.sem_alloc : memref<!tpu.dma_semaphore, #tpu.memory_space<semaphore_mem>>
          %dma_start3A = arith.constant 0 : i32
          %dma_start3A_176 = tpu.memref_slice %arg6[%mul3A_166, %dma_start3A] : memref<50000x16xf32, #tpu.memory_space<hbm>> -> memref<1000x16xf32, #tpu.memory_space<hbm>>
          %dma_start3A_177 = arith.constant 0 : i32
          %dma_start3A_178 = tpu.memref_slice %arg6[%mul3A_166, %dma_start3A_177] : memref<50000x16xf32, #tpu.memory_space<hbm>> -> memref<1000x16xf32, #tpu.memory_space<hbm>>
          tpu.enqueue_dma source(%arg11 : memref<1000x16xf32, #tpu.memory_space<vmem>>) target(%dma_start3A_178 : memref<1000x16xf32, #tpu.memory_space<hbm>>) target_semaphore(%run_scoped3A : memref<!tpu.dma_semaphore, #tpu.memory_space<semaphore_mem>>)
          %dma_wait3A = arith.constant 0 : i32
          %dma_wait3A_179 = tpu.memref_slice %arg6[%mul3A_166, %dma_wait3A] : memref<50000x16xf32, #tpu.memory_space<hbm>> -> memref<1000x16xf32, #tpu.memory_space<hbm>>
          %dma_wait3A_180 = arith.constant 0 : i32
          %dma_wait3A_181 = tpu.memref_slice %arg6[%mul3A_166, %dma_wait3A_180] : memref<50000x16xf32, #tpu.memory_space<hbm>> -> memref<1000x16xf32, #tpu.memory_space<hbm>>
          tpu.wait_dma2 semaphore(%run_scoped3A : memref<!tpu.dma_semaphore, #tpu.memory_space<semaphore_mem>>) src(%arg11 : memref<1000x16xf32, #tpu.memory_space<vmem>>) dst(%dma_wait3A_181 : memref<1000x16xf32, #tpu.memory_space<hbm>>)
          tpu.yield
        }) : () -> ()
      } else {
      }
      %eq3A_171 = arith.constant 1 : i32
      %eq3A_172 = arith.cmpi eq, %arg0, %eq3A_171 : i32
      %convert_element_type3A_173 = arith.extui %eq3A_172 : i1 to i32
      %cond3A_174 = arith.constant 0 : i32
      %cond3A_175 = arith.cmpi ne, %convert_element_type3A_173, %cond3A_174 : i32
      scf.if %cond3A_175 {
        "tpu.region"() ({
          %run_scoped3A = tpu.sem_alloc : memref<!tpu.dma_semaphore, #tpu.memory_space<semaphore_mem>>
          %dma_start3A = arith.constant 0 : i32
          %dma_start3A_176 = tpu.memref_slice %arg7[%mul3A_166, %dma_start3A] : memref<50000x16xf32, #tpu.memory_space<hbm>> -> memref<1000x16xf32, #tpu.memory_space<hbm>>
          %dma_start3A_177 = arith.constant 0 : i32
          %dma_start3A_178 = tpu.memref_slice %arg7[%mul3A_166, %dma_start3A_177] : memref<50000x16xf32, #tpu.memory_space<hbm>> -> memref<1000x16xf32, #tpu.memory_space<hbm>>
          tpu.enqueue_dma source(%arg11 : memref<1000x16xf32, #tpu.memory_space<vmem>>) target(%dma_start3A_178 : memref<1000x16xf32, #tpu.memory_space<hbm>>) target_semaphore(%run_scoped3A : memref<!tpu.dma_semaphore, #tpu.memory_space<semaphore_mem>>)
          %dma_wait3A = arith.constant 0 : i32
          %dma_wait3A_179 = tpu.memref_slice %arg7[%mul3A_166, %dma_wait3A] : memref<50000x16xf32, #tpu.memory_space<hbm>> -> memref<1000x16xf32, #tpu.memory_space<hbm>>
          %dma_wait3A_180 = arith.constant 0 : i32
          %dma_wait3A_181 = tpu.memref_slice %arg7[%mul3A_166, %dma_wait3A_180] : memref<50000x16xf32, #tpu.memory_space<hbm>> -> memref<1000x16xf32, #tpu.memory_space<hbm>>
          tpu.wait_dma2 semaphore(%run_scoped3A : memref<!tpu.dma_semaphore, #tpu.memory_space<semaphore_mem>>) src(%arg11 : memref<1000x16xf32, #tpu.memory_space<vmem>>) dst(%dma_wait3A_181 : memref<1000x16xf32, #tpu.memory_space<hbm>>)
          tpu.yield
        }) : () -> ()
      } else {
      }
    } else {
    }
    %add3A_143 = arith.constant 16 : i32
    %add3A_144 = arith.addi %arg1, %add3A_143 : i32
    %lt3A_145 = arith.constant 50 : i32
    %lt3A_146 = arith.cmpi slt, %add3A_144, %lt3A_145 : i32
    %convert_element_type3A_147 = arith.extui %lt3A_146 : i1 to i32
    %cond3A_148 = arith.constant 0 : i32
    %cond3A_149 = arith.cmpi ne, %convert_element_type3A_147, %cond3A_148 : i32
    scf.if %cond3A_149 {
      %mul3A_165 = arith.constant 1000 : i32
      %mul3A_166 = arith.muli %add3A_144, %mul3A_165 : i32
      "tpu.region"() ({
        %run_scoped3A = tpu.sem_alloc : memref<!tpu.dma_semaphore, #tpu.memory_space<semaphore_mem>>
        %dma_start3A = arith.constant 0 : i32
        %dma_start3A_176 = tpu.memref_slice %arg18[%mul3A_166, %dma_start3A] : memref<50000x16xf32, #tpu.memory_space<vmem_shared>> -> memref<1000x16xf32, #tpu.memory_space<vmem_shared>>
        %dma_start3A_177 = arith.constant 0 : i32
        %dma_start3A_178 = tpu.memref_slice %arg18[%mul3A_166, %dma_start3A_177] : memref<50000x16xf32, #tpu.memory_space<vmem_shared>> -> memref<1000x16xf32, #tpu.memory_space<vmem_shared>>
        tpu.enqueue_dma source(%dma_start3A_178 : memref<1000x16xf32, #tpu.memory_space<vmem_shared>>) target(%arg11 : memref<1000x16xf32, #tpu.memory_space<vmem>>) target_semaphore(%run_scoped3A : memref<!tpu.dma_semaphore, #tpu.memory_space<semaphore_mem>>)
        %dma_wait3A = arith.constant 0 : i32
        %dma_wait3A_179 = tpu.memref_slice %arg18[%mul3A_166, %dma_wait3A] : memref<50000x16xf32, #tpu.memory_space<vmem_shared>> -> memref<1000x16xf32, #tpu.memory_space<vmem_shared>>
        %dma_wait3A_180 = arith.constant 0 : i32
        %dma_wait3A_181 = tpu.memref_slice %arg18[%mul3A_166, %dma_wait3A_180] : memref<50000x16xf32, #tpu.memory_space<vmem_shared>> -> memref<1000x16xf32, #tpu.memory_space<vmem_shared>>
        tpu.wait_dma2 semaphore(%run_scoped3A : memref<!tpu.dma_semaphore, #tpu.memory_space<semaphore_mem>>) src(%dma_wait3A_181 : memref<1000x16xf32, #tpu.memory_space<vmem_shared>>) dst(%arg11 : memref<1000x16xf32, #tpu.memory_space<vmem>>)
        tpu.yield
      }) : () -> ()
      %eq3A = arith.constant 0 : i32
      %eq3A_167 = arith.cmpi eq, %arg0, %eq3A : i32
      %convert_element_type3A_168 = arith.extui %eq3A_167 : i1 to i32
      %cond3A_169 = arith.constant 0 : i32
      %cond3A_170 = arith.cmpi ne, %convert_element_type3A_168, %cond3A_169 : i32
      scf.if %cond3A_170 {
        "tpu.region"() ({
          %run_scoped3A = tpu.sem_alloc : memref<!tpu.dma_semaphore, #tpu.memory_space<semaphore_mem>>
          %dma_start3A = arith.constant 0 : i32
          %dma_start3A_176 = tpu.memref_slice %arg6[%mul3A_166, %dma_start3A] : memref<50000x16xf32, #tpu.memory_space<hbm>> -> memref<1000x16xf32, #tpu.memory_space<hbm>>
          %dma_start3A_177 = arith.constant 0 : i32
          %dma_start3A_178 = tpu.memref_slice %arg6[%mul3A_166, %dma_start3A_177] : memref<50000x16xf32, #tpu.memory_space<hbm>> -> memref<1000x16xf32, #tpu.memory_space<hbm>>
          tpu.enqueue_dma source(%arg11 : memref<1000x16xf32, #tpu.memory_space<vmem>>) target(%dma_start3A_178 : memref<1000x16xf32, #tpu.memory_space<hbm>>) target_semaphore(%run_scoped3A : memref<!tpu.dma_semaphore, #tpu.memory_space<semaphore_mem>>)
          %dma_wait3A = arith.constant 0 : i32
          %dma_wait3A_179 = tpu.memref_slice %arg6[%mul3A_166, %dma_wait3A] : memref<50000x16xf32, #tpu.memory_space<hbm>> -> memref<1000x16xf32, #tpu.memory_space<hbm>>
          %dma_wait3A_180 = arith.constant 0 : i32
          %dma_wait3A_181 = tpu.memref_slice %arg6[%mul3A_166, %dma_wait3A_180] : memref<50000x16xf32, #tpu.memory_space<hbm>> -> memref<1000x16xf32, #tpu.memory_space<hbm>>
          tpu.wait_dma2 semaphore(%run_scoped3A : memref<!tpu.dma_semaphore, #tpu.memory_space<semaphore_mem>>) src(%arg11 : memref<1000x16xf32, #tpu.memory_space<vmem>>) dst(%dma_wait3A_181 : memref<1000x16xf32, #tpu.memory_space<hbm>>)
          tpu.yield
        }) : () -> ()
      } else {
      }
      %eq3A_171 = arith.constant 1 : i32
      %eq3A_172 = arith.cmpi eq, %arg0, %eq3A_171 : i32
      %convert_element_type3A_173 = arith.extui %eq3A_172 : i1 to i32
      %cond3A_174 = arith.constant 0 : i32
      %cond3A_175 = arith.cmpi ne, %convert_element_type3A_173, %cond3A_174 : i32
      scf.if %cond3A_175 {
        "tpu.region"() ({
          %run_scoped3A = tpu.sem_alloc : memref<!tpu.dma_semaphore, #tpu.memory_space<semaphore_mem>>
          %dma_start3A = arith.constant 0 : i32
          %dma_start3A_176 = tpu.memref_slice %arg7[%mul3A_166, %dma_start3A] : memref<50000x16xf32, #tpu.memory_space<hbm>> -> memref<1000x16xf32, #tpu.memory_space<hbm>>
          %dma_start3A_177 = arith.constant 0 : i32
          %dma_start3A_178 = tpu.memref_slice %arg7[%mul3A_166, %dma_start3A_177] : memref<50000x16xf32, #tpu.memory_space<hbm>> -> memref<1000x16xf32, #tpu.memory_space<hbm>>
          tpu.enqueue_dma source(%arg11 : memref<1000x16xf32, #tpu.memory_space<vmem>>) target(%dma_start3A_178 : memref<1000x16xf32, #tpu.memory_space<hbm>>) target_semaphore(%run_scoped3A : memref<!tpu.dma_semaphore, #tpu.memory_space<semaphore_mem>>)
          %dma_wait3A = arith.constant 0 : i32
          %dma_wait3A_179 = tpu.memref_slice %arg7[%mul3A_166, %dma_wait3A] : memref<50000x16xf32, #tpu.memory_space<hbm>> -> memref<1000x16xf32, #tpu.memory_space<hbm>>
          %dma_wait3A_180 = arith.constant 0 : i32
          %dma_wait3A_181 = tpu.memref_slice %arg7[%mul3A_166, %dma_wait3A_180] : memref<50000x16xf32, #tpu.memory_space<hbm>> -> memref<1000x16xf32, #tpu.memory_space<hbm>>
          tpu.wait_dma2 semaphore(%run_scoped3A : memref<!tpu.dma_semaphore, #tpu.memory_space<semaphore_mem>>) src(%arg11 : memref<1000x16xf32, #tpu.memory_space<vmem>>) dst(%dma_wait3A_181 : memref<1000x16xf32, #tpu.memory_space<hbm>>)
          tpu.yield
        }) : () -> ()
      } else {
      }
    } else {
    }
    %add3A_150 = arith.constant 32 : i32
    %add3A_151 = arith.addi %arg1, %add3A_150 : i32
    %lt3A_152 = arith.constant 50 : i32
    %lt3A_153 = arith.cmpi slt, %add3A_151, %lt3A_152 : i32
    %convert_element_type3A_154 = arith.extui %lt3A_153 : i1 to i32
    %cond3A_155 = arith.constant 0 : i32
    %cond3A_156 = arith.cmpi ne, %convert_element_type3A_154, %cond3A_155 : i32
    scf.if %cond3A_156 {
      %mul3A_165 = arith.constant 1000 : i32
      %mul3A_166 = arith.muli %add3A_151, %mul3A_165 : i32
      "tpu.region"() ({
        %run_scoped3A = tpu.sem_alloc : memref<!tpu.dma_semaphore, #tpu.memory_space<semaphore_mem>>
        %dma_start3A = arith.constant 0 : i32
        %dma_start3A_176 = tpu.memref_slice %arg18[%mul3A_166, %dma_start3A] : memref<50000x16xf32, #tpu.memory_space<vmem_shared>> -> memref<1000x16xf32, #tpu.memory_space<vmem_shared>>
        %dma_start3A_177 = arith.constant 0 : i32
        %dma_start3A_178 = tpu.memref_slice %arg18[%mul3A_166, %dma_start3A_177] : memref<50000x16xf32, #tpu.memory_space<vmem_shared>> -> memref<1000x16xf32, #tpu.memory_space<vmem_shared>>
        tpu.enqueue_dma source(%dma_start3A_178 : memref<1000x16xf32, #tpu.memory_space<vmem_shared>>) target(%arg11 : memref<1000x16xf32, #tpu.memory_space<vmem>>) target_semaphore(%run_scoped3A : memref<!tpu.dma_semaphore, #tpu.memory_space<semaphore_mem>>)
        %dma_wait3A = arith.constant 0 : i32
        %dma_wait3A_179 = tpu.memref_slice %arg18[%mul3A_166, %dma_wait3A] : memref<50000x16xf32, #tpu.memory_space<vmem_shared>> -> memref<1000x16xf32, #tpu.memory_space<vmem_shared>>
        %dma_wait3A_180 = arith.constant 0 : i32
        %dma_wait3A_181 = tpu.memref_slice %arg18[%mul3A_166, %dma_wait3A_180] : memref<50000x16xf32, #tpu.memory_space<vmem_shared>> -> memref<1000x16xf32, #tpu.memory_space<vmem_shared>>
        tpu.wait_dma2 semaphore(%run_scoped3A : memref<!tpu.dma_semaphore, #tpu.memory_space<semaphore_mem>>) src(%dma_wait3A_181 : memref<1000x16xf32, #tpu.memory_space<vmem_shared>>) dst(%arg11 : memref<1000x16xf32, #tpu.memory_space<vmem>>)
        tpu.yield
      }) : () -> ()
      %eq3A = arith.constant 0 : i32
      %eq3A_167 = arith.cmpi eq, %arg0, %eq3A : i32
      %convert_element_type3A_168 = arith.extui %eq3A_167 : i1 to i32
      %cond3A_169 = arith.constant 0 : i32
      %cond3A_170 = arith.cmpi ne, %convert_element_type3A_168, %cond3A_169 : i32
      scf.if %cond3A_170 {
        "tpu.region"() ({
          %run_scoped3A = tpu.sem_alloc : memref<!tpu.dma_semaphore, #tpu.memory_space<semaphore_mem>>
          %dma_start3A = arith.constant 0 : i32
          %dma_start3A_176 = tpu.memref_slice %arg6[%mul3A_166, %dma_start3A] : memref<50000x16xf32, #tpu.memory_space<hbm>> -> memref<1000x16xf32, #tpu.memory_space<hbm>>
          %dma_start3A_177 = arith.constant 0 : i32
          %dma_start3A_178 = tpu.memref_slice %arg6[%mul3A_166, %dma_start3A_177] : memref<50000x16xf32, #tpu.memory_space<hbm>> -> memref<1000x16xf32, #tpu.memory_space<hbm>>
          tpu.enqueue_dma source(%arg11 : memref<1000x16xf32, #tpu.memory_space<vmem>>) target(%dma_start3A_178 : memref<1000x16xf32, #tpu.memory_space<hbm>>) target_semaphore(%run_scoped3A : memref<!tpu.dma_semaphore, #tpu.memory_space<semaphore_mem>>)
          %dma_wait3A = arith.constant 0 : i32
          %dma_wait3A_179 = tpu.memref_slice %arg6[%mul3A_166, %dma_wait3A] : memref<50000x16xf32, #tpu.memory_space<hbm>> -> memref<1000x16xf32, #tpu.memory_space<hbm>>
          %dma_wait3A_180 = arith.constant 0 : i32
          %dma_wait3A_181 = tpu.memref_slice %arg6[%mul3A_166, %dma_wait3A_180] : memref<50000x16xf32, #tpu.memory_space<hbm>> -> memref<1000x16xf32, #tpu.memory_space<hbm>>
          tpu.wait_dma2 semaphore(%run_scoped3A : memref<!tpu.dma_semaphore, #tpu.memory_space<semaphore_mem>>) src(%arg11 : memref<1000x16xf32, #tpu.memory_space<vmem>>) dst(%dma_wait3A_181 : memref<1000x16xf32, #tpu.memory_space<hbm>>)
          tpu.yield
        }) : () -> ()
      } else {
      }
      %eq3A_171 = arith.constant 1 : i32
      %eq3A_172 = arith.cmpi eq, %arg0, %eq3A_171 : i32
      %convert_element_type3A_173 = arith.extui %eq3A_172 : i1 to i32
      %cond3A_174 = arith.constant 0 : i32
      %cond3A_175 = arith.cmpi ne, %convert_element_type3A_173, %cond3A_174 : i32
      scf.if %cond3A_175 {
        "tpu.region"() ({
          %run_scoped3A = tpu.sem_alloc : memref<!tpu.dma_semaphore, #tpu.memory_space<semaphore_mem>>
          %dma_start3A = arith.constant 0 : i32
          %dma_start3A_176 = tpu.memref_slice %arg7[%mul3A_166, %dma_start3A] : memref<50000x16xf32, #tpu.memory_space<hbm>> -> memref<1000x16xf32, #tpu.memory_space<hbm>>
          %dma_start3A_177 = arith.constant 0 : i32
          %dma_start3A_178 = tpu.memref_slice %arg7[%mul3A_166, %dma_start3A_177] : memref<50000x16xf32, #tpu.memory_space<hbm>> -> memref<1000x16xf32, #tpu.memory_space<hbm>>
          tpu.enqueue_dma source(%arg11 : memref<1000x16xf32, #tpu.memory_space<vmem>>) target(%dma_start3A_178 : memref<1000x16xf32, #tpu.memory_space<hbm>>) target_semaphore(%run_scoped3A : memref<!tpu.dma_semaphore, #tpu.memory_space<semaphore_mem>>)
          %dma_wait3A = arith.constant 0 : i32
          %dma_wait3A_179 = tpu.memref_slice %arg7[%mul3A_166, %dma_wait3A] : memref<50000x16xf32, #tpu.memory_space<hbm>> -> memref<1000x16xf32, #tpu.memory_space<hbm>>
          %dma_wait3A_180 = arith.constant 0 : i32
          %dma_wait3A_181 = tpu.memref_slice %arg7[%mul3A_166, %dma_wait3A_180] : memref<50000x16xf32, #tpu.memory_space<hbm>> -> memref<1000x16xf32, #tpu.memory_space<hbm>>
          tpu.wait_dma2 semaphore(%run_scoped3A : memref<!tpu.dma_semaphore, #tpu.memory_space<semaphore_mem>>) src(%arg11 : memref<1000x16xf32, #tpu.memory_space<vmem>>) dst(%dma_wait3A_181 : memref<1000x16xf32, #tpu.memory_space<hbm>>)
          tpu.yield
        }) : () -> ()
      } else {
      }
    } else {
    }
    %add3A_157 = arith.constant 48 : i32
    %add3A_158 = arith.addi %arg1, %add3A_157 : i32
    %lt3A_159 = arith.constant 50 : i32
    %lt3A_160 = arith.cmpi slt, %add3A_158, %lt3A_159 : i32
    %convert_element_type3A_161 = arith.extui %lt3A_160 : i1 to i32
    %cond3A_162 = arith.constant 0 : i32
    %cond3A_163 = arith.cmpi ne, %convert_element_type3A_161, %cond3A_162 : i32
    scf.if %cond3A_163 {
      %mul3A_165 = arith.constant 1000 : i32
      %mul3A_166 = arith.muli %add3A_158, %mul3A_165 : i32
      "tpu.region"() ({
        %run_scoped3A = tpu.sem_alloc : memref<!tpu.dma_semaphore, #tpu.memory_space<semaphore_mem>>
        %dma_start3A = arith.constant 0 : i32
        %dma_start3A_176 = tpu.memref_slice %arg18[%mul3A_166, %dma_start3A] : memref<50000x16xf32, #tpu.memory_space<vmem_shared>> -> memref<1000x16xf32, #tpu.memory_space<vmem_shared>>
        %dma_start3A_177 = arith.constant 0 : i32
        %dma_start3A_178 = tpu.memref_slice %arg18[%mul3A_166, %dma_start3A_177] : memref<50000x16xf32, #tpu.memory_space<vmem_shared>> -> memref<1000x16xf32, #tpu.memory_space<vmem_shared>>
        tpu.enqueue_dma source(%dma_start3A_178 : memref<1000x16xf32, #tpu.memory_space<vmem_shared>>) target(%arg11 : memref<1000x16xf32, #tpu.memory_space<vmem>>) target_semaphore(%run_scoped3A : memref<!tpu.dma_semaphore, #tpu.memory_space<semaphore_mem>>)
        %dma_wait3A = arith.constant 0 : i32
        %dma_wait3A_179 = tpu.memref_slice %arg18[%mul3A_166, %dma_wait3A] : memref<50000x16xf32, #tpu.memory_space<vmem_shared>> -> memref<1000x16xf32, #tpu.memory_space<vmem_shared>>
        %dma_wait3A_180 = arith.constant 0 : i32
        %dma_wait3A_181 = tpu.memref_slice %arg18[%mul3A_166, %dma_wait3A_180] : memref<50000x16xf32, #tpu.memory_space<vmem_shared>> -> memref<1000x16xf32, #tpu.memory_space<vmem_shared>>
        tpu.wait_dma2 semaphore(%run_scoped3A : memref<!tpu.dma_semaphore, #tpu.memory_space<semaphore_mem>>) src(%dma_wait3A_181 : memref<1000x16xf32, #tpu.memory_space<vmem_shared>>) dst(%arg11 : memref<1000x16xf32, #tpu.memory_space<vmem>>)
        tpu.yield
      }) : () -> ()
      %eq3A = arith.constant 0 : i32
      %eq3A_167 = arith.cmpi eq, %arg0, %eq3A : i32
      %convert_element_type3A_168 = arith.extui %eq3A_167 : i1 to i32
      %cond3A_169 = arith.constant 0 : i32
      %cond3A_170 = arith.cmpi ne, %convert_element_type3A_168, %cond3A_169 : i32
      scf.if %cond3A_170 {
        "tpu.region"() ({
          %run_scoped3A = tpu.sem_alloc : memref<!tpu.dma_semaphore, #tpu.memory_space<semaphore_mem>>
          %dma_start3A = arith.constant 0 : i32
          %dma_start3A_176 = tpu.memref_slice %arg6[%mul3A_166, %dma_start3A] : memref<50000x16xf32, #tpu.memory_space<hbm>> -> memref<1000x16xf32, #tpu.memory_space<hbm>>
          %dma_start3A_177 = arith.constant 0 : i32
          %dma_start3A_178 = tpu.memref_slice %arg6[%mul3A_166, %dma_start3A_177] : memref<50000x16xf32, #tpu.memory_space<hbm>> -> memref<1000x16xf32, #tpu.memory_space<hbm>>
          tpu.enqueue_dma source(%arg11 : memref<1000x16xf32, #tpu.memory_space<vmem>>) target(%dma_start3A_178 : memref<1000x16xf32, #tpu.memory_space<hbm>>) target_semaphore(%run_scoped3A : memref<!tpu.dma_semaphore, #tpu.memory_space<semaphore_mem>>)
          %dma_wait3A = arith.constant 0 : i32
          %dma_wait3A_179 = tpu.memref_slice %arg6[%mul3A_166, %dma_wait3A] : memref<50000x16xf32, #tpu.memory_space<hbm>> -> memref<1000x16xf32, #tpu.memory_space<hbm>>
          %dma_wait3A_180 = arith.constant 0 : i32
          %dma_wait3A_181 = tpu.memref_slice %arg6[%mul3A_166, %dma_wait3A_180] : memref<50000x16xf32, #tpu.memory_space<hbm>> -> memref<1000x16xf32, #tpu.memory_space<hbm>>
          tpu.wait_dma2 semaphore(%run_scoped3A : memref<!tpu.dma_semaphore, #tpu.memory_space<semaphore_mem>>) src(%arg11 : memref<1000x16xf32, #tpu.memory_space<vmem>>) dst(%dma_wait3A_181 : memref<1000x16xf32, #tpu.memory_space<hbm>>)
          tpu.yield
        }) : () -> ()
      } else {
      }
      %eq3A_171 = arith.constant 1 : i32
      %eq3A_172 = arith.cmpi eq, %arg0, %eq3A_171 : i32
      %convert_element_type3A_173 = arith.extui %eq3A_172 : i1 to i32
      %cond3A_174 = arith.constant 0 : i32
      %cond3A_175 = arith.cmpi ne, %convert_element_type3A_173, %cond3A_174 : i32
      scf.if %cond3A_175 {
        "tpu.region"() ({
          %run_scoped3A = tpu.sem_alloc : memref<!tpu.dma_semaphore, #tpu.memory_space<semaphore_mem>>
          %dma_start3A = arith.constant 0 : i32
          %dma_start3A_176 = tpu.memref_slice %arg7[%mul3A_166, %dma_start3A] : memref<50000x16xf32, #tpu.memory_space<hbm>> -> memref<1000x16xf32, #tpu.memory_space<hbm>>
          %dma_start3A_177 = arith.constant 0 : i32
          %dma_start3A_178 = tpu.memref_slice %arg7[%mul3A_166, %dma_start3A_177] : memref<50000x16xf32, #tpu.memory_space<hbm>> -> memref<1000x16xf32, #tpu.memory_space<hbm>>
          tpu.enqueue_dma source(%arg11 : memref<1000x16xf32, #tpu.memory_space<vmem>>) target(%dma_start3A_178 : memref<1000x16xf32, #tpu.memory_space<hbm>>) target_semaphore(%run_scoped3A : memref<!tpu.dma_semaphore, #tpu.memory_space<semaphore_mem>>)
          %dma_wait3A = arith.constant 0 : i32
          %dma_wait3A_179 = tpu.memref_slice %arg7[%mul3A_166, %dma_wait3A] : memref<50000x16xf32, #tpu.memory_space<hbm>> -> memref<1000x16xf32, #tpu.memory_space<hbm>>
          %dma_wait3A_180 = arith.constant 0 : i32
          %dma_wait3A_181 = tpu.memref_slice %arg7[%mul3A_166, %dma_wait3A_180] : memref<50000x16xf32, #tpu.memory_space<hbm>> -> memref<1000x16xf32, #tpu.memory_space<hbm>>
          tpu.wait_dma2 semaphore(%run_scoped3A : memref<!tpu.dma_semaphore, #tpu.memory_space<semaphore_mem>>) src(%arg11 : memref<1000x16xf32, #tpu.memory_space<vmem>>) dst(%dma_wait3A_181 : memref<1000x16xf32, #tpu.memory_space<hbm>>)
          tpu.yield
        }) : () -> ()
      } else {
      }
    } else {
    }
    %barrier3A_164 = arith.constant 0 : index
    tpu.barrier barrier_id(%barrier3A_164)
    return
  }
}

module attributes {stable_mosaic.version = 14 : i64} {
  func.func @_pa_body(%arg0: i32, %arg1: memref<8000x14xf32, #tpu.memory_space<vmem>>, %arg2: memref<14x128xf32, #tpu.memory_space<vmem>>, %arg3: memref<1x128xf32, #tpu.memory_space<vmem>>, %arg4: memref<8000x128xf32, #tpu.memory_space<vmem>>) attributes {dimension_semantics = [#tpu.dimension_semantics<arbitrary>], iteration_bounds = array<i64: 100>, scalar_prefetch = 0 : i64, scratch_operands = 0 : i64, tpu.core_type = #tpu.core_type<tc>, window_params = [{transform_indices = @transform_0, window_bounds = array<i64: 8000, 14>}, {pipeline_mode = #tpu.pipeline_mode<synchronous>, transform_indices = @transform_1, window_bounds = array<i64: 14, 128>}, {pipeline_mode = #tpu.pipeline_mode<synchronous>, transform_indices = @transform_2, window_bounds = array<i64: 1, 128>}, {transform_indices = @transform_3, window_bounds = array<i64: 8000, 128>}]} {
    %get3A = arith.constant 0 : index
    %get3A_0 = arith.constant 0 : index
    %get3A_1 = vector.load %arg1[%get3A, %get3A_0] : memref<8000x14xf32, #tpu.memory_space<vmem>>, vector<8000x14xf32>
    %get3A_2 = arith.constant 0 : index
    %get3A_3 = arith.constant 0 : index
    %get3A_4 = vector.load %arg2[%get3A_2, %get3A_3] : memref<14x128xf32, #tpu.memory_space<vmem>>, vector<14x128xf32>
    %dot_general3A = arith.constant dense<0.000000e+00> : vector<8000x128xf32>
    %dot_general3A_5 = tpu.matmul %get3A_1, %get3A_4, %dot_general3A {dimension_numbers = #tpu.dot_dimension_numbers<[1], [0], [0], [1], [0, 0, 1, 1], [], []>, transpose_lhs_hint = false} : vector<8000x14xf32>, vector<14x128xf32>, vector<8000x128xf32> -> vector<8000x128xf32>
    %get3A_6 = arith.constant 0 : index
    %get3A_7 = arith.constant 0 : index
    %get3A_8 = vector.load %arg3[%get3A_6, %get3A_7] : memref<1x128xf32, #tpu.memory_space<vmem>>, vector<1x128xf32>
    %add3A = vector.broadcast %get3A_8 : vector<1x128xf32> to vector<8000x128xf32>
    %add3A_9 = arith.addf %dot_general3A_5, %add3A : vector<8000x128xf32>
    %max3A = arith.constant 0.000000e+00 : f32
    %max3A_10 = vector.broadcast %max3A : f32 to vector<8000x128xf32>
    %max3A_11 = arith.maximumf %add3A_9, %max3A_10 : vector<8000x128xf32>
    %swap3A = arith.constant 0 : index
    %swap3A_12 = arith.constant 0 : index
    %swap3A_13 = vector.load %arg4[%swap3A, %swap3A_12] : memref<8000x128xf32, #tpu.memory_space<vmem>>, vector<8000x128xf32>
    tpu.vector_store %arg4[%swap3A, %swap3A_12], %max3A_11 {strides = array<i32>} : memref<8000x128xf32, #tpu.memory_space<vmem>>, vector<8000x128xf32>,
    return
  }
  func.func @transform_0(%arg0: i32) -> (i32, i32) {
    %c0_i32 = arith.constant 0 : i32
    %c0_i32_0 = arith.constant 0 : i32
    return %arg0, %c0_i32 : i32, i32
  }
  func.func @transform_1(%arg0: i32) -> (i32, i32) {
    %c0_i32 = arith.constant 0 : i32
    %c0_i32_0 = arith.constant 0 : i32
    %c0_i32_1 = arith.constant 0 : i32
    return %c0_i32, %c0_i32_0 : i32, i32
  }
  func.func @transform_2(%arg0: i32) -> (i32, i32) {
    %c0_i32 = arith.constant 0 : i32
    %c0_i32_0 = arith.constant 0 : i32
    %c0_i32_1 = arith.constant 0 : i32
    return %c0_i32, %c0_i32_0 : i32, i32
  }
  func.func @transform_3(%arg0: i32) -> (i32, i32) {
    %c0_i32 = arith.constant 0 : i32
    %c0_i32_0 = arith.constant 0 : i32
    return %arg0, %c0_i32 : i32, i32
  }
}

module attributes {stable_mosaic.version = 14 : i64} {
  func.func @_prep_body(%arg0: i32, %arg1: memref<2000x75xf32, #tpu.memory_space<vmem>>, %arg2: memref<75x128xf32, #tpu.memory_space<vmem>>, %arg3: memref<1x128xf32, #tpu.memory_space<vmem>>, %arg4: memref<75x64xf32, #tpu.memory_space<vmem>>, %arg5: memref<1x64xf32, #tpu.memory_space<vmem>>, %arg6: memref<2000x128xf32, #tpu.memory_space<vmem>>, %arg7: memref<2000x64xf32, #tpu.memory_space<vmem>>) attributes {dimension_semantics = [#tpu.dimension_semantics<arbitrary>], iteration_bounds = array<i64: 25>, scalar_prefetch = 0 : i64, scratch_operands = 0 : i64, tpu.core_type = #tpu.core_type<tc>, window_params = [{transform_indices = @transform_0, window_bounds = array<i64: 2000, 75>}, {pipeline_mode = #tpu.pipeline_mode<synchronous>, transform_indices = @transform_1, window_bounds = array<i64: 75, 128>}, {pipeline_mode = #tpu.pipeline_mode<synchronous>, transform_indices = @transform_2, window_bounds = array<i64: 1, 128>}, {pipeline_mode = #tpu.pipeline_mode<synchronous>, transform_indices = @transform_3, window_bounds = array<i64: 75, 64>}, {pipeline_mode = #tpu.pipeline_mode<synchronous>, transform_indices = @transform_4, window_bounds = array<i64: 1, 64>}, {transform_indices = @transform_5, window_bounds = array<i64: 2000, 128>}, {transform_indices = @transform_6, window_bounds = array<i64: 2000, 64>}]} {
    %get3A = arith.constant 0 : index
    %get3A_0 = arith.constant 0 : index
    %get3A_1 = vector.load %arg1[%get3A, %get3A_0] : memref<2000x75xf32, #tpu.memory_space<vmem>>, vector<2000x75xf32>
    %get3A_2 = arith.constant 0 : index
    %get3A_3 = arith.constant 0 : index
    %get3A_4 = vector.load %arg2[%get3A_2, %get3A_3] : memref<75x128xf32, #tpu.memory_space<vmem>>, vector<75x128xf32>
    %dot_general3A = arith.constant dense<0.000000e+00> : vector<2000x128xf32>
    %dot_general3A_5 = tpu.matmul %get3A_1, %get3A_4, %dot_general3A {dimension_numbers = #tpu.dot_dimension_numbers<[1], [0], [0], [1], [0, 0, 1, 1], [], []>, transpose_lhs_hint = false} : vector<2000x75xf32>, vector<75x128xf32>, vector<2000x128xf32> -> vector<2000x128xf32>
    %get3A_6 = arith.constant 0 : index
    %get3A_7 = arith.constant 0 : index
    %get3A_8 = vector.load %arg3[%get3A_6, %get3A_7] : memref<1x128xf32, #tpu.memory_space<vmem>>, vector<1x128xf32>
    %add3A = vector.broadcast %get3A_8 : vector<1x128xf32> to vector<2000x128xf32>
    %add3A_9 = arith.addf %dot_general3A_5, %add3A : vector<2000x128xf32>
    %swap3A = arith.constant 0 : index
    %swap3A_10 = arith.constant 0 : index
    %swap3A_11 = vector.load %arg6[%swap3A, %swap3A_10] : memref<2000x128xf32, #tpu.memory_space<vmem>>, vector<2000x128xf32>
    tpu.vector_store %arg6[%swap3A, %swap3A_10], %add3A_9 {strides = array<i32>} : memref<2000x128xf32, #tpu.memory_space<vmem>>, vector<2000x128xf32>,
    %get3A_12 = arith.constant 0 : index
    %get3A_13 = arith.constant 0 : index
    %get3A_14 = vector.load %arg4[%get3A_12, %get3A_13] : memref<75x64xf32, #tpu.memory_space<vmem>>, vector<75x64xf32>
    %dot_general3A_15 = arith.constant dense<0.000000e+00> : vector<2000x64xf32>
    %dot_general3A_16 = tpu.matmul %get3A_1, %get3A_14, %dot_general3A_15 {dimension_numbers = #tpu.dot_dimension_numbers<[1], [0], [0], [1], [0, 0, 1, 1], [], []>, transpose_lhs_hint = false} : vector<2000x75xf32>, vector<75x64xf32>, vector<2000x64xf32> -> vector<2000x64xf32>
    %get3A_17 = arith.constant 0 : index
    %get3A_18 = arith.constant 0 : index
    %get3A_19 = vector.load %arg5[%get3A_17, %get3A_18] : memref<1x64xf32, #tpu.memory_space<vmem>>, vector<1x64xf32>
    %add3A_20 = vector.broadcast %get3A_19 : vector<1x64xf32> to vector<2000x64xf32>
    %add3A_21 = arith.addf %dot_general3A_16, %add3A_20 : vector<2000x64xf32>
    %max3A = arith.constant 0.000000e+00 : f32
    %max3A_22 = vector.broadcast %max3A : f32 to vector<2000x64xf32>
    %max3A_23 = arith.maximumf %add3A_21, %max3A_22 : vector<2000x64xf32>
    %swap3A_24 = arith.constant 0 : index
    %swap3A_25 = arith.constant 0 : index
    %swap3A_26 = vector.load %arg7[%swap3A_24, %swap3A_25] : memref<2000x64xf32, #tpu.memory_space<vmem>>, vector<2000x64xf32>
    tpu.vector_store %arg7[%swap3A_24, %swap3A_25], %max3A_23 {strides = array<i32>} : memref<2000x64xf32, #tpu.memory_space<vmem>>, vector<2000x64xf32>,
    return
  }
  func.func @transform_0(%arg0: i32) -> (i32, i32) {
    %c0_i32 = arith.constant 0 : i32
    %c0_i32_0 = arith.constant 0 : i32
    return %arg0, %c0_i32 : i32, i32
  }
  func.func @transform_1(%arg0: i32) -> (i32, i32) {
    %c0_i32 = arith.constant 0 : i32
    %c0_i32_0 = arith.constant 0 : i32
    %c0_i32_1 = arith.constant 0 : i32
    return %c0_i32, %c0_i32_0 : i32, i32
  }
  func.func @transform_2(%arg0: i32) -> (i32, i32) {
    %c0_i32 = arith.constant 0 : i32
    %c0_i32_0 = arith.constant 0 : i32
    %c0_i32_1 = arith.constant 0 : i32
    return %c0_i32, %c0_i32_0 : i32, i32
  }
  func.func @transform_3(%arg0: i32) -> (i32, i32) {
    %c0_i32 = arith.constant 0 : i32
    %c0_i32_0 = arith.constant 0 : i32
    %c0_i32_1 = arith.constant 0 : i32
    return %c0_i32, %c0_i32_0 : i32, i32
  }
  func.func @transform_4(%arg0: i32) -> (i32, i32) {
    %c0_i32 = arith.constant 0 : i32
    %c0_i32_0 = arith.constant 0 : i32
    %c0_i32_1 = arith.constant 0 : i32
    return %c0_i32, %c0_i32_0 : i32, i32
  }
  func.func @transform_5(%arg0: i32) -> (i32, i32) {
    %c0_i32 = arith.constant 0 : i32
    %c0_i32_0 = arith.constant 0 : i32
    return %arg0, %c0_i32 : i32, i32
  }
  func.func @transform_6(%arg0: i32) -> (i32, i32) {
    %c0_i32 = arith.constant 0 : i32
    %c0_i32_0 = arith.constant 0 : i32
    return %arg0, %c0_i32 : i32, i32
  }
}

module attributes {stable_mosaic.version = 14 : i64} {
  func.func @_a_body(%arg0: i32, %arg1: memref<5000x64xf32, #tpu.memory_space<vmem>>, %arg2: memref<5000x16xf32, #tpu.memory_space<vmem>>, %arg3: memref<5000x16xf32, #tpu.memory_space<vmem>>, %arg4: memref<5000x16xf32, #tpu.memory_space<vmem>>, %arg5: memref<5000x16xf32, #tpu.memory_space<vmem>>, %arg6: memref<64x50xf32, #tpu.memory_space<vmem>>, %arg7: memref<16x50xf32, #tpu.memory_space<vmem>>, %arg8: memref<16x50xf32, #tpu.memory_space<vmem>>, %arg9: memref<16x50xf32, #tpu.memory_space<vmem>>, %arg10: memref<16x50xf32, #tpu.memory_space<vmem>>, %arg11: memref<1x50xf32, #tpu.memory_space<vmem>>, %arg12: memref<5000x50xf32, #tpu.memory_space<vmem>>) attributes {dimension_semantics = [#tpu.dimension_semantics<arbitrary>], iteration_bounds = array<i64: 10>, scalar_prefetch = 0 : i64, scratch_operands = 0 : i64, tpu.core_type = #tpu.core_type<tc>, window_params = [{transform_indices = @transform_0, window_bounds = array<i64: 5000, 64>}, {transform_indices = @transform_1, window_bounds = array<i64: 5000, 16>}, {transform_indices = @transform_2, window_bounds = array<i64: 5000, 16>}, {transform_indices = @transform_3, window_bounds = array<i64: 5000, 16>}, {transform_indices = @transform_4, window_bounds = array<i64: 5000, 16>}, {pipeline_mode = #tpu.pipeline_mode<synchronous>, transform_indices = @transform_5, window_bounds = array<i64: 64, 50>}, {pipeline_mode = #tpu.pipeline_mode<synchronous>, transform_indices = @transform_6, window_bounds = array<i64: 16, 50>}, {pipeline_mode = #tpu.pipeline_mode<synchronous>, transform_indices = @transform_7, window_bounds = array<i64: 16, 50>}, {pipeline_mode = #tpu.pipeline_mode<synchronous>, transform_indices = @transform_8, window_bounds = array<i64: 16, 50>}, {pipeline_mode = #tpu.pipeline_mode<synchronous>, transform_indices = @transform_9, window_bounds = array<i64: 16, 50>}, {pipeline_mode = #tpu.pipeline_mode<synchronous>, transform_indices = @transform_10, window_bounds = array<i64: 1, 50>}, {transform_indices = @transform_11, window_bounds = array<i64: 5000, 50>}]} {
    %get3A = arith.constant 0 : index
    %get3A_0 = arith.constant 0 : index
    %get3A_1 = vector.load %arg1[%get3A, %get3A_0] : memref<5000x64xf32, #tpu.memory_space<vmem>>, vector<5000x64xf32>
    %get3A_2 = arith.constant 0 : index
    %get3A_3 = arith.constant 0 : index
    %get3A_4 = vector.load %arg6[%get3A_2, %get3A_3] : memref<64x50xf32, #tpu.memory_space<vmem>>, vector<64x50xf32>
    %dot_general3A = arith.constant dense<0.000000e+00> : vector<5000x50xf32>
    %dot_general3A_5 = tpu.matmul %get3A_1, %get3A_4, %dot_general3A {dimension_numbers = #tpu.dot_dimension_numbers<[1], [0], [0], [1], [0, 0, 1, 1], [], []>, transpose_lhs_hint = false} : vector<5000x64xf32>, vector<64x50xf32>, vector<5000x50xf32> -> vector<5000x50xf32>
    %get3A_6 = arith.constant 0 : index
    %get3A_7 = arith.constant 0 : index
    %get3A_8 = vector.load %arg2[%get3A_6, %get3A_7] : memref<5000x16xf32, #tpu.memory_space<vmem>>, vector<5000x16xf32>
    %get3A_9 = arith.constant 0 : index
    %get3A_10 = arith.constant 0 : index
    %get3A_11 = vector.load %arg7[%get3A_9, %get3A_10] : memref<16x50xf32, #tpu.memory_space<vmem>>, vector<16x50xf32>
    %dot_general3A_12 = arith.constant dense<0.000000e+00> : vector<5000x50xf32>
    %dot_general3A_13 = tpu.matmul %get3A_8, %get3A_11, %dot_general3A_12 {dimension_numbers = #tpu.dot_dimension_numbers<[1], [0], [0], [1], [0, 0, 1, 1], [], []>, transpose_lhs_hint = false} : vector<5000x16xf32>, vector<16x50xf32>, vector<5000x50xf32> -> vector<5000x50xf32>
    %add3A = arith.addf %dot_general3A_5, %dot_general3A_13 : vector<5000x50xf32>
    %get3A_14 = arith.constant 0 : index
    %get3A_15 = arith.constant 0 : index
    %get3A_16 = vector.load %arg3[%get3A_14, %get3A_15] : memref<5000x16xf32, #tpu.memory_space<vmem>>, vector<5000x16xf32>
    %get3A_17 = arith.constant 0 : index
    %get3A_18 = arith.constant 0 : index
    %get3A_19 = vector.load %arg8[%get3A_17, %get3A_18] : memref<16x50xf32, #tpu.memory_space<vmem>>, vector<16x50xf32>
    %dot_general3A_20 = arith.constant dense<0.000000e+00> : vector<5000x50xf32>
    %dot_general3A_21 = tpu.matmul %get3A_16, %get3A_19, %dot_general3A_20 {dimension_numbers = #tpu.dot_dimension_numbers<[1], [0], [0], [1], [0, 0, 1, 1], [], []>, transpose_lhs_hint = false} : vector<5000x16xf32>, vector<16x50xf32>, vector<5000x50xf32> -> vector<5000x50xf32>
    %add3A_22 = arith.addf %add3A, %dot_general3A_21 : vector<5000x50xf32>
    %get3A_23 = arith.constant 0 : index
    %get3A_24 = arith.constant 0 : index
    %get3A_25 = vector.load %arg4[%get3A_23, %get3A_24] : memref<5000x16xf32, #tpu.memory_space<vmem>>, vector<5000x16xf32>
    %get3A_26 = arith.constant 0 : index
    %get3A_27 = arith.constant 0 : index
    %get3A_28 = vector.load %arg9[%get3A_26, %get3A_27] : memref<16x50xf32, #tpu.memory_space<vmem>>, vector<16x50xf32>
    %dot_general3A_29 = arith.constant dense<0.000000e+00> : vector<5000x50xf32>
    %dot_general3A_30 = tpu.matmul %get3A_25, %get3A_28, %dot_general3A_29 {dimension_numbers = #tpu.dot_dimension_numbers<[1], [0], [0], [1], [0, 0, 1, 1], [], []>, transpose_lhs_hint = false} : vector<5000x16xf32>, vector<16x50xf32>, vector<5000x50xf32> -> vector<5000x50xf32>
    %add3A_31 = arith.addf %add3A_22, %dot_general3A_30 : vector<5000x50xf32>
    %get3A_32 = arith.constant 0 : index
    %get3A_33 = arith.constant 0 : index
    %get3A_34 = vector.load %arg5[%get3A_32, %get3A_33] : memref<5000x16xf32, #tpu.memory_space<vmem>>, vector<5000x16xf32>
    %get3A_35 = arith.constant 0 : index
    %get3A_36 = arith.constant 0 : index
    %get3A_37 = vector.load %arg10[%get3A_35, %get3A_36] : memref<16x50xf32, #tpu.memory_space<vmem>>, vector<16x50xf32>
    %dot_general3A_38 = arith.constant dense<0.000000e+00> : vector<5000x50xf32>
    %dot_general3A_39 = tpu.matmul %get3A_34, %get3A_37, %dot_general3A_38 {dimension_numbers = #tpu.dot_dimension_numbers<[1], [0], [0], [1], [0, 0, 1, 1], [], []>, transpose_lhs_hint = false} : vector<5000x16xf32>, vector<16x50xf32>, vector<5000x50xf32> -> vector<5000x50xf32>
    %add3A_40 = arith.addf %add3A_31, %dot_general3A_39 : vector<5000x50xf32>
    %get3A_41 = arith.constant 0 : index
    %get3A_42 = arith.constant 0 : index
    %get3A_43 = vector.load %arg11[%get3A_41, %get3A_42] : memref<1x50xf32, #tpu.memory_space<vmem>>, vector<1x50xf32>
    %add3A_44 = vector.broadcast %get3A_43 : vector<1x50xf32> to vector<5000x50xf32>
    %add3A_45 = arith.addf %add3A_40, %add3A_44 : vector<5000x50xf32>
    %max3A = arith.constant 0.000000e+00 : f32
    %max3A_46 = vector.broadcast %max3A : f32 to vector<5000x50xf32>
    %max3A_47 = arith.maximumf %add3A_45, %max3A_46 : vector<5000x50xf32>
    %swap3A = arith.constant 0 : index
    %swap3A_48 = arith.constant 0 : index
    %swap3A_49 = vector.load %arg12[%swap3A, %swap3A_48] : memref<5000x50xf32, #tpu.memory_space<vmem>>, vector<5000x50xf32>
    tpu.vector_store %arg12[%swap3A, %swap3A_48], %max3A_47 {strides = array<i32>} : memref<5000x50xf32, #tpu.memory_space<vmem>>, vector<5000x50xf32>,
    return
  }
  func.func @transform_0(%arg0: i32) -> (i32, i32) {
    %c0_i32 = arith.constant 0 : i32
    %c0_i32_0 = arith.constant 0 : i32
    return %arg0, %c0_i32 : i32, i32
  }
  func.func @transform_1(%arg0: i32) -> (i32, i32) {
    %c0_i32 = arith.constant 0 : i32
    %c0_i32_0 = arith.constant 0 : i32
    return %arg0, %c0_i32 : i32, i32
  }
  func.func @transform_2(%arg0: i32) -> (i32, i32) {
    %c0_i32 = arith.constant 0 : i32
    %c0_i32_0 = arith.constant 0 : i32
    return %arg0, %c0_i32 : i32, i32
  }
  func.func @transform_3(%arg0: i32) -> (i32, i32) {
    %c0_i32 = arith.constant 0 : i32
    %c0_i32_0 = arith.constant 0 : i32
    return %arg0, %c0_i32 : i32, i32
  }
  func.func @transform_4(%arg0: i32) -> (i32, i32) {
    %c0_i32 = arith.constant 0 : i32
    %c0_i32_0 = arith.constant 0 : i32
    return %arg0, %c0_i32 : i32, i32
  }
  func.func @transform_5(%arg0: i32) -> (i32, i32) {
    %c0_i32 = arith.constant 0 : i32
    %c0_i32_0 = arith.constant 0 : i32
    %c0_i32_1 = arith.constant 0 : i32
    return %c0_i32, %c0_i32_0 : i32, i32
  }
  func.func @transform_6(%arg0: i32) -> (i32, i32) {
    %c0_i32 = arith.constant 0 : i32
    %c0_i32_0 = arith.constant 0 : i32
    %c0_i32_1 = arith.constant 0 : i32
    return %c0_i32, %c0_i32_0 : i32, i32
  }
  func.func @transform_7(%arg0: i32) -> (i32, i32) {
    %c0_i32 = arith.constant 0 : i32
    %c0_i32_0 = arith.constant 0 : i32
    %c0_i32_1 = arith.constant 0 : i32
    return %c0_i32, %c0_i32_0 : i32, i32
  }
  func.func @transform_8(%arg0: i32) -> (i32, i32) {
    %c0_i32 = arith.constant 0 : i32
    %c0_i32_0 = arith.constant 0 : i32
    %c0_i32_1 = arith.constant 0 : i32
    return %c0_i32, %c0_i32_0 : i32, i32
  }
  func.func @transform_9(%arg0: i32) -> (i32, i32) {
    %c0_i32 = arith.constant 0 : i32
    %c0_i32_0 = arith.constant 0 : i32
    %c0_i32_1 = arith.constant 0 : i32
    return %c0_i32, %c0_i32_0 : i32, i32
  }
  func.func @transform_10(%arg0: i32) -> (i32, i32) {
    %c0_i32 = arith.constant 0 : i32
    %c0_i32_0 = arith.constant 0 : i32
    %c0_i32_1 = arith.constant 0 : i32
    return %c0_i32, %c0_i32_0 : i32, i32
  }
  func.func @transform_11(%arg0: i32) -> (i32, i32) {
    %c0_i32 = arith.constant 0 : i32
    %c0_i32_0 = arith.constant 0 : i32
    return %arg0, %c0_i32 : i32, i32
  }
}

module attributes {stable_mosaic.version = 14 : i64} {
  func.func @_p_body(%arg0: i32, %arg1: memref<8000x64xf32, #tpu.memory_space<vmem>>, %arg2: memref<8000x14xf32, #tpu.memory_space<vmem>>, %arg3: memref<64x50xf32, #tpu.memory_space<vmem>>, %arg4: memref<14x50xf32, #tpu.memory_space<vmem>>, %arg5: memref<1x50xf32, #tpu.memory_space<vmem>>, %arg6: memref<50x50xf32, #tpu.memory_space<vmem>>, %arg7: memref<1x50xf32, #tpu.memory_space<vmem>>, %arg8: memref<8000x50xf32, #tpu.memory_space<vmem>>) attributes {dimension_semantics = [#tpu.dimension_semantics<arbitrary>], iteration_bounds = array<i64: 100>, scalar_prefetch = 0 : i64, scratch_operands = 0 : i64, tpu.core_type = #tpu.core_type<tc>, window_params = [{transform_indices = @transform_0, window_bounds = array<i64: 8000, 64>}, {transform_indices = @transform_1, window_bounds = array<i64: 8000, 14>}, {pipeline_mode = #tpu.pipeline_mode<synchronous>, transform_indices = @transform_2, window_bounds = array<i64: 64, 50>}, {pipeline_mode = #tpu.pipeline_mode<synchronous>, transform_indices = @transform_3, window_bounds = array<i64: 14, 50>}, {pipeline_mode = #tpu.pipeline_mode<synchronous>, transform_indices = @transform_4, window_bounds = array<i64: 1, 50>}, {pipeline_mode = #tpu.pipeline_mode<synchronous>, transform_indices = @transform_5, window_bounds = array<i64: 50, 50>}, {pipeline_mode = #tpu.pipeline_mode<synchronous>, transform_indices = @transform_6, window_bounds = array<i64: 1, 50>}, {transform_indices = @transform_7, window_bounds = array<i64: 8000, 50>}]} {
    %get3A = arith.constant 0 : index
    %get3A_0 = arith.constant 0 : index
    %get3A_1 = vector.load %arg2[%get3A, %get3A_0] : memref<8000x14xf32, #tpu.memory_space<vmem>>, vector<8000x14xf32>
    %get3A_2 = arith.constant 0 : index
    %get3A_3 = arith.constant 0 : index
    %get3A_4 = vector.load %arg4[%get3A_2, %get3A_3] : memref<14x50xf32, #tpu.memory_space<vmem>>, vector<14x50xf32>
    %dot_general3A = arith.constant dense<0.000000e+00> : vector<8000x50xf32>
    %dot_general3A_5 = tpu.matmul %get3A_1, %get3A_4, %dot_general3A {dimension_numbers = #tpu.dot_dimension_numbers<[1], [0], [0], [1], [0, 0, 1, 1], [], []>, transpose_lhs_hint = false} : vector<8000x14xf32>, vector<14x50xf32>, vector<8000x50xf32> -> vector<8000x50xf32>
    %get3A_6 = arith.constant 0 : index
    %get3A_7 = arith.constant 0 : index
    %get3A_8 = vector.load %arg5[%get3A_6, %get3A_7] : memref<1x50xf32, #tpu.memory_space<vmem>>, vector<1x50xf32>
    %add3A = vector.broadcast %get3A_8 : vector<1x50xf32> to vector<8000x50xf32>
    %add3A_9 = arith.addf %dot_general3A_5, %add3A : vector<8000x50xf32>
    %max3A = arith.constant 0.000000e+00 : f32
    %max3A_10 = vector.broadcast %max3A : f32 to vector<8000x50xf32>
    %max3A_11 = arith.maximumf %add3A_9, %max3A_10 : vector<8000x50xf32>
    %get3A_12 = arith.constant 0 : index
    %get3A_13 = arith.constant 0 : index
    %get3A_14 = vector.load %arg1[%get3A_12, %get3A_13] : memref<8000x64xf32, #tpu.memory_space<vmem>>, vector<8000x64xf32>
    %get3A_15 = arith.constant 0 : index
    %get3A_16 = arith.constant 0 : index
    %get3A_17 = vector.load %arg3[%get3A_15, %get3A_16] : memref<64x50xf32, #tpu.memory_space<vmem>>, vector<64x50xf32>
    %dot_general3A_18 = arith.constant dense<0.000000e+00> : vector<8000x50xf32>
    %dot_general3A_19 = tpu.matmul %get3A_14, %get3A_17, %dot_general3A_18 {dimension_numbers = #tpu.dot_dimension_numbers<[1], [0], [0], [1], [0, 0, 1, 1], [], []>, transpose_lhs_hint = false} : vector<8000x64xf32>, vector<64x50xf32>, vector<8000x50xf32> -> vector<8000x50xf32>
    %get3A_20 = arith.constant 0 : index
    %get3A_21 = arith.constant 0 : index
    %get3A_22 = vector.load %arg6[%get3A_20, %get3A_21] : memref<50x50xf32, #tpu.memory_space<vmem>>, vector<50x50xf32>
    %dot_general3A_23 = arith.constant dense<0.000000e+00> : vector<8000x50xf32>
    %dot_general3A_24 = tpu.matmul %max3A_11, %get3A_22, %dot_general3A_23 {dimension_numbers = #tpu.dot_dimension_numbers<[1], [0], [0], [1], [0, 0, 1, 1], [], []>, transpose_lhs_hint = false} : vector<8000x50xf32>, vector<50x50xf32>, vector<8000x50xf32> -> vector<8000x50xf32>
    %add3A_25 = arith.addf %dot_general3A_19, %dot_general3A_24 : vector<8000x50xf32>
    %get3A_26 = arith.constant 0 : index
    %get3A_27 = arith.constant 0 : index
    %get3A_28 = vector.load %arg7[%get3A_26, %get3A_27] : memref<1x50xf32, #tpu.memory_space<vmem>>, vector<1x50xf32>
    %add3A_29 = vector.broadcast %get3A_28 : vector<1x50xf32> to vector<8000x50xf32>
    %add3A_30 = arith.addf %add3A_25, %add3A_29 : vector<8000x50xf32>
    %max3A_31 = arith.constant 0.000000e+00 : f32
    %max3A_32 = vector.broadcast %max3A_31 : f32 to vector<8000x50xf32>
    %max3A_33 = arith.maximumf %add3A_30, %max3A_32 : vector<8000x50xf32>
    %swap3A = arith.constant 0 : index
    %swap3A_34 = arith.constant 0 : index
    %swap3A_35 = vector.load %arg8[%swap3A, %swap3A_34] : memref<8000x50xf32, #tpu.memory_space<vmem>>, vector<8000x50xf32>
    tpu.vector_store %arg8[%swap3A, %swap3A_34], %max3A_33 {strides = array<i32>} : memref<8000x50xf32, #tpu.memory_space<vmem>>, vector<8000x50xf32>,
    return
  }
  func.func @transform_0(%arg0: i32) -> (i32, i32) {
    %c0_i32 = arith.constant 0 : i32
    %c0_i32_0 = arith.constant 0 : i32
    return %arg0, %c0_i32 : i32, i32
  }
  func.func @transform_1(%arg0: i32) -> (i32, i32) {
    %c0_i32 = arith.constant 0 : i32
    %c0_i32_0 = arith.constant 0 : i32
    return %arg0, %c0_i32 : i32, i32
  }
  func.func @transform_2(%arg0: i32) -> (i32, i32) {
    %c0_i32 = arith.constant 0 : i32
    %c0_i32_0 = arith.constant 0 : i32
    %c0_i32_1 = arith.constant 0 : i32
    return %c0_i32, %c0_i32_0 : i32, i32
  }
  func.func @transform_3(%arg0: i32) -> (i32, i32) {
    %c0_i32 = arith.constant 0 : i32
    %c0_i32_0 = arith.constant 0 : i32
    %c0_i32_1 = arith.constant 0 : i32
    return %c0_i32, %c0_i32_0 : i32, i32
  }
  func.func @transform_4(%arg0: i32) -> (i32, i32) {
    %c0_i32 = arith.constant 0 : i32
    %c0_i32_0 = arith.constant 0 : i32
    %c0_i32_1 = arith.constant 0 : i32
    return %c0_i32, %c0_i32_0 : i32, i32
  }
  func.func @transform_5(%arg0: i32) -> (i32, i32) {
    %c0_i32 = arith.constant 0 : i32
    %c0_i32_0 = arith.constant 0 : i32
    %c0_i32_1 = arith.constant 0 : i32
    return %c0_i32, %c0_i32_0 : i32, i32
  }
  func.func @transform_6(%arg0: i32) -> (i32, i32) {
    %c0_i32 = arith.constant 0 : i32
    %c0_i32_0 = arith.constant 0 : i32
    %c0_i32_1 = arith.constant 0 : i32
    return %c0_i32, %c0_i32_0 : i32, i32
  }
  func.func @transform_7(%arg0: i32) -> (i32, i32) {
    %c0_i32 = arith.constant 0 : i32
    %c0_i32_0 = arith.constant 0 : i32
    return %arg0, %c0_i32 : i32, i32
  }
}

</mosaic_0001>

<sc_bundles>
// kernel: kernel.11.cloned.1.call-start
scs
__scs_entry_jumppad:
0x0: {  	(pc) =	sbr.rel $0x88, $3  }
0x1: {  	(tag) =	ssettag $0x0;
	lr =	simm.s32 $0x1  }
0x2: {  	[smem:$0x3F91] =	sst lr;
	_ =	strace $0xD0000000  }
0x3: {  	_ = 	snop  }
0x4: {  	_ = 	snop  }
0x5: {  	_ = 	snop  }
0x6: {  	_ = 	snop  }
0x7: {  	_ = 	snop  }
__scs_overlays_trampoline_lowered:
0x8: {  	[smem:$0x3FA0] =	sst s0  }
0x9: {  	[smem:$0x3FA1] =	sst s1  }
0xa: {  	[smem:$0x3FA2] =	sst s2  }
0xb: {  	[smem:$0x3FA3] =	sst s3  }
0xc: {  	[smem:$0x3FA4] =	sst s4  }
0xd: {  	[smem:$0x3FA5] =	sst s5  }
0xe: {  	[smem:$0x3FA6] =	sst s6  }
0xf: {  	[smem:$0x3FA7] =	sst s7  }
0x10: {  	[smem:$0x3FA8] =	sst s8  }
0x11: {  	[smem:$0x3FA9] =	sst s9;
	s0 =	simm.s32 @!p0 $0x0  }
0x12: {  	s1 =	sld [smem:$0x3F8F];
	s0 =	simm.s32 @p0 $0x1  }
0x13: {  	[smem:$0x3FAA] =	sst s0;
	s0 =	simm.s32 @!p1 $0x0  }
0x14: {  	s2 =	sld [smem:$0x3F8E];
	s0 =	simm.s32 @p1 $0x1  }
0x15: {  	[smem:$0x3FAB] =	sst s0;
	s0 =	simm.s32 @!p2 $0x0  }
0x16: {  	s3 =	sld [smem:$0x3FDB];
	s0 =	simm.s32 @p2 $0x1  }
0x17: {  	s4 =	simm.s32 $0x1BF5;
	[smem:$0x3FAD] =	sst s0  }
0x18: {  	s0 =	sld [smem:$0x3F90];
	_ =	swait.ge [sflag:s4], $0x0  }
0x19: {  	s7 =	sld [smem:$0x3F91]  }
0x1a: {  	s8 =	sadd.s32 $0xFFFFE003, lr  }
0x1b: {  	s9 =	sadd.s32 $0xFFFFFEF7, lr;
	s5 =	simm.s32 $0xFFFFFFFF;
	p2 =	slt.u32 s8, $0xFFFFF086  }
0x1c: {  	p1 =	slt.u32 s9, $0xF7A;
	s5 =	simm.s32 @!p2 $0x0  }
0x1d: {  	s5 =	simm.s32 @p1 $0x1;
	p0 =	seq.s32 s7, s2  }
0x1e: {  	s7 =	smul.u32 @!p0 $0xF7A, s2;
	p2 =	seq.s32 @!p0 s5, $0x0  }
0x1f: {  	s9 =	smul.u32 $0xF7A, s1;
	s8 =	simm.s32 @!p0 $0x1BF5;
	p2 =	por !p2, p0  }
0x20: {  	[sflag:s8] =	ssyncset.s32 @!p0 $0xFFFFF086;
	s6 =	sadd.s32 @!p0 s3, s7;
	s7 =	simm.s32 @!p0 $0x108  }
0x21: {  	s3 =	sadd.s32 s3, s9;
	s6 =	sadd.s32 @!p0 $0x88, s6;
	s7 =	simm.s32 @p2 $0x1082  }
0x22: {  	[simem:s7], [sflag:s8] =	dma.local @!p0 [hbm:s6], $0xF7A  }
0x23: {  	s9 =	sor.u32 $0xD0000000, s2;
	s6 =	simm.s32 $0x108;
	_ =	swait.ge @!p0 [sflag:s8], $0x0  }
0x24: {  	s3 =	sadd.s32 $0x88, s3;
	s6 =	simm.s32 @!p1 $0x1082;
	[sflag:s4] =	ssyncset.s32 $0xFFFFF086  }
0x25: {  	[simem:s6], [sflag:s4] =	dma.local [hbm:s3], $0xF7A  }
0x26: {  	[smem:$0x3F91] =	sst s1;
	(tag) =	ssettag s2;
	_ =	strace s9  }
0x27: {  	s1 =	sld [smem:$0x3FA1]  }
0x28: {  	s2 =	sld [smem:$0x3FA2]  }
0x29: {  	s4 =	sld [smem:$0x3FA4]  }
0x2a: {  	p0 =	seq.s32 s5, $0x0;
	s5 =	sld [smem:$0x3FA5]  }
0x2b: {  	s6 =	sld [smem:$0x3FA6]  }
0x2c: {  	s7 =	sld [smem:$0x3FA7]  }
0x2d: {  	s3 =	simm.s32 $0x108;
	s8 =	sld [smem:$0x3FA8]  }
0x2e: {  	s3 =	simm.s32 @!p0 $0x1082;
	s9 =	sld [smem:$0x3FA9]  }
0x2f: {  	lr =	sadd.s32 s0, s3;
	s0 =	sld [smem:$0x3FA0]  }
0x30: {  	s3 =	sld [smem:$0x3FA3]  }
0x31: {  	[smem:$0x3FAC] =	sst s10  }
0x32: {  	s10 =	sld [smem:$0x3FAA];
	_ =	sdelay $0x3  }
0x33: {  	p0 =	seq.s32 s10, $0x1;
	s10 =	sld [smem:$0x3FAC];
	_ =	sdelay $0x3  }
0x34: {  	[smem:$0x3FAC] =	sst s10  }
0x35: {  	s10 =	sld [smem:$0x3FAB];
	_ =	sdelay $0x3  }
0x36: {  	p1 =	seq.s32 s10, $0x1;
	s10 =	sld [smem:$0x3FAC];
	_ =	sdelay $0x3  }
0x37: {  	[smem:$0x3FAC] =	sst s10  }
0x38: {  	s10 =	sld [smem:$0x3FAD]  }
0x39: {  	_ = 	snop;
	(pc) =	sbr.ind lr, $3  }
0x3a: {  	_ = 	snop  }
0x3b: {  	_ = 	snop  }
0x3c: {  	p2 =	seq.s32 s10, $0x1;
	s10 =	sld [smem:$0x3FAC]  }
0x3d: {  	_ =	shalt  }
0x3e: {  	_ =	shalt  }
0x3f: {  	_ =	shalt  }
0x40: {  	_ =	shalt  }
0x41: {  	_ =	shalt  }
0x42: {  	_ =	shalt  }
0x43: {  	_ =	shalt  }
0x44: {  	_ =	shalt  }
0x45: {  	_ =	shalt  }
0x46: {  	_ =	shalt  }
0x47: {  	_ =	shalt  }
0x48: {  	_ =	shalt  }
0x49: {  	_ =	shalt  }
0x4a: {  	_ =	shalt  }
0x4b: {  	_ =	shalt  }
0x4c: {  	_ =	shalt  }
0x4d: {  	_ =	shalt  }
0x4e: {  	_ =	shalt  }
0x4f: {  	_ =	shalt  }
0x50: {  	_ =	shalt  }
0x51: {  	_ =	shalt  }
0x52: {  	_ =	shalt  }
0x53: {  	_ =	shalt  }
0x54: {  	_ =	shalt  }
0x55: {  	_ =	shalt  }
0x56: {  	_ =	shalt  }
0x57: {  	_ =	shalt  }
0x58: {  	_ =	shalt  }
0x59: {  	_ =	shalt  }
0x5a: {  	_ =	shalt  }
0x5b: {  	_ =	shalt  }
0x5c: {  	_ =	shalt  }
0x5d: {  	_ =	shalt  }
0x5e: {  	_ =	shalt  }
0x5f: {  	_ =	shalt  }
0x60: {  	_ =	shalt  }
0x61: {  	_ =	shalt  }
0x62: {  	_ =	shalt  }
0x63: {  	_ =	shalt  }
0x64: {  	_ =	shalt  }
0x65: {  	_ =	shalt  }
0x66: {  	_ =	shalt  }
0x67: {  	_ =	shalt  }
0x68: {  	_ =	shalt  }
0x69: {  	_ =	shalt  }
0x6a: {  	_ =	shalt  }
0x6b: {  	_ =	shalt  }
0x6c: {  	_ =	shalt  }
0x6d: {  	_ =	shalt  }
0x6e: {  	_ =	shalt  }
0x6f: {  	_ =	shalt  }
0x70: {  	_ =	shalt  }
0x71: {  	_ =	shalt  }
0x72: {  	_ =	shalt  }
0x73: {  	_ =	shalt  }
0x74: {  	_ =	shalt  }
0x75: {  	_ =	shalt  }
0x76: {  	_ =	shalt  }
0x77: {  	_ =	shalt  }
0x78: {  	_ =	shalt  }
0x79: {  	_ =	shalt  }
0x7a: {  	_ =	shalt  }
0x7b: {  	_ =	shalt  }
0x7c: {  	_ =	shalt  }
0x7d: {  	_ =	shalt  }
0x7e: {  	_ =	shalt  }
0x7f: {  	_ =	shalt  }
0x80: {  	_ =	shalt  }
0x81: {  	_ =	shalt  }
0x82: {  	_ =	shalt  }
0x83: {  	_ =	shalt  }
0x84: {  	_ =	shalt  }
0x85: {  	_ =	shalt  }
0x86: {  	_ =	shalt  }
0x87: {  	_ =	shalt  }
.Lfunc_end0:
.L_simem_size_0:
called_computation.1_lowered:
.L_overlay_start_0:
0x88: {  	s2 =	sld [smem:$0x3FD9]  }
0x89: {  	s3 =	sld [smem:$0x3FFE];
	_ =	sdelay $0x1  }
0x8a: {  	s1 =	srdreg.scid  }
0x8b: {  	s0 =	sand.u32 $0x1, s1  }
0x8c: {  	s14 =	sshll.u32 s0, $0xA;
	s2 =	sadd.s32 s3, s2  }
0x8d: {  	s2 =	sadd.s32 s2, s14  }
0x8e: {  	[smem:$0x3FB8] =	sst s2  }
0x8f: {  	_ = 	snop  }
0x90: {  	s2 =	sld [smem:$0x3FD0];
	_ =	sdelay $0x2  }
0x91: {  	s4 =	simm.s32 $0xB;
	s5 =	simm.s32 $0x10;
	s15 =	sld [smem:$0x3FC7]  }
0x92: {  	[smem:s5], [sflag:s4] =	dma.local [hbm:s2], $0x1  }
0x93: {  	_ =	swait.eq [sflag:s4], $0x1  }
0x94: {  	[sflag:s4] =	ssyncset.done $0x0  }
0x95: {  	[sflag:s4] =	ssyncadd.s32 $0xFFFFFFFF  }
0x96: {  	s16 =	sld [smem:$0x10];
	(tm) =	ssettm $0x1  }
0x97: {  	s17 =	sld [smem:$0x3FFB];
	_ =	sdelay $0x3  }
0x98: {  	_ =	strace s17  }
0x99: {  	s4 =	sld [smem:$0x3FFC];
	_ =	sdelay $0x3  }
0x9a: {  	_ =	strace s4  }
0x9b: {  	s4 =	sld [smem:$0x3FFD];
	_ =	sdelay $0x3  }
0x9c: {  	_ =	strace s4  }
0x9d: {  	_ =	strace $0x8FFFFFFF  }
0x9e: {  	s18 =	sld [smem:$0x3FDB];
	_ =	sdelay $0x1  }
0x9f: {  	s19 =	simm.s32 $_scs_section_size  }
0xa0: {  	s6 =	simm.s32 $_size__tile_overlayer_lowered;
	s7 =	simm.s32 $_tile_overlayer_lowered  }
0xa1: {  	s22 =	simm.s32 $0x1BFF;
	s21 =	sshll.u32 s7, $0x1;
	s4 =	sadd.s32 s19, s18  }
0xa2: {  	s8 =	simm.s32 $0x0;
	s20 =	sshll.u32 s6, $0x1;
	s6 =	sadd.s32 s21, s4  }
0xa3: {  	[timem:s8], [sflag:s22] =	dma.local [hbm:s6], s20  }
0xa4: {  	_ =	swait.ge [sflag:s22], s20  }
0xa5: {  	s5 =	ssub.s32 $0x0, s20;
	[sflag:s22] =	ssyncset.done $0x0  }
0xa6: {  	[sflag:s22] =	ssyncadd.s32 s5;
	_ =	sdelay $0x1  }
0xa7: {  	s23 =	simm.s32 $0x1B8B  }
0xa8: {  	_ =	swait.ge [sflag:s23], $0x1  }
0xa9: {  	[sflag:s23] =	ssyncset.done $0x0  }
0xaa: {  	s25 =	simm.s32 $0x1B8E;
	s24 =	sld [smem:$0x3FFE];
	[sflag:s23] =	ssyncadd.s32 $0xFFFFFFFF  }
0xab: {  	s26 =	simm.s32 $execute0_lowered;
	[smem:$0x3FD2] =	sst s25  }
0xac: {  	s6 =	sshll.u32 s26, $0x1;
	_ =	strace $0x80000046;
	[dreg:$0x1] =	wrdreg $0xFFFFFFFF  }
0xad: {  	s28 =	simm.s32 $_size_execute0_lowered;
	s4 =	sadd.s32 s4, s6;
	[dreg:$0x0] =	wrdreg $0x0  }
0xae: {  	s6 =	sshll.u32 s28, $0x1;
	[dreg:$0x2] =	wrdreg s4  }
0xaf: {  	[dreg:$0x3] =	wrdreg s6  }
0xb0: {  	[dreg:$0x4] =	wrdreg $0xC0  }
0xb1: {  	_ =	task [dreg:s8], $0x5FFFF  }
0xb2: {  	[dreg:$0x1] =	wrdreg $0xFFFFFFFF  }
0xb3: {  	[dreg:$0x0] =	wrdreg $0x60  }
0xb4: {  	[dreg:$0x2] =	wrdreg s24  }
0xb5: {  	[dreg:$0x3] =	wrdreg s15  }
0xb6: {  	[dreg:$0x4] =	wrdreg s16  }
0xb7: {  	[dreg:$0x5] =	wrdreg $0x8E000  }
0xb8: {  	[dreg:$0x6] =	wrdreg $0xA  }
0xb9: {  	_ =	task.clear_ibuf [dreg:s8], $0x7FFFF;
	_ =	strace $0x90000046  }
0xba: {  	s29 =	simm.s32 $0xA;
	_ =	strace $0x80000048  }
0xbb: {  	_ =	swait.ge [sflag:s29], $0x1  }
0xbc: {  	[sflag:s29] =	ssyncadd.s32 $0xFFFFFFFF  }
0xbd: {  	_ =	strace $0x90000048  }
0xbe: {  	_ =	sfence  }
0xbf: {  	s30 =	sld [smem:$0x0];
	_ =	sdelay $0x2  }
0xc0: {  	s31 =	sshll.u32 s1, $0xD;
	s1 =	sshrl.u32 s1, $0x2  }
0xc1: {  	s3 =	sand.u32 $0x4000, s31;
	s1 =	sadd.s32 s1, s30  }
0xc2: {  	s0 =	sor.u32 s3, s0;
	s1 =	sshll.u32 s1, $0x11  }
0xc3: {  	s0 =	sor.u32 s1, s0  }
0xc4: {  	s0 =	sadd.s32 $0x8F2B, s0  }
0xc5: {  	[sflag:s0] =	ssyncadd.remote.s32 $0x1  }
0xc6: {  	_ =	sfence.sel $0xFFFF  }
0xc7: {  	[dreg:$0x0] =	wrdreg $0xFFFFFFFF;
	(pc) =	sbr.abs _section_cstart, $3  }
0xc8: {  	[dreg:$0x1] =	wrdreg $0xFFFFFFFF  }
0xc9: {  	_ =	task.clear_ibuf [dreg:s8], $0x2FFFF;
	_ =	strace $0x9FFFFFFF  }
0xca: {  	(tm) =	ssettm $0x7FFFFFFF  }
0xcb: {  	_ =	shalt  }
tec
execute0_lowered:
.L_overlay_start_1:
0x0: {  	(tag) =	ssettag $0x1  }
0x1: {  	s2 =	rddreg [dreg:$0x0]  }
0x2: {  	s3 =	rddreg [dreg:$0x1]  }
0x3: {  	s4 =	rddreg [dreg:$0x2]  }
0x4: {  	s1 =	simm.s32 $0x0;
	s0 =	srdreg.scid;
	s26 =	stileid.u32  }
0x5: {  	s29 =	simm.s32 $0x4;
	s30 =	simm.s32 $0x5;
	s31 =	simm.s32 $0x6  }
0x6: {  	[smem:$0x7FF] =	sst s1;
	s5 =	sadd.s32 $0x186CC00, s2;
	s0 =	sand.u32 $0x1, s0  }
0x7: {  	s6 =	sor.u32 $0x10, s26;
	s7 =	sadd.s32 $0x1885400, s2;
	s10 =	sadd.s32 $0x189DC00, s2  }
0x8: {  	s12 =	smul.u32 $0x3E80, s26;
	s16 =	sor.u32 $0x30, s26;
	s25 =	sshll.u32 s26, $0x4  }
0x9: {  	s20 =	sshll.u32 s26, $0xE;
	s21 =	sor.u32 $0x1860, s26;
	p1 =	sgt.u32 s26, $0x1  }
0xa: {  	p2 =	sgt.u32 s26, $0x9;
	s8 =	ssub.s32 $0x2, s0;
	s9 =	smul.u32 $0xFA00, s6  }
0xb: {  	s14 =	smul.u32 $0x3E80, s6;
	s13 =	sshll.u32 s0, $0x4;
	p0 =	seq.s32 s0, $0x1  }
0xc: {  	s18 =	smul.u32 $0x3E80, s16;
	s28 =	sadd.s32 s3, s25;
	s22 =	sshll.u32 s6, $0x4  }
0xd: {  	s6 =	sshll.u32 s6, $0xE;
	s23 =	sshll.u32 s21, $0x4;
	s11 =	sshrl.u32 s8, $0x1  }
0xe: {  	s15 =	sshrl.u32 s12, $0x3;
	s19 =	sor.u32 $0x20, s13;
	s0 =	sor.u32 s13, s20  }
0xf: {  	s22 =	sadd.s32 s3, s22;
	s3 =	sadd.s32 s3, s23;
	s4 =	smov.u32 @p0 s5  }
0x10: {  	s7 =	smov.u32 @p0 s10;
	p0 =	sgt.u32 s21, $0x1869;
	[dreg:$0x5] =	wrdreg s22  }
0x11: {  	s8 =	ssub.s32 s8, s11;
	s11 =	sor.u32 $0x20, s26;
	[dreg:$0x6] =	wrdreg s3  }
0x12: {  	s3 =	sor.u32 s13, s6;
	s24 =	sor.u32 s19, s20;
	s20 =	sshll.u32 s21, $0xE  }
0x13: {  	s22 =	sadd.s32 s4, s15;
	s25 =	sor.u32 s13, s20;
	s13 =	sshrl.u32 s14, $0x3  }
0x14: {  	s6 =	sor.u32 s19, s6;
	[dreg:$0x7] =	wrdreg s22;
	s23 =	sadd.s32 s4, s13  }
0x15: {  	s17 =	smul.u32 $0x3E80, s11;
	s13 =	sadd.s32 s7, s13;
	[dreg:$0x8] =	wrdreg s23  }
0x16: {  	s5 =	sor.u32 s19, s20;
	s19 =	sshrl.u32 s18, $0x3;
	[dreg:$0xc] =	wrdreg s13  }
0x17: {  	s20 =	sadd.s32 s7, s19;
	s10 =	sshrl.u32 s17, $0x3;
	s13 =	rddreg [dreg:$0x3]  }
0x18: {  	s23 =	sadd.s32 s7, s15;
	[dreg:$0xe] =	wrdreg s20;
	s22 =	sadd.s32 s4, s10  }
0x19: {  	s4 =	sadd.s32 s4, s19;
	[dreg:$0xb] =	wrdreg s23;
	s23 =	smul.u32 $0xFA00, s11  }
0x1a: {  	s15 =	sadd.s32 s7, s10;
	s10 =	smul.u32 $0xFA00, s16;
	[dreg:$0x9] =	wrdreg s22  }
0x1b: {  	s11 =	sshrl.u32 s9, $0x2;
	s9 =	sshrl.u32 s0, $0x3;
	[dreg:$0xa] =	wrdreg s4  }
0x1c: {  	[dreg:$0xd] =	wrdreg s15;
	s22 =	smul.u32 $0xFA00, s26;
	s15 =	sadd.s32 $0xC37C00, s2  }
0x1d: {  	s20 =	sadd.s32 s11, s13;
	s11 =	sshrl.u32 s3, $0x3;
	s26 =	simm.s32 $0x3  }
0x1e: {  	_ =	strace $0x80000047;
	s7 =	sshrl.u32 s23, $0x2;
	s21 =	sshrl.u32 s10, $0x2  }
0x1f: {  	s23 =	sadd.s32 s14, s13;
	s10 =	smax.u32 s8, $0x1;
	s14 =	sshrl.u32 s6, $0x3  }
0x20: {  	s8 =	sor.u32 $0x80000, s0;
	s4 =	sshrl.u32 s22, $0x2;
	s16 =	sadd.s32 s7, s13  }
0x21: {  	s2 =	sadd.s32 s21, s13;
	s22 =	sadd.s32 s12, s13;
	[dreg:$0x12] =	wrdreg s23  }
0x22: {  	s7 =	sadd.s32 s18, s13;
	[dreg:$0x15] =	wrdreg s10;
	s12 =	sshrl.u32 s24, $0x3  }
0x23: {  	s18 =	sshrl.u32 s5, $0x3;
	s21 =	sor.u32 $0xC0000, s0;
	[dreg:$0xf] =	wrdreg s16  }
0x24: {  	s23 =	sor.u32 $0x80020, s0;
	s24 =	sor.u32 $0xC0020, s0;
	[dreg:$0x10] =	wrdreg s2  }
0x25: {  	s10 =	simm.s32 $0x7;
	s19 =	sadd.s32 s4, s13;
	[dreg:$0x11] =	wrdreg s22  }
0x26: {  	s4 =	sadd.s32 s17, s13;
	[dreg:$0x14] =	wrdreg s7;
	s2 =	sadd.s32 s15, s9  }
0x27: {  	s16 =	sadd.s32 s15, s14;
	s17 =	sshrl.u32 s25, $0x3;
	s22 =	sshrl.u32 s21, $0x3  }
0x28: {  	s3 =	sshrl.u32 s23, $0x3;
	s25 =	sshrl.u32 s24, $0x3;
	s21 =	smov.u32 s28  }
0x29: {  	s7 =	sadd.s32 $0x200, s28;
	s9 =	simm.s32 $0x1100;
	[dreg:$0x13] =	wrdreg s4  }
0x2a: {  	s14 =	simm.s32 $0x100;
	s24 =	simm.s32 $0x900;
	[dreg:$0x16] =	wrdreg s2  }
0x2b: {  	s28 =	simm.s32 $0x2;
	s2 =	sadd.s32 s15, s11;
	[dreg:$0x19] =	wrdreg s16  }
0x2c: {  	s0 =	sadd.s32 s22, s15;
	s5 =	sadd.s32 s3, s15;
	s6 =	sadd.s32 s25, s15  }
0x2d: {  	s11 =	simm.s32 $0x10;
	[dreg:$0x17] =	wrdreg s2;
	s2 =	sadd.s32 s15, s12  }
0x2e: {  	s25 =	simm.s32 $0x1;
	[dreg:$0x18] =	wrdreg s2;
	s2 =	sadd.s32 s15, s17  }
0x2f: {  	s3 =	simm.s32 $0x4F80;
	[dreg:$0x1a] =	wrdreg s2;
	s2 =	sadd.s32 s15, s18  }
0x30: {  	v0 =	vimm.f32 $0.0e+00;
	s4 =	simm.s32 $0x0;
	s12 =	simm.s32 $0x80;
	[dreg:$0x1b] =	wrdreg s2  }
.LBB2_1:
0x31: {  	s2 =	simm.s32 $0x40;
	s16 =	simm.s32 $0x0  }
.LBB2_2:
0x32: {  	p3 =	sne.s32 s2, $0xF9C0;
	[tilespmem:s16+$0x1100] =	vst v0;
	s16 =	smov.u32 s2;
	s2 =	sadd.s32 $0x40, s2  }
.Ltmp0:
0x33: {  	(pc) =	sbr.rel @p3 .LBB2_2-.Ltmp0, $2  }
0x34: {  	_ =	sdelay $0x2  }
0x35: {  	s16 =	sshra.s32 s16, $0x2  }
0x36: {  	[tilespmem:s16+$0x1100] =	vst v0  }
0x37: {  	[spmem:s19] =	stream.linear.scatter [tilespmem:s9], [sflag:$0x7], $0x3E80, $0x38;
	[tilespmem:$0x15150] =	vst v63  }
0x38: {  	_ =	swait.ge [sflag:s10], $0x3E80  }
0x39: {  	[sflag:s10] =	ssyncset.done $0x0  }
0x3a: {  	[sflag:s10] =	ssyncadd.s32 $0xFFFFC180  }
0x3b: {  	[spmem:s20] =	stream.linear.scatter [tilespmem:s9], [sflag:$0x7], $0x3E80, $0x38;
	[tilespmem:$0x15150] =	vst v63  }
0x3c: {  	_ =	swait.ge [sflag:s10], $0x3E80  }
0x3d: {  	[sflag:s10] =	ssyncset.done $0x0  }
0x3e: {  	s2 =	rddreg [dreg:$0xf];
	[sflag:s10] =	ssyncadd.s32 $0xFFFFC180  }
0x3f: {  	[spmem:s2] =	stream.linear.scatter [tilespmem:s9], [sflag:$0x7], $0x3E80, $0x38;
	[tilespmem:$0x15150] =	vst v63  }
0x40: {  	_ =	swait.ge [sflag:s10], $0x3E80  }
0x41: {  	[sflag:s10] =	ssyncset.done $0x0  }
0x42: {  	s2 =	simm.s32 @!p1 $0x1100;
	s16 =	rddreg [dreg:$0x10];
	[sflag:s10] =	ssyncadd.s32 $0xFFFFC180  }
0x43: {  	[spmem:s16] =	stream.linear.scatter @!p1 [tilespmem:s2], [sflag:$0x7], $0x3E80, $0x38;
	[tilespmem:$0x15150] =	vst v63  }
0x44: {  	s2 =	simm.s32 @!p1 $0x7  }
0x45: {  	_ =	swait.ge @!p1 [sflag:s2], $0x3E80  }
0x46: {  	[sflag:s2] =	ssyncset.done @!p1 $0x0  }
0x47: {  	[sflag:s2] =	ssyncadd.s32 @!p1 $0xFFFFC180  }
0x48: {  	s22 =	smov.u32 s19;
	s19 =	simm.s32 $0x0;
	[bflag:$0x0] =	sbarrier.arrive $0xFFFF  }
0x49: {  	[tilespmem:s19], [sflag:$0x1] =	stream.linear.gather [hbm4b:s21+s19], $0x80, $0x38;
	[tilespmem:$0x15150] =	vst v63  }
0x4a: {  	s23 =	smov.u32 s20;
	s20 =	rddreg [dreg:$0x16]  }
0x4b: {  	[tilespmem:s14], [sflag:$0x3] =	stream.strided.gather [hbm4b:s20+s11], $0x800, s12, s11, $0x38;
	[tilespmem:$0x15150] =	vst v63  }
0x4c: {  	s17 =	rddreg [dreg:$0x5]  }
0x4d: {  	[tilespmem:s12], [sflag:$0x2] =	stream.linear.gather [hbm4b:s17+s19], $0x80, $0x38;
	[tilespmem:$0x15150] =	vst v63  }
0x4e: {  	s18 =	rddreg [dreg:$0x17]  }
0x4f: {  	[tilespmem:s24], [sflag:$0x4] =	stream.strided.gather [hbm4b:s18+s11], $0x800, s12, s11, $0x38;
	[tilespmem:$0x15150] =	vst v63  }
0x50: {  	_ =	swait.ge [sflag:s25], $0x80  }
0x51: {  	[sflag:s25] =	ssyncset.done $0x0  }
0x52: {  	[sflag:s25] =	ssyncadd.s32 $0xFFFFFF80  }
0x53: {  	_ =	swait.ge [sflag:s26], $0x800  }
0x54: {  	[sflag:s26] =	ssyncset.done $0x0  }
0x55: {  	[sflag:s26] =	ssyncadd.s32 $0xFFFFF800  }
0x56: {  	[spmem:s13] =	stream.indirect.scatter.add.f32 [tilespmem:s14], [sflag:$0x5], $0x10, s19, s12, $0xb8;
	[tilespmem:$0x15150] =	vst v63  }
0x57: {  	_ =	swait.ge [sflag:s28], $0x80  }
0x58: {  	[sflag:s28] =	ssyncset.done $0x0  }
0x59: {  	[sflag:s28] =	ssyncadd.s32 $0xFFFFFF80  }
0x5a: {  	_ =	swait.ge [sflag:s29], $0x800  }
0x5b: {  	[sflag:s29] =	ssyncset.done $0x0  }
0x5c: {  	[sflag:s29] =	ssyncadd.s32 $0xFFFFF800  }
0x5d: {  	[spmem:s13] =	stream.indirect.scatter.add.f32 [tilespmem:s24], [sflag:$0x6], $0x10, s12, s12, $0xb8;
	[tilespmem:$0x15150] =	vst v63  }
0x5e: {  	_ =	swait.ge [sflag:s30], $0x800  }
0x5f: {  	[sflag:s30] =	ssyncset.done $0x0  }
0x60: {  	s19 =	sshrl.u32 s8, $0x3;
	[sflag:s30] =	ssyncadd.s32 $0xFFFFF800  }
0x61: {  	[tilespmem:s1], [sflag:$0x1] =	stream.linear.gather [hbm4b:s7+s1], $0x80, $0x38;
	[tilespmem:$0x15150] =	vst v63  }
0x62: {  	s2 =	sadd.s32 s15, s19  }
0x63: {  	[tilespmem:s14], [sflag:$0x3] =	stream.strided.gather [hbm4b:s2+s11], $0x800, s12, s11, $0x38;
	[tilespmem:$0x15150] =	vst v63  }
0x64: {  	_ =	swait.ge [sflag:s31], $0x800  }
0x65: {  	[sflag:s31] =	ssyncset.done $0x0  }
0x66: {  	s2 =	sadd.s32 $0x100, s7;
	[sflag:s31] =	ssyncadd.s32 $0xFFFFF800  }
0x67: {  	[tilespmem:s12], [sflag:$0x2] =	stream.linear.gather [hbm4b:s2+s1], $0x80, $0x38;
	[tilespmem:$0x15150] =	vst v63  }
0x68: {  	s20 =	sadd.s32 $0x0, s0  }
0x69: {  	[tilespmem:s24], [sflag:$0x4] =	stream.strided.gather [hbm4b:s20+s11], $0x800, s12, s11, $0x38;
	[tilespmem:$0x15150] =	vst v63  }
0x6a: {  	_ =	swait.ge [sflag:s25], $0x80  }
0x6b: {  	[sflag:s25] =	ssyncset.done $0x0  }
0x6c: {  	[sflag:s25] =	ssyncadd.s32 $0xFFFFFF80  }
0x6d: {  	_ =	swait.ge [sflag:s26], $0x800  }
0x6e: {  	[sflag:s26] =	ssyncset.done $0x0  }
0x6f: {  	[sflag:s26] =	ssyncadd.s32 $0xFFFFF800  }
0x70: {  	[spmem:s13] =	stream.indirect.scatter.add.f32 [tilespmem:s14], [sflag:$0x5], $0x10, s1, s12, $0xb8;
	[tilespmem:$0x15150] =	vst v63  }
0x71: {  	_ =	swait.ge [sflag:s28], $0x80  }
0x72: {  	[sflag:s28] =	ssyncset.done $0x0  }
0x73: {  	[sflag:s28] =	ssyncadd.s32 $0xFFFFFF80  }
0x74: {  	_ =	swait.ge [sflag:s29], $0x800  }
0x75: {  	s16 =	simm.s32 $0x10000;
	[sflag:s29] =	ssyncset.done $0x0  }
0x76: {  	s17 =	sadd.s32 $0x200, s7;
	s18 =	sadd.s32 $0x80000, s8;
	[sflag:s29] =	ssyncadd.s32 $0xFFFFF800  }
.LBB2_4:
0x77: {  	[spmem:s13] =	stream.indirect.scatter.add.f32 [tilespmem:s24], [sflag:$0x6], $0x10, s12, s12, $0xb8;
	[tilespmem:$0x15150] =	vst v63  }
0x78: {  	s19 =	smov.u32 s16  }
0x79: {  	p3 =	sne.s32 s16, $0xC10000;
	s16 =	sadd.s32 $0x10000, s16;
	_ =	swait.ge [sflag:s30], $0x800  }
0x7a: {  	[sflag:s30] =	ssyncset.done $0x0  }
0x7b: {  	s20 =	sshrl.u32 s18, $0x3;
	[sflag:s30] =	ssyncadd.s32 $0xFFFFF800  }
0x7c: {  	[tilespmem:s1], [sflag:$0x1] =	stream.linear.gather [hbm4b:s17+s1], $0x80, $0x38;
	[tilespmem:$0x15150] =	vst v63  }
0x7d: {  	s20 =	sadd.s32 s15, s20  }
0x7e: {  	[tilespmem:s14], [sflag:$0x3] =	stream.strided.gather [hbm4b:s20+s11], $0x800, s12, s11, $0x38;
	[tilespmem:$0x15150] =	vst v63  }
0x7f: {  	_ =	swait.ge [sflag:s31], $0x800  }
0x80: {  	[sflag:s31] =	ssyncset.done $0x0  }
0x81: {  	s20 =	sadd.s32 $0x100, s17;
	[sflag:s31] =	ssyncadd.s32 $0xFFFFF800  }
0x82: {  	[tilespmem:s12], [sflag:$0x2] =	stream.linear.gather [hbm4b:s20+s1], $0x80, $0x38;
	[tilespmem:$0x15150] =	vst v63  }
0x83: {  	s19 =	sadd.s32 s19, s0  }
0x84: {  	[tilespmem:s24], [sflag:$0x4] =	stream.strided.gather [hbm4b:s19+s11], $0x800, s12, s11, $0x38;
	[tilespmem:$0x15150] =	vst v63  }
0x85: {  	_ =	swait.ge [sflag:s25], $0x80  }
0x86: {  	[sflag:s25] =	ssyncset.done $0x0  }
0x87: {  	[sflag:s25] =	ssyncadd.s32 $0xFFFFFF80  }
0x88: {  	_ =	swait.ge [sflag:s26], $0x800  }
0x89: {  	[sflag:s26] =	ssyncset.done $0x0  }
0x8a: {  	[sflag:s26] =	ssyncadd.s32 $0xFFFFF800  }
0x8b: {  	[spmem:s13] =	stream.indirect.scatter.add.f32 [tilespmem:s14], [sflag:$0x5], $0x10, s1, s12, $0xb8;
	[tilespmem:$0x15150] =	vst v63  }
0x8c: {  	_ =	swait.ge [sflag:s28], $0x80  }
.Ltmp1:
0x8d: {  	[sflag:s28] =	ssyncset.done $0x0;
	(pc) =	sbr.rel @p3 .LBB2_4-.Ltmp1, $4  }
0x8e: {  	[sflag:s28] =	ssyncadd.s32 $0xFFFFFF80  }
0x8f: {  	_ =	swait.ge [sflag:s29], $0x800  }
0x90: {  	[sflag:s29] =	ssyncset.done $0x0  }
0x91: {  	s18 =	sadd.s32 $0x80000, s18;
	s17 =	sadd.s32 $0x200, s17;
	[sflag:s29] =	ssyncadd.s32 $0xFFFFF800  }
0x92: {  	[spmem:s13] =	stream.indirect.scatter.add.f32 [tilespmem:s24], [sflag:$0x6], $0x10, s12, s12, $0xb8;
	[tilespmem:$0x15150] =	vst v63  }
0x93: {  	_ =	swait.ge [sflag:s30], $0x800  }
0x94: {  	[sflag:s30] =	ssyncset.done $0x0  }
0x95: {  	s16 =	simm.s32 @p0 $0x6;
	[sflag:s30] =	ssyncadd.s32 $0xFFFFF800  }
0x96: {  	_ =	swait.ge @p0 [sflag:s16], $0x800  }
0x97: {  	s18 =	simm.s32 @!p0 $0x80;
	[sflag:s16] =	ssyncset.done @p0 $0x0  }
0x98: {  	s17 =	rddreg [dreg:$0x6];
	[sflag:s16] =	ssyncadd.s32 @p0 $0xFFFFF800;
	s16 =	simm.s32 @!p0 $0x0  }
0x99: {  	[tilespmem:s16], [sflag:$0x1] =	stream.linear.gather @!p0 [hbm4b:s17+s16], $0x80, $0x38;
	[tilespmem:$0x15150] =	vst v63  }
0x9a: {  	s19 =	simm.s32 @!p0 $0x100;
	s20 =	rddreg [dreg:$0x1a];
	s17 =	simm.s32 @!p0 $0x10  }
0x9b: {  	[tilespmem:s19], [sflag:$0x3] =	stream.strided.gather @!p0 [hbm4b:s20+s17], $0x800, s18, s17, $0x38;
	[tilespmem:$0x15150] =	vst v63  }
0x9c: {  	s17 =	simm.s32 @!p0 $0x6  }
0x9d: {  	_ =	swait.ge @!p0 [sflag:s17], $0x800  }
0x9e: {  	[sflag:s17] =	ssyncset.done @!p0 $0x0  }
0x9f: {  	[sflag:s17] =	ssyncadd.s32 @!p0 $0xFFFFF800;
	s17 =	simm.s32 @!p0 $0x1  }
0xa0: {  	_ =	swait.ge @!p0 [sflag:s17], $0x80  }
0xa1: {  	[sflag:s17] =	ssyncset.done @!p0 $0x0  }
0xa2: {  	[sflag:s17] =	ssyncadd.s32 @!p0 $0xFFFFFF80;
	s17 =	simm.s32 @!p0 $0x3  }
0xa3: {  	_ =	swait.ge @!p0 [sflag:s17], $0x800  }
0xa4: {  	[sflag:s17] =	ssyncset.done @!p0 $0x0  }
0xa5: {  	[sflag:s17] =	ssyncadd.s32 @!p0 $0xFFFFF800  }
0xa6: {  	[spmem:s13] =	stream.indirect.scatter.add.f32 @!p0 [tilespmem:s19], [sflag:$0x5], $0x10, s16, s18, $0xb8;
	[tilespmem:$0x15150] =	vst v63  }
0xa7: {  	s16 =	simm.s32 @!p2 $0x5  }
0xa8: {  	_ =	swait.ge @!p2 [sflag:s16], $0x800  }
0xa9: {  	[sflag:s16] =	ssyncset.done @!p2 $0x0  }
0xaa: {  	[sflag:s16] =	ssyncadd.s32 @!p2 $0xFFFFF800  }
0xab: {  	[bflag:$0x0] =	sbarrier.arrive $0xFFFF  }
0xac: {  	s20 =	rddreg [dreg:$0x11]  }
0xad: {  	[tilespmem:s3], [sflag:$0x7] =	stream.linear.gather [spmem:s20], $0x3E80, $0x38;
	[tilespmem:$0x15150] =	vst v63  }
0xae: {  	_ =	swait.ge [sflag:s10], $0x3E80  }
0xaf: {  	[sflag:s10] =	ssyncset.done $0x0  }
0xb0: {  	s17 =	rddreg [dreg:$0x7];
	[sflag:s10] =	ssyncadd.s32 $0xFFFFC180  }
0xb1: {  	[hbm4b:s17+s1] =	stream.linear.scatter [tilespmem:s3], [sflag:$0x7], $0x3E80, $0x38;
	[tilespmem:$0x15150] =	vst v63  }
0xb2: {  	_ =	swait.ge [sflag:s10], $0x3E80  }
0xb3: {  	[sflag:s10] =	ssyncset.done $0x0  }
0xb4: {  	s18 =	rddreg [dreg:$0x12];
	[sflag:s10] =	ssyncadd.s32 $0xFFFFC180  }
0xb5: {  	[tilespmem:s3], [sflag:$0x7] =	stream.linear.gather [spmem:s18], $0x3E80, $0x38;
	[tilespmem:$0x15150] =	vst v63  }
0xb6: {  	_ =	swait.ge [sflag:s10], $0x3E80  }
0xb7: {  	[sflag:s10] =	ssyncset.done $0x0  }
0xb8: {  	s19 =	rddreg [dreg:$0x8];
	[sflag:s10] =	ssyncadd.s32 $0xFFFFC180  }
0xb9: {  	[hbm4b:s19+s1] =	stream.linear.scatter [tilespmem:s3], [sflag:$0x7], $0x3E80, $0x38;
	[tilespmem:$0x15150] =	vst v63  }
0xba: {  	_ =	swait.ge [sflag:s10], $0x3E80  }
0xbb: {  	[sflag:s10] =	ssyncset.done $0x0  }
0xbc: {  	s20 =	rddreg [dreg:$0x13];
	[sflag:s10] =	ssyncadd.s32 $0xFFFFC180  }
0xbd: {  	[tilespmem:s3], [sflag:$0x7] =	stream.linear.gather [spmem:s20], $0x3E80, $0x38;
	[tilespmem:$0x15150] =	vst v63  }
0xbe: {  	_ =	swait.ge [sflag:s10], $0x3E80  }
0xbf: {  	[sflag:s10] =	ssyncset.done $0x0  }
0xc0: {  	s17 =	rddreg [dreg:$0x9];
	[sflag:s10] =	ssyncadd.s32 $0xFFFFC180  }
0xc1: {  	[hbm4b:s17+s1] =	stream.linear.scatter [tilespmem:s3], [sflag:$0x7], $0x3E80, $0x38;
	[tilespmem:$0x15150] =	vst v63  }
0xc2: {  	_ =	swait.ge [sflag:s10], $0x3E80  }
0xc3: {  	[sflag:s10] =	ssyncset.done $0x0  }
0xc4: {  	s16 =	simm.s32 @!p1 $0x4F80;
	s17 =	rddreg [dreg:$0x14];
	[sflag:s10] =	ssyncadd.s32 $0xFFFFC180  }
0xc5: {  	[tilespmem:s16], [sflag:$0x7] =	stream.linear.gather @!p1 [spmem:s17], $0x3E80, $0x38;
	[tilespmem:$0x15150] =	vst v63  }
0xc6: {  	s17 =	simm.s32 @!p1 $0x7  }
0xc7: {  	_ =	swait.ge @!p1 [sflag:s17], $0x3E80  }
0xc8: {  	[sflag:s17] =	ssyncset.done @!p1 $0x0  }
0xc9: {  	s18 =	simm.s32 @!p1 $0x0;
	s19 =	rddreg [dreg:$0xa];
	[sflag:s17] =	ssyncadd.s32 @!p1 $0xFFFFC180  }
0xca: {  	[hbm4b:s19+s18] =	stream.linear.scatter @!p1 [tilespmem:s16], [sflag:$0x7], $0x3E80, $0x38;
	[tilespmem:$0x15150] =	vst v63  }
0xcb: {  	_ =	swait.ge @!p1 [sflag:s17], $0x3E80  }
0xcc: {  	[sflag:s17] =	ssyncset.done @!p1 $0x0  }
0xcd: {  	[sflag:s17] =	ssyncadd.s32 @!p1 $0xFFFFC180  }
0xce: {  	[bflag:$0x0] =	sbarrier.arrive $0xFFFF  }
0xcf: {  	[spmem:s22] =	stream.linear.scatter [tilespmem:s9], [sflag:$0x7], $0x3E80, $0x38;
	[tilespmem:$0x15150] =	vst v63  }
0xd0: {  	_ =	swait.ge [sflag:s10], $0x3E80  }
0xd1: {  	[sflag:s10] =	ssyncset.done $0x0  }
0xd2: {  	[sflag:s10] =	ssyncadd.s32 $0xFFFFC180  }
0xd3: {  	[spmem:s23] =	stream.linear.scatter [tilespmem:s9], [sflag:$0x7], $0x3E80, $0x38;
	[tilespmem:$0x15150] =	vst v63  }
0xd4: {  	_ =	swait.ge [sflag:s10], $0x3E80  }
0xd5: {  	[sflag:s10] =	ssyncset.done $0x0  }
0xd6: {  	s18 =	rddreg [dreg:$0xf];
	[sflag:s10] =	ssyncadd.s32 $0xFFFFC180  }
0xd7: {  	[spmem:s18] =	stream.linear.scatter [tilespmem:s9], [sflag:$0x7], $0x3E80, $0x38;
	[tilespmem:$0x15150] =	vst v63  }
0xd8: {  	_ =	swait.ge [sflag:s10], $0x3E80  }
0xd9: {  	[sflag:s10] =	ssyncset.done $0x0  }
0xda: {  	s16 =	simm.s32 @!p1 $0x1100;
	s18 =	rddreg [dreg:$0x10];
	[sflag:s10] =	ssyncadd.s32 $0xFFFFC180  }
0xdb: {  	[spmem:s18] =	stream.linear.scatter @!p1 [tilespmem:s16], [sflag:$0x7], $0x3E80, $0x38;
	[tilespmem:$0x15150] =	vst v63  }
0xdc: {  	_ =	swait.ge @!p1 [sflag:s17], $0x3E80  }
0xdd: {  	[sflag:s17] =	ssyncset.done @!p1 $0x0  }
0xde: {  	[sflag:s17] =	ssyncadd.s32 @!p1 $0xFFFFC180  }
0xdf: {  	s16 =	simm.s32 $0x0;
	[bflag:$0x0] =	sbarrier.arrive $0xFFFF  }
0xe0: {  	[tilespmem:s16], [sflag:$0x1] =	stream.linear.gather [hbm4b:s21+s16], $0x80, $0x38;
	[tilespmem:$0x15150] =	vst v63  }
0xe1: {  	s19 =	smov.u32 s22;
	s22 =	rddreg [dreg:$0x18]  }
0xe2: {  	[tilespmem:s14], [sflag:$0x3] =	stream.strided.gather [hbm4b:s22+s11], $0x800, s12, s11, $0x38;
	[tilespmem:$0x15150] =	vst v63  }
0xe3: {  	s20 =	smov.u32 s23;
	s23 =	rddreg [dreg:$0x5]  }
0xe4: {  	[tilespmem:s12], [sflag:$0x2] =	stream.linear.gather [hbm4b:s23+s16], $0x80, $0x38;
	[tilespmem:$0x15150] =	vst v63  }
0xe5: {  	s18 =	rddreg [dreg:$0x19]  }
0xe6: {  	[tilespmem:s24], [sflag:$0x4] =	stream.strided.gather [hbm4b:s18+s11], $0x800, s12, s11, $0x38;
	[tilespmem:$0x15150] =	vst v63  }
0xe7: {  	_ =	swait.ge [sflag:s25], $0x80  }
0xe8: {  	[sflag:s25] =	ssyncset.done $0x0  }
0xe9: {  	[sflag:s25] =	ssyncadd.s32 $0xFFFFFF80  }
0xea: {  	_ =	swait.ge [sflag:s26], $0x800  }
0xeb: {  	[sflag:s26] =	ssyncset.done $0x0  }
0xec: {  	[sflag:s26] =	ssyncadd.s32 $0xFFFFF800  }
0xed: {  	[spmem:s13] =	stream.indirect.scatter.add.f32 [tilespmem:s14], [sflag:$0x5], $0x10, s16, s12, $0xb8;
	[tilespmem:$0x15150] =	vst v63  }
0xee: {  	_ =	swait.ge [sflag:s28], $0x80  }
0xef: {  	[sflag:s28] =	ssyncset.done $0x0  }
0xf0: {  	[sflag:s28] =	ssyncadd.s32 $0xFFFFFF80  }
0xf1: {  	_ =	swait.ge [sflag:s29], $0x800  }
0xf2: {  	[sflag:s29] =	ssyncset.done $0x0  }
0xf3: {  	[sflag:s29] =	ssyncadd.s32 $0xFFFFF800  }
0xf4: {  	[spmem:s13] =	stream.indirect.scatter.add.f32 [tilespmem:s24], [sflag:$0x6], $0x10, s12, s12, $0xb8;
	[tilespmem:$0x15150] =	vst v63  }
0xf5: {  	_ =	swait.ge [sflag:s30], $0x800  }
0xf6: {  	[sflag:s30] =	ssyncset.done $0x0  }
0xf7: {  	[sflag:s30] =	ssyncadd.s32 $0xFFFFF800  }
0xf8: {  	[tilespmem:s1], [sflag:$0x1] =	stream.linear.gather [hbm4b:s7+s1], $0x80, $0x38;
	[tilespmem:$0x15150] =	vst v63  }
0xf9: {  	s22 =	sadd.s32 $0x0, s5  }
0xfa: {  	[tilespmem:s14], [sflag:$0x3] =	stream.strided.gather [hbm4b:s22+s11], $0x800, s12, s11, $0x38;
	[tilespmem:$0x15150] =	vst v63  }
0xfb: {  	_ =	swait.ge [sflag:s31], $0x800  }
0xfc: {  	[sflag:s31] =	ssyncset.done $0x0  }
0xfd: {  	[sflag:s31] =	ssyncadd.s32 $0xFFFFF800  }
0xfe: {  	[tilespmem:s12], [sflag:$0x2] =	stream.linear.gather [hbm4b:s2+s1], $0x80, $0x38;
	[tilespmem:$0x15150] =	vst v63  }
0xff: {  	s23 =	sadd.s32 $0x0, s6  }
0x100: {  	[tilespmem:s24], [sflag:$0x4] =	stream.strided.gather [hbm4b:s23+s11], $0x800, s12, s11, $0x38;
	[tilespmem:$0x15150] =	vst v63  }
0x101: {  	_ =	swait.ge [sflag:s25], $0x80  }
0x102: {  	[sflag:s25] =	ssyncset.done $0x0  }
0x103: {  	[sflag:s25] =	ssyncadd.s32 $0xFFFFFF80  }
0x104: {  	_ =	swait.ge [sflag:s26], $0x800  }
0x105: {  	[sflag:s26] =	ssyncset.done $0x0  }
0x106: {  	[sflag:s26] =	ssyncadd.s32 $0xFFFFF800  }
0x107: {  	[spmem:s13] =	stream.indirect.scatter.add.f32 [tilespmem:s14], [sflag:$0x5], $0x10, s1, s12, $0xb8;
	[tilespmem:$0x15150] =	vst v63  }
0x108: {  	_ =	swait.ge [sflag:s28], $0x80  }
0x109: {  	[sflag:s28] =	ssyncset.done $0x0  }
0x10a: {  	[sflag:s28] =	ssyncadd.s32 $0xFFFFFF80  }
0x10b: {  	_ =	swait.ge [sflag:s29], $0x800  }
0x10c: {  	[sflag:s29] =	ssyncset.done $0x0  }
0x10d: {  	s16 =	sadd.s32 $0x200, s7;
	s2 =	simm.s32 $0x10000;
	[sflag:s29] =	ssyncadd.s32 $0xFFFFF800  }
.LBB2_6:
0x10e: {  	[spmem:s13] =	stream.indirect.scatter.add.f32 [tilespmem:s24], [sflag:$0x6], $0x10, s12, s12, $0xb8;
	[tilespmem:$0x15150] =	vst v63  }
0x10f: {  	s17 =	smov.u32 s2  }
0x110: {  	p3 =	sne.s32 s2, $0xC10000;
	s2 =	sadd.s32 $0x10000, s2;
	_ =	swait.ge [sflag:s30], $0x800  }
0x111: {  	[sflag:s30] =	ssyncset.done $0x0  }
0x112: {  	[sflag:s30] =	ssyncadd.s32 $0xFFFFF800  }
0x113: {  	[tilespmem:s1], [sflag:$0x1] =	stream.linear.gather [hbm4b:s16+s1], $0x80, $0x38;
	[tilespmem:$0x15150] =	vst v63  }
0x114: {  	s18 =	sadd.s32 s17, s5  }
0x115: {  	[tilespmem:s14], [sflag:$0x3] =	stream.strided.gather [hbm4b:s18+s11], $0x800, s12, s11, $0x38;
	[tilespmem:$0x15150] =	vst v63  }
0x116: {  	_ =	swait.ge [sflag:s31], $0x800  }
0x117: {  	[sflag:s31] =	ssyncset.done $0x0  }
0x118: {  	s18 =	sadd.s32 $0x100, s16;
	[sflag:s31] =	ssyncadd.s32 $0xFFFFF800  }
0x119: {  	[tilespmem:s12], [sflag:$0x2] =	stream.linear.gather [hbm4b:s18+s1], $0x80, $0x38;
	[tilespmem:$0x15150] =	vst v63  }
0x11a: {  	s17 =	sadd.s32 s17, s6  }
0x11b: {  	[tilespmem:s24], [sflag:$0x4] =	stream.strided.gather [hbm4b:s17+s11], $0x800, s12, s11, $0x38;
	[tilespmem:$0x15150] =	vst v63  }
0x11c: {  	_ =	swait.ge [sflag:s25], $0x80  }
0x11d: {  	[sflag:s25] =	ssyncset.done $0x0  }
0x11e: {  	[sflag:s25] =	ssyncadd.s32 $0xFFFFFF80  }
0x11f: {  	_ =	swait.ge [sflag:s26], $0x800  }
0x120: {  	[sflag:s26] =	ssyncset.done $0x0  }
0x121: {  	[sflag:s26] =	ssyncadd.s32 $0xFFFFF800  }
0x122: {  	[spmem:s13] =	stream.indirect.scatter.add.f32 [tilespmem:s14], [sflag:$0x5], $0x10, s1, s12, $0xb8;
	[tilespmem:$0x15150] =	vst v63  }
0x123: {  	_ =	swait.ge [sflag:s28], $0x80  }
.Ltmp2:
0x124: {  	[sflag:s28] =	ssyncset.done $0x0;
	(pc) =	sbr.rel @p3 .LBB2_6-.Ltmp2, $4  }
0x125: {  	[sflag:s28] =	ssyncadd.s32 $0xFFFFFF80  }
0x126: {  	_ =	swait.ge [sflag:s29], $0x800  }
0x127: {  	[sflag:s29] =	ssyncset.done $0x0  }
0x128: {  	s16 =	sadd.s32 $0x200, s16;
	[sflag:s29] =	ssyncadd.s32 $0xFFFFF800  }
0x129: {  	[spmem:s13] =	stream.indirect.scatter.add.f32 [tilespmem:s24], [sflag:$0x6], $0x10, s12, s12, $0xb8;
	[tilespmem:$0x15150] =	vst v63  }
0x12a: {  	_ =	swait.ge [sflag:s30], $0x800  }
0x12b: {  	[sflag:s30] =	ssyncset.done $0x0  }
0x12c: {  	s2 =	simm.s32 @p0 $0x6;
	[sflag:s30] =	ssyncadd.s32 $0xFFFFF800  }
0x12d: {  	_ =	swait.ge @p0 [sflag:s2], $0x800  }
0x12e: {  	s17 =	simm.s32 @!p0 $0x80;
	[sflag:s2] =	ssyncset.done @p0 $0x0  }
0x12f: {  	s16 =	rddreg [dreg:$0x6];
	[sflag:s2] =	ssyncadd.s32 @p0 $0xFFFFF800;
	s2 =	simm.s32 @!p0 $0x0  }
0x130: {  	[tilespmem:s2], [sflag:$0x1] =	stream.linear.gather @!p0 [hbm4b:s16+s2], $0x80, $0x38;
	[tilespmem:$0x15150] =	vst v63  }
0x131: {  	s18 =	simm.s32 @!p0 $0x100;
	s22 =	rddreg [dreg:$0x1b];
	s16 =	simm.s32 @!p0 $0x10  }
0x132: {  	[tilespmem:s18], [sflag:$0x3] =	stream.strided.gather @!p0 [hbm4b:s22+s16], $0x800, s17, s16, $0x38;
	[tilespmem:$0x15150] =	vst v63  }
0x133: {  	s16 =	simm.s32 @!p0 $0x6  }
0x134: {  	_ =	swait.ge @!p0 [sflag:s16], $0x800  }
0x135: {  	[sflag:s16] =	ssyncset.done @!p0 $0x0  }
0x136: {  	[sflag:s16] =	ssyncadd.s32 @!p0 $0xFFFFF800;
	s16 =	simm.s32 @!p0 $0x1  }
0x137: {  	_ =	swait.ge @!p0 [sflag:s16], $0x80  }
0x138: {  	[sflag:s16] =	ssyncset.done @!p0 $0x0  }
0x139: {  	[sflag:s16] =	ssyncadd.s32 @!p0 $0xFFFFFF80;
	s16 =	simm.s32 @!p0 $0x3  }
0x13a: {  	_ =	swait.ge @!p0 [sflag:s16], $0x800  }
0x13b: {  	[sflag:s16] =	ssyncset.done @!p0 $0x0  }
0x13c: {  	[sflag:s16] =	ssyncadd.s32 @!p0 $0xFFFFF800  }
0x13d: {  	[spmem:s13] =	stream.indirect.scatter.add.f32 @!p0 [tilespmem:s18], [sflag:$0x5], $0x10, s2, s17, $0xb8;
	[tilespmem:$0x15150] =	vst v63  }
0x13e: {  	s2 =	simm.s32 @!p2 $0x5  }
0x13f: {  	_ =	swait.ge @!p2 [sflag:s2], $0x800  }
0x140: {  	[sflag:s2] =	ssyncset.done @!p2 $0x0  }
0x141: {  	[sflag:s2] =	ssyncadd.s32 @!p2 $0xFFFFF800  }
0x142: {  	[bflag:$0x0] =	sbarrier.arrive $0xFFFF  }
0x143: {  	s22 =	rddreg [dreg:$0x11]  }
0x144: {  	[tilespmem:s3], [sflag:$0x7] =	stream.linear.gather [spmem:s22], $0x3E80, $0x38;
	[tilespmem:$0x15150] =	vst v63  }
0x145: {  	_ =	swait.ge [sflag:s10], $0x3E80  }
0x146: {  	[sflag:s10] =	ssyncset.done $0x0  }
0x147: {  	s23 =	rddreg [dreg:$0xb];
	[sflag:s10] =	ssyncadd.s32 $0xFFFFC180  }
0x148: {  	[hbm4b:s23+s1] =	stream.linear.scatter [tilespmem:s3], [sflag:$0x7], $0x3E80, $0x38;
	[tilespmem:$0x15150] =	vst v63  }
0x149: {  	_ =	swait.ge [sflag:s10], $0x3E80  }
0x14a: {  	[sflag:s10] =	ssyncset.done $0x0  }
0x14b: {  	s16 =	rddreg [dreg:$0x12];
	[sflag:s10] =	ssyncadd.s32 $0xFFFFC180  }
0x14c: {  	[tilespmem:s3], [sflag:$0x7] =	stream.linear.gather [spmem:s16], $0x3E80, $0x38;
	[tilespmem:$0x15150] =	vst v63  }
0x14d: {  	_ =	swait.ge [sflag:s10], $0x3E80  }
0x14e: {  	[sflag:s10] =	ssyncset.done $0x0  }
0x14f: {  	s17 =	rddreg [dreg:$0xc];
	[sflag:s10] =	ssyncadd.s32 $0xFFFFC180  }
0x150: {  	[hbm4b:s17+s1] =	stream.linear.scatter [tilespmem:s3], [sflag:$0x7], $0x3E80, $0x38;
	[tilespmem:$0x15150] =	vst v63  }
0x151: {  	_ =	swait.ge [sflag:s10], $0x3E80  }
0x152: {  	[sflag:s10] =	ssyncset.done $0x0  }
0x153: {  	s18 =	rddreg [dreg:$0x13];
	[sflag:s10] =	ssyncadd.s32 $0xFFFFC180  }
0x154: {  	[tilespmem:s3], [sflag:$0x7] =	stream.linear.gather [spmem:s18], $0x3E80, $0x38;
	[tilespmem:$0x15150] =	vst v63  }
0x155: {  	_ =	swait.ge [sflag:s10], $0x3E80  }
0x156: {  	[sflag:s10] =	ssyncset.done $0x0  }
0x157: {  	s22 =	rddreg [dreg:$0xd];
	[sflag:s10] =	ssyncadd.s32 $0xFFFFC180  }
0x158: {  	[hbm4b:s22+s1] =	stream.linear.scatter [tilespmem:s3], [sflag:$0x7], $0x3E80, $0x38;
	[tilespmem:$0x15150] =	vst v63  }
0x159: {  	_ =	swait.ge [sflag:s10], $0x3E80  }
0x15a: {  	[sflag:s10] =	ssyncset.done $0x0  }
0x15b: {  	s2 =	simm.s32 @!p1 $0x4F80;
	s16 =	rddreg [dreg:$0x14];
	[sflag:s10] =	ssyncadd.s32 $0xFFFFC180  }
0x15c: {  	[tilespmem:s2], [sflag:$0x7] =	stream.linear.gather @!p1 [spmem:s16], $0x3E80, $0x38;
	[tilespmem:$0x15150] =	vst v63  }
0x15d: {  	s16 =	simm.s32 @!p1 $0x7  }
0x15e: {  	_ =	swait.ge @!p1 [sflag:s16], $0x3E80  }
0x15f: {  	[sflag:s16] =	ssyncset.done @!p1 $0x0  }
0x160: {  	s17 =	simm.s32 @!p1 $0x0;
	s18 =	rddreg [dreg:$0xe];
	[sflag:s16] =	ssyncadd.s32 @!p1 $0xFFFFC180  }
0x161: {  	[hbm4b:s18+s17] =	stream.linear.scatter @!p1 [tilespmem:s2], [sflag:$0x7], $0x3E80, $0x38;
	[tilespmem:$0x15150] =	vst v63  }
0x162: {  	_ =	swait.ge @!p1 [sflag:s16], $0x3E80  }
0x163: {  	s4 =	sadd.s32 $0x1, s4;
	s23 =	rddreg [dreg:$0x15]  }
0x164: {  	p3 =	sne.s32 s4, s23  }
.Ltmp3:
0x165: {  	_ = 	snop;
	(pc) =	sbr.rel @p3 .LBB2_1-.Ltmp3, $3  }
0x166: {  	[sflag:s16] =	ssyncset.done @!p1 $0x0  }
0x167: {  	[sflag:s16] =	ssyncadd.s32 @!p1 $0xFFFFC180  }
0x168: {  	[bflag:$0x0] =	sbarrier.arrive $0xFFFF;
	_ =	sdelay $0x1  }
0x169: {  	_ =	sfence.sel $0x180000  }
0x16a: {  	[bflag:$0x0] =	sbarrier.arrive $0xFFFF  }
0x16b: {  	_ =	strace $0x90000047  }
0x16c: {  	s0 =	stileid.u32;
	[bflag:$0x2] =	sbarrier.arrive $0xFFFF  }
0x16d: {  	p0 =	sne.s32 s0, $0x0;
	s0 =	rddreg [dreg:$0x4]  }
0x16e: {  	s0 =	sadd.s32 @!p0 $0x100000, s0  }
0x16f: {  	[sflag:s0] =	ssyncadd.tile.s32 @!p0 $0x1;
	_ =	shalt  }
.Lfunc_end2:
_tile_overlayer_lowered:
.L_overlay_start_2:
0x170: {  	(tag) =	ssettag $0x2  }
0x171: {  	s0 =	rddreg [dreg:$0x0];
	s2 =	stileid.u32  }
0x172: {  	s1 =	rddreg [dreg:$0x1];
	p0 =	sne.s32 s2, $0x0  }
0x173: {  	s3 =	rddreg [dreg:$0x2];
	[bflag:$0x3] =	sbarrier.arrive $0xFFFF;
	s2 =	simm.s32 @!p0 $0x1C07  }
0x174: {  	[timem:s3], [sflag:s2] =	dma.local @!p0 [hbm:s0], s1  }
0x175: {  	s0 =	simm.s32 @!p0 $0x7  }
0x176: {  	_ =	swait.ge @!p0 [sflag:s0], s1  }
0x177: {  	s1 =	ssub.s32 @!p0 $0x0, s1;
	[sflag:s0] =	ssyncset.done @!p0 $0x0  }
0x178: {  	[sflag:s0] =	ssyncadd.s32 @!p0 s1  }
0x179: {  	[bflag:$0x3] =	sbarrier.arrive $0xFFFF  }
0x17a: {  	_ =	shalt  }

// kernel: kernel.8.cloned.1.call-start
scs
__scs_entry_jumppad:
0x0: {  	(pc) =	sbr.rel $0x88, $3  }
0x1: {  	(tag) =	ssettag $0x0;
	lr =	simm.s32 $0x1  }
0x2: {  	[smem:$0x3F91] =	sst lr;
	_ =	strace $0xD0000000  }
0x3: {  	_ = 	snop  }
0x4: {  	_ = 	snop  }
0x5: {  	_ = 	snop  }
0x6: {  	_ = 	snop  }
0x7: {  	_ = 	snop  }
__scs_overlays_trampoline_lowered:
0x8: {  	[smem:$0x3FA0] =	sst s0  }
0x9: {  	[smem:$0x3FA1] =	sst s1  }
0xa: {  	[smem:$0x3FA2] =	sst s2  }
0xb: {  	[smem:$0x3FA3] =	sst s3  }
0xc: {  	[smem:$0x3FA4] =	sst s4  }
0xd: {  	[smem:$0x3FA5] =	sst s5  }
0xe: {  	[smem:$0x3FA6] =	sst s6  }
0xf: {  	[smem:$0x3FA7] =	sst s7  }
0x10: {  	[smem:$0x3FA8] =	sst s8  }
0x11: {  	[smem:$0x3FA9] =	sst s9;
	s0 =	simm.s32 @!p0 $0x0  }
0x12: {  	s1 =	sld [smem:$0x3F8F];
	s0 =	simm.s32 @p0 $0x1  }
0x13: {  	[smem:$0x3FAA] =	sst s0;
	s0 =	simm.s32 @!p1 $0x0  }
0x14: {  	s2 =	sld [smem:$0x3F8E];
	s0 =	simm.s32 @p1 $0x1  }
0x15: {  	[smem:$0x3FAB] =	sst s0;
	s0 =	simm.s32 @!p2 $0x0  }
0x16: {  	s3 =	sld [smem:$0x3FDB];
	s0 =	simm.s32 @p2 $0x1  }
0x17: {  	s4 =	simm.s32 $0x1BF5;
	[smem:$0x3FAD] =	sst s0  }
0x18: {  	s0 =	sld [smem:$0x3F90];
	_ =	swait.ge [sflag:s4], $0x0  }
0x19: {  	s7 =	sld [smem:$0x3F91]  }
0x1a: {  	s8 =	sadd.s32 $0xFFFFE003, lr  }
0x1b: {  	s9 =	sadd.s32 $0xFFFFFEF7, lr;
	s5 =	simm.s32 $0xFFFFFFFF;
	p2 =	slt.u32 s8, $0xFFFFF086  }
0x1c: {  	p1 =	slt.u32 s9, $0xF7A;
	s5 =	simm.s32 @!p2 $0x0  }
0x1d: {  	s5 =	simm.s32 @p1 $0x1;
	p0 =	seq.s32 s7, s2  }
0x1e: {  	s7 =	smul.u32 @!p0 $0xF7A, s2;
	p2 =	seq.s32 @!p0 s5, $0x0  }
0x1f: {  	s9 =	smul.u32 $0xF7A, s1;
	s8 =	simm.s32 @!p0 $0x1BF5;
	p2 =	por !p2, p0  }
0x20: {  	[sflag:s8] =	ssyncset.s32 @!p0 $0xFFFFF086;
	s6 =	sadd.s32 @!p0 s3, s7;
	s7 =	simm.s32 @!p0 $0x108  }
0x21: {  	s3 =	sadd.s32 s3, s9;
	s6 =	sadd.s32 @!p0 $0x88, s6;
	s7 =	simm.s32 @p2 $0x1082  }
0x22: {  	[simem:s7], [sflag:s8] =	dma.local @!p0 [hbm:s6], $0xF7A  }
0x23: {  	s9 =	sor.u32 $0xD0000000, s2;
	s6 =	simm.s32 $0x108;
	_ =	swait.ge @!p0 [sflag:s8], $0x0  }
0x24: {  	s3 =	sadd.s32 $0x88, s3;
	s6 =	simm.s32 @!p1 $0x1082;
	[sflag:s4] =	ssyncset.s32 $0xFFFFF086  }
0x25: {  	[simem:s6], [sflag:s4] =	dma.local [hbm:s3], $0xF7A  }
0x26: {  	[smem:$0x3F91] =	sst s1;
	(tag) =	ssettag s2;
	_ =	strace s9  }
0x27: {  	s1 =	sld [smem:$0x3FA1]  }
0x28: {  	s2 =	sld [smem:$0x3FA2]  }
0x29: {  	s4 =	sld [smem:$0x3FA4]  }
0x2a: {  	p0 =	seq.s32 s5, $0x0;
	s5 =	sld [smem:$0x3FA5]  }
0x2b: {  	s6 =	sld [smem:$0x3FA6]  }
0x2c: {  	s7 =	sld [smem:$0x3FA7]  }
0x2d: {  	s3 =	simm.s32 $0x108;
	s8 =	sld [smem:$0x3FA8]  }
0x2e: {  	s3 =	simm.s32 @!p0 $0x1082;
	s9 =	sld [smem:$0x3FA9]  }
0x2f: {  	lr =	sadd.s32 s0, s3;
	s0 =	sld [smem:$0x3FA0]  }
0x30: {  	s3 =	sld [smem:$0x3FA3]  }
0x31: {  	[smem:$0x3FAC] =	sst s10  }
0x32: {  	s10 =	sld [smem:$0x3FAA];
	_ =	sdelay $0x3  }
0x33: {  	p0 =	seq.s32 s10, $0x1;
	s10 =	sld [smem:$0x3FAC];
	_ =	sdelay $0x3  }
0x34: {  	[smem:$0x3FAC] =	sst s10  }
0x35: {  	s10 =	sld [smem:$0x3FAB];
	_ =	sdelay $0x3  }
0x36: {  	p1 =	seq.s32 s10, $0x1;
	s10 =	sld [smem:$0x3FAC];
	_ =	sdelay $0x3  }
0x37: {  	[smem:$0x3FAC] =	sst s10  }
0x38: {  	s10 =	sld [smem:$0x3FAD]  }
0x39: {  	_ = 	snop;
	(pc) =	sbr.ind lr, $3  }
0x3a: {  	_ = 	snop  }
0x3b: {  	_ = 	snop  }
0x3c: {  	p2 =	seq.s32 s10, $0x1;
	s10 =	sld [smem:$0x3FAC]  }
0x3d: {  	_ =	shalt  }
0x3e: {  	_ =	shalt  }
0x3f: {  	_ =	shalt  }
0x40: {  	_ =	shalt  }
0x41: {  	_ =	shalt  }
0x42: {  	_ =	shalt  }
0x43: {  	_ =	shalt  }
0x44: {  	_ =	shalt  }
0x45: {  	_ =	shalt  }
0x46: {  	_ =	shalt  }
0x47: {  	_ =	shalt  }
0x48: {  	_ =	shalt  }
0x49: {  	_ =	shalt  }
0x4a: {  	_ =	shalt  }
0x4b: {  	_ =	shalt  }
0x4c: {  	_ =	shalt  }
0x4d: {  	_ =	shalt  }
0x4e: {  	_ =	shalt  }
0x4f: {  	_ =	shalt  }
0x50: {  	_ =	shalt  }
0x51: {  	_ =	shalt  }
0x52: {  	_ =	shalt  }
0x53: {  	_ =	shalt  }
0x54: {  	_ =	shalt  }
0x55: {  	_ =	shalt  }
0x56: {  	_ =	shalt  }
0x57: {  	_ =	shalt  }
0x58: {  	_ =	shalt  }
0x59: {  	_ =	shalt  }
0x5a: {  	_ =	shalt  }
0x5b: {  	_ =	shalt  }
0x5c: {  	_ =	shalt  }
0x5d: {  	_ =	shalt  }
0x5e: {  	_ =	shalt  }
0x5f: {  	_ =	shalt  }
0x60: {  	_ =	shalt  }
0x61: {  	_ =	shalt  }
0x62: {  	_ =	shalt  }
0x63: {  	_ =	shalt  }
0x64: {  	_ =	shalt  }
0x65: {  	_ =	shalt  }
0x66: {  	_ =	shalt  }
0x67: {  	_ =	shalt  }
0x68: {  	_ =	shalt  }
0x69: {  	_ =	shalt  }
0x6a: {  	_ =	shalt  }
0x6b: {  	_ =	shalt  }
0x6c: {  	_ =	shalt  }
0x6d: {  	_ =	shalt  }
0x6e: {  	_ =	shalt  }
0x6f: {  	_ =	shalt  }
0x70: {  	_ =	shalt  }
0x71: {  	_ =	shalt  }
0x72: {  	_ =	shalt  }
0x73: {  	_ =	shalt  }
0x74: {  	_ =	shalt  }
0x75: {  	_ =	shalt  }
0x76: {  	_ =	shalt  }
0x77: {  	_ =	shalt  }
0x78: {  	_ =	shalt  }
0x79: {  	_ =	shalt  }
0x7a: {  	_ =	shalt  }
0x7b: {  	_ =	shalt  }
0x7c: {  	_ =	shalt  }
0x7d: {  	_ =	shalt  }
0x7e: {  	_ =	shalt  }
0x7f: {  	_ =	shalt  }
0x80: {  	_ =	shalt  }
0x81: {  	_ =	shalt  }
0x82: {  	_ =	shalt  }
0x83: {  	_ =	shalt  }
0x84: {  	_ =	shalt  }
0x85: {  	_ =	shalt  }
0x86: {  	_ =	shalt  }
0x87: {  	_ =	shalt  }
.Lfunc_end0:
.L_simem_size_0:
called_computation_lowered:
.L_overlay_start_0:
0x88: {  	s2 =	sld [smem:$0x3FD9]  }
0x89: {  	s3 =	sld [smem:$0x3FFE];
	_ =	sdelay $0x1  }
0x8a: {  	s1 =	srdreg.scid  }
0x8b: {  	s0 =	sand.u32 $0x1, s1  }
0x8c: {  	s17 =	sshll.u32 s0, $0xA;
	s2 =	sadd.s32 s3, s2  }
0x8d: {  	s2 =	sadd.s32 s2, s17  }
0x8e: {  	[smem:$0x3FB8] =	sst s2  }
0x8f: {  	_ = 	snop  }
0x90: {  	(tm) =	ssettm $0x1  }
0x91: {  	s18 =	sld [smem:$0x3FFB];
	_ =	sdelay $0x3  }
0x92: {  	_ =	strace s18  }
0x93: {  	s2 =	sld [smem:$0x3FFC];
	_ =	sdelay $0x3  }
0x94: {  	_ =	strace s2  }
0x95: {  	s2 =	sld [smem:$0x3FFD];
	_ =	sdelay $0x3  }
0x96: {  	_ =	strace s2  }
0x97: {  	_ =	strace $0x8FFFFFFF  }
0x98: {  	s19 =	sld [smem:$0x3FDB];
	_ =	sdelay $0x1  }
0x99: {  	s20 =	simm.s32 $_scs_section_size  }
0x9a: {  	s4 =	simm.s32 $_size__tile_overlayer_lowered;
	s5 =	simm.s32 $_tile_overlayer_lowered  }
0x9b: {  	s6 =	simm.s32 $0x1BFF;
	s21 =	sshll.u32 s5, $0x1;
	s3 =	sadd.s32 s20, s19  }
0x9c: {  	s22 =	simm.s32 $0x0;
	s4 =	sshll.u32 s4, $0x1;
	s5 =	sadd.s32 s21, s3  }
0x9d: {  	[timem:s22], [sflag:s6] =	dma.local [hbm:s5], s4  }
0x9e: {  	_ =	swait.ge [sflag:s6], s4  }
0x9f: {  	s4 =	ssub.s32 $0x0, s4;
	[sflag:s6] =	ssyncset.done $0x0  }
0xa0: {  	[sflag:s6] =	ssyncadd.s32 s4;
	_ =	sdelay $0x1  }
0xa1: {  	s23 =	simm.s32 $0x1B8B  }
0xa2: {  	_ =	swait.ge [sflag:s23], $0x1  }
0xa3: {  	[sflag:s23] =	ssyncset.done $0x0  }
0xa4: {  	[sflag:s23] =	ssyncadd.s32 $0xFFFFFFFF  }
0xa5: {  	s4 =	sld [smem:$0x0]  }
0xa6: {  	s5 =	sand.u32 $0xFFFFFFFE, s1  }
0xa7: {  	p0 =	sne.s32 s1, s5  }
0xa8: {  	s5 =	sshll.u32 @p0 s5, $0xE  }
0xa9: {  	s5 =	sadd.s32 @p0 $0x11B8D, s5;
	s6 =	sshll.u32 @p0 s4, $0x11  }
0xaa: {  	s5 =	sor.u32 @p0 s6, s5  }
0xab: {  	[sflag:s5] =	ssyncadd.remote.s32 @p0 $0x1;
	_ =	sdelay $0x1  }
0xac: {  	s5 =	simm.s32 @p0 $0x1B8D  }
0xad: {  	_ =	swait.eq @p0 [sflag:s5], $0x1  }
0xae: {  	[sflag:s5] =	ssyncadd.s32 @p0 $0xFFFFFFFF  }
0xaf: {  	s6 =	sshll.u32 @!p0 s1, $0xE  }
0xb0: {  	s6 =	sor.u32 @!p0 $0x4000, s6;
	s5 =	simm.s32 @!p0 $0x1B8D  }
0xb1: {  	s4 =	sshll.u32 @!p0 s4, $0x11;
	s6 =	sadd.s32 @!p0 $0x11B8D, s6;
	_ =	swait.eq @!p0 [sflag:s5], $0x1  }
0xb2: {  	s4 =	sor.u32 @!p0 s4, s6;
	[sflag:s5] =	ssyncadd.s32 @!p0 $0xFFFFFFFF  }
0xb3: {  	s25 =	simm.s32 $0x1B8E;
	s24 =	sld [smem:$0x3FFE];
	[sflag:s4] =	ssyncadd.remote.s32 @!p0 $0x1  }
0xb4: {  	s26 =	simm.s32 $execute0_lowered;
	[smem:$0x3FD2] =	sst s25  }
0xb5: {  	s5 =	sshll.u32 s26, $0x1;
	_ =	strace $0x80000049;
	[dreg:$0x1] =	wrdreg $0xFFFFFFFF  }
0xb6: {  	s28 =	simm.s32 $_size_execute0_lowered;
	s3 =	sadd.s32 s3, s5;
	[dreg:$0x0] =	wrdreg $0x0  }
0xb7: {  	s5 =	sshll.u32 s28, $0x1;
	[dreg:$0x2] =	wrdreg s3  }
0xb8: {  	[dreg:$0x3] =	wrdreg s5  }
0xb9: {  	[dreg:$0x4] =	wrdreg $0xC0  }
0xba: {  	_ =	task [dreg:s22], $0x5FFFF  }
0xbb: {  	[dreg:$0x1] =	wrdreg $0xFFFFFFFF  }
0xbc: {  	[dreg:$0x0] =	wrdreg $0x60  }
0xbd: {  	[dreg:$0x2] =	wrdreg s24  }
0xbe: {  	[dreg:$0x3] =	wrdreg $0x9  }
0xbf: {  	_ =	task.clear_ibuf [dreg:s22], $0x4FFFF;
	_ =	strace $0x90000049  }
0xc0: {  	s29 =	simm.s32 $0x9;
	_ =	strace $0x8000004B  }
0xc1: {  	_ =	swait.ge [sflag:s29], $0x1  }
0xc2: {  	[sflag:s29] =	ssyncadd.s32 $0xFFFFFFFF  }
0xc3: {  	_ =	strace $0x9000004B  }
0xc4: {  	_ =	sfence  }
0xc5: {  	s30 =	sld [smem:$0x0];
	_ =	sdelay $0x2  }
0xc6: {  	s31 =	sshll.u32 s1, $0xD;
	s1 =	sshrl.u32 s1, $0x2  }
0xc7: {  	s4 =	sand.u32 $0x4000, s31;
	s1 =	sadd.s32 s1, s30  }
0xc8: {  	s0 =	sor.u32 s4, s0;
	s1 =	sshll.u32 s1, $0x11  }
0xc9: {  	s0 =	sor.u32 s1, s0  }
0xca: {  	s0 =	sadd.s32 $0x8F2B, s0  }
0xcb: {  	[sflag:s0] =	ssyncadd.remote.s32 $0x1  }
0xcc: {  	_ =	sfence.sel $0xFFFF  }
0xcd: {  	[dreg:$0x0] =	wrdreg $0xFFFFFFFF;
	(pc) =	sbr.abs _section_cstart, $3  }
0xce: {  	[dreg:$0x1] =	wrdreg $0xFFFFFFFF  }
0xcf: {  	_ =	task.clear_ibuf [dreg:s22], $0x2FFFF;
	_ =	strace $0x9FFFFFFF  }
0xd0: {  	(tm) =	ssettm $0x7FFFFFFF  }
0xd1: {  	_ =	shalt  }
tec
execute0_lowered:
.L_overlay_start_1:
0x0: {  	(tag) =	ssettag $0x1  }
0x1: {  	s0 =	rddreg [dreg:$0x0]  }
0x2: {  	s1 =	simm.s32 $0x0;
	s2 =	srdreg.scid;
	s8 =	stileid.u32  }
0x3: {  	s9 =	simm.s32 $0x80;
	s10 =	simm.s32 $0x1;
	s11 =	simm.s32 $0x200  }
0x4: {  	s12 =	simm.s32 $0x2;
	s13 =	simm.s32 $0x4200;
	s14 =	simm.s32 $0x5  }
0x5: {  	s15 =	simm.s32 $0x10200;
	s16 =	simm.s32 $0x6;
	s17 =	simm.s32 $0x12200  }
0x6: {  	s18 =	simm.s32 $0x7;
	s19 =	simm.s32 $0x14200;
	s20 =	simm.s32 $0x8  }
0x7: {  	s21 =	simm.s32 $0x16200;
	s22 =	simm.s32 $0x9;
	s2 =	sand.u32 $0x1, s2  }
.Ltmp0:
0x8: {  	s23 =	simm.s32 $0xA;
	s3 =	ssub.s32 $0x2, s2;
	(pc) =	sbr.rel .LBB2_1-.Ltmp0, $4  }
0x9: {  	s24 =	simm.s32 $0x0;
	[smem:$0x7FF] =	sst s1;
	s7 =	sshrl.u32 s3, $0x1  }
0xa: {  	s4 =	sadd.s32 $0x1979A00, s0;
	s5 =	sadd.s32 $0x24ECC00, s0;
	s31 =	ssub.s32 s3, s7  }
0xb: {  	s6 =	sadd.s32 $0x251DA00, s0;
	p0 =	sgt.u32 s8, $0x9;
	s0 =	smax.u32 s31, $0x1  }
0xc: {  	_ =	strace $0x8000004A;
	s7 =	sshll.u32 s8, $0x1;
	[dreg:$0x2] =	wrdreg s0  }
.LBB2_15:
0xd: {  	_ =	swait.ge [sflag:s22], $0x2000  }
0xe: {  	[sflag:s22] =	ssyncset.done $0x0  }
0xf: {  	[sflag:s22] =	ssyncadd.s32 $0xFFFFE000  }
0x10: {  	_ =	swait.ge [sflag:s23], $0x2000  }
0x11: {  	[sflag:s23] =	ssyncset.done $0x0  }
0x12: {  	s0 =	simm.s32 @!p0 $0xB;
	[sflag:s23] =	ssyncadd.s32 $0xFFFFE000  }
0x13: {  	_ =	swait.ge @!p0 [sflag:s0], $0x2000  }
0x14: {  	s24 =	sadd.s32 $0x1, s24;
	s3 =	rddreg [dreg:$0x2]  }
0x15: {  	p1 =	sne.s32 s24, s3  }
.Ltmp1:
0x16: {  	_ = 	snop;
	(pc) =	sbr.rel @!p1 .LBB2_16-.Ltmp1, $3  }
0x17: {  	_ =	sdelay $0x1  }
0x18: {  	[sflag:s0] =	ssyncset.done @!p0 $0x0  }
0x19: {  	[sflag:s0] =	ssyncadd.s32 @!p0 $0xFFFFE000  }
.LBB2_1:
.Ltmp2:
0x1a: {  	(pc) =	sbr.rel .LBB2_2-.Ltmp2, $2  }
0x1b: {  	_ =	sdelay $0x2  }
0x1c: {  	s25 =	simm.s32 $0x0  }
.LBB2_14:
0x1d: {  	s25 =	sadd.s32 $0x1, s25  }
0x1e: {  	p1 =	sne.s32 s25, $0x62  }
.Ltmp3:
0x1f: {  	_ = 	snop;
	(pc) =	sbr.rel @!p1 .LBB2_15-.Ltmp3, $1  }
0x20: {  	_ =	sdelay $0x3  }
.LBB2_2:
0x21: {  	s0 =	sshll.u32 s25, $0x7  }
0x22: {  	s0 =	sor.u32 s0, s7  }
0x23: {  	s30 =	sor.u32 s2, s0  }
0x24: {  	s0 =	sshll.u32 s30, $0x4;
	s29 =	sor.u32 $0x20, s30  }
0x25: {  	s28 =	sor.u32 $0x40, s30;
	s0 =	sadd.s32 s5, s0;
	s26 =	sshll.u32 s29, $0x4  }
0x26: {  	[tilespmem:s1], [sflag:$0x1] =	stream.linear.gather [hbm4b:s0+s1], $0x80, $0x38;
	[tilespmem:$0x18200] =	vst v63  }
0x27: {  	p3 =	sgt.u32 s28, $0x30D3;
	s0 =	sadd.s32 s5, s26  }
0x28: {  	[tilespmem:s9], [sflag:$0x2] =	stream.linear.gather [hbm4b:s0+s1], $0x80, $0x38;
	[tilespmem:$0x18200] =	vst v63  }
0x29: {  	s26 =	sor.u32 $0x60, s30;
	s3 =	simm.s32 @!p3 $0x0;
	s0 =	sshll.u32 @!p3 s28, $0x4  }
0x2a: {  	s31 =	simm.s32 @!p3 $0x100;
	p1 =	sgt.u32 s26, $0x30D3;
	s0 =	sadd.s32 @!p3 s5, s0  }
0x2b: {  	[tilespmem:s31], [sflag:$0x3] =	stream.linear.gather @!p3 [hbm4b:s0+s3], $0x80, $0x38;
	[tilespmem:$0x18200] =	vst v63  }
0x2c: {  	s0 =	sshll.u32 @!p1 s26, $0x4  }
0x2d: {  	s8 =	simm.s32 @!p1 $0x180;
	s3 =	simm.s32 @!p1 $0x0;
	s0 =	sadd.s32 @!p1 s5, s0  }
0x2e: {  	[tilespmem:s8], [sflag:$0x4] =	stream.linear.gather @!p1 [hbm4b:s0+s3], $0x80, $0x38;
	[tilespmem:$0x18200] =	vst v63  }
0x2f: {  	_ =	swait.ge [sflag:s10], $0x80  }
0x30: {  	[sflag:s10] =	ssyncset.done $0x0  }
0x31: {  	[sflag:s10] =	ssyncadd.s32 $0xFFFFFF80  }
0x32: {  	[tilespmem:s11], [sflag:$0x5] =	stream.indirect.gather [hbm4b:s4+s9], $0x80, s1, s9, $0xb8;
	[tilespmem:$0x18200] =	vst v63  }
0x33: {  	_ =	swait.ge [sflag:s12], $0x80  }
0x34: {  	[sflag:s12] =	ssyncset.done $0x0  }
0x35: {  	s0 =	simm.s32 @!p3 $0x3;
	[sflag:s12] =	ssyncadd.s32 $0xFFFFFF80  }
0x36: {  	[tilespmem:s13], [sflag:$0x6] =	stream.indirect.gather [hbm4b:s4+s9], $0x80, s9, s9, $0xb8;
	[tilespmem:$0x18200] =	vst v63  }
0x37: {  	_ =	swait.ge @!p3 [sflag:s0], $0x80  }
0x38: {  	[sflag:s0] =	ssyncset.done @!p3 $0x0  }
0x39: {  	s3 =	simm.s32 @!p3 $0x8200;
	[sflag:s0] =	ssyncadd.s32 @!p3 $0xFFFFFF80;
	s0 =	simm.s32 @!p3 $0x80  }
0x3a: {  	[tilespmem:s3], [sflag:$0x7] =	stream.indirect.gather @!p3 [hbm4b:s4+s0], $0x80, s31, s0, $0xb8;
	[tilespmem:$0x18200] =	vst v63  }
0x3b: {  	s0 =	simm.s32 @!p1 $0x4  }
0x3c: {  	_ =	swait.ge @!p1 [sflag:s0], $0x80  }
0x3d: {  	p2 =	seq.s32 s25, $0x0;
	[sflag:s0] =	ssyncset.done @!p1 $0x0  }
0x3e: {  	s3 =	simm.s32 @!p1 $0xC200;
	[sflag:s0] =	ssyncadd.s32 @!p1 $0xFFFFFF80;
	s0 =	simm.s32 @!p1 $0x80  }
0x3f: {  	[tilespmem:s3], [sflag:$0x8] =	stream.indirect.gather @!p1 [hbm4b:s4+s0], $0x80, s8, s0, $0xb8;
	[tilespmem:$0x18200] =	vst v63  }
0x40: {  	s0 =	simm.s32 @!p2 $0x9  }
0x41: {  	_ =	swait.ge @!p2 [sflag:s0], $0x2000  }
0x42: {  	[sflag:s0] =	ssyncset.done @!p2 $0x0  }
0x43: {  	[sflag:s0] =	ssyncadd.s32 @!p2 $0xFFFFE000  }
0x44: {  	_ =	swait.ge [sflag:s14], $0x4000  }
0x45: {  	[sflag:s14] =	ssyncset.done $0x0  }
0x46: {  	s31 =	simm.s32 $0x280;
	[sflag:s14] =	ssyncadd.s32 $0xFFFFC000  }
0x47: {  	v0 =	vld [tilespmem:s31+$0xFFFFFF80]  }
0x48: {  	v1 =	vld [tilespmem:s31+$0xFFFFFFC0]  }
0x49: {  	v2 =	vld [tilespmem:s31+$0x0]  }
0x4a: {  	v3 =	vld [tilespmem:s31+$0x40];
	_ =	sdelay $0x4  }
0x4b: {  	v1 =	vadd.f32 v1, v2;
	v0 =	vadd.f32 v3, v0;
	_ =	sdelay $0x1  }
0x4c: {  	v0 =	vmax.f32 v0, $0.0e+00;
	v1 =	vmax.f32 v1, $0.0e+00  }
0x4d: {  	v0 =	vadd.f32 v1, v0  }
0x4e: {  	s0 =	simm.s32 $0x0  }
0x4f: {  	[tilespmem:s0+$0x10200] =	vst v0  }
0x50: {  	v0 =	vld [tilespmem:s31+$0xFFFFFFD0]  }
0x51: {  	v1 =	vld [tilespmem:s31+$0xFFFFFF90]  }
0x52: {  	v2 =	vld [tilespmem:s31+$0x10]  }
0x53: {  	v3 =	vld [tilespmem:s31+$0x50];
	_ =	sdelay $0x4  }
0x54: {  	v0 =	vadd.f32 v0, v2;
	v1 =	vadd.f32 v3, v1;
	_ =	sdelay $0x1  }
0x55: {  	v0 =	vmax.f32 v0, $0.0e+00;
	v1 =	vmax.f32 v1, $0.0e+00  }
0x56: {  	v0 =	vadd.f32 v0, v1;
	_ =	sdelay $0x1  }
0x57: {  	[tilespmem:s0+$0x10210] =	vst v0  }
0x58: {  	v0 =	vld [tilespmem:s31+$0xFFFFFFE0]  }
0x59: {  	v1 =	vld [tilespmem:s31+$0xFFFFFFA0]  }
0x5a: {  	v2 =	vld [tilespmem:s31+$0x60]  }
0x5b: {  	v3 =	vld [tilespmem:s31+$0x20];
	_ =	sdelay $0x4  }
0x5c: {  	v1 =	vadd.f32 v2, v1;
	v0 =	vadd.f32 v0, v3;
	_ =	sdelay $0x1  }
0x5d: {  	v1 =	vmax.f32 v1, $0.0e+00;
	v0 =	vmax.f32 v0, $0.0e+00  }
0x5e: {  	v0 =	vadd.f32 v0, v1;
	_ =	sdelay $0x1  }
0x5f: {  	[tilespmem:s0+$0x10220] =	vst v0  }
0x60: {  	v0 =	vld [tilespmem:s31+$0xFFFFFFB0]  }
0x61: {  	v1 =	vld [tilespmem:s31+$0xFFFFFFF0]  }
0x62: {  	v2 =	vld [tilespmem:s31+$0x70]  }
0x63: {  	s3 =	simm.s32 $0x200;
	v3 =	vld [tilespmem:s31+$0x30]  }
.LBB2_3:
0x64: {  	p4 =	sne.s32 s3, $0x7E00  }
0x65: {  	s31 =	sadd.s32 $0x100, s31;
	s8 =	smov.u32 s3;
	s3 =	sadd.s32 $0x200, s3  }
0x66: {  	_ =	sdelay $0x1  }
0x67: {  	v0 =	vadd.f32 v2, v0  }
0x68: {  	v1 =	vadd.f32 v1, v3  }
0x69: {  	v0 =	vmax.f32 v0, $0.0e+00  }
0x6a: {  	v1 =	vmax.f32 v1, $0.0e+00  }
0x6b: {  	v0 =	vadd.f32 v1, v0;
	_ =	sdelay $0x1  }
0x6c: {  	[tilespmem:s0+$0x10230] =	vst v0  }
0x6d: {  	v0 =	vld [tilespmem:s31+$0xFFFFFF80]  }
0x6e: {  	v1 =	vld [tilespmem:s31+$0xFFFFFFC0]  }
0x6f: {  	v2 =	vld [tilespmem:s31+$0x0]  }
0x70: {  	v3 =	vld [tilespmem:s31+$0x40];
	_ =	sdelay $0x3  }
0x71: {  	v1 =	vadd.f32 v1, v2  }
0x72: {  	v0 =	vadd.f32 v3, v0;
	_ =	sdelay $0x1  }
0x73: {  	v1 =	vmax.f32 v1, $0.0e+00;
	v0 =	vmax.f32 v0, $0.0e+00  }
0x74: {  	v0 =	vadd.f32 v1, v0  }
0x75: {  	s0 =	sshra.s32 s8, $0x2  }
0x76: {  	[tilespmem:s0+$0x10200] =	vst v0  }
0x77: {  	v0 =	vld [tilespmem:s31+$0xFFFFFFD0]  }
0x78: {  	v1 =	vld [tilespmem:s31+$0xFFFFFF90]  }
0x79: {  	v2 =	vld [tilespmem:s31+$0x10]  }
0x7a: {  	v3 =	vld [tilespmem:s31+$0x50];
	_ =	sdelay $0x3  }
0x7b: {  	v0 =	vadd.f32 v0, v2  }
0x7c: {  	v1 =	vadd.f32 v3, v1  }
0x7d: {  	v0 =	vmax.f32 v0, $0.0e+00  }
0x7e: {  	v1 =	vmax.f32 v1, $0.0e+00  }
0x7f: {  	v0 =	vadd.f32 v0, v1;
	_ =	sdelay $0x1  }
0x80: {  	[tilespmem:s0+$0x10210] =	vst v0  }
0x81: {  	v0 =	vld [tilespmem:s31+$0xFFFFFFE0]  }
0x82: {  	v1 =	vld [tilespmem:s31+$0xFFFFFFA0]  }
0x83: {  	v2 =	vld [tilespmem:s31+$0x60]  }
0x84: {  	v3 =	vld [tilespmem:s31+$0x20];
	_ =	sdelay $0x3  }
0x85: {  	v1 =	vadd.f32 v2, v1  }
0x86: {  	v0 =	vadd.f32 v0, v3;
	_ =	sdelay $0x1  }
0x87: {  	v1 =	vmax.f32 v1, $0.0e+00;
	v0 =	vmax.f32 v0, $0.0e+00  }
0x88: {  	v0 =	vadd.f32 v0, v1;
	_ =	sdelay $0x1  }
.Ltmp4:
0x89: {  	[tilespmem:s0+$0x10220] =	vst v0;
	(pc) =	sbr.rel @p4 .LBB2_3-.Ltmp4, $4  }
0x8a: {  	v0 =	vld [tilespmem:s31+$0xFFFFFFB0]  }
0x8b: {  	v1 =	vld [tilespmem:s31+$0xFFFFFFF0]  }
0x8c: {  	v2 =	vld [tilespmem:s31+$0x70]  }
0x8d: {  	v3 =	vld [tilespmem:s31+$0x30]  }
0x8e: {  	_ =	sdelay $0x3  }
0x8f: {  	v0 =	vadd.f32 v2, v0;
	v1 =	vadd.f32 v1, v3;
	_ =	sdelay $0x1  }
0x90: {  	v0 =	vmax.f32 v0, $0.0e+00;
	v1 =	vmax.f32 v1, $0.0e+00  }
0x91: {  	v0 =	vadd.f32 v1, v0  }
0x92: {  	s3 =	sshll.u32 s30, $0xA  }
0x93: {  	s8 =	sadd.s32 s6, s3;
	[tilespmem:s0+$0x10230] =	vst v0;
	s0 =	simm.s32 @!p2 $0xA  }
0x94: {  	[hbm4b:s8+s1] =	stream.linear.scatter [tilespmem:s15], [sflag:$0x9], $0x2000, $0x38;
	[tilespmem:$0x18200] =	vst v63  }
0x95: {  	_ =	swait.ge @!p2 [sflag:s0], $0x2000  }
0x96: {  	[sflag:s0] =	ssyncset.done @!p2 $0x0  }
0x97: {  	[sflag:s0] =	ssyncadd.s32 @!p2 $0xFFFFE000  }
0x98: {  	_ =	swait.ge [sflag:s16], $0x4000  }
0x99: {  	[sflag:s16] =	ssyncset.done $0x0  }
0x9a: {  	s31 =	simm.s32 $0x0;
	[sflag:s16] =	ssyncadd.s32 $0xFFFFC000  }
0x9b: {  	v0 =	vld [tilespmem:s31+$0x4240]  }
0x9c: {  	v1 =	vld [tilespmem:s31+$0x4200]  }
0x9d: {  	v2 =	vld [tilespmem:s31+$0x4280]  }
0x9e: {  	v3 =	vld [tilespmem:s31+$0x42C0];
	_ =	sdelay $0x4  }
0x9f: {  	v0 =	vadd.f32 v0, v2;
	v1 =	vadd.f32 v3, v1;
	_ =	sdelay $0x1  }
0xa0: {  	v0 =	vmax.f32 v0, $0.0e+00;
	v1 =	vmax.f32 v1, $0.0e+00  }
0xa1: {  	v0 =	vadd.f32 v0, v1  }
0xa2: {  	s30 =	simm.s32 $0x12230  }
0xa3: {  	[tilespmem:s30+$0xFFFFFFD0] =	vst v0  }
0xa4: {  	v0 =	vld [tilespmem:s31+$0x4210]  }
0xa5: {  	v1 =	vld [tilespmem:s31+$0x42D0]  }
0xa6: {  	v2 =	vld [tilespmem:s31+$0x4290]  }
0xa7: {  	v3 =	vld [tilespmem:s31+$0x4250];
	_ =	sdelay $0x4  }
0xa8: {  	v0 =	vadd.f32 v1, v0;
	v1 =	vadd.f32 v3, v2;
	_ =	sdelay $0x1  }
0xa9: {  	v0 =	vmax.f32 v0, $0.0e+00;
	v1 =	vmax.f32 v1, $0.0e+00  }
0xaa: {  	v0 =	vadd.f32 v1, v0;
	_ =	sdelay $0x1  }
0xab: {  	[tilespmem:s30+$0xFFFFFFE0] =	vst v0  }
0xac: {  	v0 =	vld [tilespmem:s31+$0x42E0]  }
0xad: {  	v1 =	vld [tilespmem:s31+$0x42A0]  }
0xae: {  	v2 =	vld [tilespmem:s31+$0x4220]  }
0xaf: {  	v3 =	vld [tilespmem:s31+$0x4260];
	_ =	sdelay $0x4  }
0xb0: {  	v0 =	vadd.f32 v0, v2;
	v1 =	vadd.f32 v3, v1;
	_ =	sdelay $0x1  }
0xb1: {  	v0 =	vmax.f32 v0, $0.0e+00;
	v1 =	vmax.f32 v1, $0.0e+00  }
0xb2: {  	v0 =	vadd.f32 v1, v0;
	_ =	sdelay $0x1  }
0xb3: {  	[tilespmem:s30+$0xFFFFFFF0] =	vst v0  }
0xb4: {  	s3 =	simm.s32 $0x400;
	s0 =	simm.s32 $0x12230;
	v0 =	vld [tilespmem:s31+$0x4230]  }
.LBB2_5:
0xb5: {  	p4 =	sne.s32 s3, $0xFC00  }
0xb6: {  	v1 =	vld [tilespmem:s31+$0x4270];
	s30 =	sadd.s32 $0x80, s30;
	s8 =	smov.u32 s3;
	s3 =	sadd.s32 $0x400, s3  }
0xb7: {  	v2 =	vld [tilespmem:s31+$0x42F0]  }
0xb8: {  	v3 =	vld [tilespmem:s31+$0x42B0];
	_ =	sdelay $0x3  }
0xb9: {  	v0 =	vadd.f32 v2, v0  }
0xba: {  	v1 =	vadd.f32 v1, v3  }
0xbb: {  	v0 =	vmax.f32 v0, $0.0e+00  }
0xbc: {  	v1 =	vmax.f32 v1, $0.0e+00  }
0xbd: {  	v0 =	vadd.f32 v1, v0;
	_ =	sdelay $0x1  }
0xbe: {  	s31 =	sshra.s32 s8, $0x2;
	[tilespmem:s0+$0x0] =	vst v0;
	s0 =	smov.u32 s30  }
0xbf: {  	v0 =	vld [tilespmem:s31+$0x4240]  }
0xc0: {  	v1 =	vld [tilespmem:s31+$0x4200]  }
0xc1: {  	v2 =	vld [tilespmem:s31+$0x4280]  }
0xc2: {  	v3 =	vld [tilespmem:s31+$0x42C0];
	_ =	sdelay $0x3  }
0xc3: {  	v0 =	vadd.f32 v0, v2  }
0xc4: {  	v1 =	vadd.f32 v3, v1  }
0xc5: {  	v0 =	vmax.f32 v0, $0.0e+00  }
0xc6: {  	v1 =	vmax.f32 v1, $0.0e+00  }
0xc7: {  	v0 =	vadd.f32 v0, v1;
	_ =	sdelay $0x1  }
0xc8: {  	[tilespmem:s30+$0xFFFFFFD0] =	vst v0  }
0xc9: {  	v0 =	vld [tilespmem:s31+$0x4210]  }
0xca: {  	v1 =	vld [tilespmem:s31+$0x42D0]  }
0xcb: {  	v2 =	vld [tilespmem:s31+$0x4290]  }
0xcc: {  	v3 =	vld [tilespmem:s31+$0x4250];
	_ =	sdelay $0x2  }
0xcd: {  	v0 =	vadd.f32 v1, v0;
	_ =	sdelay $0x1  }
0xce: {  	v1 =	vadd.f32 v3, v2  }
0xcf: {  	v0 =	vmax.f32 v0, $0.0e+00  }
0xd0: {  	v1 =	vmax.f32 v1, $0.0e+00  }
0xd1: {  	v0 =	vadd.f32 v1, v0;
	_ =	sdelay $0x1  }
0xd2: {  	[tilespmem:s30+$0xFFFFFFE0] =	vst v0  }
0xd3: {  	v0 =	vld [tilespmem:s31+$0x42E0]  }
0xd4: {  	v1 =	vld [tilespmem:s31+$0x42A0]  }
0xd5: {  	v2 =	vld [tilespmem:s31+$0x4220]  }
0xd6: {  	v3 =	vld [tilespmem:s31+$0x4260];
	_ =	sdelay $0x3  }
0xd7: {  	v0 =	vadd.f32 v0, v2  }
0xd8: {  	v1 =	vadd.f32 v3, v1;
	_ =	sdelay $0x1  }
.Ltmp5:
0xd9: {  	v0 =	vmax.f32 v0, $0.0e+00;
	v1 =	vmax.f32 v1, $0.0e+00;
	(pc) =	sbr.rel @p4 .LBB2_5-.Ltmp5, $3  }
0xda: {  	v0 =	vadd.f32 v1, v0;
	_ =	sdelay $0x1  }
0xdb: {  	[tilespmem:s30+$0xFFFFFFF0] =	vst v0  }
0xdc: {  	v0 =	vld [tilespmem:s31+$0x4230]  }
0xdd: {  	v1 =	vld [tilespmem:s31+$0x4270]  }
0xde: {  	v2 =	vld [tilespmem:s31+$0x42F0]  }
0xdf: {  	v3 =	vld [tilespmem:s31+$0x42B0];
	_ =	sdelay $0x4  }
0xe0: {  	v0 =	vadd.f32 v2, v0;
	v1 =	vadd.f32 v1, v3;
	_ =	sdelay $0x1  }
0xe1: {  	v0 =	vmax.f32 v0, $0.0e+00;
	v1 =	vmax.f32 v1, $0.0e+00  }
0xe2: {  	v0 =	vadd.f32 v1, v0  }
0xe3: {  	s3 =	sshll.u32 s29, $0xA  }
.Ltmp6:
0xe4: {  	s31 =	sadd.s32 s6, s3;
	[tilespmem:s0+$0x0] =	vst v0;
	s0 =	simm.s32 @!p2 $0xB;
	(pc) =	sbr.rel @p3 .LBB2_10-.Ltmp6, $4  }
0xe5: {  	[hbm4b:s31+s1] =	stream.linear.scatter [tilespmem:s17], [sflag:$0xA], $0x2000, $0x38;
	[tilespmem:$0x18200] =	vst v63  }
0xe6: {  	_ =	swait.ge @!p2 [sflag:s0], $0x2000  }
0xe7: {  	[sflag:s0] =	ssyncset.done @!p2 $0x0  }
0xe8: {  	[sflag:s0] =	ssyncadd.s32 @!p2 $0xFFFFE000  }
0xe9: {  	_ =	swait.ge [sflag:s18], $0x4000  }
0xea: {  	[sflag:s18] =	ssyncset.done $0x0  }
0xeb: {  	s30 =	simm.s32 $0x0;
	[sflag:s18] =	ssyncadd.s32 $0xFFFFC000  }
0xec: {  	v0 =	vld [tilespmem:s30+$0x8240]  }
0xed: {  	v1 =	vld [tilespmem:s30+$0x8200]  }
0xee: {  	v2 =	vld [tilespmem:s30+$0x8280]  }
0xef: {  	v3 =	vld [tilespmem:s30+$0x82C0];
	_ =	sdelay $0x4  }
0xf0: {  	v0 =	vadd.f32 v0, v2;
	v1 =	vadd.f32 v3, v1;
	_ =	sdelay $0x1  }
0xf1: {  	v0 =	vmax.f32 v0, $0.0e+00;
	v1 =	vmax.f32 v1, $0.0e+00  }
0xf2: {  	v0 =	vadd.f32 v0, v1  }
0xf3: {  	s29 =	simm.s32 $0x14200  }
0xf4: {  	[tilespmem:s29+$0x0] =	vst v0  }
0xf5: {  	v0 =	vld [tilespmem:s30+$0x8210]  }
0xf6: {  	v1 =	vld [tilespmem:s30+$0x82D0]  }
0xf7: {  	v2 =	vld [tilespmem:s30+$0x8290]  }
0xf8: {  	v3 =	vld [tilespmem:s30+$0x8250];
	_ =	sdelay $0x4  }
0xf9: {  	v0 =	vadd.f32 v1, v0;
	v1 =	vadd.f32 v3, v2;
	_ =	sdelay $0x1  }
0xfa: {  	v0 =	vmax.f32 v0, $0.0e+00;
	v1 =	vmax.f32 v1, $0.0e+00  }
0xfb: {  	v0 =	vadd.f32 v1, v0;
	_ =	sdelay $0x1  }
0xfc: {  	[tilespmem:s29+$0x10] =	vst v0  }
0xfd: {  	v0 =	vld [tilespmem:s30+$0x82E0]  }
0xfe: {  	v1 =	vld [tilespmem:s30+$0x82A0]  }
0xff: {  	v2 =	vld [tilespmem:s30+$0x8220]  }
0x100: {  	v3 =	vld [tilespmem:s30+$0x8260];
	_ =	sdelay $0x4  }
0x101: {  	v0 =	vadd.f32 v0, v2;
	v1 =	vadd.f32 v3, v1;
	_ =	sdelay $0x1  }
0x102: {  	v0 =	vmax.f32 v0, $0.0e+00;
	v1 =	vmax.f32 v1, $0.0e+00  }
0x103: {  	v0 =	vadd.f32 v1, v0;
	_ =	sdelay $0x1  }
0x104: {  	[tilespmem:s29+$0x20] =	vst v0  }
0x105: {  	s3 =	simm.s32 $0x400;
	s0 =	simm.s32 $0x14200;
	v0 =	vld [tilespmem:s30+$0x8230]  }
.LBB2_8:
0x106: {  	p3 =	sne.s32 s3, $0xFC00  }
0x107: {  	v1 =	vld [tilespmem:s30+$0x8270];
	s29 =	sadd.s32 $0x80, s29;
	s8 =	smov.u32 s3;
	s3 =	sadd.s32 $0x400, s3  }
0x108: {  	v2 =	vld [tilespmem:s30+$0x82F0]  }
0x109: {  	v3 =	vld [tilespmem:s30+$0x82B0];
	_ =	sdelay $0x3  }
0x10a: {  	v0 =	vadd.f32 v2, v0  }
0x10b: {  	v1 =	vadd.f32 v1, v3  }
0x10c: {  	v0 =	vmax.f32 v0, $0.0e+00  }
0x10d: {  	v1 =	vmax.f32 v1, $0.0e+00  }
0x10e: {  	v0 =	vadd.f32 v1, v0;
	_ =	sdelay $0x1  }
0x10f: {  	s30 =	sshra.s32 s8, $0x2;
	[tilespmem:s0+$0x30] =	vst v0;
	s0 =	smov.u32 s29  }
0x110: {  	v0 =	vld [tilespmem:s30+$0x8240]  }
0x111: {  	v1 =	vld [tilespmem:s30+$0x8200]  }
0x112: {  	v2 =	vld [tilespmem:s30+$0x8280]  }
0x113: {  	v3 =	vld [tilespmem:s30+$0x82C0];
	_ =	sdelay $0x3  }
0x114: {  	v0 =	vadd.f32 v0, v2  }
0x115: {  	v1 =	vadd.f32 v3, v1  }
0x116: {  	v0 =	vmax.f32 v0, $0.0e+00  }
0x117: {  	v1 =	vmax.f32 v1, $0.0e+00  }
0x118: {  	v0 =	vadd.f32 v0, v1;
	_ =	sdelay $0x1  }
0x119: {  	[tilespmem:s29+$0x0] =	vst v0  }
0x11a: {  	v0 =	vld [tilespmem:s30+$0x8210]  }
0x11b: {  	v1 =	vld [tilespmem:s30+$0x82D0]  }
0x11c: {  	v2 =	vld [tilespmem:s30+$0x8290]  }
0x11d: {  	v3 =	vld [tilespmem:s30+$0x8250];
	_ =	sdelay $0x2  }
0x11e: {  	v0 =	vadd.f32 v1, v0;
	_ =	sdelay $0x1  }
0x11f: {  	v1 =	vadd.f32 v3, v2  }
0x120: {  	v0 =	vmax.f32 v0, $0.0e+00  }
0x121: {  	v1 =	vmax.f32 v1, $0.0e+00  }
0x122: {  	v0 =	vadd.f32 v1, v0;
	_ =	sdelay $0x1  }
0x123: {  	[tilespmem:s29+$0x10] =	vst v0  }
0x124: {  	v0 =	vld [tilespmem:s30+$0x82E0]  }
0x125: {  	v1 =	vld [tilespmem:s30+$0x82A0]  }
0x126: {  	v2 =	vld [tilespmem:s30+$0x8220]  }
0x127: {  	v3 =	vld [tilespmem:s30+$0x8260];
	_ =	sdelay $0x3  }
0x128: {  	v0 =	vadd.f32 v0, v2  }
0x129: {  	v1 =	vadd.f32 v3, v1;
	_ =	sdelay $0x1  }
.Ltmp7:
0x12a: {  	v0 =	vmax.f32 v0, $0.0e+00;
	v1 =	vmax.f32 v1, $0.0e+00;
	(pc) =	sbr.rel @p3 .LBB2_8-.Ltmp7, $3  }
0x12b: {  	v0 =	vadd.f32 v1, v0;
	_ =	sdelay $0x1  }
0x12c: {  	[tilespmem:s29+$0x20] =	vst v0  }
0x12d: {  	v0 =	vld [tilespmem:s30+$0x8230]  }
0x12e: {  	v1 =	vld [tilespmem:s30+$0x8270]  }
0x12f: {  	v2 =	vld [tilespmem:s30+$0x82F0]  }
0x130: {  	v3 =	vld [tilespmem:s30+$0x82B0];
	_ =	sdelay $0x4  }
0x131: {  	v0 =	vadd.f32 v2, v0;
	v1 =	vadd.f32 v1, v3;
	_ =	sdelay $0x1  }
0x132: {  	v0 =	vmax.f32 v0, $0.0e+00;
	v1 =	vmax.f32 v1, $0.0e+00  }
0x133: {  	v0 =	vadd.f32 v1, v0  }
0x134: {  	s3 =	sshll.u32 s28, $0xA  }
0x135: {  	s31 =	sadd.s32 s6, s3;
	[tilespmem:s0+$0x30] =	vst v0  }
0x136: {  	[hbm4b:s31+s1] =	stream.linear.scatter [tilespmem:s19], [sflag:$0xB], $0x2000, $0x38;
	[tilespmem:$0x18200] =	vst v63  }
.LBB2_10:
.Ltmp8:
0x137: {  	(pc) =	sbr.rel @p1 .LBB2_14-.Ltmp8, $4  }
0x138: {  	s0 =	simm.s32 @!p2 $0xC  }
0x139: {  	_ =	swait.ge @!p2 [sflag:s0], $0x2000  }
0x13a: {  	[sflag:s0] =	ssyncset.done @!p2 $0x0  }
0x13b: {  	[sflag:s0] =	ssyncadd.s32 @!p2 $0xFFFFE000  }
0x13c: {  	_ =	swait.ge [sflag:s20], $0x4000  }
0x13d: {  	[sflag:s20] =	ssyncset.done $0x0  }
0x13e: {  	s29 =	simm.s32 $0x0;
	[sflag:s20] =	ssyncadd.s32 $0xFFFFC000  }
0x13f: {  	v0 =	vld [tilespmem:s29+$0xC240]  }
0x140: {  	v1 =	vld [tilespmem:s29+$0xC200]  }
0x141: {  	v2 =	vld [tilespmem:s29+$0xC280]  }
0x142: {  	v3 =	vld [tilespmem:s29+$0xC2C0];
	_ =	sdelay $0x4  }
0x143: {  	v0 =	vadd.f32 v0, v2;
	v1 =	vadd.f32 v3, v1;
	_ =	sdelay $0x1  }
0x144: {  	v0 =	vmax.f32 v0, $0.0e+00;
	v1 =	vmax.f32 v1, $0.0e+00  }
0x145: {  	v0 =	vadd.f32 v0, v1  }
0x146: {  	s28 =	simm.s32 $0x16200  }
0x147: {  	[tilespmem:s28+$0x0] =	vst v0  }
0x148: {  	v0 =	vld [tilespmem:s29+$0xC210]  }
0x149: {  	v1 =	vld [tilespmem:s29+$0xC2D0]  }
0x14a: {  	v2 =	vld [tilespmem:s29+$0xC290]  }
0x14b: {  	v3 =	vld [tilespmem:s29+$0xC250];
	_ =	sdelay $0x4  }
0x14c: {  	v0 =	vadd.f32 v1, v0;
	v1 =	vadd.f32 v3, v2;
	_ =	sdelay $0x1  }
0x14d: {  	v0 =	vmax.f32 v0, $0.0e+00;
	v1 =	vmax.f32 v1, $0.0e+00  }
0x14e: {  	v0 =	vadd.f32 v1, v0;
	_ =	sdelay $0x1  }
0x14f: {  	[tilespmem:s28+$0x10] =	vst v0  }
0x150: {  	v0 =	vld [tilespmem:s29+$0xC2E0]  }
0x151: {  	v1 =	vld [tilespmem:s29+$0xC2A0]  }
0x152: {  	v2 =	vld [tilespmem:s29+$0xC220]  }
0x153: {  	v3 =	vld [tilespmem:s29+$0xC260];
	_ =	sdelay $0x4  }
0x154: {  	v0 =	vadd.f32 v0, v2;
	v1 =	vadd.f32 v3, v1;
	_ =	sdelay $0x1  }
0x155: {  	v0 =	vmax.f32 v0, $0.0e+00;
	v1 =	vmax.f32 v1, $0.0e+00  }
0x156: {  	v0 =	vadd.f32 v1, v0;
	_ =	sdelay $0x1  }
0x157: {  	[tilespmem:s28+$0x20] =	vst v0  }
0x158: {  	s3 =	simm.s32 $0x400;
	s0 =	simm.s32 $0x16200;
	v0 =	vld [tilespmem:s29+$0xC230]  }
.LBB2_12:
0x159: {  	p1 =	sne.s32 s3, $0xFC00  }
0x15a: {  	v1 =	vld [tilespmem:s29+$0xC270];
	s28 =	sadd.s32 $0x80, s28;
	s8 =	smov.u32 s3;
	s3 =	sadd.s32 $0x400, s3  }
0x15b: {  	v2 =	vld [tilespmem:s29+$0xC2F0]  }
0x15c: {  	v3 =	vld [tilespmem:s29+$0xC2B0];
	_ =	sdelay $0x3  }
0x15d: {  	v0 =	vadd.f32 v2, v0  }
0x15e: {  	v1 =	vadd.f32 v1, v3  }
0x15f: {  	v0 =	vmax.f32 v0, $0.0e+00  }
0x160: {  	v1 =	vmax.f32 v1, $0.0e+00  }
0x161: {  	v0 =	vadd.f32 v1, v0;
	_ =	sdelay $0x1  }
0x162: {  	s29 =	sshra.s32 s8, $0x2;
	[tilespmem:s0+$0x30] =	vst v0;
	s0 =	smov.u32 s28  }
0x163: {  	v0 =	vld [tilespmem:s29+$0xC240]  }
0x164: {  	v1 =	vld [tilespmem:s29+$0xC200]  }
0x165: {  	v2 =	vld [tilespmem:s29+$0xC280]  }
0x166: {  	v3 =	vld [tilespmem:s29+$0xC2C0];
	_ =	sdelay $0x3  }
0x167: {  	v0 =	vadd.f32 v0, v2  }
0x168: {  	v1 =	vadd.f32 v3, v1  }
0x169: {  	v0 =	vmax.f32 v0, $0.0e+00  }
0x16a: {  	v1 =	vmax.f32 v1, $0.0e+00  }
0x16b: {  	v0 =	vadd.f32 v0, v1;
	_ =	sdelay $0x1  }
0x16c: {  	[tilespmem:s28+$0x0] =	vst v0  }
0x16d: {  	v0 =	vld [tilespmem:s29+$0xC210]  }
0x16e: {  	v1 =	vld [tilespmem:s29+$0xC2D0]  }
0x16f: {  	v2 =	vld [tilespmem:s29+$0xC290]  }
0x170: {  	v3 =	vld [tilespmem:s29+$0xC250];
	_ =	sdelay $0x2  }
0x171: {  	v0 =	vadd.f32 v1, v0;
	_ =	sdelay $0x1  }
0x172: {  	v1 =	vadd.f32 v3, v2  }
0x173: {  	v0 =	vmax.f32 v0, $0.0e+00  }
0x174: {  	v1 =	vmax.f32 v1, $0.0e+00  }
0x175: {  	v0 =	vadd.f32 v1, v0;
	_ =	sdelay $0x1  }
0x176: {  	[tilespmem:s28+$0x10] =	vst v0  }
0x177: {  	v0 =	vld [tilespmem:s29+$0xC2E0]  }
0x178: {  	v1 =	vld [tilespmem:s29+$0xC2A0]  }
0x179: {  	v2 =	vld [tilespmem:s29+$0xC220]  }
0x17a: {  	v3 =	vld [tilespmem:s29+$0xC260];
	_ =	sdelay $0x3  }
0x17b: {  	v0 =	vadd.f32 v0, v2  }
0x17c: {  	v1 =	vadd.f32 v3, v1;
	_ =	sdelay $0x1  }
.Ltmp9:
0x17d: {  	v0 =	vmax.f32 v0, $0.0e+00;
	v1 =	vmax.f32 v1, $0.0e+00;
	(pc) =	sbr.rel @p1 .LBB2_12-.Ltmp9, $3  }
0x17e: {  	v0 =	vadd.f32 v1, v0;
	_ =	sdelay $0x1  }
0x17f: {  	[tilespmem:s28+$0x20] =	vst v0  }
0x180: {  	v0 =	vld [tilespmem:s29+$0xC230]  }
0x181: {  	v1 =	vld [tilespmem:s29+$0xC270]  }
0x182: {  	v2 =	vld [tilespmem:s29+$0xC2F0]  }
0x183: {  	v3 =	vld [tilespmem:s29+$0xC2B0];
	_ =	sdelay $0x4  }
0x184: {  	v0 =	vadd.f32 v2, v0;
	v1 =	vadd.f32 v1, v3;
	_ =	sdelay $0x1  }
.Ltmp10:
0x185: {  	v0 =	vmax.f32 v0, $0.0e+00;
	v1 =	vmax.f32 v1, $0.0e+00;
	(pc) =	sbr.rel .LBB2_14-.Ltmp10, $4  }
0x186: {  	v0 =	vadd.f32 v1, v0  }
0x187: {  	s3 =	sshll.u32 s26, $0xA  }
0x188: {  	s31 =	sadd.s32 s6, s3;
	[tilespmem:s0+$0x30] =	vst v0  }
0x189: {  	[hbm4b:s31+s1] =	stream.linear.scatter [tilespmem:s21], [sflag:$0xC], $0x2000, $0x38;
	[tilespmem:$0x18200] =	vst v63  }
.LBB2_16:
0x18a: {  	_ =	sfence.sel $0x180000  }
0x18b: {  	[bflag:$0x0] =	sbarrier.arrive $0xFFFF  }
0x18c: {  	_ =	strace $0x9000004A  }
0x18d: {  	s0 =	stileid.u32;
	[bflag:$0x2] =	sbarrier.arrive $0xFFFF  }
0x18e: {  	p0 =	sne.s32 s0, $0x0;
	s0 =	rddreg [dreg:$0x1]  }
0x18f: {  	s0 =	sadd.s32 @!p0 $0x100000, s0  }
0x190: {  	[sflag:s0] =	ssyncadd.tile.s32 @!p0 $0x1;
	_ =	shalt  }
.Lfunc_end2:
_tile_overlayer_lowered:
.L_overlay_start_2:
0x191: {  	(tag) =	ssettag $0x2  }
0x192: {  	s0 =	rddreg [dreg:$0x0];
	s2 =	stileid.u32  }
0x193: {  	s1 =	rddreg [dreg:$0x1];
	p0 =	sne.s32 s2, $0x0  }
0x194: {  	s3 =	rddreg [dreg:$0x2];
	[bflag:$0x3] =	sbarrier.arrive $0xFFFF;
	s2 =	simm.s32 @!p0 $0x1C0D  }
0x195: {  	[timem:s3], [sflag:s2] =	dma.local @!p0 [hbm:s0], s1  }
0x196: {  	s0 =	simm.s32 @!p0 $0xD  }
0x197: {  	_ =	swait.ge @!p0 [sflag:s0], s1  }
0x198: {  	s1 =	ssub.s32 @!p0 $0x0, s1;
	[sflag:s0] =	ssyncset.done @!p0 $0x0  }
0x199: {  	[sflag:s0] =	ssyncadd.s32 @!p0 s1  }
0x19a: {  	[bflag:$0x3] =	sbarrier.arrive $0xFFFF  }
0x19b: {  	_ =	shalt  }

</sc_bundles>
